<compile_context>
chip_gen: v7x
topology: tpu7x:2x2x1
jax: 0.10.2.dev20260603
libtpu: 0.0.44.dev20260713+nightly
codegen_flags: <defaults>
</compile_context>

<pallas_src>
import functools

import jax
import jax.numpy as jnp
from jax import lax
from jax.experimental import pallas as pl
from jax.experimental.pallas import tpu as pltpu
from jax.experimental.pallas import tpu_sc as plsc

NC = 2
NS = 16
LB = 128


def _mesh():
    return plsc.VectorSubcoreMesh(
        core_axis_name="c", subcore_axis_name="s", num_cores=NC,
        num_subcores=NS)


def _make_deg(NPAD, CH):
    CHC = CH // 2
    RP = NPAD // NS

    @functools.partial(
        pl.kernel,
        out_type=jax.ShapeDtypeStruct((NC, NPAD), jnp.float32),
        mesh=_mesh(),
        compiler_params=pltpu.CompilerParams(needs_layout_passes=False),
        scratch_types=[
            pltpu.VMEM_SHARED((NS, NPAD), jnp.float32),
            pltpu.VMEM((NPAD,), jnp.float32),
            pltpu.VMEM((CHC, LB), jnp.int32),
            pltpu.VMEM((NS, RP), jnp.float32),
        ],
    )
    def deg_kernel(dst3, z1_h, out, slab, cnt, dstv, redv):
        c = lax.axis_index("c")
        s = lax.axis_index("s")
        pltpu.sync_copy(z1_h, cnt)
        pltpu.sync_copy(dst3.at[s, pl.ds(c * CHC, CHC)], dstv)
        one16 = jnp.ones((16,), jnp.float32)

        def body(j, carry):
            for k in range(LB // 16):
                idx = dstv[j, pl.ds(16 * k, 16)]
                plsc.addupdate_scatter(cnt, [idx], one16)
            return carry

        lax.fori_loop(0, CHC, body, 0)
        pltpu.sync_copy(cnt, slab.at[s])
        plsc.subcore_barrier()
        pltpu.sync_copy(slab.at[:, pl.ds(s * RP, RP)], redv)

        def red(v, carry):
            acc = redv[0, pl.ds(16 * v, 16)]
            for t in range(1, NS):
                acc = acc + redv[t, pl.ds(16 * v, 16)]
            redv[0, pl.ds(16 * v, 16)] = acc
            return carry

        lax.fori_loop(0, RP // 16, red, 0)
        pltpu.sync_copy(redv.at[0], out.at[c, pl.ds(s * RP, RP)])

    return deg_kernel


def _make_scatter(NPAD, CH, W, split_edges):
    RP = NPAD // NS
    GI = 8
    CHW = CH // 2 if split_edges else CH
    NG = CHW // GI

    @functools.partial(
        pl.kernel,
        out_type=jax.ShapeDtypeStruct((NC, NPAD, W), jnp.float32),
        mesh=_mesh(),
        scratch_types=[
            pltpu.VMEM_SHARED((NPAD, W), jnp.float32),
            pltpu.VMEM((2 * GI, LB // 2), jnp.int32),
            pltpu.VMEM((2 * GI, LB // 2), jnp.int32),
            pltpu.VMEM((GI, LB), jnp.int32),
            pltpu.VMEM((GI, LB), jnp.int32),
            pltpu.VMEM((LB, W), jnp.float32),
            pltpu.VMEM((LB, W), jnp.float32),
            pltpu.SemaphoreType.DMA,
            pltpu.SemaphoreType.DMA,
            pltpu.SemaphoreType.DMA,
            pltpu.SemaphoreType.DMA,
        ],
    )
    def scat_kernel(table, src_h, dst_h, zeros_h, out, agg, sv0, sv1, dv0,
                    dv1, rb0, rb1, gs0, gs1, is0, is1):
        c = lax.axis_index("c")
        s = lax.axis_index("s")
        rbs = (rb0, rb1)
        gss = (gs0, gs1)
        slots = ((sv0, dv0, is0), (sv1, dv1, is1))

        def src_slice(g):
            if split_edges:
                return src_h.at[s, pl.ds(2 * (c * CHW + g * GI), 2 * GI)]
            return src_h.at[c, s, pl.ds(2 * g * GI, 2 * GI)]

        def dst_slice(g):
            if split_edges:
                return dst_h.at[s, pl.ds(c * CHW + g * GI, GI)]
            return dst_h.at[s, pl.ds(g * GI, GI)]

        pltpu.sync_copy(zeros_h.at[pl.ds(s * RP, RP)],
                        agg.at[pl.ds(s * RP, RP)])
        plsc.subcore_barrier()

        def iload(g, slot):
            sv, dv, sem = slot
            pltpu.async_copy(src_slice(g), sv, sem)
            pltpu.async_copy(dst_slice(g), dv, sem)

        def iwait(slot):
            sv, dv, sem = slot
            pltpu.make_async_copy(src_slice(0), sv, sem).wait()
            pltpu.make_async_copy(dst_slice(0), dv, sem).wait()

        def gstart(sv, k, rb, sem):
            pltpu.async_copy(table.at[sv.at[2 * k]],
                             rb.at[pl.ds(0, LB // 2)], sem)
            pltpu.async_copy(table.at[sv.at[2 * k + 1]],
                             rb.at[pl.ds(LB // 2, LB // 2)], sem)

        def gwait(rb, sem):
            pltpu.make_async_copy(table.at[sv0.at[0]],
                                  rb.at[pl.ds(0, LB // 2)], sem).wait()
            pltpu.make_async_copy(table.at[sv0.at[0]],
                                  rb.at[pl.ds(LB // 2, LB // 2)], sem).wait()

        def scat(dv, k, rb):
            pltpu.sync_copy(rb, agg.at[dv.at[k]], add=True)

        iload(0, slots[0])
        iwait(slots[0])
        gstart(sv0, 0, rb0, gs0)

        def group(g, p, has_next):
            sv, dv, _ = slots[p]
            nxt = slots[1 - p]
            for k in range(GI):
                par = k % 2
                if k < GI - 1:
                    gstart(sv, k + 1, rbs[1 - par], gss[1 - par])
                else:
                    @pl.when(has_next)
                    def _():
                        iwait(nxt)
                        gstart(nxt[0], 0, rbs[1 - par], gss[1 - par])
                gwait(rbs[par], gss[par])
                scat(dv, k, rbs[par])

        def body(u, carry):
            g0 = 2 * u
            iload(g0 + 1, slots[1])
            group(g0, 0, True)

            @pl.when(u + 1 < NG // 2)
            def _():
                iload(g0 + 2, slots[0])

            group(g0 + 1, 1, u + 1 < NG // 2)
            return carry

        lax.fori_loop(0, NG // 2, body, 0)
        plsc.subcore_barrier()
        pltpu.sync_copy(agg.at[pl.ds(s * RP, RP)],
                        out.at[c, pl.ds(s * RP, RP)])

    return scat_kernel


def _dinv_of(degp_ref):
    deg = degp_ref[0, :, 0:1] + degp_ref[1, :, 0:1] + 1.0
    return lax.rsqrt(jnp.maximum(deg, 1.0))


def _make_tc1(NPAD, F, H, BR):

    def body(x_ref, w1_ref, b1_ref, a1_ref, w2_ref, b2_ref, wg1_ref,
             degp_ref, hs_ref):
        dinv = _dinv_of(degp_ref)
        t = jnp.dot(x_ref[...], w1_ref[...],
                    preferred_element_type=jnp.float32) + b1_ref[...]
        a1 = a1_ref[0, 0]
        t = jnp.where(t >= 0, t, a1 * t)
        x1 = jnp.dot(t, w2_ref[...],
                     preferred_element_type=jnp.float32) + b2_ref[...]
        h = jnp.dot(x1, wg1_ref[...], preferred_element_type=jnp.float32)
        hs = h * dinv
        hs_ref[0] = hs[:, : H // 2]
        hs_ref[1] = hs[:, H // 2:]

    return pl.pallas_call(
        body,
        grid=(NPAD // BR,),
        in_specs=[
            pl.BlockSpec((BR, F), lambda i: (i, 0)),
            pl.BlockSpec((F, H), lambda i: (0, 0)),
            pl.BlockSpec((1, H), lambda i: (0, 0)),
            pl.BlockSpec(memory_space=pltpu.SMEM),
            pl.BlockSpec((H, F), lambda i: (0, 0)),
            pl.BlockSpec((1, F), lambda i: (0, 0)),
            pl.BlockSpec((F, H), lambda i: (0, 0)),
            pl.BlockSpec((NC, BR, 1), lambda i: (0, i, 0)),
        ],
        out_specs=pl.BlockSpec((NC, BR, H // 2), lambda i: (0, i, 0)),
        out_shape=jax.ShapeDtypeStruct((NC, NPAD, H // 2), jnp.float32),
    )


def _make_tc2(NPAD, F, H, BR):

    def body(pre_ref, hs_ref, degp_ref, bg1_ref, ag_ref, wg2_ref, out_ref):
        dinv = _dinv_of(degp_ref)
        t = jnp.concatenate(
            [pre_ref[0] + hs_ref[0], pre_ref[1] + hs_ref[1]], axis=1)
        t = dinv * t + bg1_ref[...]
        ag = ag_ref[0, 0]
        x2 = jnp.where(t >= 0, t, ag * t)
        h2 = jnp.dot(x2, wg2_ref[...], preferred_element_type=jnp.float32)
        out_ref[...] = h2 * dinv

    return pl.pallas_call(
        body,
        grid=(NPAD // BR,),
        in_specs=[
            pl.BlockSpec((NC, BR, H // 2), lambda i: (0, i, 0)),
            pl.BlockSpec((NC, BR, H // 2), lambda i: (0, i, 0)),
            pl.BlockSpec((NC, BR, 1), lambda i: (0, i, 0)),
            pl.BlockSpec((1, H), lambda i: (0, 0)),
            pl.BlockSpec(memory_space=pltpu.SMEM),
            pl.BlockSpec((H, F), lambda i: (0, 0)),
        ],
        out_specs=pl.BlockSpec((BR, F), lambda i: (i, 0)),
        out_shape=jax.ShapeDtypeStruct((NPAD, F), jnp.float32),
    )


def _make_tc3(NPAD, F, H, BR):

    def body(pre_ref, hs_ref, degp_ref, bg2_ref, out_ref):
        dinv = _dinv_of(degp_ref)
        t = pre_ref[0] + pre_ref[1] + hs_ref[...]
        out_ref[...] = dinv * t + bg2_ref[...]

    return pl.pallas_call(
        body,
        grid=(NPAD // BR,),
        in_specs=[
            pl.BlockSpec((NC, BR, F), lambda i: (0, i, 0)),
            pl.BlockSpec((BR, F), lambda i: (i, 0)),
            pl.BlockSpec((NC, BR, 1), lambda i: (0, i, 0)),
            pl.BlockSpec((1, F), lambda i: (0, 0)),
        ],
        out_specs=pl.BlockSpec((BR, F), lambda i: (i, 0)),
        out_shape=jax.ShapeDtypeStruct((NPAD, F), jnp.float32),
    )


def kernel(X, edge_index, W1, b1, a1, W2, b2, Wg1, bg1, Wg2, bg2, ag):
    B, n, F = X.shape
    H = W1.shape[1]
    e = edge_index.shape[1]
    BR = 512
    NPAD = -(-n // (NS * BR // 8)) * (NS * BR // 8)
    CH = -(-e // (NS * LB * 32)) * 32
    EP = NS * CH * LB

    src = edge_index[0].astype(jnp.int32)
    dst = edge_index[1].astype(jnp.int32)
    src_p = jnp.concatenate([src, jnp.zeros((EP - e,), jnp.int32)])
    dst_p = jnp.concatenate([dst, jnp.full((EP - e,), NPAD - 1, jnp.int32)])
    src2 = src_p.reshape(NS, 2 * CH, LB // 2)
    src3 = jnp.stack([src2, src2 + NPAD])
    dst3 = dst_p.reshape(NS, CH, LB)

    x0 = jnp.pad(X.reshape(n, F), ((0, NPAD - n), (0, 0)))
    z1 = jnp.zeros((NPAD,), jnp.float32)
    zH = jnp.zeros((NPAD, H // 2), jnp.float32)
    zF = jnp.zeros((NPAD, F), jnp.float32)

    degp = _make_deg(NPAD, CH)(dst3, z1).reshape(NC, NPAD, 1)
    hs1 = _make_tc1(NPAD, F, H, BR)(
        x0, W1, b1.reshape(1, H), a1.reshape(1, 1), W2, b2.reshape(1, F),
        Wg1, degp)
    pre1 = _make_scatter(NPAD, CH, H // 2, False)(
        hs1.reshape(NC * NPAD, H // 2), src3, dst3, zH)
    hs2 = _make_tc2(NPAD, F, H, BR)(
        pre1, hs1, degp, bg1.reshape(1, H), ag.reshape(1, 1), Wg2)
    pre2 = _make_scatter(NPAD, CH, F, True)(hs2, src2, dst3, zF)
    y = _make_tc3(NPAD, F, H, BR)(pre2, hs2, degp, bg2.reshape(1, F))
    return y[:n].reshape(B, n, F)

# --- scband reference (transcript-rebuilt; emitter-appended) ---
"""Pipeline reference for scband-weather-prediction-47785806135665 (READ-ONLY COPY).

The authoritative reference and input builder live on the scoring server;
editing this copy changes nothing except your own understanding.
"""

import jax, jax.numpy as jnp
import numpy as np

N = 10000
E = 320000
F = 128
H = 256


def _prelu(x, a):
    return jnp.where(x >= 0, x, a * x)


def setup_inputs(seed: int = 0) -> dict:
    key = jax.random.key(seed)
    ks = jax.random.split(key, 12)
    inp = {}
    inp["X"] = jax.random.normal(ks[0], (1, N, F), dtype=jnp.float32)
    inp["edge_index"] = jax.random.randint(ks[1], (2, E), 0, N)
    # MLP params: Linear(F,H), PReLU, Linear(H,F)
    inp["W1"] = jax.random.normal(ks[2], (F, H), dtype=jnp.float32) / np.sqrt(F)
    inp["b1"] = jnp.zeros((H,), dtype=jnp.float32)
    inp["a1"] = jnp.asarray(0.25, dtype=jnp.float32)
    inp["W2"] = jax.random.normal(ks[3], (H, F), dtype=jnp.float32) / np.sqrt(H)
    inp["b2"] = jnp.zeros((F,), dtype=jnp.float32)
    # GCN params: GCNConv(F,H), shared PReLU, GCNConv(H,F)
    inp["Wg1"] = jax.random.normal(ks[4], (F, H), dtype=jnp.float32) / np.sqrt(F)
    inp["bg1"] = jnp.zeros((H,), dtype=jnp.float32)
    inp["Wg2"] = jax.random.normal(ks[5], (H, F), dtype=jnp.float32) / np.sqrt(H)
    inp["bg2"] = jnp.zeros((F,), dtype=jnp.float32)
    inp["ag"] = jnp.asarray(0.25, dtype=jnp.float32)
    return inp


def reference(X, edge_index, W1, b1, a1, W2, b2, Wg1, bg1, Wg2, bg2, ag):
    B, n, f = X.shape
    x = X.reshape(-1, f)  # batch_size = 1
    # MLP encoder
    x = _prelu(x @ W1 + b1, a1)
    x = x @ W2 + b2
    # GCN message passing with self-loops and symmetric normalization (PyG GCNConv)
    src = jnp.concatenate([edge_index[0], jnp.arange(n, dtype=edge_index.dtype)])
    dst = jnp.concatenate([edge_index[1], jnp.arange(n, dtype=edge_index.dtype)])
    deg = jnp.zeros((n,), dtype=x.dtype).at[dst].add(1.0)
    dinv = jax.lax.rsqrt(jnp.maximum(deg, 1.0))
    norm = dinv[src] * dinv[dst]

    def conv(h, W, b):
        h = h @ W
        msg = h[src] * norm[:, None]
        agg = jax.ops.segment_sum(msg, dst, num_segments=n)
        return agg + b

    x = _prelu(conv(x, Wg1, bg1), ag)
    x = conv(x, Wg2, bg2)
    return x.reshape(B, n, f)

if __name__ == "__main__":
    import jax
    _d = setup_inputs()
    print(jax.jit(kernel)(*tuple(_d.values())))

</pallas_src>

<mosaic_0001>
#map = affine_map<(d0, d1) -> (0, 0)>
#map1 = affine_map<(d0, d1) -> (0, 0, 0)>
module attributes {stable_mosaic.version = 14 : i64} {
  func.func @scat_kernel(%arg0: i32, %arg1: i32, %arg2: memref<10240x128xf32, #tpu.memory_space<hbm>>, %arg3: memref<16x320x64xi32, #tpu.memory_space<hbm>>, %arg4: memref<16x160x128xi32, #tpu.memory_space<hbm>>, %arg5: memref<10240x128xf32, #tpu.memory_space<hbm>>, %arg6: memref<2x10240x128xf32, #tpu.memory_space<hbm>>, %arg7: memref<10240x128xf32, #tpu.memory_space<vmem_shared>>, %arg8: memref<16x64xi32, #tpu.memory_space<vmem>>, %arg9: memref<16x64xi32, #tpu.memory_space<vmem>>, %arg10: memref<8x128xi32, #tpu.memory_space<vmem>>, %arg11: memref<8x128xi32, #tpu.memory_space<vmem>>, %arg12: memref<128x128xf32, #tpu.memory_space<vmem>>, %arg13: memref<128x128xf32, #tpu.memory_space<vmem>>, %arg14: memref<!tpu.dma_semaphore, #tpu.memory_space<semaphore_mem>>, %arg15: memref<!tpu.dma_semaphore, #tpu.memory_space<semaphore_mem>>, %arg16: memref<!tpu.dma_semaphore, #tpu.memory_space<semaphore_mem>>, %arg17: memref<!tpu.dma_semaphore, #tpu.memory_space<semaphore_mem>>) attributes {dimension_semantics = [#tpu.dimension_semantics<core_parallel>, #tpu.dimension_semantics<subcore_parallel>], iteration_bounds = array<i64: 2, 16>, scalar_prefetch = 0 : i64, scratch_operands = 11 : i64, tpu.core_type = #tpu.core_type<sc_vector_subcore>, window_params = [{transform_indices = #map}, {transform_indices = #map1}, {transform_indices = #map1}, {transform_indices = #map}, {transform_indices = #map1}]} {
    %mul3A = arith.constant 640 : i32
    %mul3A_0 = arith.muli %arg1, %mul3A : i32
    %mul3A_1 = arith.constant 640 : i32
    %mul3A_2 = arith.muli %arg1, %mul3A_1 : i32
    "tpu.region"() ({
      %run_scoped3A = tpu.sem_alloc : memref<!tpu.dma_semaphore, #tpu.memory_space<semaphore_mem>>
      %dma_start3A_74 = arith.constant 0 : i32
      %dma_start3A_75 = tpu.memref_slice %arg7[%mul3A_2, %dma_start3A_74] : memref<10240x128xf32, #tpu.memory_space<vmem_shared>> -> memref<640x128xf32, #tpu.memory_space<vmem_shared>>
      %dma_start3A_76 = arith.constant 0 : i32
      %dma_start3A_77 = tpu.memref_slice %arg5[%mul3A_0, %dma_start3A_76] : memref<10240x128xf32, #tpu.memory_space<hbm>> -> memref<640x128xf32, #tpu.memory_space<hbm>>
      tpu.enqueue_dma source(%dma_start3A_77 : memref<640x128xf32, #tpu.memory_space<hbm>>) target(%dma_start3A_75 : memref<640x128xf32, #tpu.memory_space<vmem_shared>>) target_semaphore(%run_scoped3A : memref<!tpu.dma_semaphore, #tpu.memory_space<semaphore_mem>>)
      %dma_wait3A_78 = arith.constant 0 : i32
      %dma_wait3A_79 = tpu.memref_slice %arg7[%mul3A_2, %dma_wait3A_78] : memref<10240x128xf32, #tpu.memory_space<vmem_shared>> -> memref<640x128xf32, #tpu.memory_space<vmem_shared>>
      %dma_wait3A_80 = arith.constant 0 : i32
      %dma_wait3A_81 = tpu.memref_slice %arg5[%mul3A_0, %dma_wait3A_80] : memref<10240x128xf32, #tpu.memory_space<hbm>> -> memref<640x128xf32, #tpu.memory_space<hbm>>
      tpu.wait_dma2 semaphore(%run_scoped3A : memref<!tpu.dma_semaphore, #tpu.memory_space<semaphore_mem>>) src(%dma_wait3A_81 : memref<640x128xf32, #tpu.memory_space<hbm>>) dst(%dma_wait3A_79 : memref<640x128xf32, #tpu.memory_space<vmem_shared>>)
      tpu.yield
    }) : () -> ()
    %barrier3A = arith.constant 0 : index
    tpu.barrier barrier_id(%barrier3A)
    %mul3A_3 = arith.constant 80 : i32
    %mul3A_4 = arith.muli %arg0, %mul3A_3 : i32
    %add3A = arith.constant 0 : i32
    %add3A_5 = arith.addi %mul3A_4, %add3A : i32
    %mul3A_6 = arith.constant 2 : i32
    %mul3A_7 = arith.muli %mul3A_6, %add3A_5 : i32
    %dma_start3A = arith.constant 0 : i32
    %dma_start3A_8 = tpu.memref_slice %arg3[%arg1, %mul3A_7, %dma_start3A] : memref<16x320x64xi32, #tpu.memory_space<hbm>> -> memref<1x16x64xi32, #tpu.memory_space<hbm>>
    %dma_start3A_9 = tpu.memref_squeeze %dma_start3A_8 : memref<1x16x64xi32, #tpu.memory_space<hbm>> -> memref<16x64xi32, #tpu.memory_space<hbm>>
    %dma_start3A_10 = arith.constant 0 : i32
    %dma_start3A_11 = tpu.memref_slice %arg3[%arg1, %mul3A_7, %dma_start3A_10] : memref<16x320x64xi32, #tpu.memory_space<hbm>> -> memref<1x16x64xi32, #tpu.memory_space<hbm>>
    %dma_start3A_12 = tpu.memref_squeeze %dma_start3A_11 : memref<1x16x64xi32, #tpu.memory_space<hbm>> -> memref<16x64xi32, #tpu.memory_space<hbm>>
    tpu.enqueue_dma source(%dma_start3A_12 : memref<16x64xi32, #tpu.memory_space<hbm>>) target(%arg8 : memref<16x64xi32, #tpu.memory_space<vmem>>) target_semaphore(%arg16 : memref<!tpu.dma_semaphore, #tpu.memory_space<semaphore_mem>>)
    %mul3A_13 = arith.constant 80 : i32
    %mul3A_14 = arith.muli %arg0, %mul3A_13 : i32
    %add3A_15 = arith.constant 0 : i32
    %add3A_16 = arith.addi %mul3A_14, %add3A_15 : i32
    %dma_start3A_17 = arith.constant 0 : i32
    %dma_start3A_18 = tpu.memref_slice %arg4[%arg1, %add3A_16, %dma_start3A_17] : memref<16x160x128xi32, #tpu.memory_space<hbm>> -> memref<1x8x128xi32, #tpu.memory_space<hbm>>
    %dma_start3A_19 = tpu.memref_squeeze %dma_start3A_18 : memref<1x8x128xi32, #tpu.memory_space<hbm>> -> memref<8x128xi32, #tpu.memory_space<hbm>>
    %dma_start3A_20 = arith.constant 0 : i32
    %dma_start3A_21 = tpu.memref_slice %arg4[%arg1, %add3A_16, %dma_start3A_20] : memref<16x160x128xi32, #tpu.memory_space<hbm>> -> memref<1x8x128xi32, #tpu.memory_space<hbm>>
    %dma_start3A_22 = tpu.memref_squeeze %dma_start3A_21 : memref<1x8x128xi32, #tpu.memory_space<hbm>> -> memref<8x128xi32, #tpu.memory_space<hbm>>
    tpu.enqueue_dma source(%dma_start3A_22 : memref<8x128xi32, #tpu.memory_space<hbm>>) target(%arg10 : memref<8x128xi32, #tpu.memory_space<vmem>>) target_semaphore(%arg16 : memref<!tpu.dma_semaphore, #tpu.memory_space<semaphore_mem>>)
    %mul3A_23 = arith.constant 80 : i32
    %mul3A_24 = arith.muli %arg0, %mul3A_23 : i32
    %add3A_25 = arith.constant 0 : i32
    %add3A_26 = arith.addi %mul3A_24, %add3A_25 : i32
    %mul3A_27 = arith.constant 2 : i32
    %mul3A_28 = arith.muli %mul3A_27, %add3A_26 : i32
    %dma_wait3A = arith.constant 0 : i32
    %dma_wait3A_29 = tpu.memref_slice %arg3[%arg1, %mul3A_28, %dma_wait3A] : memref<16x320x64xi32, #tpu.memory_space<hbm>> -> memref<1x16x64xi32, #tpu.memory_space<hbm>>
    %dma_wait3A_30 = tpu.memref_squeeze %dma_wait3A_29 : memref<1x16x64xi32, #tpu.memory_space<hbm>> -> memref<16x64xi32, #tpu.memory_space<hbm>>
    %dma_wait3A_31 = arith.constant 0 : i32
    %dma_wait3A_32 = tpu.memref_slice %arg3[%arg1, %mul3A_28, %dma_wait3A_31] : memref<16x320x64xi32, #tpu.memory_space<hbm>> -> memref<1x16x64xi32, #tpu.memory_space<hbm>>
    %dma_wait3A_33 = tpu.memref_squeeze %dma_wait3A_32 : memref<1x16x64xi32, #tpu.memory_space<hbm>> -> memref<16x64xi32, #tpu.memory_space<hbm>>
    tpu.wait_dma2 semaphore(%arg16 : memref<!tpu.dma_semaphore, #tpu.memory_space<semaphore_mem>>) src(%dma_wait3A_33 : memref<16x64xi32, #tpu.memory_space<hbm>>) dst(%arg8 : memref<16x64xi32, #tpu.memory_space<vmem>>)
    %mul3A_34 = arith.constant 80 : i32
    %mul3A_35 = arith.muli %arg0, %mul3A_34 : i32
    %add3A_36 = arith.constant 0 : i32
    %add3A_37 = arith.addi %mul3A_35, %add3A_36 : i32
    %dma_wait3A_38 = arith.constant 0 : i32
    %dma_wait3A_39 = tpu.memref_slice %arg4[%arg1, %add3A_37, %dma_wait3A_38] : memref<16x160x128xi32, #tpu.memory_space<hbm>> -> memref<1x8x128xi32, #tpu.memory_space<hbm>>
    %dma_wait3A_40 = tpu.memref_squeeze %dma_wait3A_39 : memref<1x8x128xi32, #tpu.memory_space<hbm>> -> memref<8x128xi32, #tpu.memory_space<hbm>>
    %dma_wait3A_41 = arith.constant 0 : i32
    %dma_wait3A_42 = tpu.memref_slice %arg4[%arg1, %add3A_37, %dma_wait3A_41] : memref<16x160x128xi32, #tpu.memory_space<hbm>> -> memref<1x8x128xi32, #tpu.memory_space<hbm>>
    %dma_wait3A_43 = tpu.memref_squeeze %dma_wait3A_42 : memref<1x8x128xi32, #tpu.memory_space<hbm>> -> memref<8x128xi32, #tpu.memory_space<hbm>>
    tpu.wait_dma2 semaphore(%arg16 : memref<!tpu.dma_semaphore, #tpu.memory_space<semaphore_mem>>) src(%dma_wait3A_43 : memref<8x128xi32, #tpu.memory_space<hbm>>) dst(%arg10 : memref<8x128xi32, #tpu.memory_space<vmem>>)
    %dma_start3A_44 = arith.constant 0 : i32
    %dma_start3A_45 = arith.constant 0 : i32
    %dma_start3A_46 = arith.constant 0 : i32
    %dma_start3A_47 = tpu.memref_slice %arg12[%dma_start3A_45, %dma_start3A_46] : memref<128x128xf32, #tpu.memory_space<vmem>> -> memref<64x128xf32, #tpu.memory_space<vmem>>
    %dma_start3A_48 = arith.constant 0 : i32
    %dma_start3A_49 = tpu.memref_slice %arg8[%dma_start3A_44, %dma_start3A_48] : memref<16x64xi32, #tpu.memory_space<vmem>> -> memref<1x64xi32, #tpu.memory_space<vmem>>
    %dma_start3A_50 = tpu.memref_squeeze %dma_start3A_49 : memref<1x64xi32, #tpu.memory_space<vmem>> -> memref<64xi32, #tpu.memory_space<vmem>>
    %dma_start3A_51 = arith.constant 0 : i32
    %dma_start3A_52 = arith.constant 0 : i32
    %dma_start3A_53 = tpu.memref_slice %arg2[%dma_start3A_51, %dma_start3A_52] : memref<10240x128xf32, #tpu.memory_space<hbm>> -> memref<10240x128xf32, #tpu.memory_space<hbm>>
    tpu.enqueue_indirect_dma source(%dma_start3A_53 : memref<10240x128xf32, #tpu.memory_space<hbm>>) target(%dma_start3A_47 : memref<64x128xf32, #tpu.memory_space<vmem>>) offsets(%dma_start3A_50 : memref<64xi32, #tpu.memory_space<vmem>>) semaphore(%arg14 : memref<!tpu.dma_semaphore, #tpu.memory_space<semaphore_mem>>)
    %dma_start3A_54 = arith.constant 1 : i32
    %dma_start3A_55 = arith.constant 64 : i32
    %dma_start3A_56 = arith.constant 0 : i32
    %dma_start3A_57 = tpu.memref_slice %arg12[%dma_start3A_55, %dma_start3A_56] : memref<128x128xf32, #tpu.memory_space<vmem>> -> memref<64x128xf32, #tpu.memory_space<vmem>>
    %dma_start3A_58 = arith.constant 0 : i32
    %dma_start3A_59 = tpu.memref_slice %arg8[%dma_start3A_54, %dma_start3A_58] : memref<16x64xi32, #tpu.memory_space<vmem>> -> memref<1x64xi32, #tpu.memory_space<vmem>>
    %dma_start3A_60 = tpu.memref_squeeze %dma_start3A_59 : memref<1x64xi32, #tpu.memory_space<vmem>> -> memref<64xi32, #tpu.memory_space<vmem>>
    %dma_start3A_61 = arith.constant 0 : i32
    %dma_start3A_62 = arith.constant 0 : i32
    %dma_start3A_63 = tpu.memref_slice %arg2[%dma_start3A_61, %dma_start3A_62] : memref<10240x128xf32, #tpu.memory_space<hbm>> -> memref<10240x128xf32, #tpu.memory_space<hbm>>
    tpu.enqueue_indirect_dma source(%dma_start3A_63 : memref<10240x128xf32, #tpu.memory_space<hbm>>) target(%dma_start3A_57 : memref<64x128xf32, #tpu.memory_space<vmem>>) offsets(%dma_start3A_60 : memref<64xi32, #tpu.memory_space<vmem>>) semaphore(%arg14 : memref<!tpu.dma_semaphore, #tpu.memory_space<semaphore_mem>>)
    %scan3A = arith.constant 0 : i32
    %scan3A_64 = arith.constant 0 : i32
    %scan3A_65 = arith.constant 5 : i32
    %scan3A_66 = arith.addi %scan3A_64, %scan3A_65 : i32
    %scan3A_67 = arith.constant 1 : i32
    scf.for %scan3A_74 = %scan3A_64 to %scan3A_66 step %scan3A_67  : i32 {
      %mul3A_75 = arith.constant 2 : i32
      %mul3A_76 = arith.muli %mul3A_75, %scan3A_74 : i32
      %add3A_77 = arith.constant 1 : i32
      %add3A_78 = arith.addi %mul3A_76, %add3A_77 : i32
      %mul3A_79 = arith.constant 80 : i32
      %mul3A_80 = arith.muli %arg0, %mul3A_79 : i32
      %mul3A_81 = arith.constant 8 : i32
      %mul3A_82 = arith.muli %add3A_78, %mul3A_81 : i32
      %add3A_83 = arith.addi %mul3A_80, %mul3A_82 : i32
      %mul3A_84 = arith.constant 2 : i32
      %mul3A_85 = arith.muli %mul3A_84, %add3A_83 : i32
      %dma_start3A_86 = arith.constant 0 : i32
      %dma_start3A_87 = tpu.memref_slice %arg3[%arg1, %mul3A_85, %dma_start3A_86] : memref<16x320x64xi32, #tpu.memory_space<hbm>> -> memref<1x16x64xi32, #tpu.memory_space<hbm>>
      %dma_start3A_88 = tpu.memref_squeeze %dma_start3A_87 : memref<1x16x64xi32, #tpu.memory_space<hbm>> -> memref<16x64xi32, #tpu.memory_space<hbm>>
      %dma_start3A_89 = arith.constant 0 : i32
      %dma_start3A_90 = tpu.memref_slice %arg3[%arg1, %mul3A_85, %dma_start3A_89] : memref<16x320x64xi32, #tpu.memory_space<hbm>> -> memref<1x16x64xi32, #tpu.memory_space<hbm>>
      %dma_start3A_91 = tpu.memref_squeeze %dma_start3A_90 : memref<1x16x64xi32, #tpu.memory_space<hbm>> -> memref<16x64xi32, #tpu.memory_space<hbm>>
      tpu.enqueue_dma source(%dma_start3A_91 : memref<16x64xi32, #tpu.memory_space<hbm>>) target(%arg9 : memref<16x64xi32, #tpu.memory_space<vmem>>) target_semaphore(%arg17 : memref<!tpu.dma_semaphore, #tpu.memory_space<semaphore_mem>>)
      %mul3A_92 = arith.constant 80 : i32
      %mul3A_93 = arith.muli %arg0, %mul3A_92 : i32
      %mul3A_94 = arith.constant 8 : i32
      %mul3A_95 = arith.muli %add3A_78, %mul3A_94 : i32
      %add3A_96 = arith.addi %mul3A_93, %mul3A_95 : i32
      %dma_start3A_97 = arith.constant 0 : i32
      %dma_start3A_98 = tpu.memref_slice %arg4[%arg1, %add3A_96, %dma_start3A_97] : memref<16x160x128xi32, #tpu.memory_space<hbm>> -> memref<1x8x128xi32, #tpu.memory_space<hbm>>
      %dma_start3A_99 = tpu.memref_squeeze %dma_start3A_98 : memref<1x8x128xi32, #tpu.memory_space<hbm>> -> memref<8x128xi32, #tpu.memory_space<hbm>>
      %dma_start3A_100 = arith.constant 0 : i32
      %dma_start3A_101 = tpu.memref_slice %arg4[%arg1, %add3A_96, %dma_start3A_100] : memref<16x160x128xi32, #tpu.memory_space<hbm>> -> memref<1x8x128xi32, #tpu.memory_space<hbm>>
      %dma_start3A_102 = tpu.memref_squeeze %dma_start3A_101 : memref<1x8x128xi32, #tpu.memory_space<hbm>> -> memref<8x128xi32, #tpu.memory_space<hbm>>
      tpu.enqueue_dma source(%dma_start3A_102 : memref<8x128xi32, #tpu.memory_space<hbm>>) target(%arg11 : memref<8x128xi32, #tpu.memory_space<vmem>>) target_semaphore(%arg17 : memref<!tpu.dma_semaphore, #tpu.memory_space<semaphore_mem>>)
      %dma_start3A_103 = arith.constant 2 : i32
      %dma_start3A_104 = arith.constant 0 : i32
      %dma_start3A_105 = arith.constant 0 : i32
      %dma_start3A_106 = tpu.memref_slice %arg13[%dma_start3A_104, %dma_start3A_105] : memref<128x128xf32, #tpu.memory_space<vmem>> -> memref<64x128xf32, #tpu.memory_space<vmem>>
      %dma_start3A_107 = arith.constant 0 : i32
      %dma_start3A_108 = tpu.memref_slice %arg8[%dma_start3A_103, %dma_start3A_107] : memref<16x64xi32, #tpu.memory_space<vmem>> -> memref<1x64xi32, #tpu.memory_space<vmem>>
      %dma_start3A_109 = tpu.memref_squeeze %dma_start3A_108 : memref<1x64xi32, #tpu.memory_space<vmem>> -> memref<64xi32, #tpu.memory_space<vmem>>
      %dma_start3A_110 = arith.constant 0 : i32
      %dma_start3A_111 = arith.constant 0 : i32
      %dma_start3A_112 = tpu.memref_slice %arg2[%dma_start3A_110, %dma_start3A_111] : memref<10240x128xf32, #tpu.memory_space<hbm>> -> memref<10240x128xf32, #tpu.memory_space<hbm>>
      tpu.enqueue_indirect_dma source(%dma_start3A_112 : memref<10240x128xf32, #tpu.memory_space<hbm>>) target(%dma_start3A_106 : memref<64x128xf32, #tpu.memory_space<vmem>>) offsets(%dma_start3A_109 : memref<64xi32, #tpu.memory_space<vmem>>) semaphore(%arg15 : memref<!tpu.dma_semaphore, #tpu.memory_space<semaphore_mem>>)
      %dma_start3A_113 = arith.constant 3 : i32
      %dma_start3A_114 = arith.constant 64 : i32
      %dma_start3A_115 = arith.constant 0 : i32
      %dma_start3A_116 = tpu.memref_slice %arg13[%dma_start3A_114, %dma_start3A_115] : memref<128x128xf32, #tpu.memory_space<vmem>> -> memref<64x128xf32, #tpu.memory_space<vmem>>
      %dma_start3A_117 = arith.constant 0 : i32
      %dma_start3A_118 = tpu.memref_slice %arg8[%dma_start3A_113, %dma_start3A_117] : memref<16x64xi32, #tpu.memory_space<vmem>> -> memref<1x64xi32, #tpu.memory_space<vmem>>
      %dma_start3A_119 = tpu.memref_squeeze %dma_start3A_118 : memref<1x64xi32, #tpu.memory_space<vmem>> -> memref<64xi32, #tpu.memory_space<vmem>>
      %dma_start3A_120 = arith.constant 0 : i32
      %dma_start3A_121 = arith.constant 0 : i32
      %dma_start3A_122 = tpu.memref_slice %arg2[%dma_start3A_120, %dma_start3A_121] : memref<10240x128xf32, #tpu.memory_space<hbm>> -> memref<10240x128xf32, #tpu.memory_space<hbm>>
      tpu.enqueue_indirect_dma source(%dma_start3A_122 : memref<10240x128xf32, #tpu.memory_space<hbm>>) target(%dma_start3A_116 : memref<64x128xf32, #tpu.memory_space<vmem>>) offsets(%dma_start3A_119 : memref<64xi32, #tpu.memory_space<vmem>>) semaphore(%arg15 : memref<!tpu.dma_semaphore, #tpu.memory_space<semaphore_mem>>)
      %dma_wait3A_123 = arith.constant 0 : i32
      %dma_wait3A_124 = arith.constant 0 : i32
      %dma_wait3A_125 = arith.constant 0 : i32
      %dma_wait3A_126 = tpu.memref_slice %arg12[%dma_wait3A_124, %dma_wait3A_125] : memref<128x128xf32, #tpu.memory_space<vmem>> -> memref<64x128xf32, #tpu.memory_space<vmem>>
      %dma_wait3A_127 = arith.constant 0 : i32
      %dma_wait3A_128 = tpu.memref_slice %arg8[%dma_wait3A_123, %dma_wait3A_127] : memref<16x64xi32, #tpu.memory_space<vmem>> -> memref<1x64xi32, #tpu.memory_space<vmem>>
      %dma_wait3A_129 = tpu.memref_squeeze %dma_wait3A_128 : memref<1x64xi32, #tpu.memory_space<vmem>> -> memref<64xi32, #tpu.memory_space<vmem>>
      %dma_wait3A_130 = arith.constant 0 : i32
      %dma_wait3A_131 = arith.constant 0 : i32
      %dma_wait3A_132 = tpu.memref_slice %arg2[%dma_wait3A_130, %dma_wait3A_131] : memref<10240x128xf32, #tpu.memory_space<hbm>> -> memref<10240x128xf32, #tpu.memory_space<hbm>>
      tpu.wait_indirect_dma semaphore(%arg14 : memref<!tpu.dma_semaphore, #tpu.memory_space<semaphore_mem>>) src(%dma_wait3A_132 : memref<10240x128xf32, #tpu.memory_space<hbm>>) dst(%dma_wait3A_126 : memref<64x128xf32, #tpu.memory_space<vmem>>)
      %dma_wait3A_133 = arith.constant 0 : i32
      %dma_wait3A_134 = arith.constant 64 : i32
      %dma_wait3A_135 = arith.constant 0 : i32
      %dma_wait3A_136 = tpu.memref_slice %arg12[%dma_wait3A_134, %dma_wait3A_135] : memref<128x128xf32, #tpu.memory_space<vmem>> -> memref<64x128xf32, #tpu.memory_space<vmem>>
      %dma_wait3A_137 = arith.constant 0 : i32
      %dma_wait3A_138 = tpu.memref_slice %arg8[%dma_wait3A_133, %dma_wait3A_137] : memref<16x64xi32, #tpu.memory_space<vmem>> -> memref<1x64xi32, #tpu.memory_space<vmem>>
      %dma_wait3A_139 = tpu.memref_squeeze %dma_wait3A_138 : memref<1x64xi32, #tpu.memory_space<vmem>> -> memref<64xi32, #tpu.memory_space<vmem>>
      %dma_wait3A_140 = arith.constant 0 : i32
      %dma_wait3A_141 = arith.constant 0 : i32
      %dma_wait3A_142 = tpu.memref_slice %arg2[%dma_wait3A_140, %dma_wait3A_141] : memref<10240x128xf32, #tpu.memory_space<hbm>> -> memref<10240x128xf32, #tpu.memory_space<hbm>>
      tpu.wait_indirect_dma semaphore(%arg14 : memref<!tpu.dma_semaphore, #tpu.memory_space<semaphore_mem>>) src(%dma_wait3A_142 : memref<10240x128xf32, #tpu.memory_space<hbm>>) dst(%dma_wait3A_136 : memref<64x128xf32, #tpu.memory_space<vmem>>)
      %run_scoped3A = arith.constant 0 : i32
      "tpu.region"() ({
        %run_scoped3A_773 = tpu.sem_alloc : memref<!tpu.dma_semaphore, #tpu.memory_space<semaphore_mem>>
        %dma_start3A_774 = arith.constant 0 : i32
        %dma_start3A_775 = tpu.memref_slice %arg10[%run_scoped3A, %dma_start3A_774] : memref<8x128xi32, #tpu.memory_space<vmem>> -> memref<1x128xi32, #tpu.memory_space<vmem>>
        %dma_start3A_776 = tpu.memref_squeeze %dma_start3A_775 : memref<1x128xi32, #tpu.memory_space<vmem>> -> memref<128xi32, #tpu.memory_space<vmem>>
        %dma_start3A_777 = arith.constant 0 : i32
        %dma_start3A_778 = arith.constant 0 : i32
        %dma_start3A_779 = tpu.memref_slice %arg7[%dma_start3A_777, %dma_start3A_778] : memref<10240x128xf32, #tpu.memory_space<vmem_shared>> -> memref<10240x128xf32, #tpu.memory_space<vmem_shared>>
        tpu.enqueue_indirect_dma source(%arg12 : memref<128x128xf32, #tpu.memory_space<vmem>>) target(%dma_start3A_779 : memref<10240x128xf32, #tpu.memory_space<vmem_shared>>) offsets(%dma_start3A_776 : memref<128xi32, #tpu.memory_space<vmem>>) semaphore(%run_scoped3A_773 : memref<!tpu.dma_semaphore, #tpu.memory_space<semaphore_mem>>) {add = true}
        %dma_wait3A_780 = arith.constant 0 : i32
        %dma_wait3A_781 = tpu.memref_slice %arg10[%run_scoped3A, %dma_wait3A_780] : memref<8x128xi32, #tpu.memory_space<vmem>> -> memref<1x128xi32, #tpu.memory_space<vmem>>
        %dma_wait3A_782 = tpu.memref_squeeze %dma_wait3A_781 : memref<1x128xi32, #tpu.memory_space<vmem>> -> memref<128xi32, #tpu.memory_space<vmem>>
        %dma_wait3A_783 = arith.constant 0 : i32
        %dma_wait3A_784 = arith.constant 0 : i32
        %dma_wait3A_785 = tpu.memref_slice %arg7[%dma_wait3A_783, %dma_wait3A_784] : memref<10240x128xf32, #tpu.memory_space<vmem_shared>> -> memref<10240x128xf32, #tpu.memory_space<vmem_shared>>
        tpu.wait_indirect_dma semaphore(%run_scoped3A_773 : memref<!tpu.dma_semaphore, #tpu.memory_space<semaphore_mem>>) src(%arg12 : memref<128x128xf32, #tpu.memory_space<vmem>>) dst(%dma_wait3A_785 : memref<10240x128xf32, #tpu.memory_space<vmem_shared>>)
        tpu.yield
      }) : () -> ()
      %dma_start3A_143 = arith.constant 4 : i32
      %dma_start3A_144 = arith.constant 0 : i32
      %dma_start3A_145 = arith.constant 0 : i32
      %dma_start3A_146 = tpu.memref_slice %arg12[%dma_start3A_144, %dma_start3A_145] : memref<128x128xf32, #tpu.memory_space<vmem>> -> memref<64x128xf32, #tpu.memory_space<vmem>>
      %dma_start3A_147 = arith.constant 0 : i32
      %dma_start3A_148 = tpu.memref_slice %arg8[%dma_start3A_143, %dma_start3A_147] : memref<16x64xi32, #tpu.memory_space<vmem>> -> memref<1x64xi32, #tpu.memory_space<vmem>>
      %dma_start3A_149 = tpu.memref_squeeze %dma_start3A_148 : memref<1x64xi32, #tpu.memory_space<vmem>> -> memref<64xi32, #tpu.memory_space<vmem>>
      %dma_start3A_150 = arith.constant 0 : i32
      %dma_start3A_151 = arith.constant 0 : i32
      %dma_start3A_152 = tpu.memref_slice %arg2[%dma_start3A_150, %dma_start3A_151] : memref<10240x128xf32, #tpu.memory_space<hbm>> -> memref<10240x128xf32, #tpu.memory_space<hbm>>
      tpu.enqueue_indirect_dma source(%dma_start3A_152 : memref<10240x128xf32, #tpu.memory_space<hbm>>) target(%dma_start3A_146 : memref<64x128xf32, #tpu.memory_space<vmem>>) offsets(%dma_start3A_149 : memref<64xi32, #tpu.memory_space<vmem>>) semaphore(%arg14 : memref<!tpu.dma_semaphore, #tpu.memory_space<semaphore_mem>>)
      %dma_start3A_153 = arith.constant 5 : i32
      %dma_start3A_154 = arith.constant 64 : i32
      %dma_start3A_155 = arith.constant 0 : i32
      %dma_start3A_156 = tpu.memref_slice %arg12[%dma_start3A_154, %dma_start3A_155] : memref<128x128xf32, #tpu.memory_space<vmem>> -> memref<64x128xf32, #tpu.memory_space<vmem>>
      %dma_start3A_157 = arith.constant 0 : i32
      %dma_start3A_158 = tpu.memref_slice %arg8[%dma_start3A_153, %dma_start3A_157] : memref<16x64xi32, #tpu.memory_space<vmem>> -> memref<1x64xi32, #tpu.memory_space<vmem>>
      %dma_start3A_159 = tpu.memref_squeeze %dma_start3A_158 : memref<1x64xi32, #tpu.memory_space<vmem>> -> memref<64xi32, #tpu.memory_space<vmem>>
      %dma_start3A_160 = arith.constant 0 : i32
      %dma_start3A_161 = arith.constant 0 : i32
      %dma_start3A_162 = tpu.memref_slice %arg2[%dma_start3A_160, %dma_start3A_161] : memref<10240x128xf32, #tpu.memory_space<hbm>> -> memref<10240x128xf32, #tpu.memory_space<hbm>>
      tpu.enqueue_indirect_dma source(%dma_start3A_162 : memref<10240x128xf32, #tpu.memory_space<hbm>>) target(%dma_start3A_156 : memref<64x128xf32, #tpu.memory_space<vmem>>) offsets(%dma_start3A_159 : memref<64xi32, #tpu.memory_space<vmem>>) semaphore(%arg14 : memref<!tpu.dma_semaphore, #tpu.memory_space<semaphore_mem>>)
      %dma_wait3A_163 = arith.constant 0 : i32
      %dma_wait3A_164 = arith.constant 0 : i32
      %dma_wait3A_165 = arith.constant 0 : i32
      %dma_wait3A_166 = tpu.memref_slice %arg13[%dma_wait3A_164, %dma_wait3A_165] : memref<128x128xf32, #tpu.memory_space<vmem>> -> memref<64x128xf32, #tpu.memory_space<vmem>>
      %dma_wait3A_167 = arith.constant 0 : i32
      %dma_wait3A_168 = tpu.memref_slice %arg8[%dma_wait3A_163, %dma_wait3A_167] : memref<16x64xi32, #tpu.memory_space<vmem>> -> memref<1x64xi32, #tpu.memory_space<vmem>>
      %dma_wait3A_169 = tpu.memref_squeeze %dma_wait3A_168 : memref<1x64xi32, #tpu.memory_space<vmem>> -> memref<64xi32, #tpu.memory_space<vmem>>
      %dma_wait3A_170 = arith.constant 0 : i32
      %dma_wait3A_171 = arith.constant 0 : i32
      %dma_wait3A_172 = tpu.memref_slice %arg2[%dma_wait3A_170, %dma_wait3A_171] : memref<10240x128xf32, #tpu.memory_space<hbm>> -> memref<10240x128xf32, #tpu.memory_space<hbm>>
      tpu.wait_indirect_dma semaphore(%arg15 : memref<!tpu.dma_semaphore, #tpu.memory_space<semaphore_mem>>) src(%dma_wait3A_172 : memref<10240x128xf32, #tpu.memory_space<hbm>>) dst(%dma_wait3A_166 : memref<64x128xf32, #tpu.memory_space<vmem>>)
      %dma_wait3A_173 = arith.constant 0 : i32
      %dma_wait3A_174 = arith.constant 64 : i32
      %dma_wait3A_175 = arith.constant 0 : i32
      %dma_wait3A_176 = tpu.memref_slice %arg13[%dma_wait3A_174, %dma_wait3A_175] : memref<128x128xf32, #tpu.memory_space<vmem>> -> memref<64x128xf32, #tpu.memory_space<vmem>>
      %dma_wait3A_177 = arith.constant 0 : i32
      %dma_wait3A_178 = tpu.memref_slice %arg8[%dma_wait3A_173, %dma_wait3A_177] : memref<16x64xi32, #tpu.memory_space<vmem>> -> memref<1x64xi32, #tpu.memory_space<vmem>>
      %dma_wait3A_179 = tpu.memref_squeeze %dma_wait3A_178 : memref<1x64xi32, #tpu.memory_space<vmem>> -> memref<64xi32, #tpu.memory_space<vmem>>
      %dma_wait3A_180 = arith.constant 0 : i32
      %dma_wait3A_181 = arith.constant 0 : i32
      %dma_wait3A_182 = tpu.memref_slice %arg2[%dma_wait3A_180, %dma_wait3A_181] : memref<10240x128xf32, #tpu.memory_space<hbm>> -> memref<10240x128xf32, #tpu.memory_space<hbm>>
      tpu.wait_indirect_dma semaphore(%arg15 : memref<!tpu.dma_semaphore, #tpu.memory_space<semaphore_mem>>) src(%dma_wait3A_182 : memref<10240x128xf32, #tpu.memory_space<hbm>>) dst(%dma_wait3A_176 : memref<64x128xf32, #tpu.memory_space<vmem>>)
      %run_scoped3A_183 = arith.constant 1 : i32
      "tpu.region"() ({
        %run_scoped3A_773 = tpu.sem_alloc : memref<!tpu.dma_semaphore, #tpu.memory_space<semaphore_mem>>
        %dma_start3A_774 = arith.constant 0 : i32
        %dma_start3A_775 = tpu.memref_slice %arg10[%run_scoped3A_183, %dma_start3A_774] : memref<8x128xi32, #tpu.memory_space<vmem>> -> memref<1x128xi32, #tpu.memory_space<vmem>>
        %dma_start3A_776 = tpu.memref_squeeze %dma_start3A_775 : memref<1x128xi32, #tpu.memory_space<vmem>> -> memref<128xi32, #tpu.memory_space<vmem>>
        %dma_start3A_777 = arith.constant 0 : i32
        %dma_start3A_778 = arith.constant 0 : i32
        %dma_start3A_779 = tpu.memref_slice %arg7[%dma_start3A_777, %dma_start3A_778] : memref<10240x128xf32, #tpu.memory_space<vmem_shared>> -> memref<10240x128xf32, #tpu.memory_space<vmem_shared>>
        tpu.enqueue_indirect_dma source(%arg13 : memref<128x128xf32, #tpu.memory_space<vmem>>) target(%dma_start3A_779 : memref<10240x128xf32, #tpu.memory_space<vmem_shared>>) offsets(%dma_start3A_776 : memref<128xi32, #tpu.memory_space<vmem>>) semaphore(%run_scoped3A_773 : memref<!tpu.dma_semaphore, #tpu.memory_space<semaphore_mem>>) {add = true}
        %dma_wait3A_780 = arith.constant 0 : i32
        %dma_wait3A_781 = tpu.memref_slice %arg10[%run_scoped3A_183, %dma_wait3A_780] : memref<8x128xi32, #tpu.memory_space<vmem>> -> memref<1x128xi32, #tpu.memory_space<vmem>>
        %dma_wait3A_782 = tpu.memref_squeeze %dma_wait3A_781 : memref<1x128xi32, #tpu.memory_space<vmem>> -> memref<128xi32, #tpu.memory_space<vmem>>
        %dma_wait3A_783 = arith.constant 0 : i32
        %dma_wait3A_784 = arith.constant 0 : i32
        %dma_wait3A_785 = tpu.memref_slice %arg7[%dma_wait3A_783, %dma_wait3A_784] : memref<10240x128xf32, #tpu.memory_space<vmem_shared>> -> memref<10240x128xf32, #tpu.memory_space<vmem_shared>>
        tpu.wait_indirect_dma semaphore(%run_scoped3A_773 : memref<!tpu.dma_semaphore, #tpu.memory_space<semaphore_mem>>) src(%arg13 : memref<128x128xf32, #tpu.memory_space<vmem>>) dst(%dma_wait3A_785 : memref<10240x128xf32, #tpu.memory_space<vmem_shared>>)
        tpu.yield
      }) : () -> ()
      %dma_start3A_184 = arith.constant 6 : i32
      %dma_start3A_185 = arith.constant 0 : i32
      %dma_start3A_186 = arith.constant 0 : i32
      %dma_start3A_187 = tpu.memref_slice %arg13[%dma_start3A_185, %dma_start3A_186] : memref<128x128xf32, #tpu.memory_space<vmem>> -> memref<64x128xf32, #tpu.memory_space<vmem>>
      %dma_start3A_188 = arith.constant 0 : i32
      %dma_start3A_189 = tpu.memref_slice %arg8[%dma_start3A_184, %dma_start3A_188] : memref<16x64xi32, #tpu.memory_space<vmem>> -> memref<1x64xi32, #tpu.memory_space<vmem>>
      %dma_start3A_190 = tpu.memref_squeeze %dma_start3A_189 : memref<1x64xi32, #tpu.memory_space<vmem>> -> memref<64xi32, #tpu.memory_space<vmem>>
      %dma_start3A_191 = arith.constant 0 : i32
      %dma_start3A_192 = arith.constant 0 : i32
      %dma_start3A_193 = tpu.memref_slice %arg2[%dma_start3A_191, %dma_start3A_192] : memref<10240x128xf32, #tpu.memory_space<hbm>> -> memref<10240x128xf32, #tpu.memory_space<hbm>>
      tpu.enqueue_indirect_dma source(%dma_start3A_193 : memref<10240x128xf32, #tpu.memory_space<hbm>>) target(%dma_start3A_187 : memref<64x128xf32, #tpu.memory_space<vmem>>) offsets(%dma_start3A_190 : memref<64xi32, #tpu.memory_space<vmem>>) semaphore(%arg15 : memref<!tpu.dma_semaphore, #tpu.memory_space<semaphore_mem>>)
      %dma_start3A_194 = arith.constant 7 : i32
      %dma_start3A_195 = arith.constant 64 : i32
      %dma_start3A_196 = arith.constant 0 : i32
      %dma_start3A_197 = tpu.memref_slice %arg13[%dma_start3A_195, %dma_start3A_196] : memref<128x128xf32, #tpu.memory_space<vmem>> -> memref<64x128xf32, #tpu.memory_space<vmem>>
      %dma_start3A_198 = arith.constant 0 : i32
      %dma_start3A_199 = tpu.memref_slice %arg8[%dma_start3A_194, %dma_start3A_198] : memref<16x64xi32, #tpu.memory_space<vmem>> -> memref<1x64xi32, #tpu.memory_space<vmem>>
      %dma_start3A_200 = tpu.memref_squeeze %dma_start3A_199 : memref<1x64xi32, #tpu.memory_space<vmem>> -> memref<64xi32, #tpu.memory_space<vmem>>
      %dma_start3A_201 = arith.constant 0 : i32
      %dma_start3A_202 = arith.constant 0 : i32
      %dma_start3A_203 = tpu.memref_slice %arg2[%dma_start3A_201, %dma_start3A_202] : memref<10240x128xf32, #tpu.memory_space<hbm>> -> memref<10240x128xf32, #tpu.memory_space<hbm>>
      tpu.enqueue_indirect_dma source(%dma_start3A_203 : memref<10240x128xf32, #tpu.memory_space<hbm>>) target(%dma_start3A_197 : memref<64x128xf32, #tpu.memory_space<vmem>>) offsets(%dma_start3A_200 : memref<64xi32, #tpu.memory_space<vmem>>) semaphore(%arg15 : memref<!tpu.dma_semaphore, #tpu.memory_space<semaphore_mem>>)
      %dma_wait3A_204 = arith.constant 0 : i32
      %dma_wait3A_205 = arith.constant 0 : i32
      %dma_wait3A_206 = arith.constant 0 : i32
      %dma_wait3A_207 = tpu.memref_slice %arg12[%dma_wait3A_205, %dma_wait3A_206] : memref<128x128xf32, #tpu.memory_space<vmem>> -> memref<64x128xf32, #tpu.memory_space<vmem>>
      %dma_wait3A_208 = arith.constant 0 : i32
      %dma_wait3A_209 = tpu.memref_slice %arg8[%dma_wait3A_204, %dma_wait3A_208] : memref<16x64xi32, #tpu.memory_space<vmem>> -> memref<1x64xi32, #tpu.memory_space<vmem>>
      %dma_wait3A_210 = tpu.memref_squeeze %dma_wait3A_209 : memref<1x64xi32, #tpu.memory_space<vmem>> -> memref<64xi32, #tpu.memory_space<vmem>>
      %dma_wait3A_211 = arith.constant 0 : i32
      %dma_wait3A_212 = arith.constant 0 : i32
      %dma_wait3A_213 = tpu.memref_slice %arg2[%dma_wait3A_211, %dma_wait3A_212] : memref<10240x128xf32, #tpu.memory_space<hbm>> -> memref<10240x128xf32, #tpu.memory_space<hbm>>
      tpu.wait_indirect_dma semaphore(%arg14 : memref<!tpu.dma_semaphore, #tpu.memory_space<semaphore_mem>>) src(%dma_wait3A_213 : memref<10240x128xf32, #tpu.memory_space<hbm>>) dst(%dma_wait3A_207 : memref<64x128xf32, #tpu.memory_space<vmem>>)
      %dma_wait3A_214 = arith.constant 0 : i32
      %dma_wait3A_215 = arith.constant 64 : i32
      %dma_wait3A_216 = arith.constant 0 : i32
      %dma_wait3A_217 = tpu.memref_slice %arg12[%dma_wait3A_215, %dma_wait3A_216] : memref<128x128xf32, #tpu.memory_space<vmem>> -> memref<64x128xf32, #tpu.memory_space<vmem>>
      %dma_wait3A_218 = arith.constant 0 : i32
      %dma_wait3A_219 = tpu.memref_slice %arg8[%dma_wait3A_214, %dma_wait3A_218] : memref<16x64xi32, #tpu.memory_space<vmem>> -> memref<1x64xi32, #tpu.memory_space<vmem>>
      %dma_wait3A_220 = tpu.memref_squeeze %dma_wait3A_219 : memref<1x64xi32, #tpu.memory_space<vmem>> -> memref<64xi32, #tpu.memory_space<vmem>>
      %dma_wait3A_221 = arith.constant 0 : i32
      %dma_wait3A_222 = arith.constant 0 : i32
      %dma_wait3A_223 = tpu.memref_slice %arg2[%dma_wait3A_221, %dma_wait3A_222] : memref<10240x128xf32, #tpu.memory_space<hbm>> -> memref<10240x128xf32, #tpu.memory_space<hbm>>
      tpu.wait_indirect_dma semaphore(%arg14 : memref<!tpu.dma_semaphore, #tpu.memory_space<semaphore_mem>>) src(%dma_wait3A_223 : memref<10240x128xf32, #tpu.memory_space<hbm>>) dst(%dma_wait3A_217 : memref<64x128xf32, #tpu.memory_space<vmem>>)
      %run_scoped3A_224 = arith.constant 2 : i32
      "tpu.region"() ({
        %run_scoped3A_773 = tpu.sem_alloc : memref<!tpu.dma_semaphore, #tpu.memory_space<semaphore_mem>>
        %dma_start3A_774 = arith.constant 0 : i32
        %dma_start3A_775 = tpu.memref_slice %arg10[%run_scoped3A_224, %dma_start3A_774] : memref<8x128xi32, #tpu.memory_space<vmem>> -> memref<1x128xi32, #tpu.memory_space<vmem>>
        %dma_start3A_776 = tpu.memref_squeeze %dma_start3A_775 : memref<1x128xi32, #tpu.memory_space<vmem>> -> memref<128xi32, #tpu.memory_space<vmem>>
        %dma_start3A_777 = arith.constant 0 : i32
        %dma_start3A_778 = arith.constant 0 : i32
        %dma_start3A_779 = tpu.memref_slice %arg7[%dma_start3A_777, %dma_start3A_778] : memref<10240x128xf32, #tpu.memory_space<vmem_shared>> -> memref<10240x128xf32, #tpu.memory_space<vmem_shared>>
        tpu.enqueue_indirect_dma source(%arg12 : memref<128x128xf32, #tpu.memory_space<vmem>>) target(%dma_start3A_779 : memref<10240x128xf32, #tpu.memory_space<vmem_shared>>) offsets(%dma_start3A_776 : memref<128xi32, #tpu.memory_space<vmem>>) semaphore(%run_scoped3A_773 : memref<!tpu.dma_semaphore, #tpu.memory_space<semaphore_mem>>) {add = true}
        %dma_wait3A_780 = arith.constant 0 : i32
        %dma_wait3A_781 = tpu.memref_slice %arg10[%run_scoped3A_224, %dma_wait3A_780] : memref<8x128xi32, #tpu.memory_space<vmem>> -> memref<1x128xi32, #tpu.memory_space<vmem>>
        %dma_wait3A_782 = tpu.memref_squeeze %dma_wait3A_781 : memref<1x128xi32, #tpu.memory_space<vmem>> -> memref<128xi32, #tpu.memory_space<vmem>>
        %dma_wait3A_783 = arith.constant 0 : i32
        %dma_wait3A_784 = arith.constant 0 : i32
        %dma_wait3A_785 = tpu.memref_slice %arg7[%dma_wait3A_783, %dma_wait3A_784] : memref<10240x128xf32, #tpu.memory_space<vmem_shared>> -> memref<10240x128xf32, #tpu.memory_space<vmem_shared>>
        tpu.wait_indirect_dma semaphore(%run_scoped3A_773 : memref<!tpu.dma_semaphore, #tpu.memory_space<semaphore_mem>>) src(%arg12 : memref<128x128xf32, #tpu.memory_space<vmem>>) dst(%dma_wait3A_785 : memref<10240x128xf32, #tpu.memory_space<vmem_shared>>)
        tpu.yield
      }) : () -> ()
      %dma_start3A_225 = arith.constant 8 : i32
      %dma_start3A_226 = arith.constant 0 : i32
      %dma_start3A_227 = arith.constant 0 : i32
      %dma_start3A_228 = tpu.memref_slice %arg12[%dma_start3A_226, %dma_start3A_227] : memref<128x128xf32, #tpu.memory_space<vmem>> -> memref<64x128xf32, #tpu.memory_space<vmem>>
      %dma_start3A_229 = arith.constant 0 : i32
      %dma_start3A_230 = tpu.memref_slice %arg8[%dma_start3A_225, %dma_start3A_229] : memref<16x64xi32, #tpu.memory_space<vmem>> -> memref<1x64xi32, #tpu.memory_space<vmem>>
      %dma_start3A_231 = tpu.memref_squeeze %dma_start3A_230 : memref<1x64xi32, #tpu.memory_space<vmem>> -> memref<64xi32, #tpu.memory_space<vmem>>
      %dma_start3A_232 = arith.constant 0 : i32
      %dma_start3A_233 = arith.constant 0 : i32
      %dma_start3A_234 = tpu.memref_slice %arg2[%dma_start3A_232, %dma_start3A_233] : memref<10240x128xf32, #tpu.memory_space<hbm>> -> memref<10240x128xf32, #tpu.memory_space<hbm>>
      tpu.enqueue_indirect_dma source(%dma_start3A_234 : memref<10240x128xf32, #tpu.memory_space<hbm>>) target(%dma_start3A_228 : memref<64x128xf32, #tpu.memory_space<vmem>>) offsets(%dma_start3A_231 : memref<64xi32, #tpu.memory_space<vmem>>) semaphore(%arg14 : memref<!tpu.dma_semaphore, #tpu.memory_space<semaphore_mem>>)
      %dma_start3A_235 = arith.constant 9 : i32
      %dma_start3A_236 = arith.constant 64 : i32
      %dma_start3A_237 = arith.constant 0 : i32
      %dma_start3A_238 = tpu.memref_slice %arg12[%dma_start3A_236, %dma_start3A_237] : memref<128x128xf32, #tpu.memory_space<vmem>> -> memref<64x128xf32, #tpu.memory_space<vmem>>
      %dma_start3A_239 = arith.constant 0 : i32
      %dma_start3A_240 = tpu.memref_slice %arg8[%dma_start3A_235, %dma_start3A_239] : memref<16x64xi32, #tpu.memory_space<vmem>> -> memref<1x64xi32, #tpu.memory_space<vmem>>
      %dma_start3A_241 = tpu.memref_squeeze %dma_start3A_240 : memref<1x64xi32, #tpu.memory_space<vmem>> -> memref<64xi32, #tpu.memory_space<vmem>>
      %dma_start3A_242 = arith.constant 0 : i32
      %dma_start3A_243 = arith.constant 0 : i32
      %dma_start3A_244 = tpu.memref_slice %arg2[%dma_start3A_242, %dma_start3A_243] : memref<10240x128xf32, #tpu.memory_space<hbm>> -> memref<10240x128xf32, #tpu.memory_space<hbm>>
      tpu.enqueue_indirect_dma source(%dma_start3A_244 : memref<10240x128xf32, #tpu.memory_space<hbm>>) target(%dma_start3A_238 : memref<64x128xf32, #tpu.memory_space<vmem>>) offsets(%dma_start3A_241 : memref<64xi32, #tpu.memory_space<vmem>>) semaphore(%arg14 : memref<!tpu.dma_semaphore, #tpu.memory_space<semaphore_mem>>)
      %dma_wait3A_245 = arith.constant 0 : i32
      %dma_wait3A_246 = arith.constant 0 : i32
      %dma_wait3A_247 = arith.constant 0 : i32
      %dma_wait3A_248 = tpu.memref_slice %arg13[%dma_wait3A_246, %dma_wait3A_247] : memref<128x128xf32, #tpu.memory_space<vmem>> -> memref<64x128xf32, #tpu.memory_space<vmem>>
      %dma_wait3A_249 = arith.constant 0 : i32
      %dma_wait3A_250 = tpu.memref_slice %arg8[%dma_wait3A_245, %dma_wait3A_249] : memref<16x64xi32, #tpu.memory_space<vmem>> -> memref<1x64xi32, #tpu.memory_space<vmem>>
      %dma_wait3A_251 = tpu.memref_squeeze %dma_wait3A_250 : memref<1x64xi32, #tpu.memory_space<vmem>> -> memref<64xi32, #tpu.memory_space<vmem>>
      %dma_wait3A_252 = arith.constant 0 : i32
      %dma_wait3A_253 = arith.constant 0 : i32
      %dma_wait3A_254 = tpu.memref_slice %arg2[%dma_wait3A_252, %dma_wait3A_253] : memref<10240x128xf32, #tpu.memory_space<hbm>> -> memref<10240x128xf32, #tpu.memory_space<hbm>>
      tpu.wait_indirect_dma semaphore(%arg15 : memref<!tpu.dma_semaphore, #tpu.memory_space<semaphore_mem>>) src(%dma_wait3A_254 : memref<10240x128xf32, #tpu.memory_space<hbm>>) dst(%dma_wait3A_248 : memref<64x128xf32, #tpu.memory_space<vmem>>)
      %dma_wait3A_255 = arith.constant 0 : i32
      %dma_wait3A_256 = arith.constant 64 : i32
      %dma_wait3A_257 = arith.constant 0 : i32
      %dma_wait3A_258 = tpu.memref_slice %arg13[%dma_wait3A_256, %dma_wait3A_257] : memref<128x128xf32, #tpu.memory_space<vmem>> -> memref<64x128xf32, #tpu.memory_space<vmem>>
      %dma_wait3A_259 = arith.constant 0 : i32
      %dma_wait3A_260 = tpu.memref_slice %arg8[%dma_wait3A_255, %dma_wait3A_259] : memref<16x64xi32, #tpu.memory_space<vmem>> -> memref<1x64xi32, #tpu.memory_space<vmem>>
      %dma_wait3A_261 = tpu.memref_squeeze %dma_wait3A_260 : memref<1x64xi32, #tpu.memory_space<vmem>> -> memref<64xi32, #tpu.memory_space<vmem>>
      %dma_wait3A_262 = arith.constant 0 : i32
      %dma_wait3A_263 = arith.constant 0 : i32
      %dma_wait3A_264 = tpu.memref_slice %arg2[%dma_wait3A_262, %dma_wait3A_263] : memref<10240x128xf32, #tpu.memory_space<hbm>> -> memref<10240x128xf32, #tpu.memory_space<hbm>>
      tpu.wait_indirect_dma semaphore(%arg15 : memref<!tpu.dma_semaphore, #tpu.memory_space<semaphore_mem>>) src(%dma_wait3A_264 : memref<10240x128xf32, #tpu.memory_space<hbm>>) dst(%dma_wait3A_258 : memref<64x128xf32, #tpu.memory_space<vmem>>)
      %run_scoped3A_265 = arith.constant 3 : i32
      "tpu.region"() ({
        %run_scoped3A_773 = tpu.sem_alloc : memref<!tpu.dma_semaphore, #tpu.memory_space<semaphore_mem>>
        %dma_start3A_774 = arith.constant 0 : i32
        %dma_start3A_775 = tpu.memref_slice %arg10[%run_scoped3A_265, %dma_start3A_774] : memref<8x128xi32, #tpu.memory_space<vmem>> -> memref<1x128xi32, #tpu.memory_space<vmem>>
        %dma_start3A_776 = tpu.memref_squeeze %dma_start3A_775 : memref<1x128xi32, #tpu.memory_space<vmem>> -> memref<128xi32, #tpu.memory_space<vmem>>
        %dma_start3A_777 = arith.constant 0 : i32
        %dma_start3A_778 = arith.constant 0 : i32
        %dma_start3A_779 = tpu.memref_slice %arg7[%dma_start3A_777, %dma_start3A_778] : memref<10240x128xf32, #tpu.memory_space<vmem_shared>> -> memref<10240x128xf32, #tpu.memory_space<vmem_shared>>
        tpu.enqueue_indirect_dma source(%arg13 : memref<128x128xf32, #tpu.memory_space<vmem>>) target(%dma_start3A_779 : memref<10240x128xf32, #tpu.memory_space<vmem_shared>>) offsets(%dma_start3A_776 : memref<128xi32, #tpu.memory_space<vmem>>) semaphore(%run_scoped3A_773 : memref<!tpu.dma_semaphore, #tpu.memory_space<semaphore_mem>>) {add = true}
        %dma_wait3A_780 = arith.constant 0 : i32
        %dma_wait3A_781 = tpu.memref_slice %arg10[%run_scoped3A_265, %dma_wait3A_780] : memref<8x128xi32, #tpu.memory_space<vmem>> -> memref<1x128xi32, #tpu.memory_space<vmem>>
        %dma_wait3A_782 = tpu.memref_squeeze %dma_wait3A_781 : memref<1x128xi32, #tpu.memory_space<vmem>> -> memref<128xi32, #tpu.memory_space<vmem>>
        %dma_wait3A_783 = arith.constant 0 : i32
        %dma_wait3A_784 = arith.constant 0 : i32
        %dma_wait3A_785 = tpu.memref_slice %arg7[%dma_wait3A_783, %dma_wait3A_784] : memref<10240x128xf32, #tpu.memory_space<vmem_shared>> -> memref<10240x128xf32, #tpu.memory_space<vmem_shared>>
        tpu.wait_indirect_dma semaphore(%run_scoped3A_773 : memref<!tpu.dma_semaphore, #tpu.memory_space<semaphore_mem>>) src(%arg13 : memref<128x128xf32, #tpu.memory_space<vmem>>) dst(%dma_wait3A_785 : memref<10240x128xf32, #tpu.memory_space<vmem_shared>>)
        tpu.yield
      }) : () -> ()
      %dma_start3A_266 = arith.constant 10 : i32
      %dma_start3A_267 = arith.constant 0 : i32
      %dma_start3A_268 = arith.constant 0 : i32
      %dma_start3A_269 = tpu.memref_slice %arg13[%dma_start3A_267, %dma_start3A_268] : memref<128x128xf32, #tpu.memory_space<vmem>> -> memref<64x128xf32, #tpu.memory_space<vmem>>
      %dma_start3A_270 = arith.constant 0 : i32
      %dma_start3A_271 = tpu.memref_slice %arg8[%dma_start3A_266, %dma_start3A_270] : memref<16x64xi32, #tpu.memory_space<vmem>> -> memref<1x64xi32, #tpu.memory_space<vmem>>
      %dma_start3A_272 = tpu.memref_squeeze %dma_start3A_271 : memref<1x64xi32, #tpu.memory_space<vmem>> -> memref<64xi32, #tpu.memory_space<vmem>>
      %dma_start3A_273 = arith.constant 0 : i32
      %dma_start3A_274 = arith.constant 0 : i32
      %dma_start3A_275 = tpu.memref_slice %arg2[%dma_start3A_273, %dma_start3A_274] : memref<10240x128xf32, #tpu.memory_space<hbm>> -> memref<10240x128xf32, #tpu.memory_space<hbm>>
      tpu.enqueue_indirect_dma source(%dma_start3A_275 : memref<10240x128xf32, #tpu.memory_space<hbm>>) target(%dma_start3A_269 : memref<64x128xf32, #tpu.memory_space<vmem>>) offsets(%dma_start3A_272 : memref<64xi32, #tpu.memory_space<vmem>>) semaphore(%arg15 : memref<!tpu.dma_semaphore, #tpu.memory_space<semaphore_mem>>)
      %dma_start3A_276 = arith.constant 11 : i32
      %dma_start3A_277 = arith.constant 64 : i32
      %dma_start3A_278 = arith.constant 0 : i32
      %dma_start3A_279 = tpu.memref_slice %arg13[%dma_start3A_277, %dma_start3A_278] : memref<128x128xf32, #tpu.memory_space<vmem>> -> memref<64x128xf32, #tpu.memory_space<vmem>>
      %dma_start3A_280 = arith.constant 0 : i32
      %dma_start3A_281 = tpu.memref_slice %arg8[%dma_start3A_276, %dma_start3A_280] : memref<16x64xi32, #tpu.memory_space<vmem>> -> memref<1x64xi32, #tpu.memory_space<vmem>>
      %dma_start3A_282 = tpu.memref_squeeze %dma_start3A_281 : memref<1x64xi32, #tpu.memory_space<vmem>> -> memref<64xi32, #tpu.memory_space<vmem>>
      %dma_start3A_283 = arith.constant 0 : i32
      %dma_start3A_284 = arith.constant 0 : i32
      %dma_start3A_285 = tpu.memref_slice %arg2[%dma_start3A_283, %dma_start3A_284] : memref<10240x128xf32, #tpu.memory_space<hbm>> -> memref<10240x128xf32, #tpu.memory_space<hbm>>
      tpu.enqueue_indirect_dma source(%dma_start3A_285 : memref<10240x128xf32, #tpu.memory_space<hbm>>) target(%dma_start3A_279 : memref<64x128xf32, #tpu.memory_space<vmem>>) offsets(%dma_start3A_282 : memref<64xi32, #tpu.memory_space<vmem>>) semaphore(%arg15 : memref<!tpu.dma_semaphore, #tpu.memory_space<semaphore_mem>>)
      %dma_wait3A_286 = arith.constant 0 : i32
      %dma_wait3A_287 = arith.constant 0 : i32
      %dma_wait3A_288 = arith.constant 0 : i32
      %dma_wait3A_289 = tpu.memref_slice %arg12[%dma_wait3A_287, %dma_wait3A_288] : memref<128x128xf32, #tpu.memory_space<vmem>> -> memref<64x128xf32, #tpu.memory_space<vmem>>
      %dma_wait3A_290 = arith.constant 0 : i32
      %dma_wait3A_291 = tpu.memref_slice %arg8[%dma_wait3A_286, %dma_wait3A_290] : memref<16x64xi32, #tpu.memory_space<vmem>> -> memref<1x64xi32, #tpu.memory_space<vmem>>
      %dma_wait3A_292 = tpu.memref_squeeze %dma_wait3A_291 : memref<1x64xi32, #tpu.memory_space<vmem>> -> memref<64xi32, #tpu.memory_space<vmem>>
      %dma_wait3A_293 = arith.constant 0 : i32
      %dma_wait3A_294 = arith.constant 0 : i32
      %dma_wait3A_295 = tpu.memref_slice %arg2[%dma_wait3A_293, %dma_wait3A_294] : memref<10240x128xf32, #tpu.memory_space<hbm>> -> memref<10240x128xf32, #tpu.memory_space<hbm>>
      tpu.wait_indirect_dma semaphore(%arg14 : memref<!tpu.dma_semaphore, #tpu.memory_space<semaphore_mem>>) src(%dma_wait3A_295 : memref<10240x128xf32, #tpu.memory_space<hbm>>) dst(%dma_wait3A_289 : memref<64x128xf32, #tpu.memory_space<vmem>>)
      %dma_wait3A_296 = arith.constant 0 : i32
      %dma_wait3A_297 = arith.constant 64 : i32
      %dma_wait3A_298 = arith.constant 0 : i32
      %dma_wait3A_299 = tpu.memref_slice %arg12[%dma_wait3A_297, %dma_wait3A_298] : memref<128x128xf32, #tpu.memory_space<vmem>> -> memref<64x128xf32, #tpu.memory_space<vmem>>
      %dma_wait3A_300 = arith.constant 0 : i32
      %dma_wait3A_301 = tpu.memref_slice %arg8[%dma_wait3A_296, %dma_wait3A_300] : memref<16x64xi32, #tpu.memory_space<vmem>> -> memref<1x64xi32, #tpu.memory_space<vmem>>
      %dma_wait3A_302 = tpu.memref_squeeze %dma_wait3A_301 : memref<1x64xi32, #tpu.memory_space<vmem>> -> memref<64xi32, #tpu.memory_space<vmem>>
      %dma_wait3A_303 = arith.constant 0 : i32
      %dma_wait3A_304 = arith.constant 0 : i32
      %dma_wait3A_305 = tpu.memref_slice %arg2[%dma_wait3A_303, %dma_wait3A_304] : memref<10240x128xf32, #tpu.memory_space<hbm>> -> memref<10240x128xf32, #tpu.memory_space<hbm>>
      tpu.wait_indirect_dma semaphore(%arg14 : memref<!tpu.dma_semaphore, #tpu.memory_space<semaphore_mem>>) src(%dma_wait3A_305 : memref<10240x128xf32, #tpu.memory_space<hbm>>) dst(%dma_wait3A_299 : memref<64x128xf32, #tpu.memory_space<vmem>>)
      %run_scoped3A_306 = arith.constant 4 : i32
      "tpu.region"() ({
        %run_scoped3A_773 = tpu.sem_alloc : memref<!tpu.dma_semaphore, #tpu.memory_space<semaphore_mem>>
        %dma_start3A_774 = arith.constant 0 : i32
        %dma_start3A_775 = tpu.memref_slice %arg10[%run_scoped3A_306, %dma_start3A_774] : memref<8x128xi32, #tpu.memory_space<vmem>> -> memref<1x128xi32, #tpu.memory_space<vmem>>
        %dma_start3A_776 = tpu.memref_squeeze %dma_start3A_775 : memref<1x128xi32, #tpu.memory_space<vmem>> -> memref<128xi32, #tpu.memory_space<vmem>>
        %dma_start3A_777 = arith.constant 0 : i32
        %dma_start3A_778 = arith.constant 0 : i32
        %dma_start3A_779 = tpu.memref_slice %arg7[%dma_start3A_777, %dma_start3A_778] : memref<10240x128xf32, #tpu.memory_space<vmem_shared>> -> memref<10240x128xf32, #tpu.memory_space<vmem_shared>>
        tpu.enqueue_indirect_dma source(%arg12 : memref<128x128xf32, #tpu.memory_space<vmem>>) target(%dma_start3A_779 : memref<10240x128xf32, #tpu.memory_space<vmem_shared>>) offsets(%dma_start3A_776 : memref<128xi32, #tpu.memory_space<vmem>>) semaphore(%run_scoped3A_773 : memref<!tpu.dma_semaphore, #tpu.memory_space<semaphore_mem>>) {add = true}
        %dma_wait3A_780 = arith.constant 0 : i32
        %dma_wait3A_781 = tpu.memref_slice %arg10[%run_scoped3A_306, %dma_wait3A_780] : memref<8x128xi32, #tpu.memory_space<vmem>> -> memref<1x128xi32, #tpu.memory_space<vmem>>
        %dma_wait3A_782 = tpu.memref_squeeze %dma_wait3A_781 : memref<1x128xi32, #tpu.memory_space<vmem>> -> memref<128xi32, #tpu.memory_space<vmem>>
        %dma_wait3A_783 = arith.constant 0 : i32
        %dma_wait3A_784 = arith.constant 0 : i32
        %dma_wait3A_785 = tpu.memref_slice %arg7[%dma_wait3A_783, %dma_wait3A_784] : memref<10240x128xf32, #tpu.memory_space<vmem_shared>> -> memref<10240x128xf32, #tpu.memory_space<vmem_shared>>
        tpu.wait_indirect_dma semaphore(%run_scoped3A_773 : memref<!tpu.dma_semaphore, #tpu.memory_space<semaphore_mem>>) src(%arg12 : memref<128x128xf32, #tpu.memory_space<vmem>>) dst(%dma_wait3A_785 : memref<10240x128xf32, #tpu.memory_space<vmem_shared>>)
        tpu.yield
      }) : () -> ()
      %dma_start3A_307 = arith.constant 12 : i32
      %dma_start3A_308 = arith.constant 0 : i32
      %dma_start3A_309 = arith.constant 0 : i32
      %dma_start3A_310 = tpu.memref_slice %arg12[%dma_start3A_308, %dma_start3A_309] : memref<128x128xf32, #tpu.memory_space<vmem>> -> memref<64x128xf32, #tpu.memory_space<vmem>>
      %dma_start3A_311 = arith.constant 0 : i32
      %dma_start3A_312 = tpu.memref_slice %arg8[%dma_start3A_307, %dma_start3A_311] : memref<16x64xi32, #tpu.memory_space<vmem>> -> memref<1x64xi32, #tpu.memory_space<vmem>>
      %dma_start3A_313 = tpu.memref_squeeze %dma_start3A_312 : memref<1x64xi32, #tpu.memory_space<vmem>> -> memref<64xi32, #tpu.memory_space<vmem>>
      %dma_start3A_314 = arith.constant 0 : i32
      %dma_start3A_315 = arith.constant 0 : i32
      %dma_start3A_316 = tpu.memref_slice %arg2[%dma_start3A_314, %dma_start3A_315] : memref<10240x128xf32, #tpu.memory_space<hbm>> -> memref<10240x128xf32, #tpu.memory_space<hbm>>
      tpu.enqueue_indirect_dma source(%dma_start3A_316 : memref<10240x128xf32, #tpu.memory_space<hbm>>) target(%dma_start3A_310 : memref<64x128xf32, #tpu.memory_space<vmem>>) offsets(%dma_start3A_313 : memref<64xi32, #tpu.memory_space<vmem>>) semaphore(%arg14 : memref<!tpu.dma_semaphore, #tpu.memory_space<semaphore_mem>>)
      %dma_start3A_317 = arith.constant 13 : i32
      %dma_start3A_318 = arith.constant 64 : i32
      %dma_start3A_319 = arith.constant 0 : i32
      %dma_start3A_320 = tpu.memref_slice %arg12[%dma_start3A_318, %dma_start3A_319] : memref<128x128xf32, #tpu.memory_space<vmem>> -> memref<64x128xf32, #tpu.memory_space<vmem>>
      %dma_start3A_321 = arith.constant 0 : i32
      %dma_start3A_322 = tpu.memref_slice %arg8[%dma_start3A_317, %dma_start3A_321] : memref<16x64xi32, #tpu.memory_space<vmem>> -> memref<1x64xi32, #tpu.memory_space<vmem>>
      %dma_start3A_323 = tpu.memref_squeeze %dma_start3A_322 : memref<1x64xi32, #tpu.memory_space<vmem>> -> memref<64xi32, #tpu.memory_space<vmem>>
      %dma_start3A_324 = arith.constant 0 : i32
      %dma_start3A_325 = arith.constant 0 : i32
      %dma_start3A_326 = tpu.memref_slice %arg2[%dma_start3A_324, %dma_start3A_325] : memref<10240x128xf32, #tpu.memory_space<hbm>> -> memref<10240x128xf32, #tpu.memory_space<hbm>>
      tpu.enqueue_indirect_dma source(%dma_start3A_326 : memref<10240x128xf32, #tpu.memory_space<hbm>>) target(%dma_start3A_320 : memref<64x128xf32, #tpu.memory_space<vmem>>) offsets(%dma_start3A_323 : memref<64xi32, #tpu.memory_space<vmem>>) semaphore(%arg14 : memref<!tpu.dma_semaphore, #tpu.memory_space<semaphore_mem>>)
      %dma_wait3A_327 = arith.constant 0 : i32
      %dma_wait3A_328 = arith.constant 0 : i32
      %dma_wait3A_329 = arith.constant 0 : i32
      %dma_wait3A_330 = tpu.memref_slice %arg13[%dma_wait3A_328, %dma_wait3A_329] : memref<128x128xf32, #tpu.memory_space<vmem>> -> memref<64x128xf32, #tpu.memory_space<vmem>>
      %dma_wait3A_331 = arith.constant 0 : i32
      %dma_wait3A_332 = tpu.memref_slice %arg8[%dma_wait3A_327, %dma_wait3A_331] : memref<16x64xi32, #tpu.memory_space<vmem>> -> memref<1x64xi32, #tpu.memory_space<vmem>>
      %dma_wait3A_333 = tpu.memref_squeeze %dma_wait3A_332 : memref<1x64xi32, #tpu.memory_space<vmem>> -> memref<64xi32, #tpu.memory_space<vmem>>
      %dma_wait3A_334 = arith.constant 0 : i32
      %dma_wait3A_335 = arith.constant 0 : i32
      %dma_wait3A_336 = tpu.memref_slice %arg2[%dma_wait3A_334, %dma_wait3A_335] : memref<10240x128xf32, #tpu.memory_space<hbm>> -> memref<10240x128xf32, #tpu.memory_space<hbm>>
      tpu.wait_indirect_dma semaphore(%arg15 : memref<!tpu.dma_semaphore, #tpu.memory_space<semaphore_mem>>) src(%dma_wait3A_336 : memref<10240x128xf32, #tpu.memory_space<hbm>>) dst(%dma_wait3A_330 : memref<64x128xf32, #tpu.memory_space<vmem>>)
      %dma_wait3A_337 = arith.constant 0 : i32
      %dma_wait3A_338 = arith.constant 64 : i32
      %dma_wait3A_339 = arith.constant 0 : i32
      %dma_wait3A_340 = tpu.memref_slice %arg13[%dma_wait3A_338, %dma_wait3A_339] : memref<128x128xf32, #tpu.memory_space<vmem>> -> memref<64x128xf32, #tpu.memory_space<vmem>>
      %dma_wait3A_341 = arith.constant 0 : i32
      %dma_wait3A_342 = tpu.memref_slice %arg8[%dma_wait3A_337, %dma_wait3A_341] : memref<16x64xi32, #tpu.memory_space<vmem>> -> memref<1x64xi32, #tpu.memory_space<vmem>>
      %dma_wait3A_343 = tpu.memref_squeeze %dma_wait3A_342 : memref<1x64xi32, #tpu.memory_space<vmem>> -> memref<64xi32, #tpu.memory_space<vmem>>
      %dma_wait3A_344 = arith.constant 0 : i32
      %dma_wait3A_345 = arith.constant 0 : i32
      %dma_wait3A_346 = tpu.memref_slice %arg2[%dma_wait3A_344, %dma_wait3A_345] : memref<10240x128xf32, #tpu.memory_space<hbm>> -> memref<10240x128xf32, #tpu.memory_space<hbm>>
      tpu.wait_indirect_dma semaphore(%arg15 : memref<!tpu.dma_semaphore, #tpu.memory_space<semaphore_mem>>) src(%dma_wait3A_346 : memref<10240x128xf32, #tpu.memory_space<hbm>>) dst(%dma_wait3A_340 : memref<64x128xf32, #tpu.memory_space<vmem>>)
      %run_scoped3A_347 = arith.constant 5 : i32
      "tpu.region"() ({
        %run_scoped3A_773 = tpu.sem_alloc : memref<!tpu.dma_semaphore, #tpu.memory_space<semaphore_mem>>
        %dma_start3A_774 = arith.constant 0 : i32
        %dma_start3A_775 = tpu.memref_slice %arg10[%run_scoped3A_347, %dma_start3A_774] : memref<8x128xi32, #tpu.memory_space<vmem>> -> memref<1x128xi32, #tpu.memory_space<vmem>>
        %dma_start3A_776 = tpu.memref_squeeze %dma_start3A_775 : memref<1x128xi32, #tpu.memory_space<vmem>> -> memref<128xi32, #tpu.memory_space<vmem>>
        %dma_start3A_777 = arith.constant 0 : i32
        %dma_start3A_778 = arith.constant 0 : i32
        %dma_start3A_779 = tpu.memref_slice %arg7[%dma_start3A_777, %dma_start3A_778] : memref<10240x128xf32, #tpu.memory_space<vmem_shared>> -> memref<10240x128xf32, #tpu.memory_space<vmem_shared>>
        tpu.enqueue_indirect_dma source(%arg13 : memref<128x128xf32, #tpu.memory_space<vmem>>) target(%dma_start3A_779 : memref<10240x128xf32, #tpu.memory_space<vmem_shared>>) offsets(%dma_start3A_776 : memref<128xi32, #tpu.memory_space<vmem>>) semaphore(%run_scoped3A_773 : memref<!tpu.dma_semaphore, #tpu.memory_space<semaphore_mem>>) {add = true}
        %dma_wait3A_780 = arith.constant 0 : i32
        %dma_wait3A_781 = tpu.memref_slice %arg10[%run_scoped3A_347, %dma_wait3A_780] : memref<8x128xi32, #tpu.memory_space<vmem>> -> memref<1x128xi32, #tpu.memory_space<vmem>>
        %dma_wait3A_782 = tpu.memref_squeeze %dma_wait3A_781 : memref<1x128xi32, #tpu.memory_space<vmem>> -> memref<128xi32, #tpu.memory_space<vmem>>
        %dma_wait3A_783 = arith.constant 0 : i32
        %dma_wait3A_784 = arith.constant 0 : i32
        %dma_wait3A_785 = tpu.memref_slice %arg7[%dma_wait3A_783, %dma_wait3A_784] : memref<10240x128xf32, #tpu.memory_space<vmem_shared>> -> memref<10240x128xf32, #tpu.memory_space<vmem_shared>>
        tpu.wait_indirect_dma semaphore(%run_scoped3A_773 : memref<!tpu.dma_semaphore, #tpu.memory_space<semaphore_mem>>) src(%arg13 : memref<128x128xf32, #tpu.memory_space<vmem>>) dst(%dma_wait3A_785 : memref<10240x128xf32, #tpu.memory_space<vmem_shared>>)
        tpu.yield
      }) : () -> ()
      %dma_start3A_348 = arith.constant 14 : i32
      %dma_start3A_349 = arith.constant 0 : i32
      %dma_start3A_350 = arith.constant 0 : i32
      %dma_start3A_351 = tpu.memref_slice %arg13[%dma_start3A_349, %dma_start3A_350] : memref<128x128xf32, #tpu.memory_space<vmem>> -> memref<64x128xf32, #tpu.memory_space<vmem>>
      %dma_start3A_352 = arith.constant 0 : i32
      %dma_start3A_353 = tpu.memref_slice %arg8[%dma_start3A_348, %dma_start3A_352] : memref<16x64xi32, #tpu.memory_space<vmem>> -> memref<1x64xi32, #tpu.memory_space<vmem>>
      %dma_start3A_354 = tpu.memref_squeeze %dma_start3A_353 : memref<1x64xi32, #tpu.memory_space<vmem>> -> memref<64xi32, #tpu.memory_space<vmem>>
      %dma_start3A_355 = arith.constant 0 : i32
      %dma_start3A_356 = arith.constant 0 : i32
      %dma_start3A_357 = tpu.memref_slice %arg2[%dma_start3A_355, %dma_start3A_356] : memref<10240x128xf32, #tpu.memory_space<hbm>> -> memref<10240x128xf32, #tpu.memory_space<hbm>>
      tpu.enqueue_indirect_dma source(%dma_start3A_357 : memref<10240x128xf32, #tpu.memory_space<hbm>>) target(%dma_start3A_351 : memref<64x128xf32, #tpu.memory_space<vmem>>) offsets(%dma_start3A_354 : memref<64xi32, #tpu.memory_space<vmem>>) semaphore(%arg15 : memref<!tpu.dma_semaphore, #tpu.memory_space<semaphore_mem>>)
      %dma_start3A_358 = arith.constant 15 : i32
      %dma_start3A_359 = arith.constant 64 : i32
      %dma_start3A_360 = arith.constant 0 : i32
      %dma_start3A_361 = tpu.memref_slice %arg13[%dma_start3A_359, %dma_start3A_360] : memref<128x128xf32, #tpu.memory_space<vmem>> -> memref<64x128xf32, #tpu.memory_space<vmem>>
      %dma_start3A_362 = arith.constant 0 : i32
      %dma_start3A_363 = tpu.memref_slice %arg8[%dma_start3A_358, %dma_start3A_362] : memref<16x64xi32, #tpu.memory_space<vmem>> -> memref<1x64xi32, #tpu.memory_space<vmem>>
      %dma_start3A_364 = tpu.memref_squeeze %dma_start3A_363 : memref<1x64xi32, #tpu.memory_space<vmem>> -> memref<64xi32, #tpu.memory_space<vmem>>
      %dma_start3A_365 = arith.constant 0 : i32
      %dma_start3A_366 = arith.constant 0 : i32
      %dma_start3A_367 = tpu.memref_slice %arg2[%dma_start3A_365, %dma_start3A_366] : memref<10240x128xf32, #tpu.memory_space<hbm>> -> memref<10240x128xf32, #tpu.memory_space<hbm>>
      tpu.enqueue_indirect_dma source(%dma_start3A_367 : memref<10240x128xf32, #tpu.memory_space<hbm>>) target(%dma_start3A_361 : memref<64x128xf32, #tpu.memory_space<vmem>>) offsets(%dma_start3A_364 : memref<64xi32, #tpu.memory_space<vmem>>) semaphore(%arg15 : memref<!tpu.dma_semaphore, #tpu.memory_space<semaphore_mem>>)
      %dma_wait3A_368 = arith.constant 0 : i32
      %dma_wait3A_369 = arith.constant 0 : i32
      %dma_wait3A_370 = arith.constant 0 : i32
      %dma_wait3A_371 = tpu.memref_slice %arg12[%dma_wait3A_369, %dma_wait3A_370] : memref<128x128xf32, #tpu.memory_space<vmem>> -> memref<64x128xf32, #tpu.memory_space<vmem>>
      %dma_wait3A_372 = arith.constant 0 : i32
      %dma_wait3A_373 = tpu.memref_slice %arg8[%dma_wait3A_368, %dma_wait3A_372] : memref<16x64xi32, #tpu.memory_space<vmem>> -> memref<1x64xi32, #tpu.memory_space<vmem>>
      %dma_wait3A_374 = tpu.memref_squeeze %dma_wait3A_373 : memref<1x64xi32, #tpu.memory_space<vmem>> -> memref<64xi32, #tpu.memory_space<vmem>>
      %dma_wait3A_375 = arith.constant 0 : i32
      %dma_wait3A_376 = arith.constant 0 : i32
      %dma_wait3A_377 = tpu.memref_slice %arg2[%dma_wait3A_375, %dma_wait3A_376] : memref<10240x128xf32, #tpu.memory_space<hbm>> -> memref<10240x128xf32, #tpu.memory_space<hbm>>
      tpu.wait_indirect_dma semaphore(%arg14 : memref<!tpu.dma_semaphore, #tpu.memory_space<semaphore_mem>>) src(%dma_wait3A_377 : memref<10240x128xf32, #tpu.memory_space<hbm>>) dst(%dma_wait3A_371 : memref<64x128xf32, #tpu.memory_space<vmem>>)
      %dma_wait3A_378 = arith.constant 0 : i32
      %dma_wait3A_379 = arith.constant 64 : i32
      %dma_wait3A_380 = arith.constant 0 : i32
      %dma_wait3A_381 = tpu.memref_slice %arg12[%dma_wait3A_379, %dma_wait3A_380] : memref<128x128xf32, #tpu.memory_space<vmem>> -> memref<64x128xf32, #tpu.memory_space<vmem>>
      %dma_wait3A_382 = arith.constant 0 : i32
      %dma_wait3A_383 = tpu.memref_slice %arg8[%dma_wait3A_378, %dma_wait3A_382] : memref<16x64xi32, #tpu.memory_space<vmem>> -> memref<1x64xi32, #tpu.memory_space<vmem>>
      %dma_wait3A_384 = tpu.memref_squeeze %dma_wait3A_383 : memref<1x64xi32, #tpu.memory_space<vmem>> -> memref<64xi32, #tpu.memory_space<vmem>>
      %dma_wait3A_385 = arith.constant 0 : i32
      %dma_wait3A_386 = arith.constant 0 : i32
      %dma_wait3A_387 = tpu.memref_slice %arg2[%dma_wait3A_385, %dma_wait3A_386] : memref<10240x128xf32, #tpu.memory_space<hbm>> -> memref<10240x128xf32, #tpu.memory_space<hbm>>
      tpu.wait_indirect_dma semaphore(%arg14 : memref<!tpu.dma_semaphore, #tpu.memory_space<semaphore_mem>>) src(%dma_wait3A_387 : memref<10240x128xf32, #tpu.memory_space<hbm>>) dst(%dma_wait3A_381 : memref<64x128xf32, #tpu.memory_space<vmem>>)
      %run_scoped3A_388 = arith.constant 6 : i32
      "tpu.region"() ({
        %run_scoped3A_773 = tpu.sem_alloc : memref<!tpu.dma_semaphore, #tpu.memory_space<semaphore_mem>>
        %dma_start3A_774 = arith.constant 0 : i32
        %dma_start3A_775 = tpu.memref_slice %arg10[%run_scoped3A_388, %dma_start3A_774] : memref<8x128xi32, #tpu.memory_space<vmem>> -> memref<1x128xi32, #tpu.memory_space<vmem>>
        %dma_start3A_776 = tpu.memref_squeeze %dma_start3A_775 : memref<1x128xi32, #tpu.memory_space<vmem>> -> memref<128xi32, #tpu.memory_space<vmem>>
        %dma_start3A_777 = arith.constant 0 : i32
        %dma_start3A_778 = arith.constant 0 : i32
        %dma_start3A_779 = tpu.memref_slice %arg7[%dma_start3A_777, %dma_start3A_778] : memref<10240x128xf32, #tpu.memory_space<vmem_shared>> -> memref<10240x128xf32, #tpu.memory_space<vmem_shared>>
        tpu.enqueue_indirect_dma source(%arg12 : memref<128x128xf32, #tpu.memory_space<vmem>>) target(%dma_start3A_779 : memref<10240x128xf32, #tpu.memory_space<vmem_shared>>) offsets(%dma_start3A_776 : memref<128xi32, #tpu.memory_space<vmem>>) semaphore(%run_scoped3A_773 : memref<!tpu.dma_semaphore, #tpu.memory_space<semaphore_mem>>) {add = true}
        %dma_wait3A_780 = arith.constant 0 : i32
        %dma_wait3A_781 = tpu.memref_slice %arg10[%run_scoped3A_388, %dma_wait3A_780] : memref<8x128xi32, #tpu.memory_space<vmem>> -> memref<1x128xi32, #tpu.memory_space<vmem>>
        %dma_wait3A_782 = tpu.memref_squeeze %dma_wait3A_781 : memref<1x128xi32, #tpu.memory_space<vmem>> -> memref<128xi32, #tpu.memory_space<vmem>>
        %dma_wait3A_783 = arith.constant 0 : i32
        %dma_wait3A_784 = arith.constant 0 : i32
        %dma_wait3A_785 = tpu.memref_slice %arg7[%dma_wait3A_783, %dma_wait3A_784] : memref<10240x128xf32, #tpu.memory_space<vmem_shared>> -> memref<10240x128xf32, #tpu.memory_space<vmem_shared>>
        tpu.wait_indirect_dma semaphore(%run_scoped3A_773 : memref<!tpu.dma_semaphore, #tpu.memory_space<semaphore_mem>>) src(%arg12 : memref<128x128xf32, #tpu.memory_space<vmem>>) dst(%dma_wait3A_785 : memref<10240x128xf32, #tpu.memory_space<vmem_shared>>)
        tpu.yield
      }) : () -> ()
      %mul3A_389 = arith.constant 80 : i32
      %mul3A_390 = arith.muli %arg0, %mul3A_389 : i32
      %add3A_391 = arith.constant 0 : i32
      %add3A_392 = arith.addi %mul3A_390, %add3A_391 : i32
      %mul3A_393 = arith.constant 2 : i32
      %mul3A_394 = arith.muli %mul3A_393, %add3A_392 : i32
      %dma_wait3A_395 = arith.constant 0 : i32
      %dma_wait3A_396 = tpu.memref_slice %arg3[%arg1, %mul3A_394, %dma_wait3A_395] : memref<16x320x64xi32, #tpu.memory_space<hbm>> -> memref<1x16x64xi32, #tpu.memory_space<hbm>>
      %dma_wait3A_397 = tpu.memref_squeeze %dma_wait3A_396 : memref<1x16x64xi32, #tpu.memory_space<hbm>> -> memref<16x64xi32, #tpu.memory_space<hbm>>
      %dma_wait3A_398 = arith.constant 0 : i32
      %dma_wait3A_399 = tpu.memref_slice %arg3[%arg1, %mul3A_394, %dma_wait3A_398] : memref<16x320x64xi32, #tpu.memory_space<hbm>> -> memref<1x16x64xi32, #tpu.memory_space<hbm>>
      %dma_wait3A_400 = tpu.memref_squeeze %dma_wait3A_399 : memref<1x16x64xi32, #tpu.memory_space<hbm>> -> memref<16x64xi32, #tpu.memory_space<hbm>>
      tpu.wait_dma2 semaphore(%arg17 : memref<!tpu.dma_semaphore, #tpu.memory_space<semaphore_mem>>) src(%dma_wait3A_400 : memref<16x64xi32, #tpu.memory_space<hbm>>) dst(%arg9 : memref<16x64xi32, #tpu.memory_space<vmem>>)
      %mul3A_401 = arith.constant 80 : i32
      %mul3A_402 = arith.muli %arg0, %mul3A_401 : i32
      %add3A_403 = arith.constant 0 : i32
      %add3A_404 = arith.addi %mul3A_402, %add3A_403 : i32
      %dma_wait3A_405 = arith.constant 0 : i32
      %dma_wait3A_406 = tpu.memref_slice %arg4[%arg1, %add3A_404, %dma_wait3A_405] : memref<16x160x128xi32, #tpu.memory_space<hbm>> -> memref<1x8x128xi32, #tpu.memory_space<hbm>>
      %dma_wait3A_407 = tpu.memref_squeeze %dma_wait3A_406 : memref<1x8x128xi32, #tpu.memory_space<hbm>> -> memref<8x128xi32, #tpu.memory_space<hbm>>
      %dma_wait3A_408 = arith.constant 0 : i32
      %dma_wait3A_409 = tpu.memref_slice %arg4[%arg1, %add3A_404, %dma_wait3A_408] : memref<16x160x128xi32, #tpu.memory_space<hbm>> -> memref<1x8x128xi32, #tpu.memory_space<hbm>>
      %dma_wait3A_410 = tpu.memref_squeeze %dma_wait3A_409 : memref<1x8x128xi32, #tpu.memory_space<hbm>> -> memref<8x128xi32, #tpu.memory_space<hbm>>
      tpu.wait_dma2 semaphore(%arg17 : memref<!tpu.dma_semaphore, #tpu.memory_space<semaphore_mem>>) src(%dma_wait3A_410 : memref<8x128xi32, #tpu.memory_space<hbm>>) dst(%arg11 : memref<8x128xi32, #tpu.memory_space<vmem>>)
      %dma_start3A_411 = arith.constant 0 : i32
      %dma_start3A_412 = arith.constant 0 : i32
      %dma_start3A_413 = arith.constant 0 : i32
      %dma_start3A_414 = tpu.memref_slice %arg12[%dma_start3A_412, %dma_start3A_413] : memref<128x128xf32, #tpu.memory_space<vmem>> -> memref<64x128xf32, #tpu.memory_space<vmem>>
      %dma_start3A_415 = arith.constant 0 : i32
      %dma_start3A_416 = tpu.memref_slice %arg9[%dma_start3A_411, %dma_start3A_415] : memref<16x64xi32, #tpu.memory_space<vmem>> -> memref<1x64xi32, #tpu.memory_space<vmem>>
      %dma_start3A_417 = tpu.memref_squeeze %dma_start3A_416 : memref<1x64xi32, #tpu.memory_space<vmem>> -> memref<64xi32, #tpu.memory_space<vmem>>
      %dma_start3A_418 = arith.constant 0 : i32
      %dma_start3A_419 = arith.constant 0 : i32
      %dma_start3A_420 = tpu.memref_slice %arg2[%dma_start3A_418, %dma_start3A_419] : memref<10240x128xf32, #tpu.memory_space<hbm>> -> memref<10240x128xf32, #tpu.memory_space<hbm>>
      tpu.enqueue_indirect_dma source(%dma_start3A_420 : memref<10240x128xf32, #tpu.memory_space<hbm>>) target(%dma_start3A_414 : memref<64x128xf32, #tpu.memory_space<vmem>>) offsets(%dma_start3A_417 : memref<64xi32, #tpu.memory_space<vmem>>) semaphore(%arg14 : memref<!tpu.dma_semaphore, #tpu.memory_space<semaphore_mem>>)
      %dma_start3A_421 = arith.constant 1 : i32
      %dma_start3A_422 = arith.constant 64 : i32
      %dma_start3A_423 = arith.constant 0 : i32
      %dma_start3A_424 = tpu.memref_slice %arg12[%dma_start3A_422, %dma_start3A_423] : memref<128x128xf32, #tpu.memory_space<vmem>> -> memref<64x128xf32, #tpu.memory_space<vmem>>
      %dma_start3A_425 = arith.constant 0 : i32
      %dma_start3A_426 = tpu.memref_slice %arg9[%dma_start3A_421, %dma_start3A_425] : memref<16x64xi32, #tpu.memory_space<vmem>> -> memref<1x64xi32, #tpu.memory_space<vmem>>
      %dma_start3A_427 = tpu.memref_squeeze %dma_start3A_426 : memref<1x64xi32, #tpu.memory_space<vmem>> -> memref<64xi32, #tpu.memory_space<vmem>>
      %dma_start3A_428 = arith.constant 0 : i32
      %dma_start3A_429 = arith.constant 0 : i32
      %dma_start3A_430 = tpu.memref_slice %arg2[%dma_start3A_428, %dma_start3A_429] : memref<10240x128xf32, #tpu.memory_space<hbm>> -> memref<10240x128xf32, #tpu.memory_space<hbm>>
      tpu.enqueue_indirect_dma source(%dma_start3A_430 : memref<10240x128xf32, #tpu.memory_space<hbm>>) target(%dma_start3A_424 : memref<64x128xf32, #tpu.memory_space<vmem>>) offsets(%dma_start3A_427 : memref<64xi32, #tpu.memory_space<vmem>>) semaphore(%arg14 : memref<!tpu.dma_semaphore, #tpu.memory_space<semaphore_mem>>)
      %dma_wait3A_431 = arith.constant 0 : i32
      %dma_wait3A_432 = arith.constant 0 : i32
      %dma_wait3A_433 = arith.constant 0 : i32
      %dma_wait3A_434 = tpu.memref_slice %arg13[%dma_wait3A_432, %dma_wait3A_433] : memref<128x128xf32, #tpu.memory_space<vmem>> -> memref<64x128xf32, #tpu.memory_space<vmem>>
      %dma_wait3A_435 = arith.constant 0 : i32
      %dma_wait3A_436 = tpu.memref_slice %arg8[%dma_wait3A_431, %dma_wait3A_435] : memref<16x64xi32, #tpu.memory_space<vmem>> -> memref<1x64xi32, #tpu.memory_space<vmem>>
      %dma_wait3A_437 = tpu.memref_squeeze %dma_wait3A_436 : memref<1x64xi32, #tpu.memory_space<vmem>> -> memref<64xi32, #tpu.memory_space<vmem>>
      %dma_wait3A_438 = arith.constant 0 : i32
      %dma_wait3A_439 = arith.constant 0 : i32
      %dma_wait3A_440 = tpu.memref_slice %arg2[%dma_wait3A_438, %dma_wait3A_439] : memref<10240x128xf32, #tpu.memory_space<hbm>> -> memref<10240x128xf32, #tpu.memory_space<hbm>>
      tpu.wait_indirect_dma semaphore(%arg15 : memref<!tpu.dma_semaphore, #tpu.memory_space<semaphore_mem>>) src(%dma_wait3A_440 : memref<10240x128xf32, #tpu.memory_space<hbm>>) dst(%dma_wait3A_434 : memref<64x128xf32, #tpu.memory_space<vmem>>)
      %dma_wait3A_441 = arith.constant 0 : i32
      %dma_wait3A_442 = arith.constant 64 : i32
      %dma_wait3A_443 = arith.constant 0 : i32
      %dma_wait3A_444 = tpu.memref_slice %arg13[%dma_wait3A_442, %dma_wait3A_443] : memref<128x128xf32, #tpu.memory_space<vmem>> -> memref<64x128xf32, #tpu.memory_space<vmem>>
      %dma_wait3A_445 = arith.constant 0 : i32
      %dma_wait3A_446 = tpu.memref_slice %arg8[%dma_wait3A_441, %dma_wait3A_445] : memref<16x64xi32, #tpu.memory_space<vmem>> -> memref<1x64xi32, #tpu.memory_space<vmem>>
      %dma_wait3A_447 = tpu.memref_squeeze %dma_wait3A_446 : memref<1x64xi32, #tpu.memory_space<vmem>> -> memref<64xi32, #tpu.memory_space<vmem>>
      %dma_wait3A_448 = arith.constant 0 : i32
      %dma_wait3A_449 = arith.constant 0 : i32
      %dma_wait3A_450 = tpu.memref_slice %arg2[%dma_wait3A_448, %dma_wait3A_449] : memref<10240x128xf32, #tpu.memory_space<hbm>> -> memref<10240x128xf32, #tpu.memory_space<hbm>>
      tpu.wait_indirect_dma semaphore(%arg15 : memref<!tpu.dma_semaphore, #tpu.memory_space<semaphore_mem>>) src(%dma_wait3A_450 : memref<10240x128xf32, #tpu.memory_space<hbm>>) dst(%dma_wait3A_444 : memref<64x128xf32, #tpu.memory_space<vmem>>)
      %run_scoped3A_451 = arith.constant 7 : i32
      "tpu.region"() ({
        %run_scoped3A_773 = tpu.sem_alloc : memref<!tpu.dma_semaphore, #tpu.memory_space<semaphore_mem>>
        %dma_start3A_774 = arith.constant 0 : i32
        %dma_start3A_775 = tpu.memref_slice %arg10[%run_scoped3A_451, %dma_start3A_774] : memref<8x128xi32, #tpu.memory_space<vmem>> -> memref<1x128xi32, #tpu.memory_space<vmem>>
        %dma_start3A_776 = tpu.memref_squeeze %dma_start3A_775 : memref<1x128xi32, #tpu.memory_space<vmem>> -> memref<128xi32, #tpu.memory_space<vmem>>
        %dma_start3A_777 = arith.constant 0 : i32
        %dma_start3A_778 = arith.constant 0 : i32
        %dma_start3A_779 = tpu.memref_slice %arg7[%dma_start3A_777, %dma_start3A_778] : memref<10240x128xf32, #tpu.memory_space<vmem_shared>> -> memref<10240x128xf32, #tpu.memory_space<vmem_shared>>
        tpu.enqueue_indirect_dma source(%arg13 : memref<128x128xf32, #tpu.memory_space<vmem>>) target(%dma_start3A_779 : memref<10240x128xf32, #tpu.memory_space<vmem_shared>>) offsets(%dma_start3A_776 : memref<128xi32, #tpu.memory_space<vmem>>) semaphore(%run_scoped3A_773 : memref<!tpu.dma_semaphore, #tpu.memory_space<semaphore_mem>>) {add = true}
        %dma_wait3A_780 = arith.constant 0 : i32
        %dma_wait3A_781 = tpu.memref_slice %arg10[%run_scoped3A_451, %dma_wait3A_780] : memref<8x128xi32, #tpu.memory_space<vmem>> -> memref<1x128xi32, #tpu.memory_space<vmem>>
        %dma_wait3A_782 = tpu.memref_squeeze %dma_wait3A_781 : memref<1x128xi32, #tpu.memory_space<vmem>> -> memref<128xi32, #tpu.memory_space<vmem>>
        %dma_wait3A_783 = arith.constant 0 : i32
        %dma_wait3A_784 = arith.constant 0 : i32
        %dma_wait3A_785 = tpu.memref_slice %arg7[%dma_wait3A_783, %dma_wait3A_784] : memref<10240x128xf32, #tpu.memory_space<vmem_shared>> -> memref<10240x128xf32, #tpu.memory_space<vmem_shared>>
        tpu.wait_indirect_dma semaphore(%run_scoped3A_773 : memref<!tpu.dma_semaphore, #tpu.memory_space<semaphore_mem>>) src(%arg13 : memref<128x128xf32, #tpu.memory_space<vmem>>) dst(%dma_wait3A_785 : memref<10240x128xf32, #tpu.memory_space<vmem_shared>>)
        tpu.yield
      }) : () -> ()
      %add3A_452 = arith.constant 1 : i32
      %add3A_453 = arith.addi %scan3A_74, %add3A_452 : i32
      %lt3A = arith.constant 5 : i32
      %lt3A_454 = arith.cmpi slt, %add3A_453, %lt3A : i32
      %convert_element_type3A = arith.extui %lt3A_454 : i1 to i32
      %cond3A = arith.constant 0 : i32
      %cond3A_455 = arith.cmpi ne, %convert_element_type3A, %cond3A : i32
      scf.if %cond3A_455 {
        %add3A_773 = arith.constant 2 : i32
        %add3A_774 = arith.addi %mul3A_76, %add3A_773 : i32
        %mul3A_775 = arith.constant 80 : i32
        %mul3A_776 = arith.muli %arg0, %mul3A_775 : i32
        %mul3A_777 = arith.constant 8 : i32
        %mul3A_778 = arith.muli %add3A_774, %mul3A_777 : i32
        %add3A_779 = arith.addi %mul3A_776, %mul3A_778 : i32
        %mul3A_780 = arith.constant 2 : i32
        %mul3A_781 = arith.muli %mul3A_780, %add3A_779 : i32
        %dma_start3A_782 = arith.constant 0 : i32
        %dma_start3A_783 = tpu.memref_slice %arg3[%arg1, %mul3A_781, %dma_start3A_782] : memref<16x320x64xi32, #tpu.memory_space<hbm>> -> memref<1x16x64xi32, #tpu.memory_space<hbm>>
        %dma_start3A_784 = tpu.memref_squeeze %dma_start3A_783 : memref<1x16x64xi32, #tpu.memory_space<hbm>> -> memref<16x64xi32, #tpu.memory_space<hbm>>
        %dma_start3A_785 = arith.constant 0 : i32
        %dma_start3A_786 = tpu.memref_slice %arg3[%arg1, %mul3A_781, %dma_start3A_785] : memref<16x320x64xi32, #tpu.memory_space<hbm>> -> memref<1x16x64xi32, #tpu.memory_space<hbm>>
        %dma_start3A_787 = tpu.memref_squeeze %dma_start3A_786 : memref<1x16x64xi32, #tpu.memory_space<hbm>> -> memref<16x64xi32, #tpu.memory_space<hbm>>
        tpu.enqueue_dma source(%dma_start3A_787 : memref<16x64xi32, #tpu.memory_space<hbm>>) target(%arg8 : memref<16x64xi32, #tpu.memory_space<vmem>>) target_semaphore(%arg16 : memref<!tpu.dma_semaphore, #tpu.memory_space<semaphore_mem>>)
        %mul3A_788 = arith.constant 80 : i32
        %mul3A_789 = arith.muli %arg0, %mul3A_788 : i32
        %mul3A_790 = arith.constant 8 : i32
        %mul3A_791 = arith.muli %add3A_774, %mul3A_790 : i32
        %add3A_792 = arith.addi %mul3A_789, %mul3A_791 : i32
        %dma_start3A_793 = arith.constant 0 : i32
        %dma_start3A_794 = tpu.memref_slice %arg4[%arg1, %add3A_792, %dma_start3A_793] : memref<16x160x128xi32, #tpu.memory_space<hbm>> -> memref<1x8x128xi32, #tpu.memory_space<hbm>>
        %dma_start3A_795 = tpu.memref_squeeze %dma_start3A_794 : memref<1x8x128xi32, #tpu.memory_space<hbm>> -> memref<8x128xi32, #tpu.memory_space<hbm>>
        %dma_start3A_796 = arith.constant 0 : i32
        %dma_start3A_797 = tpu.memref_slice %arg4[%arg1, %add3A_792, %dma_start3A_796] : memref<16x160x128xi32, #tpu.memory_space<hbm>> -> memref<1x8x128xi32, #tpu.memory_space<hbm>>
        %dma_start3A_798 = tpu.memref_squeeze %dma_start3A_797 : memref<1x8x128xi32, #tpu.memory_space<hbm>> -> memref<8x128xi32, #tpu.memory_space<hbm>>
        tpu.enqueue_dma source(%dma_start3A_798 : memref<8x128xi32, #tpu.memory_space<hbm>>) target(%arg10 : memref<8x128xi32, #tpu.memory_space<vmem>>) target_semaphore(%arg16 : memref<!tpu.dma_semaphore, #tpu.memory_space<semaphore_mem>>)
      } else {
      }
      %add3A_456 = arith.constant 1 : i32
      %add3A_457 = arith.addi %mul3A_76, %add3A_456 : i32
      %add3A_458 = arith.constant 1 : i32
      %add3A_459 = arith.addi %scan3A_74, %add3A_458 : i32
      %lt3A_460 = arith.constant 5 : i32
      %lt3A_461 = arith.cmpi slt, %add3A_459, %lt3A_460 : i32
      %dma_start3A_462 = arith.constant 2 : i32
      %dma_start3A_463 = arith.constant 0 : i32
      %dma_start3A_464 = arith.constant 0 : i32
      %dma_start3A_465 = tpu.memref_slice %arg13[%dma_start3A_463, %dma_start3A_464] : memref<128x128xf32, #tpu.memory_space<vmem>> -> memref<64x128xf32, #tpu.memory_space<vmem>>
      %dma_start3A_466 = arith.constant 0 : i32
      %dma_start3A_467 = tpu.memref_slice %arg9[%dma_start3A_462, %dma_start3A_466] : memref<16x64xi32, #tpu.memory_space<vmem>> -> memref<1x64xi32, #tpu.memory_space<vmem>>
      %dma_start3A_468 = tpu.memref_squeeze %dma_start3A_467 : memref<1x64xi32, #tpu.memory_space<vmem>> -> memref<64xi32, #tpu.memory_space<vmem>>
      %dma_start3A_469 = arith.constant 0 : i32
      %dma_start3A_470 = arith.constant 0 : i32
      %dma_start3A_471 = tpu.memref_slice %arg2[%dma_start3A_469, %dma_start3A_470] : memref<10240x128xf32, #tpu.memory_space<hbm>> -> memref<10240x128xf32, #tpu.memory_space<hbm>>
      tpu.enqueue_indirect_dma source(%dma_start3A_471 : memref<10240x128xf32, #tpu.memory_space<hbm>>) target(%dma_start3A_465 : memref<64x128xf32, #tpu.memory_space<vmem>>) offsets(%dma_start3A_468 : memref<64xi32, #tpu.memory_space<vmem>>) semaphore(%arg15 : memref<!tpu.dma_semaphore, #tpu.memory_space<semaphore_mem>>)
      %dma_start3A_472 = arith.constant 3 : i32
      %dma_start3A_473 = arith.constant 64 : i32
      %dma_start3A_474 = arith.constant 0 : i32
      %dma_start3A_475 = tpu.memref_slice %arg13[%dma_start3A_473, %dma_start3A_474] : memref<128x128xf32, #tpu.memory_space<vmem>> -> memref<64x128xf32, #tpu.memory_space<vmem>>
      %dma_start3A_476 = arith.constant 0 : i32
      %dma_start3A_477 = tpu.memref_slice %arg9[%dma_start3A_472, %dma_start3A_476] : memref<16x64xi32, #tpu.memory_space<vmem>> -> memref<1x64xi32, #tpu.memory_space<vmem>>
      %dma_start3A_478 = tpu.memref_squeeze %dma_start3A_477 : memref<1x64xi32, #tpu.memory_space<vmem>> -> memref<64xi32, #tpu.memory_space<vmem>>
      %dma_start3A_479 = arith.constant 0 : i32
      %dma_start3A_480 = arith.constant 0 : i32
      %dma_start3A_481 = tpu.memref_slice %arg2[%dma_start3A_479, %dma_start3A_480] : memref<10240x128xf32, #tpu.memory_space<hbm>> -> memref<10240x128xf32, #tpu.memory_space<hbm>>
      tpu.enqueue_indirect_dma source(%dma_start3A_481 : memref<10240x128xf32, #tpu.memory_space<hbm>>) target(%dma_start3A_475 : memref<64x128xf32, #tpu.memory_space<vmem>>) offsets(%dma_start3A_478 : memref<64xi32, #tpu.memory_space<vmem>>) semaphore(%arg15 : memref<!tpu.dma_semaphore, #tpu.memory_space<semaphore_mem>>)
      %dma_wait3A_482 = arith.constant 0 : i32
      %dma_wait3A_483 = arith.constant 0 : i32
      %dma_wait3A_484 = arith.constant 0 : i32
      %dma_wait3A_485 = tpu.memref_slice %arg12[%dma_wait3A_483, %dma_wait3A_484] : memref<128x128xf32, #tpu.memory_space<vmem>> -> memref<64x128xf32, #tpu.memory_space<vmem>>
      %dma_wait3A_486 = arith.constant 0 : i32
      %dma_wait3A_487 = tpu.memref_slice %arg8[%dma_wait3A_482, %dma_wait3A_486] : memref<16x64xi32, #tpu.memory_space<vmem>> -> memref<1x64xi32, #tpu.memory_space<vmem>>
      %dma_wait3A_488 = tpu.memref_squeeze %dma_wait3A_487 : memref<1x64xi32, #tpu.memory_space<vmem>> -> memref<64xi32, #tpu.memory_space<vmem>>
      %dma_wait3A_489 = arith.constant 0 : i32
      %dma_wait3A_490 = arith.constant 0 : i32
      %dma_wait3A_491 = tpu.memref_slice %arg2[%dma_wait3A_489, %dma_wait3A_490] : memref<10240x128xf32, #tpu.memory_space<hbm>> -> memref<10240x128xf32, #tpu.memory_space<hbm>>
      tpu.wait_indirect_dma semaphore(%arg14 : memref<!tpu.dma_semaphore, #tpu.memory_space<semaphore_mem>>) src(%dma_wait3A_491 : memref<10240x128xf32, #tpu.memory_space<hbm>>) dst(%dma_wait3A_485 : memref<64x128xf32, #tpu.memory_space<vmem>>)
      %dma_wait3A_492 = arith.constant 0 : i32
      %dma_wait3A_493 = arith.constant 64 : i32
      %dma_wait3A_494 = arith.constant 0 : i32
      %dma_wait3A_495 = tpu.memref_slice %arg12[%dma_wait3A_493, %dma_wait3A_494] : memref<128x128xf32, #tpu.memory_space<vmem>> -> memref<64x128xf32, #tpu.memory_space<vmem>>
      %dma_wait3A_496 = arith.constant 0 : i32
      %dma_wait3A_497 = tpu.memref_slice %arg8[%dma_wait3A_492, %dma_wait3A_496] : memref<16x64xi32, #tpu.memory_space<vmem>> -> memref<1x64xi32, #tpu.memory_space<vmem>>
      %dma_wait3A_498 = tpu.memref_squeeze %dma_wait3A_497 : memref<1x64xi32, #tpu.memory_space<vmem>> -> memref<64xi32, #tpu.memory_space<vmem>>
      %dma_wait3A_499 = arith.constant 0 : i32
      %dma_wait3A_500 = arith.constant 0 : i32
      %dma_wait3A_501 = tpu.memref_slice %arg2[%dma_wait3A_499, %dma_wait3A_500] : memref<10240x128xf32, #tpu.memory_space<hbm>> -> memref<10240x128xf32, #tpu.memory_space<hbm>>
      tpu.wait_indirect_dma semaphore(%arg14 : memref<!tpu.dma_semaphore, #tpu.memory_space<semaphore_mem>>) src(%dma_wait3A_501 : memref<10240x128xf32, #tpu.memory_space<hbm>>) dst(%dma_wait3A_495 : memref<64x128xf32, #tpu.memory_space<vmem>>)
      %run_scoped3A_502 = arith.constant 0 : i32
      "tpu.region"() ({
        %run_scoped3A_773 = tpu.sem_alloc : memref<!tpu.dma_semaphore, #tpu.memory_space<semaphore_mem>>
        %dma_start3A_774 = arith.constant 0 : i32
        %dma_start3A_775 = tpu.memref_slice %arg11[%run_scoped3A_502, %dma_start3A_774] : memref<8x128xi32, #tpu.memory_space<vmem>> -> memref<1x128xi32, #tpu.memory_space<vmem>>
        %dma_start3A_776 = tpu.memref_squeeze %dma_start3A_775 : memref<1x128xi32, #tpu.memory_space<vmem>> -> memref<128xi32, #tpu.memory_space<vmem>>
        %dma_start3A_777 = arith.constant 0 : i32
        %dma_start3A_778 = arith.constant 0 : i32
        %dma_start3A_779 = tpu.memref_slice %arg7[%dma_start3A_777, %dma_start3A_778] : memref<10240x128xf32, #tpu.memory_space<vmem_shared>> -> memref<10240x128xf32, #tpu.memory_space<vmem_shared>>
        tpu.enqueue_indirect_dma source(%arg12 : memref<128x128xf32, #tpu.memory_space<vmem>>) target(%dma_start3A_779 : memref<10240x128xf32, #tpu.memory_space<vmem_shared>>) offsets(%dma_start3A_776 : memref<128xi32, #tpu.memory_space<vmem>>) semaphore(%run_scoped3A_773 : memref<!tpu.dma_semaphore, #tpu.memory_space<semaphore_mem>>) {add = true}
        %dma_wait3A_780 = arith.constant 0 : i32
        %dma_wait3A_781 = tpu.memref_slice %arg11[%run_scoped3A_502, %dma_wait3A_780] : memref<8x128xi32, #tpu.memory_space<vmem>> -> memref<1x128xi32, #tpu.memory_space<vmem>>
        %dma_wait3A_782 = tpu.memref_squeeze %dma_wait3A_781 : memref<1x128xi32, #tpu.memory_space<vmem>> -> memref<128xi32, #tpu.memory_space<vmem>>
        %dma_wait3A_783 = arith.constant 0 : i32
        %dma_wait3A_784 = arith.constant 0 : i32
        %dma_wait3A_785 = tpu.memref_slice %arg7[%dma_wait3A_783, %dma_wait3A_784] : memref<10240x128xf32, #tpu.memory_space<vmem_shared>> -> memref<10240x128xf32, #tpu.memory_space<vmem_shared>>
        tpu.wait_indirect_dma semaphore(%run_scoped3A_773 : memref<!tpu.dma_semaphore, #tpu.memory_space<semaphore_mem>>) src(%arg12 : memref<128x128xf32, #tpu.memory_space<vmem>>) dst(%dma_wait3A_785 : memref<10240x128xf32, #tpu.memory_space<vmem_shared>>)
        tpu.yield
      }) : () -> ()
      %dma_start3A_503 = arith.constant 4 : i32
      %dma_start3A_504 = arith.constant 0 : i32
      %dma_start3A_505 = arith.constant 0 : i32
      %dma_start3A_506 = tpu.memref_slice %arg12[%dma_start3A_504, %dma_start3A_505] : memref<128x128xf32, #tpu.memory_space<vmem>> -> memref<64x128xf32, #tpu.memory_space<vmem>>
      %dma_start3A_507 = arith.constant 0 : i32
      %dma_start3A_508 = tpu.memref_slice %arg9[%dma_start3A_503, %dma_start3A_507] : memref<16x64xi32, #tpu.memory_space<vmem>> -> memref<1x64xi32, #tpu.memory_space<vmem>>
      %dma_start3A_509 = tpu.memref_squeeze %dma_start3A_508 : memref<1x64xi32, #tpu.memory_space<vmem>> -> memref<64xi32, #tpu.memory_space<vmem>>
      %dma_start3A_510 = arith.constant 0 : i32
      %dma_start3A_511 = arith.constant 0 : i32
      %dma_start3A_512 = tpu.memref_slice %arg2[%dma_start3A_510, %dma_start3A_511] : memref<10240x128xf32, #tpu.memory_space<hbm>> -> memref<10240x128xf32, #tpu.memory_space<hbm>>
      tpu.enqueue_indirect_dma source(%dma_start3A_512 : memref<10240x128xf32, #tpu.memory_space<hbm>>) target(%dma_start3A_506 : memref<64x128xf32, #tpu.memory_space<vmem>>) offsets(%dma_start3A_509 : memref<64xi32, #tpu.memory_space<vmem>>) semaphore(%arg14 : memref<!tpu.dma_semaphore, #tpu.memory_space<semaphore_mem>>)
      %dma_start3A_513 = arith.constant 5 : i32
      %dma_start3A_514 = arith.constant 64 : i32
      %dma_start3A_515 = arith.constant 0 : i32
      %dma_start3A_516 = tpu.memref_slice %arg12[%dma_start3A_514, %dma_start3A_515] : memref<128x128xf32, #tpu.memory_space<vmem>> -> memref<64x128xf32, #tpu.memory_space<vmem>>
      %dma_start3A_517 = arith.constant 0 : i32
      %dma_start3A_518 = tpu.memref_slice %arg9[%dma_start3A_513, %dma_start3A_517] : memref<16x64xi32, #tpu.memory_space<vmem>> -> memref<1x64xi32, #tpu.memory_space<vmem>>
      %dma_start3A_519 = tpu.memref_squeeze %dma_start3A_518 : memref<1x64xi32, #tpu.memory_space<vmem>> -> memref<64xi32, #tpu.memory_space<vmem>>
      %dma_start3A_520 = arith.constant 0 : i32
      %dma_start3A_521 = arith.constant 0 : i32
      %dma_start3A_522 = tpu.memref_slice %arg2[%dma_start3A_520, %dma_start3A_521] : memref<10240x128xf32, #tpu.memory_space<hbm>> -> memref<10240x128xf32, #tpu.memory_space<hbm>>
      tpu.enqueue_indirect_dma source(%dma_start3A_522 : memref<10240x128xf32, #tpu.memory_space<hbm>>) target(%dma_start3A_516 : memref<64x128xf32, #tpu.memory_space<vmem>>) offsets(%dma_start3A_519 : memref<64xi32, #tpu.memory_space<vmem>>) semaphore(%arg14 : memref<!tpu.dma_semaphore, #tpu.memory_space<semaphore_mem>>)
      %dma_wait3A_523 = arith.constant 0 : i32
      %dma_wait3A_524 = arith.constant 0 : i32
      %dma_wait3A_525 = arith.constant 0 : i32
      %dma_wait3A_526 = tpu.memref_slice %arg13[%dma_wait3A_524, %dma_wait3A_525] : memref<128x128xf32, #tpu.memory_space<vmem>> -> memref<64x128xf32, #tpu.memory_space<vmem>>
      %dma_wait3A_527 = arith.constant 0 : i32
      %dma_wait3A_528 = tpu.memref_slice %arg8[%dma_wait3A_523, %dma_wait3A_527] : memref<16x64xi32, #tpu.memory_space<vmem>> -> memref<1x64xi32, #tpu.memory_space<vmem>>
      %dma_wait3A_529 = tpu.memref_squeeze %dma_wait3A_528 : memref<1x64xi32, #tpu.memory_space<vmem>> -> memref<64xi32, #tpu.memory_space<vmem>>
      %dma_wait3A_530 = arith.constant 0 : i32
      %dma_wait3A_531 = arith.constant 0 : i32
      %dma_wait3A_532 = tpu.memref_slice %arg2[%dma_wait3A_530, %dma_wait3A_531] : memref<10240x128xf32, #tpu.memory_space<hbm>> -> memref<10240x128xf32, #tpu.memory_space<hbm>>
      tpu.wait_indirect_dma semaphore(%arg15 : memref<!tpu.dma_semaphore, #tpu.memory_space<semaphore_mem>>) src(%dma_wait3A_532 : memref<10240x128xf32, #tpu.memory_space<hbm>>) dst(%dma_wait3A_526 : memref<64x128xf32, #tpu.memory_space<vmem>>)
      %dma_wait3A_533 = arith.constant 0 : i32
      %dma_wait3A_534 = arith.constant 64 : i32
      %dma_wait3A_535 = arith.constant 0 : i32
      %dma_wait3A_536 = tpu.memref_slice %arg13[%dma_wait3A_534, %dma_wait3A_535] : memref<128x128xf32, #tpu.memory_space<vmem>> -> memref<64x128xf32, #tpu.memory_space<vmem>>
      %dma_wait3A_537 = arith.constant 0 : i32
      %dma_wait3A_538 = tpu.memref_slice %arg8[%dma_wait3A_533, %dma_wait3A_537] : memref<16x64xi32, #tpu.memory_space<vmem>> -> memref<1x64xi32, #tpu.memory_space<vmem>>
      %dma_wait3A_539 = tpu.memref_squeeze %dma_wait3A_538 : memref<1x64xi32, #tpu.memory_space<vmem>> -> memref<64xi32, #tpu.memory_space<vmem>>
      %dma_wait3A_540 = arith.constant 0 : i32
      %dma_wait3A_541 = arith.constant 0 : i32
      %dma_wait3A_542 = tpu.memref_slice %arg2[%dma_wait3A_540, %dma_wait3A_541] : memref<10240x128xf32, #tpu.memory_space<hbm>> -> memref<10240x128xf32, #tpu.memory_space<hbm>>
      tpu.wait_indirect_dma semaphore(%arg15 : memref<!tpu.dma_semaphore, #tpu.memory_space<semaphore_mem>>) src(%dma_wait3A_542 : memref<10240x128xf32, #tpu.memory_space<hbm>>) dst(%dma_wait3A_536 : memref<64x128xf32, #tpu.memory_space<vmem>>)
      %run_scoped3A_543 = arith.constant 1 : i32
      "tpu.region"() ({
        %run_scoped3A_773 = tpu.sem_alloc : memref<!tpu.dma_semaphore, #tpu.memory_space<semaphore_mem>>
        %dma_start3A_774 = arith.constant 0 : i32
        %dma_start3A_775 = tpu.memref_slice %arg11[%run_scoped3A_543, %dma_start3A_774] : memref<8x128xi32, #tpu.memory_space<vmem>> -> memref<1x128xi32, #tpu.memory_space<vmem>>
        %dma_start3A_776 = tpu.memref_squeeze %dma_start3A_775 : memref<1x128xi32, #tpu.memory_space<vmem>> -> memref<128xi32, #tpu.memory_space<vmem>>
        %dma_start3A_777 = arith.constant 0 : i32
        %dma_start3A_778 = arith.constant 0 : i32
        %dma_start3A_779 = tpu.memref_slice %arg7[%dma_start3A_777, %dma_start3A_778] : memref<10240x128xf32, #tpu.memory_space<vmem_shared>> -> memref<10240x128xf32, #tpu.memory_space<vmem_shared>>
        tpu.enqueue_indirect_dma source(%arg13 : memref<128x128xf32, #tpu.memory_space<vmem>>) target(%dma_start3A_779 : memref<10240x128xf32, #tpu.memory_space<vmem_shared>>) offsets(%dma_start3A_776 : memref<128xi32, #tpu.memory_space<vmem>>) semaphore(%run_scoped3A_773 : memref<!tpu.dma_semaphore, #tpu.memory_space<semaphore_mem>>) {add = true}
        %dma_wait3A_780 = arith.constant 0 : i32
        %dma_wait3A_781 = tpu.memref_slice %arg11[%run_scoped3A_543, %dma_wait3A_780] : memref<8x128xi32, #tpu.memory_space<vmem>> -> memref<1x128xi32, #tpu.memory_space<vmem>>
        %dma_wait3A_782 = tpu.memref_squeeze %dma_wait3A_781 : memref<1x128xi32, #tpu.memory_space<vmem>> -> memref<128xi32, #tpu.memory_space<vmem>>
        %dma_wait3A_783 = arith.constant 0 : i32
        %dma_wait3A_784 = arith.constant 0 : i32
        %dma_wait3A_785 = tpu.memref_slice %arg7[%dma_wait3A_783, %dma_wait3A_784] : memref<10240x128xf32, #tpu.memory_space<vmem_shared>> -> memref<10240x128xf32, #tpu.memory_space<vmem_shared>>
        tpu.wait_indirect_dma semaphore(%run_scoped3A_773 : memref<!tpu.dma_semaphore, #tpu.memory_space<semaphore_mem>>) src(%arg13 : memref<128x128xf32, #tpu.memory_space<vmem>>) dst(%dma_wait3A_785 : memref<10240x128xf32, #tpu.memory_space<vmem_shared>>)
        tpu.yield
      }) : () -> ()
      %dma_start3A_544 = arith.constant 6 : i32
      %dma_start3A_545 = arith.constant 0 : i32
      %dma_start3A_546 = arith.constant 0 : i32
      %dma_start3A_547 = tpu.memref_slice %arg13[%dma_start3A_545, %dma_start3A_546] : memref<128x128xf32, #tpu.memory_space<vmem>> -> memref<64x128xf32, #tpu.memory_space<vmem>>
      %dma_start3A_548 = arith.constant 0 : i32
      %dma_start3A_549 = tpu.memref_slice %arg9[%dma_start3A_544, %dma_start3A_548] : memref<16x64xi32, #tpu.memory_space<vmem>> -> memref<1x64xi32, #tpu.memory_space<vmem>>
      %dma_start3A_550 = tpu.memref_squeeze %dma_start3A_549 : memref<1x64xi32, #tpu.memory_space<vmem>> -> memref<64xi32, #tpu.memory_space<vmem>>
      %dma_start3A_551 = arith.constant 0 : i32
      %dma_start3A_552 = arith.constant 0 : i32
      %dma_start3A_553 = tpu.memref_slice %arg2[%dma_start3A_551, %dma_start3A_552] : memref<10240x128xf32, #tpu.memory_space<hbm>> -> memref<10240x128xf32, #tpu.memory_space<hbm>>
      tpu.enqueue_indirect_dma source(%dma_start3A_553 : memref<10240x128xf32, #tpu.memory_space<hbm>>) target(%dma_start3A_547 : memref<64x128xf32, #tpu.memory_space<vmem>>) offsets(%dma_start3A_550 : memref<64xi32, #tpu.memory_space<vmem>>) semaphore(%arg15 : memref<!tpu.dma_semaphore, #tpu.memory_space<semaphore_mem>>)
      %dma_start3A_554 = arith.constant 7 : i32
      %dma_start3A_555 = arith.constant 64 : i32
      %dma_start3A_556 = arith.constant 0 : i32
      %dma_start3A_557 = tpu.memref_slice %arg13[%dma_start3A_555, %dma_start3A_556] : memref<128x128xf32, #tpu.memory_space<vmem>> -> memref<64x128xf32, #tpu.memory_space<vmem>>
      %dma_start3A_558 = arith.constant 0 : i32
      %dma_start3A_559 = tpu.memref_slice %arg9[%dma_start3A_554, %dma_start3A_558] : memref<16x64xi32, #tpu.memory_space<vmem>> -> memref<1x64xi32, #tpu.memory_space<vmem>>
      %dma_start3A_560 = tpu.memref_squeeze %dma_start3A_559 : memref<1x64xi32, #tpu.memory_space<vmem>> -> memref<64xi32, #tpu.memory_space<vmem>>
      %dma_start3A_561 = arith.constant 0 : i32
      %dma_start3A_562 = arith.constant 0 : i32
      %dma_start3A_563 = tpu.memref_slice %arg2[%dma_start3A_561, %dma_start3A_562] : memref<10240x128xf32, #tpu.memory_space<hbm>> -> memref<10240x128xf32, #tpu.memory_space<hbm>>
      tpu.enqueue_indirect_dma source(%dma_start3A_563 : memref<10240x128xf32, #tpu.memory_space<hbm>>) target(%dma_start3A_557 : memref<64x128xf32, #tpu.memory_space<vmem>>) offsets(%dma_start3A_560 : memref<64xi32, #tpu.memory_space<vmem>>) semaphore(%arg15 : memref<!tpu.dma_semaphore, #tpu.memory_space<semaphore_mem>>)
      %dma_wait3A_564 = arith.constant 0 : i32
      %dma_wait3A_565 = arith.constant 0 : i32
      %dma_wait3A_566 = arith.constant 0 : i32
      %dma_wait3A_567 = tpu.memref_slice %arg12[%dma_wait3A_565, %dma_wait3A_566] : memref<128x128xf32, #tpu.memory_space<vmem>> -> memref<64x128xf32, #tpu.memory_space<vmem>>
      %dma_wait3A_568 = arith.constant 0 : i32
      %dma_wait3A_569 = tpu.memref_slice %arg8[%dma_wait3A_564, %dma_wait3A_568] : memref<16x64xi32, #tpu.memory_space<vmem>> -> memref<1x64xi32, #tpu.memory_space<vmem>>
      %dma_wait3A_570 = tpu.memref_squeeze %dma_wait3A_569 : memref<1x64xi32, #tpu.memory_space<vmem>> -> memref<64xi32, #tpu.memory_space<vmem>>
      %dma_wait3A_571 = arith.constant 0 : i32
      %dma_wait3A_572 = arith.constant 0 : i32
      %dma_wait3A_573 = tpu.memref_slice %arg2[%dma_wait3A_571, %dma_wait3A_572] : memref<10240x128xf32, #tpu.memory_space<hbm>> -> memref<10240x128xf32, #tpu.memory_space<hbm>>
      tpu.wait_indirect_dma semaphore(%arg14 : memref<!tpu.dma_semaphore, #tpu.memory_space<semaphore_mem>>) src(%dma_wait3A_573 : memref<10240x128xf32, #tpu.memory_space<hbm>>) dst(%dma_wait3A_567 : memref<64x128xf32, #tpu.memory_space<vmem>>)
      %dma_wait3A_574 = arith.constant 0 : i32
      %dma_wait3A_575 = arith.constant 64 : i32
      %dma_wait3A_576 = arith.constant 0 : i32
      %dma_wait3A_577 = tpu.memref_slice %arg12[%dma_wait3A_575, %dma_wait3A_576] : memref<128x128xf32, #tpu.memory_space<vmem>> -> memref<64x128xf32, #tpu.memory_space<vmem>>
      %dma_wait3A_578 = arith.constant 0 : i32
      %dma_wait3A_579 = tpu.memref_slice %arg8[%dma_wait3A_574, %dma_wait3A_578] : memref<16x64xi32, #tpu.memory_space<vmem>> -> memref<1x64xi32, #tpu.memory_space<vmem>>
      %dma_wait3A_580 = tpu.memref_squeeze %dma_wait3A_579 : memref<1x64xi32, #tpu.memory_space<vmem>> -> memref<64xi32, #tpu.memory_space<vmem>>
      %dma_wait3A_581 = arith.constant 0 : i32
      %dma_wait3A_582 = arith.constant 0 : i32
      %dma_wait3A_583 = tpu.memref_slice %arg2[%dma_wait3A_581, %dma_wait3A_582] : memref<10240x128xf32, #tpu.memory_space<hbm>> -> memref<10240x128xf32, #tpu.memory_space<hbm>>
      tpu.wait_indirect_dma semaphore(%arg14 : memref<!tpu.dma_semaphore, #tpu.memory_space<semaphore_mem>>) src(%dma_wait3A_583 : memref<10240x128xf32, #tpu.memory_space<hbm>>) dst(%dma_wait3A_577 : memref<64x128xf32, #tpu.memory_space<vmem>>)
      %run_scoped3A_584 = arith.constant 2 : i32
      "tpu.region"() ({
        %run_scoped3A_773 = tpu.sem_alloc : memref<!tpu.dma_semaphore, #tpu.memory_space<semaphore_mem>>
        %dma_start3A_774 = arith.constant 0 : i32
        %dma_start3A_775 = tpu.memref_slice %arg11[%run_scoped3A_584, %dma_start3A_774] : memref<8x128xi32, #tpu.memory_space<vmem>> -> memref<1x128xi32, #tpu.memory_space<vmem>>
        %dma_start3A_776 = tpu.memref_squeeze %dma_start3A_775 : memref<1x128xi32, #tpu.memory_space<vmem>> -> memref<128xi32, #tpu.memory_space<vmem>>
        %dma_start3A_777 = arith.constant 0 : i32
        %dma_start3A_778 = arith.constant 0 : i32
        %dma_start3A_779 = tpu.memref_slice %arg7[%dma_start3A_777, %dma_start3A_778] : memref<10240x128xf32, #tpu.memory_space<vmem_shared>> -> memref<10240x128xf32, #tpu.memory_space<vmem_shared>>
        tpu.enqueue_indirect_dma source(%arg12 : memref<128x128xf32, #tpu.memory_space<vmem>>) target(%dma_start3A_779 : memref<10240x128xf32, #tpu.memory_space<vmem_shared>>) offsets(%dma_start3A_776 : memref<128xi32, #tpu.memory_space<vmem>>) semaphore(%run_scoped3A_773 : memref<!tpu.dma_semaphore, #tpu.memory_space<semaphore_mem>>) {add = true}
        %dma_wait3A_780 = arith.constant 0 : i32
        %dma_wait3A_781 = tpu.memref_slice %arg11[%run_scoped3A_584, %dma_wait3A_780] : memref<8x128xi32, #tpu.memory_space<vmem>> -> memref<1x128xi32, #tpu.memory_space<vmem>>
        %dma_wait3A_782 = tpu.memref_squeeze %dma_wait3A_781 : memref<1x128xi32, #tpu.memory_space<vmem>> -> memref<128xi32, #tpu.memory_space<vmem>>
        %dma_wait3A_783 = arith.constant 0 : i32
        %dma_wait3A_784 = arith.constant 0 : i32
        %dma_wait3A_785 = tpu.memref_slice %arg7[%dma_wait3A_783, %dma_wait3A_784] : memref<10240x128xf32, #tpu.memory_space<vmem_shared>> -> memref<10240x128xf32, #tpu.memory_space<vmem_shared>>
        tpu.wait_indirect_dma semaphore(%run_scoped3A_773 : memref<!tpu.dma_semaphore, #tpu.memory_space<semaphore_mem>>) src(%arg12 : memref<128x128xf32, #tpu.memory_space<vmem>>) dst(%dma_wait3A_785 : memref<10240x128xf32, #tpu.memory_space<vmem_shared>>)
        tpu.yield
      }) : () -> ()
      %dma_start3A_585 = arith.constant 8 : i32
      %dma_start3A_586 = arith.constant 0 : i32
      %dma_start3A_587 = arith.constant 0 : i32
      %dma_start3A_588 = tpu.memref_slice %arg12[%dma_start3A_586, %dma_start3A_587] : memref<128x128xf32, #tpu.memory_space<vmem>> -> memref<64x128xf32, #tpu.memory_space<vmem>>
      %dma_start3A_589 = arith.constant 0 : i32
      %dma_start3A_590 = tpu.memref_slice %arg9[%dma_start3A_585, %dma_start3A_589] : memref<16x64xi32, #tpu.memory_space<vmem>> -> memref<1x64xi32, #tpu.memory_space<vmem>>
      %dma_start3A_591 = tpu.memref_squeeze %dma_start3A_590 : memref<1x64xi32, #tpu.memory_space<vmem>> -> memref<64xi32, #tpu.memory_space<vmem>>
      %dma_start3A_592 = arith.constant 0 : i32
      %dma_start3A_593 = arith.constant 0 : i32
      %dma_start3A_594 = tpu.memref_slice %arg2[%dma_start3A_592, %dma_start3A_593] : memref<10240x128xf32, #tpu.memory_space<hbm>> -> memref<10240x128xf32, #tpu.memory_space<hbm>>
      tpu.enqueue_indirect_dma source(%dma_start3A_594 : memref<10240x128xf32, #tpu.memory_space<hbm>>) target(%dma_start3A_588 : memref<64x128xf32, #tpu.memory_space<vmem>>) offsets(%dma_start3A_591 : memref<64xi32, #tpu.memory_space<vmem>>) semaphore(%arg14 : memref<!tpu.dma_semaphore, #tpu.memory_space<semaphore_mem>>)
      %dma_start3A_595 = arith.constant 9 : i32
      %dma_start3A_596 = arith.constant 64 : i32
      %dma_start3A_597 = arith.constant 0 : i32
      %dma_start3A_598 = tpu.memref_slice %arg12[%dma_start3A_596, %dma_start3A_597] : memref<128x128xf32, #tpu.memory_space<vmem>> -> memref<64x128xf32, #tpu.memory_space<vmem>>
      %dma_start3A_599 = arith.constant 0 : i32
      %dma_start3A_600 = tpu.memref_slice %arg9[%dma_start3A_595, %dma_start3A_599] : memref<16x64xi32, #tpu.memory_space<vmem>> -> memref<1x64xi32, #tpu.memory_space<vmem>>
      %dma_start3A_601 = tpu.memref_squeeze %dma_start3A_600 : memref<1x64xi32, #tpu.memory_space<vmem>> -> memref<64xi32, #tpu.memory_space<vmem>>
      %dma_start3A_602 = arith.constant 0 : i32
      %dma_start3A_603 = arith.constant 0 : i32
      %dma_start3A_604 = tpu.memref_slice %arg2[%dma_start3A_602, %dma_start3A_603] : memref<10240x128xf32, #tpu.memory_space<hbm>> -> memref<10240x128xf32, #tpu.memory_space<hbm>>
      tpu.enqueue_indirect_dma source(%dma_start3A_604 : memref<10240x128xf32, #tpu.memory_space<hbm>>) target(%dma_start3A_598 : memref<64x128xf32, #tpu.memory_space<vmem>>) offsets(%dma_start3A_601 : memref<64xi32, #tpu.memory_space<vmem>>) semaphore(%arg14 : memref<!tpu.dma_semaphore, #tpu.memory_space<semaphore_mem>>)
      %dma_wait3A_605 = arith.constant 0 : i32
      %dma_wait3A_606 = arith.constant 0 : i32
      %dma_wait3A_607 = arith.constant 0 : i32
      %dma_wait3A_608 = tpu.memref_slice %arg13[%dma_wait3A_606, %dma_wait3A_607] : memref<128x128xf32, #tpu.memory_space<vmem>> -> memref<64x128xf32, #tpu.memory_space<vmem>>
      %dma_wait3A_609 = arith.constant 0 : i32
      %dma_wait3A_610 = tpu.memref_slice %arg8[%dma_wait3A_605, %dma_wait3A_609] : memref<16x64xi32, #tpu.memory_space<vmem>> -> memref<1x64xi32, #tpu.memory_space<vmem>>
      %dma_wait3A_611 = tpu.memref_squeeze %dma_wait3A_610 : memref<1x64xi32, #tpu.memory_space<vmem>> -> memref<64xi32, #tpu.memory_space<vmem>>
      %dma_wait3A_612 = arith.constant 0 : i32
      %dma_wait3A_613 = arith.constant 0 : i32
      %dma_wait3A_614 = tpu.memref_slice %arg2[%dma_wait3A_612, %dma_wait3A_613] : memref<10240x128xf32, #tpu.memory_space<hbm>> -> memref<10240x128xf32, #tpu.memory_space<hbm>>
      tpu.wait_indirect_dma semaphore(%arg15 : memref<!tpu.dma_semaphore, #tpu.memory_space<semaphore_mem>>) src(%dma_wait3A_614 : memref<10240x128xf32, #tpu.memory_space<hbm>>) dst(%dma_wait3A_608 : memref<64x128xf32, #tpu.memory_space<vmem>>)
      %dma_wait3A_615 = arith.constant 0 : i32
      %dma_wait3A_616 = arith.constant 64 : i32
      %dma_wait3A_617 = arith.constant 0 : i32
      %dma_wait3A_618 = tpu.memref_slice %arg13[%dma_wait3A_616, %dma_wait3A_617] : memref<128x128xf32, #tpu.memory_space<vmem>> -> memref<64x128xf32, #tpu.memory_space<vmem>>
      %dma_wait3A_619 = arith.constant 0 : i32
      %dma_wait3A_620 = tpu.memref_slice %arg8[%dma_wait3A_615, %dma_wait3A_619] : memref<16x64xi32, #tpu.memory_space<vmem>> -> memref<1x64xi32, #tpu.memory_space<vmem>>
      %dma_wait3A_621 = tpu.memref_squeeze %dma_wait3A_620 : memref<1x64xi32, #tpu.memory_space<vmem>> -> memref<64xi32, #tpu.memory_space<vmem>>
      %dma_wait3A_622 = arith.constant 0 : i32
      %dma_wait3A_623 = arith.constant 0 : i32
      %dma_wait3A_624 = tpu.memref_slice %arg2[%dma_wait3A_622, %dma_wait3A_623] : memref<10240x128xf32, #tpu.memory_space<hbm>> -> memref<10240x128xf32, #tpu.memory_space<hbm>>
      tpu.wait_indirect_dma semaphore(%arg15 : memref<!tpu.dma_semaphore, #tpu.memory_space<semaphore_mem>>) src(%dma_wait3A_624 : memref<10240x128xf32, #tpu.memory_space<hbm>>) dst(%dma_wait3A_618 : memref<64x128xf32, #tpu.memory_space<vmem>>)
      %run_scoped3A_625 = arith.constant 3 : i32
      "tpu.region"() ({
        %run_scoped3A_773 = tpu.sem_alloc : memref<!tpu.dma_semaphore, #tpu.memory_space<semaphore_mem>>
        %dma_start3A_774 = arith.constant 0 : i32
        %dma_start3A_775 = tpu.memref_slice %arg11[%run_scoped3A_625, %dma_start3A_774] : memref<8x128xi32, #tpu.memory_space<vmem>> -> memref<1x128xi32, #tpu.memory_space<vmem>>
        %dma_start3A_776 = tpu.memref_squeeze %dma_start3A_775 : memref<1x128xi32, #tpu.memory_space<vmem>> -> memref<128xi32, #tpu.memory_space<vmem>>
        %dma_start3A_777 = arith.constant 0 : i32
        %dma_start3A_778 = arith.constant 0 : i32
        %dma_start3A_779 = tpu.memref_slice %arg7[%dma_start3A_777, %dma_start3A_778] : memref<10240x128xf32, #tpu.memory_space<vmem_shared>> -> memref<10240x128xf32, #tpu.memory_space<vmem_shared>>
        tpu.enqueue_indirect_dma source(%arg13 : memref<128x128xf32, #tpu.memory_space<vmem>>) target(%dma_start3A_779 : memref<10240x128xf32, #tpu.memory_space<vmem_shared>>) offsets(%dma_start3A_776 : memref<128xi32, #tpu.memory_space<vmem>>) semaphore(%run_scoped3A_773 : memref<!tpu.dma_semaphore, #tpu.memory_space<semaphore_mem>>) {add = true}
        %dma_wait3A_780 = arith.constant 0 : i32
        %dma_wait3A_781 = tpu.memref_slice %arg11[%run_scoped3A_625, %dma_wait3A_780] : memref<8x128xi32, #tpu.memory_space<vmem>> -> memref<1x128xi32, #tpu.memory_space<vmem>>
        %dma_wait3A_782 = tpu.memref_squeeze %dma_wait3A_781 : memref<1x128xi32, #tpu.memory_space<vmem>> -> memref<128xi32, #tpu.memory_space<vmem>>
        %dma_wait3A_783 = arith.constant 0 : i32
        %dma_wait3A_784 = arith.constant 0 : i32
        %dma_wait3A_785 = tpu.memref_slice %arg7[%dma_wait3A_783, %dma_wait3A_784] : memref<10240x128xf32, #tpu.memory_space<vmem_shared>> -> memref<10240x128xf32, #tpu.memory_space<vmem_shared>>
        tpu.wait_indirect_dma semaphore(%run_scoped3A_773 : memref<!tpu.dma_semaphore, #tpu.memory_space<semaphore_mem>>) src(%arg13 : memref<128x128xf32, #tpu.memory_space<vmem>>) dst(%dma_wait3A_785 : memref<10240x128xf32, #tpu.memory_space<vmem_shared>>)
        tpu.yield
      }) : () -> ()
      %dma_start3A_626 = arith.constant 10 : i32
      %dma_start3A_627 = arith.constant 0 : i32
      %dma_start3A_628 = arith.constant 0 : i32
      %dma_start3A_629 = tpu.memref_slice %arg13[%dma_start3A_627, %dma_start3A_628] : memref<128x128xf32, #tpu.memory_space<vmem>> -> memref<64x128xf32, #tpu.memory_space<vmem>>
      %dma_start3A_630 = arith.constant 0 : i32
      %dma_start3A_631 = tpu.memref_slice %arg9[%dma_start3A_626, %dma_start3A_630] : memref<16x64xi32, #tpu.memory_space<vmem>> -> memref<1x64xi32, #tpu.memory_space<vmem>>
      %dma_start3A_632 = tpu.memref_squeeze %dma_start3A_631 : memref<1x64xi32, #tpu.memory_space<vmem>> -> memref<64xi32, #tpu.memory_space<vmem>>
      %dma_start3A_633 = arith.constant 0 : i32
      %dma_start3A_634 = arith.constant 0 : i32
      %dma_start3A_635 = tpu.memref_slice %arg2[%dma_start3A_633, %dma_start3A_634] : memref<10240x128xf32, #tpu.memory_space<hbm>> -> memref<10240x128xf32, #tpu.memory_space<hbm>>
      tpu.enqueue_indirect_dma source(%dma_start3A_635 : memref<10240x128xf32, #tpu.memory_space<hbm>>) target(%dma_start3A_629 : memref<64x128xf32, #tpu.memory_space<vmem>>) offsets(%dma_start3A_632 : memref<64xi32, #tpu.memory_space<vmem>>) semaphore(%arg15 : memref<!tpu.dma_semaphore, #tpu.memory_space<semaphore_mem>>)
      %dma_start3A_636 = arith.constant 11 : i32
      %dma_start3A_637 = arith.constant 64 : i32
      %dma_start3A_638 = arith.constant 0 : i32
      %dma_start3A_639 = tpu.memref_slice %arg13[%dma_start3A_637, %dma_start3A_638] : memref<128x128xf32, #tpu.memory_space<vmem>> -> memref<64x128xf32, #tpu.memory_space<vmem>>
      %dma_start3A_640 = arith.constant 0 : i32
      %dma_start3A_641 = tpu.memref_slice %arg9[%dma_start3A_636, %dma_start3A_640] : memref<16x64xi32, #tpu.memory_space<vmem>> -> memref<1x64xi32, #tpu.memory_space<vmem>>
      %dma_start3A_642 = tpu.memref_squeeze %dma_start3A_641 : memref<1x64xi32, #tpu.memory_space<vmem>> -> memref<64xi32, #tpu.memory_space<vmem>>
      %dma_start3A_643 = arith.constant 0 : i32
      %dma_start3A_644 = arith.constant 0 : i32
      %dma_start3A_645 = tpu.memref_slice %arg2[%dma_start3A_643, %dma_start3A_644] : memref<10240x128xf32, #tpu.memory_space<hbm>> -> memref<10240x128xf32, #tpu.memory_space<hbm>>
      tpu.enqueue_indirect_dma source(%dma_start3A_645 : memref<10240x128xf32, #tpu.memory_space<hbm>>) target(%dma_start3A_639 : memref<64x128xf32, #tpu.memory_space<vmem>>) offsets(%dma_start3A_642 : memref<64xi32, #tpu.memory_space<vmem>>) semaphore(%arg15 : memref<!tpu.dma_semaphore, #tpu.memory_space<semaphore_mem>>)
      %dma_wait3A_646 = arith.constant 0 : i32
      %dma_wait3A_647 = arith.constant 0 : i32
      %dma_wait3A_648 = arith.constant 0 : i32
      %dma_wait3A_649 = tpu.memref_slice %arg12[%dma_wait3A_647, %dma_wait3A_648] : memref<128x128xf32, #tpu.memory_space<vmem>> -> memref<64x128xf32, #tpu.memory_space<vmem>>
      %dma_wait3A_650 = arith.constant 0 : i32
      %dma_wait3A_651 = tpu.memref_slice %arg8[%dma_wait3A_646, %dma_wait3A_650] : memref<16x64xi32, #tpu.memory_space<vmem>> -> memref<1x64xi32, #tpu.memory_space<vmem>>
      %dma_wait3A_652 = tpu.memref_squeeze %dma_wait3A_651 : memref<1x64xi32, #tpu.memory_space<vmem>> -> memref<64xi32, #tpu.memory_space<vmem>>
      %dma_wait3A_653 = arith.constant 0 : i32
      %dma_wait3A_654 = arith.constant 0 : i32
      %dma_wait3A_655 = tpu.memref_slice %arg2[%dma_wait3A_653, %dma_wait3A_654] : memref<10240x128xf32, #tpu.memory_space<hbm>> -> memref<10240x128xf32, #tpu.memory_space<hbm>>
      tpu.wait_indirect_dma semaphore(%arg14 : memref<!tpu.dma_semaphore, #tpu.memory_space<semaphore_mem>>) src(%dma_wait3A_655 : memref<10240x128xf32, #tpu.memory_space<hbm>>) dst(%dma_wait3A_649 : memref<64x128xf32, #tpu.memory_space<vmem>>)
      %dma_wait3A_656 = arith.constant 0 : i32
      %dma_wait3A_657 = arith.constant 64 : i32
      %dma_wait3A_658 = arith.constant 0 : i32
      %dma_wait3A_659 = tpu.memref_slice %arg12[%dma_wait3A_657, %dma_wait3A_658] : memref<128x128xf32, #tpu.memory_space<vmem>> -> memref<64x128xf32, #tpu.memory_space<vmem>>
      %dma_wait3A_660 = arith.constant 0 : i32
      %dma_wait3A_661 = tpu.memref_slice %arg8[%dma_wait3A_656, %dma_wait3A_660] : memref<16x64xi32, #tpu.memory_space<vmem>> -> memref<1x64xi32, #tpu.memory_space<vmem>>
      %dma_wait3A_662 = tpu.memref_squeeze %dma_wait3A_661 : memref<1x64xi32, #tpu.memory_space<vmem>> -> memref<64xi32, #tpu.memory_space<vmem>>
      %dma_wait3A_663 = arith.constant 0 : i32
      %dma_wait3A_664 = arith.constant 0 : i32
      %dma_wait3A_665 = tpu.memref_slice %arg2[%dma_wait3A_663, %dma_wait3A_664] : memref<10240x128xf32, #tpu.memory_space<hbm>> -> memref<10240x128xf32, #tpu.memory_space<hbm>>
      tpu.wait_indirect_dma semaphore(%arg14 : memref<!tpu.dma_semaphore, #tpu.memory_space<semaphore_mem>>) src(%dma_wait3A_665 : memref<10240x128xf32, #tpu.memory_space<hbm>>) dst(%dma_wait3A_659 : memref<64x128xf32, #tpu.memory_space<vmem>>)
      %run_scoped3A_666 = arith.constant 4 : i32
      "tpu.region"() ({
        %run_scoped3A_773 = tpu.sem_alloc : memref<!tpu.dma_semaphore, #tpu.memory_space<semaphore_mem>>
        %dma_start3A_774 = arith.constant 0 : i32
        %dma_start3A_775 = tpu.memref_slice %arg11[%run_scoped3A_666, %dma_start3A_774] : memref<8x128xi32, #tpu.memory_space<vmem>> -> memref<1x128xi32, #tpu.memory_space<vmem>>
        %dma_start3A_776 = tpu.memref_squeeze %dma_start3A_775 : memref<1x128xi32, #tpu.memory_space<vmem>> -> memref<128xi32, #tpu.memory_space<vmem>>
        %dma_start3A_777 = arith.constant 0 : i32
        %dma_start3A_778 = arith.constant 0 : i32
        %dma_start3A_779 = tpu.memref_slice %arg7[%dma_start3A_777, %dma_start3A_778] : memref<10240x128xf32, #tpu.memory_space<vmem_shared>> -> memref<10240x128xf32, #tpu.memory_space<vmem_shared>>
        tpu.enqueue_indirect_dma source(%arg12 : memref<128x128xf32, #tpu.memory_space<vmem>>) target(%dma_start3A_779 : memref<10240x128xf32, #tpu.memory_space<vmem_shared>>) offsets(%dma_start3A_776 : memref<128xi32, #tpu.memory_space<vmem>>) semaphore(%run_scoped3A_773 : memref<!tpu.dma_semaphore, #tpu.memory_space<semaphore_mem>>) {add = true}
        %dma_wait3A_780 = arith.constant 0 : i32
        %dma_wait3A_781 = tpu.memref_slice %arg11[%run_scoped3A_666, %dma_wait3A_780] : memref<8x128xi32, #tpu.memory_space<vmem>> -> memref<1x128xi32, #tpu.memory_space<vmem>>
        %dma_wait3A_782 = tpu.memref_squeeze %dma_wait3A_781 : memref<1x128xi32, #tpu.memory_space<vmem>> -> memref<128xi32, #tpu.memory_space<vmem>>
        %dma_wait3A_783 = arith.constant 0 : i32
        %dma_wait3A_784 = arith.constant 0 : i32
        %dma_wait3A_785 = tpu.memref_slice %arg7[%dma_wait3A_783, %dma_wait3A_784] : memref<10240x128xf32, #tpu.memory_space<vmem_shared>> -> memref<10240x128xf32, #tpu.memory_space<vmem_shared>>
        tpu.wait_indirect_dma semaphore(%run_scoped3A_773 : memref<!tpu.dma_semaphore, #tpu.memory_space<semaphore_mem>>) src(%arg12 : memref<128x128xf32, #tpu.memory_space<vmem>>) dst(%dma_wait3A_785 : memref<10240x128xf32, #tpu.memory_space<vmem_shared>>)
        tpu.yield
      }) : () -> ()
      %dma_start3A_667 = arith.constant 12 : i32
      %dma_start3A_668 = arith.constant 0 : i32
      %dma_start3A_669 = arith.constant 0 : i32
      %dma_start3A_670 = tpu.memref_slice %arg12[%dma_start3A_668, %dma_start3A_669] : memref<128x128xf32, #tpu.memory_space<vmem>> -> memref<64x128xf32, #tpu.memory_space<vmem>>
      %dma_start3A_671 = arith.constant 0 : i32
      %dma_start3A_672 = tpu.memref_slice %arg9[%dma_start3A_667, %dma_start3A_671] : memref<16x64xi32, #tpu.memory_space<vmem>> -> memref<1x64xi32, #tpu.memory_space<vmem>>
      %dma_start3A_673 = tpu.memref_squeeze %dma_start3A_672 : memref<1x64xi32, #tpu.memory_space<vmem>> -> memref<64xi32, #tpu.memory_space<vmem>>
      %dma_start3A_674 = arith.constant 0 : i32
      %dma_start3A_675 = arith.constant 0 : i32
      %dma_start3A_676 = tpu.memref_slice %arg2[%dma_start3A_674, %dma_start3A_675] : memref<10240x128xf32, #tpu.memory_space<hbm>> -> memref<10240x128xf32, #tpu.memory_space<hbm>>
      tpu.enqueue_indirect_dma source(%dma_start3A_676 : memref<10240x128xf32, #tpu.memory_space<hbm>>) target(%dma_start3A_670 : memref<64x128xf32, #tpu.memory_space<vmem>>) offsets(%dma_start3A_673 : memref<64xi32, #tpu.memory_space<vmem>>) semaphore(%arg14 : memref<!tpu.dma_semaphore, #tpu.memory_space<semaphore_mem>>)
      %dma_start3A_677 = arith.constant 13 : i32
      %dma_start3A_678 = arith.constant 64 : i32
      %dma_start3A_679 = arith.constant 0 : i32
      %dma_start3A_680 = tpu.memref_slice %arg12[%dma_start3A_678, %dma_start3A_679] : memref<128x128xf32, #tpu.memory_space<vmem>> -> memref<64x128xf32, #tpu.memory_space<vmem>>
      %dma_start3A_681 = arith.constant 0 : i32
      %dma_start3A_682 = tpu.memref_slice %arg9[%dma_start3A_677, %dma_start3A_681] : memref<16x64xi32, #tpu.memory_space<vmem>> -> memref<1x64xi32, #tpu.memory_space<vmem>>
      %dma_start3A_683 = tpu.memref_squeeze %dma_start3A_682 : memref<1x64xi32, #tpu.memory_space<vmem>> -> memref<64xi32, #tpu.memory_space<vmem>>
      %dma_start3A_684 = arith.constant 0 : i32
      %dma_start3A_685 = arith.constant 0 : i32
      %dma_start3A_686 = tpu.memref_slice %arg2[%dma_start3A_684, %dma_start3A_685] : memref<10240x128xf32, #tpu.memory_space<hbm>> -> memref<10240x128xf32, #tpu.memory_space<hbm>>
      tpu.enqueue_indirect_dma source(%dma_start3A_686 : memref<10240x128xf32, #tpu.memory_space<hbm>>) target(%dma_start3A_680 : memref<64x128xf32, #tpu.memory_space<vmem>>) offsets(%dma_start3A_683 : memref<64xi32, #tpu.memory_space<vmem>>) semaphore(%arg14 : memref<!tpu.dma_semaphore, #tpu.memory_space<semaphore_mem>>)
      %dma_wait3A_687 = arith.constant 0 : i32
      %dma_wait3A_688 = arith.constant 0 : i32
      %dma_wait3A_689 = arith.constant 0 : i32
      %dma_wait3A_690 = tpu.memref_slice %arg13[%dma_wait3A_688, %dma_wait3A_689] : memref<128x128xf32, #tpu.memory_space<vmem>> -> memref<64x128xf32, #tpu.memory_space<vmem>>
      %dma_wait3A_691 = arith.constant 0 : i32
      %dma_wait3A_692 = tpu.memref_slice %arg8[%dma_wait3A_687, %dma_wait3A_691] : memref<16x64xi32, #tpu.memory_space<vmem>> -> memref<1x64xi32, #tpu.memory_space<vmem>>
      %dma_wait3A_693 = tpu.memref_squeeze %dma_wait3A_692 : memref<1x64xi32, #tpu.memory_space<vmem>> -> memref<64xi32, #tpu.memory_space<vmem>>
      %dma_wait3A_694 = arith.constant 0 : i32
      %dma_wait3A_695 = arith.constant 0 : i32
      %dma_wait3A_696 = tpu.memref_slice %arg2[%dma_wait3A_694, %dma_wait3A_695] : memref<10240x128xf32, #tpu.memory_space<hbm>> -> memref<10240x128xf32, #tpu.memory_space<hbm>>
      tpu.wait_indirect_dma semaphore(%arg15 : memref<!tpu.dma_semaphore, #tpu.memory_space<semaphore_mem>>) src(%dma_wait3A_696 : memref<10240x128xf32, #tpu.memory_space<hbm>>) dst(%dma_wait3A_690 : memref<64x128xf32, #tpu.memory_space<vmem>>)
      %dma_wait3A_697 = arith.constant 0 : i32
      %dma_wait3A_698 = arith.constant 64 : i32
      %dma_wait3A_699 = arith.constant 0 : i32
      %dma_wait3A_700 = tpu.memref_slice %arg13[%dma_wait3A_698, %dma_wait3A_699] : memref<128x128xf32, #tpu.memory_space<vmem>> -> memref<64x128xf32, #tpu.memory_space<vmem>>
      %dma_wait3A_701 = arith.constant 0 : i32
      %dma_wait3A_702 = tpu.memref_slice %arg8[%dma_wait3A_697, %dma_wait3A_701] : memref<16x64xi32, #tpu.memory_space<vmem>> -> memref<1x64xi32, #tpu.memory_space<vmem>>
      %dma_wait3A_703 = tpu.memref_squeeze %dma_wait3A_702 : memref<1x64xi32, #tpu.memory_space<vmem>> -> memref<64xi32, #tpu.memory_space<vmem>>
      %dma_wait3A_704 = arith.constant 0 : i32
      %dma_wait3A_705 = arith.constant 0 : i32
      %dma_wait3A_706 = tpu.memref_slice %arg2[%dma_wait3A_704, %dma_wait3A_705] : memref<10240x128xf32, #tpu.memory_space<hbm>> -> memref<10240x128xf32, #tpu.memory_space<hbm>>
      tpu.wait_indirect_dma semaphore(%arg15 : memref<!tpu.dma_semaphore, #tpu.memory_space<semaphore_mem>>) src(%dma_wait3A_706 : memref<10240x128xf32, #tpu.memory_space<hbm>>) dst(%dma_wait3A_700 : memref<64x128xf32, #tpu.memory_space<vmem>>)
      %run_scoped3A_707 = arith.constant 5 : i32
      "tpu.region"() ({
        %run_scoped3A_773 = tpu.sem_alloc : memref<!tpu.dma_semaphore, #tpu.memory_space<semaphore_mem>>
        %dma_start3A_774 = arith.constant 0 : i32
        %dma_start3A_775 = tpu.memref_slice %arg11[%run_scoped3A_707, %dma_start3A_774] : memref<8x128xi32, #tpu.memory_space<vmem>> -> memref<1x128xi32, #tpu.memory_space<vmem>>
        %dma_start3A_776 = tpu.memref_squeeze %dma_start3A_775 : memref<1x128xi32, #tpu.memory_space<vmem>> -> memref<128xi32, #tpu.memory_space<vmem>>
        %dma_start3A_777 = arith.constant 0 : i32
        %dma_start3A_778 = arith.constant 0 : i32
        %dma_start3A_779 = tpu.memref_slice %arg7[%dma_start3A_777, %dma_start3A_778] : memref<10240x128xf32, #tpu.memory_space<vmem_shared>> -> memref<10240x128xf32, #tpu.memory_space<vmem_shared>>
        tpu.enqueue_indirect_dma source(%arg13 : memref<128x128xf32, #tpu.memory_space<vmem>>) target(%dma_start3A_779 : memref<10240x128xf32, #tpu.memory_space<vmem_shared>>) offsets(%dma_start3A_776 : memref<128xi32, #tpu.memory_space<vmem>>) semaphore(%run_scoped3A_773 : memref<!tpu.dma_semaphore, #tpu.memory_space<semaphore_mem>>) {add = true}
        %dma_wait3A_780 = arith.constant 0 : i32
        %dma_wait3A_781 = tpu.memref_slice %arg11[%run_scoped3A_707, %dma_wait3A_780] : memref<8x128xi32, #tpu.memory_space<vmem>> -> memref<1x128xi32, #tpu.memory_space<vmem>>
        %dma_wait3A_782 = tpu.memref_squeeze %dma_wait3A_781 : memref<1x128xi32, #tpu.memory_space<vmem>> -> memref<128xi32, #tpu.memory_space<vmem>>
        %dma_wait3A_783 = arith.constant 0 : i32
        %dma_wait3A_784 = arith.constant 0 : i32
        %dma_wait3A_785 = tpu.memref_slice %arg7[%dma_wait3A_783, %dma_wait3A_784] : memref<10240x128xf32, #tpu.memory_space<vmem_shared>> -> memref<10240x128xf32, #tpu.memory_space<vmem_shared>>
        tpu.wait_indirect_dma semaphore(%run_scoped3A_773 : memref<!tpu.dma_semaphore, #tpu.memory_space<semaphore_mem>>) src(%arg13 : memref<128x128xf32, #tpu.memory_space<vmem>>) dst(%dma_wait3A_785 : memref<10240x128xf32, #tpu.memory_space<vmem_shared>>)
        tpu.yield
      }) : () -> ()
      %dma_start3A_708 = arith.constant 14 : i32
      %dma_start3A_709 = arith.constant 0 : i32
      %dma_start3A_710 = arith.constant 0 : i32
      %dma_start3A_711 = tpu.memref_slice %arg13[%dma_start3A_709, %dma_start3A_710] : memref<128x128xf32, #tpu.memory_space<vmem>> -> memref<64x128xf32, #tpu.memory_space<vmem>>
      %dma_start3A_712 = arith.constant 0 : i32
      %dma_start3A_713 = tpu.memref_slice %arg9[%dma_start3A_708, %dma_start3A_712] : memref<16x64xi32, #tpu.memory_space<vmem>> -> memref<1x64xi32, #tpu.memory_space<vmem>>
      %dma_start3A_714 = tpu.memref_squeeze %dma_start3A_713 : memref<1x64xi32, #tpu.memory_space<vmem>> -> memref<64xi32, #tpu.memory_space<vmem>>
      %dma_start3A_715 = arith.constant 0 : i32
      %dma_start3A_716 = arith.constant 0 : i32
      %dma_start3A_717 = tpu.memref_slice %arg2[%dma_start3A_715, %dma_start3A_716] : memref<10240x128xf32, #tpu.memory_space<hbm>> -> memref<10240x128xf32, #tpu.memory_space<hbm>>
      tpu.enqueue_indirect_dma source(%dma_start3A_717 : memref<10240x128xf32, #tpu.memory_space<hbm>>) target(%dma_start3A_711 : memref<64x128xf32, #tpu.memory_space<vmem>>) offsets(%dma_start3A_714 : memref<64xi32, #tpu.memory_space<vmem>>) semaphore(%arg15 : memref<!tpu.dma_semaphore, #tpu.memory_space<semaphore_mem>>)
      %dma_start3A_718 = arith.constant 15 : i32
      %dma_start3A_719 = arith.constant 64 : i32
      %dma_start3A_720 = arith.constant 0 : i32
      %dma_start3A_721 = tpu.memref_slice %arg13[%dma_start3A_719, %dma_start3A_720] : memref<128x128xf32, #tpu.memory_space<vmem>> -> memref<64x128xf32, #tpu.memory_space<vmem>>
      %dma_start3A_722 = arith.constant 0 : i32
      %dma_start3A_723 = tpu.memref_slice %arg9[%dma_start3A_718, %dma_start3A_722] : memref<16x64xi32, #tpu.memory_space<vmem>> -> memref<1x64xi32, #tpu.memory_space<vmem>>
      %dma_start3A_724 = tpu.memref_squeeze %dma_start3A_723 : memref<1x64xi32, #tpu.memory_space<vmem>> -> memref<64xi32, #tpu.memory_space<vmem>>
      %dma_start3A_725 = arith.constant 0 : i32
      %dma_start3A_726 = arith.constant 0 : i32
      %dma_start3A_727 = tpu.memref_slice %arg2[%dma_start3A_725, %dma_start3A_726] : memref<10240x128xf32, #tpu.memory_space<hbm>> -> memref<10240x128xf32, #tpu.memory_space<hbm>>
      tpu.enqueue_indirect_dma source(%dma_start3A_727 : memref<10240x128xf32, #tpu.memory_space<hbm>>) target(%dma_start3A_721 : memref<64x128xf32, #tpu.memory_space<vmem>>) offsets(%dma_start3A_724 : memref<64xi32, #tpu.memory_space<vmem>>) semaphore(%arg15 : memref<!tpu.dma_semaphore, #tpu.memory_space<semaphore_mem>>)
      %dma_wait3A_728 = arith.constant 0 : i32
      %dma_wait3A_729 = arith.constant 0 : i32
      %dma_wait3A_730 = arith.constant 0 : i32
      %dma_wait3A_731 = tpu.memref_slice %arg12[%dma_wait3A_729, %dma_wait3A_730] : memref<128x128xf32, #tpu.memory_space<vmem>> -> memref<64x128xf32, #tpu.memory_space<vmem>>
      %dma_wait3A_732 = arith.constant 0 : i32
      %dma_wait3A_733 = tpu.memref_slice %arg8[%dma_wait3A_728, %dma_wait3A_732] : memref<16x64xi32, #tpu.memory_space<vmem>> -> memref<1x64xi32, #tpu.memory_space<vmem>>
      %dma_wait3A_734 = tpu.memref_squeeze %dma_wait3A_733 : memref<1x64xi32, #tpu.memory_space<vmem>> -> memref<64xi32, #tpu.memory_space<vmem>>
      %dma_wait3A_735 = arith.constant 0 : i32
      %dma_wait3A_736 = arith.constant 0 : i32
      %dma_wait3A_737 = tpu.memref_slice %arg2[%dma_wait3A_735, %dma_wait3A_736] : memref<10240x128xf32, #tpu.memory_space<hbm>> -> memref<10240x128xf32, #tpu.memory_space<hbm>>
      tpu.wait_indirect_dma semaphore(%arg14 : memref<!tpu.dma_semaphore, #tpu.memory_space<semaphore_mem>>) src(%dma_wait3A_737 : memref<10240x128xf32, #tpu.memory_space<hbm>>) dst(%dma_wait3A_731 : memref<64x128xf32, #tpu.memory_space<vmem>>)
      %dma_wait3A_738 = arith.constant 0 : i32
      %dma_wait3A_739 = arith.constant 64 : i32
      %dma_wait3A_740 = arith.constant 0 : i32
      %dma_wait3A_741 = tpu.memref_slice %arg12[%dma_wait3A_739, %dma_wait3A_740] : memref<128x128xf32, #tpu.memory_space<vmem>> -> memref<64x128xf32, #tpu.memory_space<vmem>>
      %dma_wait3A_742 = arith.constant 0 : i32
      %dma_wait3A_743 = tpu.memref_slice %arg8[%dma_wait3A_738, %dma_wait3A_742] : memref<16x64xi32, #tpu.memory_space<vmem>> -> memref<1x64xi32, #tpu.memory_space<vmem>>
      %dma_wait3A_744 = tpu.memref_squeeze %dma_wait3A_743 : memref<1x64xi32, #tpu.memory_space<vmem>> -> memref<64xi32, #tpu.memory_space<vmem>>
      %dma_wait3A_745 = arith.constant 0 : i32
      %dma_wait3A_746 = arith.constant 0 : i32
      %dma_wait3A_747 = tpu.memref_slice %arg2[%dma_wait3A_745, %dma_wait3A_746] : memref<10240x128xf32, #tpu.memory_space<hbm>> -> memref<10240x128xf32, #tpu.memory_space<hbm>>
      tpu.wait_indirect_dma semaphore(%arg14 : memref<!tpu.dma_semaphore, #tpu.memory_space<semaphore_mem>>) src(%dma_wait3A_747 : memref<10240x128xf32, #tpu.memory_space<hbm>>) dst(%dma_wait3A_741 : memref<64x128xf32, #tpu.memory_space<vmem>>)
      %run_scoped3A_748 = arith.constant 6 : i32
      "tpu.region"() ({
        %run_scoped3A_773 = tpu.sem_alloc : memref<!tpu.dma_semaphore, #tpu.memory_space<semaphore_mem>>
        %dma_start3A_774 = arith.constant 0 : i32
        %dma_start3A_775 = tpu.memref_slice %arg11[%run_scoped3A_748, %dma_start3A_774] : memref<8x128xi32, #tpu.memory_space<vmem>> -> memref<1x128xi32, #tpu.memory_space<vmem>>
        %dma_start3A_776 = tpu.memref_squeeze %dma_start3A_775 : memref<1x128xi32, #tpu.memory_space<vmem>> -> memref<128xi32, #tpu.memory_space<vmem>>
        %dma_start3A_777 = arith.constant 0 : i32
        %dma_start3A_778 = arith.constant 0 : i32
        %dma_start3A_779 = tpu.memref_slice %arg7[%dma_start3A_777, %dma_start3A_778] : memref<10240x128xf32, #tpu.memory_space<vmem_shared>> -> memref<10240x128xf32, #tpu.memory_space<vmem_shared>>
        tpu.enqueue_indirect_dma source(%arg12 : memref<128x128xf32, #tpu.memory_space<vmem>>) target(%dma_start3A_779 : memref<10240x128xf32, #tpu.memory_space<vmem_shared>>) offsets(%dma_start3A_776 : memref<128xi32, #tpu.memory_space<vmem>>) semaphore(%run_scoped3A_773 : memref<!tpu.dma_semaphore, #tpu.memory_space<semaphore_mem>>) {add = true}
        %dma_wait3A_780 = arith.constant 0 : i32
        %dma_wait3A_781 = tpu.memref_slice %arg11[%run_scoped3A_748, %dma_wait3A_780] : memref<8x128xi32, #tpu.memory_space<vmem>> -> memref<1x128xi32, #tpu.memory_space<vmem>>
        %dma_wait3A_782 = tpu.memref_squeeze %dma_wait3A_781 : memref<1x128xi32, #tpu.memory_space<vmem>> -> memref<128xi32, #tpu.memory_space<vmem>>
        %dma_wait3A_783 = arith.constant 0 : i32
        %dma_wait3A_784 = arith.constant 0 : i32
        %dma_wait3A_785 = tpu.memref_slice %arg7[%dma_wait3A_783, %dma_wait3A_784] : memref<10240x128xf32, #tpu.memory_space<vmem_shared>> -> memref<10240x128xf32, #tpu.memory_space<vmem_shared>>
        tpu.wait_indirect_dma semaphore(%run_scoped3A_773 : memref<!tpu.dma_semaphore, #tpu.memory_space<semaphore_mem>>) src(%arg12 : memref<128x128xf32, #tpu.memory_space<vmem>>) dst(%dma_wait3A_785 : memref<10240x128xf32, #tpu.memory_space<vmem_shared>>)
        tpu.yield
      }) : () -> ()
      %convert_element_type3A_749 = arith.extui %lt3A_461 : i1 to i32
      %cond3A_750 = arith.constant 0 : i32
      %cond3A_751 = arith.cmpi ne, %convert_element_type3A_749, %cond3A_750 : i32
      scf.if %cond3A_751 {
        %mul3A_773 = arith.constant 80 : i32
        %mul3A_774 = arith.muli %arg0, %mul3A_773 : i32
        %add3A_775 = arith.constant 0 : i32
        %add3A_776 = arith.addi %mul3A_774, %add3A_775 : i32
        %mul3A_777 = arith.constant 2 : i32
        %mul3A_778 = arith.muli %mul3A_777, %add3A_776 : i32
        %dma_wait3A_779 = arith.constant 0 : i32
        %dma_wait3A_780 = tpu.memref_slice %arg3[%arg1, %mul3A_778, %dma_wait3A_779] : memref<16x320x64xi32, #tpu.memory_space<hbm>> -> memref<1x16x64xi32, #tpu.memory_space<hbm>>
        %dma_wait3A_781 = tpu.memref_squeeze %dma_wait3A_780 : memref<1x16x64xi32, #tpu.memory_space<hbm>> -> memref<16x64xi32, #tpu.memory_space<hbm>>
        %dma_wait3A_782 = arith.constant 0 : i32
        %dma_wait3A_783 = tpu.memref_slice %arg3[%arg1, %mul3A_778, %dma_wait3A_782] : memref<16x320x64xi32, #tpu.memory_space<hbm>> -> memref<1x16x64xi32, #tpu.memory_space<hbm>>
        %dma_wait3A_784 = tpu.memref_squeeze %dma_wait3A_783 : memref<1x16x64xi32, #tpu.memory_space<hbm>> -> memref<16x64xi32, #tpu.memory_space<hbm>>
        tpu.wait_dma2 semaphore(%arg16 : memref<!tpu.dma_semaphore, #tpu.memory_space<semaphore_mem>>) src(%dma_wait3A_784 : memref<16x64xi32, #tpu.memory_space<hbm>>) dst(%arg8 : memref<16x64xi32, #tpu.memory_space<vmem>>)
        %mul3A_785 = arith.constant 80 : i32
        %mul3A_786 = arith.muli %arg0, %mul3A_785 : i32
        %add3A_787 = arith.constant 0 : i32
        %add3A_788 = arith.addi %mul3A_786, %add3A_787 : i32
        %dma_wait3A_789 = arith.constant 0 : i32
        %dma_wait3A_790 = tpu.memref_slice %arg4[%arg1, %add3A_788, %dma_wait3A_789] : memref<16x160x128xi32, #tpu.memory_space<hbm>> -> memref<1x8x128xi32, #tpu.memory_space<hbm>>
        %dma_wait3A_791 = tpu.memref_squeeze %dma_wait3A_790 : memref<1x8x128xi32, #tpu.memory_space<hbm>> -> memref<8x128xi32, #tpu.memory_space<hbm>>
        %dma_wait3A_792 = arith.constant 0 : i32
        %dma_wait3A_793 = tpu.memref_slice %arg4[%arg1, %add3A_788, %dma_wait3A_792] : memref<16x160x128xi32, #tpu.memory_space<hbm>> -> memref<1x8x128xi32, #tpu.memory_space<hbm>>
        %dma_wait3A_794 = tpu.memref_squeeze %dma_wait3A_793 : memref<1x8x128xi32, #tpu.memory_space<hbm>> -> memref<8x128xi32, #tpu.memory_space<hbm>>
        tpu.wait_dma2 semaphore(%arg16 : memref<!tpu.dma_semaphore, #tpu.memory_space<semaphore_mem>>) src(%dma_wait3A_794 : memref<8x128xi32, #tpu.memory_space<hbm>>) dst(%arg10 : memref<8x128xi32, #tpu.memory_space<vmem>>)
        %dma_start3A_795 = arith.constant 0 : i32
        %dma_start3A_796 = arith.constant 0 : i32
        %dma_start3A_797 = arith.constant 0 : i32
        %dma_start3A_798 = tpu.memref_slice %arg12[%dma_start3A_796, %dma_start3A_797] : memref<128x128xf32, #tpu.memory_space<vmem>> -> memref<64x128xf32, #tpu.memory_space<vmem>>
        %dma_start3A_799 = arith.constant 0 : i32
        %dma_start3A_800 = tpu.memref_slice %arg8[%dma_start3A_795, %dma_start3A_799] : memref<16x64xi32, #tpu.memory_space<vmem>> -> memref<1x64xi32, #tpu.memory_space<vmem>>
        %dma_start3A_801 = tpu.memref_squeeze %dma_start3A_800 : memref<1x64xi32, #tpu.memory_space<vmem>> -> memref<64xi32, #tpu.memory_space<vmem>>
        %dma_start3A_802 = arith.constant 0 : i32
        %dma_start3A_803 = arith.constant 0 : i32
        %dma_start3A_804 = tpu.memref_slice %arg2[%dma_start3A_802, %dma_start3A_803] : memref<10240x128xf32, #tpu.memory_space<hbm>> -> memref<10240x128xf32, #tpu.memory_space<hbm>>
        tpu.enqueue_indirect_dma source(%dma_start3A_804 : memref<10240x128xf32, #tpu.memory_space<hbm>>) target(%dma_start3A_798 : memref<64x128xf32, #tpu.memory_space<vmem>>) offsets(%dma_start3A_801 : memref<64xi32, #tpu.memory_space<vmem>>) semaphore(%arg14 : memref<!tpu.dma_semaphore, #tpu.memory_space<semaphore_mem>>)
        %dma_start3A_805 = arith.constant 1 : i32
        %dma_start3A_806 = arith.constant 64 : i32
        %dma_start3A_807 = arith.constant 0 : i32
        %dma_start3A_808 = tpu.memref_slice %arg12[%dma_start3A_806, %dma_start3A_807] : memref<128x128xf32, #tpu.memory_space<vmem>> -> memref<64x128xf32, #tpu.memory_space<vmem>>
        %dma_start3A_809 = arith.constant 0 : i32
        %dma_start3A_810 = tpu.memref_slice %arg8[%dma_start3A_805, %dma_start3A_809] : memref<16x64xi32, #tpu.memory_space<vmem>> -> memref<1x64xi32, #tpu.memory_space<vmem>>
        %dma_start3A_811 = tpu.memref_squeeze %dma_start3A_810 : memref<1x64xi32, #tpu.memory_space<vmem>> -> memref<64xi32, #tpu.memory_space<vmem>>
        %dma_start3A_812 = arith.constant 0 : i32
        %dma_start3A_813 = arith.constant 0 : i32
        %dma_start3A_814 = tpu.memref_slice %arg2[%dma_start3A_812, %dma_start3A_813] : memref<10240x128xf32, #tpu.memory_space<hbm>> -> memref<10240x128xf32, #tpu.memory_space<hbm>>
        tpu.enqueue_indirect_dma source(%dma_start3A_814 : memref<10240x128xf32, #tpu.memory_space<hbm>>) target(%dma_start3A_808 : memref<64x128xf32, #tpu.memory_space<vmem>>) offsets(%dma_start3A_811 : memref<64xi32, #tpu.memory_space<vmem>>) semaphore(%arg14 : memref<!tpu.dma_semaphore, #tpu.memory_space<semaphore_mem>>)
      } else {
      }
      %dma_wait3A_752 = arith.constant 0 : i32
      %dma_wait3A_753 = arith.constant 0 : i32
      %dma_wait3A_754 = arith.constant 0 : i32
      %dma_wait3A_755 = tpu.memref_slice %arg13[%dma_wait3A_753, %dma_wait3A_754] : memref<128x128xf32, #tpu.memory_space<vmem>> -> memref<64x128xf32, #tpu.memory_space<vmem>>
      %dma_wait3A_756 = arith.constant 0 : i32
      %dma_wait3A_757 = tpu.memref_slice %arg8[%dma_wait3A_752, %dma_wait3A_756] : memref<16x64xi32, #tpu.memory_space<vmem>> -> memref<1x64xi32, #tpu.memory_space<vmem>>
      %dma_wait3A_758 = tpu.memref_squeeze %dma_wait3A_757 : memref<1x64xi32, #tpu.memory_space<vmem>> -> memref<64xi32, #tpu.memory_space<vmem>>
      %dma_wait3A_759 = arith.constant 0 : i32
      %dma_wait3A_760 = arith.constant 0 : i32
      %dma_wait3A_761 = tpu.memref_slice %arg2[%dma_wait3A_759, %dma_wait3A_760] : memref<10240x128xf32, #tpu.memory_space<hbm>> -> memref<10240x128xf32, #tpu.memory_space<hbm>>
      tpu.wait_indirect_dma semaphore(%arg15 : memref<!tpu.dma_semaphore, #tpu.memory_space<semaphore_mem>>) src(%dma_wait3A_761 : memref<10240x128xf32, #tpu.memory_space<hbm>>) dst(%dma_wait3A_755 : memref<64x128xf32, #tpu.memory_space<vmem>>)
      %dma_wait3A_762 = arith.constant 0 : i32
      %dma_wait3A_763 = arith.constant 64 : i32
      %dma_wait3A_764 = arith.constant 0 : i32
      %dma_wait3A_765 = tpu.memref_slice %arg13[%dma_wait3A_763, %dma_wait3A_764] : memref<128x128xf32, #tpu.memory_space<vmem>> -> memref<64x128xf32, #tpu.memory_space<vmem>>
      %dma_wait3A_766 = arith.constant 0 : i32
      %dma_wait3A_767 = tpu.memref_slice %arg8[%dma_wait3A_762, %dma_wait3A_766] : memref<16x64xi32, #tpu.memory_space<vmem>> -> memref<1x64xi32, #tpu.memory_space<vmem>>
      %dma_wait3A_768 = tpu.memref_squeeze %dma_wait3A_767 : memref<1x64xi32, #tpu.memory_space<vmem>> -> memref<64xi32, #tpu.memory_space<vmem>>
      %dma_wait3A_769 = arith.constant 0 : i32
      %dma_wait3A_770 = arith.constant 0 : i32
      %dma_wait3A_771 = tpu.memref_slice %arg2[%dma_wait3A_769, %dma_wait3A_770] : memref<10240x128xf32, #tpu.memory_space<hbm>> -> memref<10240x128xf32, #tpu.memory_space<hbm>>
      tpu.wait_indirect_dma semaphore(%arg15 : memref<!tpu.dma_semaphore, #tpu.memory_space<semaphore_mem>>) src(%dma_wait3A_771 : memref<10240x128xf32, #tpu.memory_space<hbm>>) dst(%dma_wait3A_765 : memref<64x128xf32, #tpu.memory_space<vmem>>)
      %run_scoped3A_772 = arith.constant 7 : i32
      "tpu.region"() ({
        %run_scoped3A_773 = tpu.sem_alloc : memref<!tpu.dma_semaphore, #tpu.memory_space<semaphore_mem>>
        %dma_start3A_774 = arith.constant 0 : i32
        %dma_start3A_775 = tpu.memref_slice %arg11[%run_scoped3A_772, %dma_start3A_774] : memref<8x128xi32, #tpu.memory_space<vmem>> -> memref<1x128xi32, #tpu.memory_space<vmem>>
        %dma_start3A_776 = tpu.memref_squeeze %dma_start3A_775 : memref<1x128xi32, #tpu.memory_space<vmem>> -> memref<128xi32, #tpu.memory_space<vmem>>
        %dma_start3A_777 = arith.constant 0 : i32
        %dma_start3A_778 = arith.constant 0 : i32
        %dma_start3A_779 = tpu.memref_slice %arg7[%dma_start3A_777, %dma_start3A_778] : memref<10240x128xf32, #tpu.memory_space<vmem_shared>> -> memref<10240x128xf32, #tpu.memory_space<vmem_shared>>
        tpu.enqueue_indirect_dma source(%arg13 : memref<128x128xf32, #tpu.memory_space<vmem>>) target(%dma_start3A_779 : memref<10240x128xf32, #tpu.memory_space<vmem_shared>>) offsets(%dma_start3A_776 : memref<128xi32, #tpu.memory_space<vmem>>) semaphore(%run_scoped3A_773 : memref<!tpu.dma_semaphore, #tpu.memory_space<semaphore_mem>>) {add = true}
        %dma_wait3A_780 = arith.constant 0 : i32
        %dma_wait3A_781 = tpu.memref_slice %arg11[%run_scoped3A_772, %dma_wait3A_780] : memref<8x128xi32, #tpu.memory_space<vmem>> -> memref<1x128xi32, #tpu.memory_space<vmem>>
        %dma_wait3A_782 = tpu.memref_squeeze %dma_wait3A_781 : memref<1x128xi32, #tpu.memory_space<vmem>> -> memref<128xi32, #tpu.memory_space<vmem>>
        %dma_wait3A_783 = arith.constant 0 : i32
        %dma_wait3A_784 = arith.constant 0 : i32
        %dma_wait3A_785 = tpu.memref_slice %arg7[%dma_wait3A_783, %dma_wait3A_784] : memref<10240x128xf32, #tpu.memory_space<vmem_shared>> -> memref<10240x128xf32, #tpu.memory_space<vmem_shared>>
        tpu.wait_indirect_dma semaphore(%run_scoped3A_773 : memref<!tpu.dma_semaphore, #tpu.memory_space<semaphore_mem>>) src(%arg13 : memref<128x128xf32, #tpu.memory_space<vmem>>) dst(%dma_wait3A_785 : memref<10240x128xf32, #tpu.memory_space<vmem_shared>>)
        tpu.yield
      }) : () -> ()
    }
    %scan3A_68 = arith.constant 5 : i32
    %barrier3A_69 = arith.constant 0 : index
    tpu.barrier barrier_id(%barrier3A_69)
    %mul3A_70 = arith.constant 640 : i32
    %mul3A_71 = arith.muli %arg1, %mul3A_70 : i32
    %mul3A_72 = arith.constant 640 : i32
    %mul3A_73 = arith.muli %arg1, %mul3A_72 : i32
    "tpu.region"() ({
      %run_scoped3A = tpu.sem_alloc : memref<!tpu.dma_semaphore, #tpu.memory_space<semaphore_mem>>
      %dma_start3A_74 = arith.constant 0 : i32
      %dma_start3A_75 = tpu.memref_slice %arg6[%arg0, %mul3A_73, %dma_start3A_74] : memref<2x10240x128xf32, #tpu.memory_space<hbm>> -> memref<1x640x128xf32, #tpu.memory_space<hbm>>
      %dma_start3A_76 = tpu.memref_squeeze %dma_start3A_75 : memref<1x640x128xf32, #tpu.memory_space<hbm>> -> memref<640x128xf32, #tpu.memory_space<hbm>>
      %dma_start3A_77 = arith.constant 0 : i32
      %dma_start3A_78 = tpu.memref_slice %arg7[%mul3A_71, %dma_start3A_77] : memref<10240x128xf32, #tpu.memory_space<vmem_shared>> -> memref<640x128xf32, #tpu.memory_space<vmem_shared>>
      tpu.enqueue_dma source(%dma_start3A_78 : memref<640x128xf32, #tpu.memory_space<vmem_shared>>) target(%dma_start3A_76 : memref<640x128xf32, #tpu.memory_space<hbm>>) target_semaphore(%run_scoped3A : memref<!tpu.dma_semaphore, #tpu.memory_space<semaphore_mem>>)
      %dma_wait3A_79 = arith.constant 0 : i32
      %dma_wait3A_80 = tpu.memref_slice %arg6[%arg0, %mul3A_73, %dma_wait3A_79] : memref<2x10240x128xf32, #tpu.memory_space<hbm>> -> memref<1x640x128xf32, #tpu.memory_space<hbm>>
      %dma_wait3A_81 = tpu.memref_squeeze %dma_wait3A_80 : memref<1x640x128xf32, #tpu.memory_space<hbm>> -> memref<640x128xf32, #tpu.memory_space<hbm>>
      %dma_wait3A_82 = arith.constant 0 : i32
      %dma_wait3A_83 = tpu.memref_slice %arg7[%mul3A_71, %dma_wait3A_82] : memref<10240x128xf32, #tpu.memory_space<vmem_shared>> -> memref<640x128xf32, #tpu.memory_space<vmem_shared>>
      tpu.wait_dma2 semaphore(%run_scoped3A : memref<!tpu.dma_semaphore, #tpu.memory_space<semaphore_mem>>) src(%dma_wait3A_83 : memref<640x128xf32, #tpu.memory_space<vmem_shared>>) dst(%dma_wait3A_81 : memref<640x128xf32, #tpu.memory_space<hbm>>)
      tpu.yield
    }) : () -> ()
    return
  }
}

#map = affine_map<(d0, d1) -> (0, 0, 0)>
#map1 = affine_map<(d0, d1) -> (0)>
#map2 = affine_map<(d0, d1) -> (0, 0)>
module attributes {stable_mosaic.version = 14 : i64} {
  func.func @deg_kernel(%arg0: i32, %arg1: i32, %arg2: memref<16x160x128xi32, #tpu.memory_space<hbm>>, %arg3: memref<10240xf32, #tpu.memory_space<hbm>>, %arg4: memref<2x10240xf32, #tpu.memory_space<hbm>>, %arg5: memref<16x10240xf32, #tpu.memory_space<vmem_shared>>, %arg6: memref<10240xf32, #tpu.memory_space<vmem>>, %arg7: memref<80x128xi32, #tpu.memory_space<vmem>>, %arg8: memref<16x640xf32, #tpu.memory_space<vmem>>) attributes {dimension_semantics = [#tpu.dimension_semantics<core_parallel>, #tpu.dimension_semantics<subcore_parallel>], iteration_bounds = array<i64: 2, 16>, scalar_prefetch = 0 : i64, scratch_operands = 4 : i64, tpu.core_type = #tpu.core_type<sc_vector_subcore>, window_params = [{transform_indices = #map}, {transform_indices = #map1}, {transform_indices = #map2}]} {
    "tpu.region"() ({
      %run_scoped3A_17 = tpu.sem_alloc : memref<!tpu.dma_semaphore, #tpu.memory_space<semaphore_mem>>
      tpu.enqueue_dma source(%arg3 : memref<10240xf32, #tpu.memory_space<hbm>>) target(%arg6 : memref<10240xf32, #tpu.memory_space<vmem>>) target_semaphore(%run_scoped3A_17 : memref<!tpu.dma_semaphore, #tpu.memory_space<semaphore_mem>>)
      tpu.wait_dma2 semaphore(%run_scoped3A_17 : memref<!tpu.dma_semaphore, #tpu.memory_space<semaphore_mem>>) src(%arg3 : memref<10240xf32, #tpu.memory_space<hbm>>) dst(%arg6 : memref<10240xf32, #tpu.memory_space<vmem>>)
      tpu.yield
    }) : () -> ()
    %mul3A = arith.constant 80 : i32
    %mul3A_0 = arith.muli %arg0, %mul3A : i32
    "tpu.region"() ({
      %run_scoped3A_17 = tpu.sem_alloc : memref<!tpu.dma_semaphore, #tpu.memory_space<semaphore_mem>>
      %dma_start3A = arith.constant 0 : i32
      %dma_start3A_18 = tpu.memref_slice %arg2[%arg1, %mul3A_0, %dma_start3A] : memref<16x160x128xi32, #tpu.memory_space<hbm>> -> memref<1x80x128xi32, #tpu.memory_space<hbm>>
      %dma_start3A_19 = tpu.memref_squeeze %dma_start3A_18 : memref<1x80x128xi32, #tpu.memory_space<hbm>> -> memref<80x128xi32, #tpu.memory_space<hbm>>
      %dma_start3A_20 = arith.constant 0 : i32
      %dma_start3A_21 = tpu.memref_slice %arg2[%arg1, %mul3A_0, %dma_start3A_20] : memref<16x160x128xi32, #tpu.memory_space<hbm>> -> memref<1x80x128xi32, #tpu.memory_space<hbm>>
      %dma_start3A_22 = tpu.memref_squeeze %dma_start3A_21 : memref<1x80x128xi32, #tpu.memory_space<hbm>> -> memref<80x128xi32, #tpu.memory_space<hbm>>
      tpu.enqueue_dma source(%dma_start3A_22 : memref<80x128xi32, #tpu.memory_space<hbm>>) target(%arg7 : memref<80x128xi32, #tpu.memory_space<vmem>>) target_semaphore(%run_scoped3A_17 : memref<!tpu.dma_semaphore, #tpu.memory_space<semaphore_mem>>)
      %dma_wait3A = arith.constant 0 : i32
      %dma_wait3A_23 = tpu.memref_slice %arg2[%arg1, %mul3A_0, %dma_wait3A] : memref<16x160x128xi32, #tpu.memory_space<hbm>> -> memref<1x80x128xi32, #tpu.memory_space<hbm>>
      %dma_wait3A_24 = tpu.memref_squeeze %dma_wait3A_23 : memref<1x80x128xi32, #tpu.memory_space<hbm>> -> memref<80x128xi32, #tpu.memory_space<hbm>>
      %dma_wait3A_25 = arith.constant 0 : i32
      %dma_wait3A_26 = tpu.memref_slice %arg2[%arg1, %mul3A_0, %dma_wait3A_25] : memref<16x160x128xi32, #tpu.memory_space<hbm>> -> memref<1x80x128xi32, #tpu.memory_space<hbm>>
      %dma_wait3A_27 = tpu.memref_squeeze %dma_wait3A_26 : memref<1x80x128xi32, #tpu.memory_space<hbm>> -> memref<80x128xi32, #tpu.memory_space<hbm>>
      tpu.wait_dma2 semaphore(%run_scoped3A_17 : memref<!tpu.dma_semaphore, #tpu.memory_space<semaphore_mem>>) src(%dma_wait3A_27 : memref<80x128xi32, #tpu.memory_space<hbm>>) dst(%arg7 : memref<80x128xi32, #tpu.memory_space<vmem>>)
      tpu.yield
    }) : () -> ()
    %broadcast_in_dim3A = arith.constant 1.000000e+00 : f32
    %broadcast_in_dim3A_1 = vector.broadcast %broadcast_in_dim3A : f32 to vector<16xf32>
    %scan3A = arith.constant 0 : i32
    %scan3A_2 = arith.constant 0 : i32
    %scan3A_3 = arith.constant 80 : i32
    %scan3A_4 = arith.addi %scan3A_2, %scan3A_3 : i32
    %scan3A_5 = arith.constant 1 : i32
    scf.for %scan3A_17 = %scan3A_2 to %scan3A_4 step %scan3A_5  : i32 {
      %get3A = arith.index_cast %scan3A_17 : i32 to index
      %get3A_18 = arith.constant 0 : index
      %get3A_19 = tpu.vector_load %arg7[%get3A, %get3A_18] {strides = array<i32>} : memref<80x128xi32, #tpu.memory_space<vmem>>, vector<16xi32>,
      tpu.vector_store_idx %arg6[%get3A_19], %broadcast_in_dim3A_1 {add = true} : memref<10240xf32, #tpu.memory_space<vmem>>[vector<16xi32>], vector<16xf32>,
      %get3A_20 = arith.index_cast %scan3A_17 : i32 to index
      %get3A_21 = arith.constant 16 : index
      %get3A_22 = tpu.vector_load %arg7[%get3A_20, %get3A_21] {strides = array<i32>} : memref<80x128xi32, #tpu.memory_space<vmem>>, vector<16xi32>,
      tpu.vector_store_idx %arg6[%get3A_22], %broadcast_in_dim3A_1 {add = true} : memref<10240xf32, #tpu.memory_space<vmem>>[vector<16xi32>], vector<16xf32>,
      %get3A_23 = arith.index_cast %scan3A_17 : i32 to index
      %get3A_24 = arith.constant 32 : index
      %get3A_25 = tpu.vector_load %arg7[%get3A_23, %get3A_24] {strides = array<i32>} : memref<80x128xi32, #tpu.memory_space<vmem>>, vector<16xi32>,
      tpu.vector_store_idx %arg6[%get3A_25], %broadcast_in_dim3A_1 {add = true} : memref<10240xf32, #tpu.memory_space<vmem>>[vector<16xi32>], vector<16xf32>,
      %get3A_26 = arith.index_cast %scan3A_17 : i32 to index
      %get3A_27 = arith.constant 48 : index
      %get3A_28 = tpu.vector_load %arg7[%get3A_26, %get3A_27] {strides = array<i32>} : memref<80x128xi32, #tpu.memory_space<vmem>>, vector<16xi32>,
      tpu.vector_store_idx %arg6[%get3A_28], %broadcast_in_dim3A_1 {add = true} : memref<10240xf32, #tpu.memory_space<vmem>>[vector<16xi32>], vector<16xf32>,
      %get3A_29 = arith.index_cast %scan3A_17 : i32 to index
      %get3A_30 = arith.constant 64 : index
      %get3A_31 = tpu.vector_load %arg7[%get3A_29, %get3A_30] {strides = array<i32>} : memref<80x128xi32, #tpu.memory_space<vmem>>, vector<16xi32>,
      tpu.vector_store_idx %arg6[%get3A_31], %broadcast_in_dim3A_1 {add = true} : memref<10240xf32, #tpu.memory_space<vmem>>[vector<16xi32>], vector<16xf32>,
      %get3A_32 = arith.index_cast %scan3A_17 : i32 to index
      %get3A_33 = arith.constant 80 : index
      %get3A_34 = tpu.vector_load %arg7[%get3A_32, %get3A_33] {strides = array<i32>} : memref<80x128xi32, #tpu.memory_space<vmem>>, vector<16xi32>,
      tpu.vector_store_idx %arg6[%get3A_34], %broadcast_in_dim3A_1 {add = true} : memref<10240xf32, #tpu.memory_space<vmem>>[vector<16xi32>], vector<16xf32>,
      %get3A_35 = arith.index_cast %scan3A_17 : i32 to index
      %get3A_36 = arith.constant 96 : index
      %get3A_37 = tpu.vector_load %arg7[%get3A_35, %get3A_36] {strides = array<i32>} : memref<80x128xi32, #tpu.memory_space<vmem>>, vector<16xi32>,
      tpu.vector_store_idx %arg6[%get3A_37], %broadcast_in_dim3A_1 {add = true} : memref<10240xf32, #tpu.memory_space<vmem>>[vector<16xi32>], vector<16xf32>,
      %get3A_38 = arith.index_cast %scan3A_17 : i32 to index
      %get3A_39 = arith.constant 112 : index
      %get3A_40 = tpu.vector_load %arg7[%get3A_38, %get3A_39] {strides = array<i32>} : memref<80x128xi32, #tpu.memory_space<vmem>>, vector<16xi32>,
      tpu.vector_store_idx %arg6[%get3A_40], %broadcast_in_dim3A_1 {add = true} : memref<10240xf32, #tpu.memory_space<vmem>>[vector<16xi32>], vector<16xf32>,
    }
    %scan3A_6 = arith.constant 80 : i32
    "tpu.region"() ({
      %run_scoped3A_17 = tpu.sem_alloc : memref<!tpu.dma_semaphore, #tpu.memory_space<semaphore_mem>>
      %dma_start3A = arith.constant 0 : i32
      %dma_start3A_18 = tpu.memref_slice %arg5[%arg1, %dma_start3A] : memref<16x10240xf32, #tpu.memory_space<vmem_shared>> -> memref<1x10240xf32, #tpu.memory_space<vmem_shared>>
      %dma_start3A_19 = tpu.memref_squeeze %dma_start3A_18 : memref<1x10240xf32, #tpu.memory_space<vmem_shared>> -> memref<10240xf32, #tpu.memory_space<vmem_shared>>
      %dma_start3A_20 = arith.constant 0 : i32
      %dma_start3A_21 = tpu.memref_slice %arg5[%arg1, %dma_start3A_20] : memref<16x10240xf32, #tpu.memory_space<vmem_shared>> -> memref<1x10240xf32, #tpu.memory_space<vmem_shared>>
      %dma_start3A_22 = tpu.memref_squeeze %dma_start3A_21 : memref<1x10240xf32, #tpu.memory_space<vmem_shared>> -> memref<10240xf32, #tpu.memory_space<vmem_shared>>
      tpu.enqueue_dma source(%arg6 : memref<10240xf32, #tpu.memory_space<vmem>>) target(%dma_start3A_22 : memref<10240xf32, #tpu.memory_space<vmem_shared>>) target_semaphore(%run_scoped3A_17 : memref<!tpu.dma_semaphore, #tpu.memory_space<semaphore_mem>>)
      %dma_wait3A = arith.constant 0 : i32
      %dma_wait3A_23 = tpu.memref_slice %arg5[%arg1, %dma_wait3A] : memref<16x10240xf32, #tpu.memory_space<vmem_shared>> -> memref<1x10240xf32, #tpu.memory_space<vmem_shared>>
      %dma_wait3A_24 = tpu.memref_squeeze %dma_wait3A_23 : memref<1x10240xf32, #tpu.memory_space<vmem_shared>> -> memref<10240xf32, #tpu.memory_space<vmem_shared>>
      %dma_wait3A_25 = arith.constant 0 : i32
      %dma_wait3A_26 = tpu.memref_slice %arg5[%arg1, %dma_wait3A_25] : memref<16x10240xf32, #tpu.memory_space<vmem_shared>> -> memref<1x10240xf32, #tpu.memory_space<vmem_shared>>
      %dma_wait3A_27 = tpu.memref_squeeze %dma_wait3A_26 : memref<1x10240xf32, #tpu.memory_space<vmem_shared>> -> memref<10240xf32, #tpu.memory_space<vmem_shared>>
      tpu.wait_dma2 semaphore(%run_scoped3A_17 : memref<!tpu.dma_semaphore, #tpu.memory_space<semaphore_mem>>) src(%arg6 : memref<10240xf32, #tpu.memory_space<vmem>>) dst(%dma_wait3A_27 : memref<10240xf32, #tpu.memory_space<vmem_shared>>)
      tpu.yield
    }) : () -> ()
    %barrier3A = arith.constant 0 : index
    tpu.barrier barrier_id(%barrier3A)
    %mul3A_7 = arith.constant 640 : i32
    %mul3A_8 = arith.muli %arg1, %mul3A_7 : i32
    "tpu.region"() ({
      %run_scoped3A_17 = tpu.sem_alloc : memref<!tpu.dma_semaphore, #tpu.memory_space<semaphore_mem>>
      %dma_start3A = arith.constant 0 : i32
      %dma_start3A_18 = tpu.memref_slice %arg5[%dma_start3A, %mul3A_8] : memref<16x10240xf32, #tpu.memory_space<vmem_shared>> -> memref<16x640xf32, #tpu.memory_space<vmem_shared>>
      %dma_start3A_19 = arith.constant 0 : i32
      %dma_start3A_20 = tpu.memref_slice %arg5[%dma_start3A_19, %mul3A_8] : memref<16x10240xf32, #tpu.memory_space<vmem_shared>> -> memref<16x640xf32, #tpu.memory_space<vmem_shared>>
      tpu.enqueue_dma source(%dma_start3A_20 : memref<16x640xf32, #tpu.memory_space<vmem_shared>>) target(%arg8 : memref<16x640xf32, #tpu.memory_space<vmem>>) target_semaphore(%run_scoped3A_17 : memref<!tpu.dma_semaphore, #tpu.memory_space<semaphore_mem>>)
      %dma_wait3A = arith.constant 0 : i32
      %dma_wait3A_21 = tpu.memref_slice %arg5[%dma_wait3A, %mul3A_8] : memref<16x10240xf32, #tpu.memory_space<vmem_shared>> -> memref<16x640xf32, #tpu.memory_space<vmem_shared>>
      %dma_wait3A_22 = arith.constant 0 : i32
      %dma_wait3A_23 = tpu.memref_slice %arg5[%dma_wait3A_22, %mul3A_8] : memref<16x10240xf32, #tpu.memory_space<vmem_shared>> -> memref<16x640xf32, #tpu.memory_space<vmem_shared>>
      tpu.wait_dma2 semaphore(%run_scoped3A_17 : memref<!tpu.dma_semaphore, #tpu.memory_space<semaphore_mem>>) src(%dma_wait3A_23 : memref<16x640xf32, #tpu.memory_space<vmem_shared>>) dst(%arg8 : memref<16x640xf32, #tpu.memory_space<vmem>>)
      tpu.yield
    }) : () -> ()
    %scan3A_9 = arith.constant 0 : i32
    %scan3A_10 = arith.constant 0 : i32
    %scan3A_11 = arith.constant 40 : i32
    %scan3A_12 = arith.addi %scan3A_10, %scan3A_11 : i32
    %scan3A_13 = arith.constant 1 : i32
    scf.for %scan3A_17 = %scan3A_10 to %scan3A_12 step %scan3A_13  : i32 {
      %mul3A_18 = arith.constant 16 : i32
      %mul3A_19 = arith.muli %mul3A_18, %scan3A_17 : i32
      %get3A = arith.constant 0 : i32
      %get3A_20 = arith.index_cast %get3A : i32 to index
      %get3A_21 = arith.index_cast %mul3A_19 : i32 to index
      %get3A_22 = tpu.vector_load %arg8[%get3A_20, %get3A_21] {strides = array<i32>} : memref<16x640xf32, #tpu.memory_space<vmem>>, vector<16xf32>,
      %mul3A_23 = arith.constant 16 : i32
      %mul3A_24 = arith.muli %mul3A_23, %scan3A_17 : i32
      %get3A_25 = arith.constant 1 : i32
      %get3A_26 = arith.index_cast %get3A_25 : i32 to index
      %get3A_27 = arith.index_cast %mul3A_24 : i32 to index
      %get3A_28 = tpu.vector_load %arg8[%get3A_26, %get3A_27] {strides = array<i32>} : memref<16x640xf32, #tpu.memory_space<vmem>>, vector<16xf32>,
      %add3A = arith.addf %get3A_22, %get3A_28 : vector<16xf32>
      %mul3A_29 = arith.constant 16 : i32
      %mul3A_30 = arith.muli %mul3A_29, %scan3A_17 : i32
      %get3A_31 = arith.constant 2 : i32
      %get3A_32 = arith.index_cast %get3A_31 : i32 to index
      %get3A_33 = arith.index_cast %mul3A_30 : i32 to index
      %get3A_34 = tpu.vector_load %arg8[%get3A_32, %get3A_33] {strides = array<i32>} : memref<16x640xf32, #tpu.memory_space<vmem>>, vector<16xf32>,
      %add3A_35 = arith.addf %add3A, %get3A_34 : vector<16xf32>
      %mul3A_36 = arith.constant 16 : i32
      %mul3A_37 = arith.muli %mul3A_36, %scan3A_17 : i32
      %get3A_38 = arith.constant 3 : i32
      %get3A_39 = arith.index_cast %get3A_38 : i32 to index
      %get3A_40 = arith.index_cast %mul3A_37 : i32 to index
      %get3A_41 = tpu.vector_load %arg8[%get3A_39, %get3A_40] {strides = array<i32>} : memref<16x640xf32, #tpu.memory_space<vmem>>, vector<16xf32>,
      %add3A_42 = arith.addf %add3A_35, %get3A_41 : vector<16xf32>
      %mul3A_43 = arith.constant 16 : i32
      %mul3A_44 = arith.muli %mul3A_43, %scan3A_17 : i32
      %get3A_45 = arith.constant 4 : i32
      %get3A_46 = arith.index_cast %get3A_45 : i32 to index
      %get3A_47 = arith.index_cast %mul3A_44 : i32 to index
      %get3A_48 = tpu.vector_load %arg8[%get3A_46, %get3A_47] {strides = array<i32>} : memref<16x640xf32, #tpu.memory_space<vmem>>, vector<16xf32>,
      %add3A_49 = arith.addf %add3A_42, %get3A_48 : vector<16xf32>
      %mul3A_50 = arith.constant 16 : i32
      %mul3A_51 = arith.muli %mul3A_50, %scan3A_17 : i32
      %get3A_52 = arith.constant 5 : i32
      %get3A_53 = arith.index_cast %get3A_52 : i32 to index
      %get3A_54 = arith.index_cast %mul3A_51 : i32 to index
      %get3A_55 = tpu.vector_load %arg8[%get3A_53, %get3A_54] {strides = array<i32>} : memref<16x640xf32, #tpu.memory_space<vmem>>, vector<16xf32>,
      %add3A_56 = arith.addf %add3A_49, %get3A_55 : vector<16xf32>
      %mul3A_57 = arith.constant 16 : i32
      %mul3A_58 = arith.muli %mul3A_57, %scan3A_17 : i32
      %get3A_59 = arith.constant 6 : i32
      %get3A_60 = arith.index_cast %get3A_59 : i32 to index
      %get3A_61 = arith.index_cast %mul3A_58 : i32 to index
      %get3A_62 = tpu.vector_load %arg8[%get3A_60, %get3A_61] {strides = array<i32>} : memref<16x640xf32, #tpu.memory_space<vmem>>, vector<16xf32>,
      %add3A_63 = arith.addf %add3A_56, %get3A_62 : vector<16xf32>
      %mul3A_64 = arith.constant 16 : i32
      %mul3A_65 = arith.muli %mul3A_64, %scan3A_17 : i32
      %get3A_66 = arith.constant 7 : i32
      %get3A_67 = arith.index_cast %get3A_66 : i32 to index
      %get3A_68 = arith.index_cast %mul3A_65 : i32 to index
      %get3A_69 = tpu.vector_load %arg8[%get3A_67, %get3A_68] {strides = array<i32>} : memref<16x640xf32, #tpu.memory_space<vmem>>, vector<16xf32>,
      %add3A_70 = arith.addf %add3A_63, %get3A_69 : vector<16xf32>
      %mul3A_71 = arith.constant 16 : i32
      %mul3A_72 = arith.muli %mul3A_71, %scan3A_17 : i32
      %get3A_73 = arith.constant 8 : i32
      %get3A_74 = arith.index_cast %get3A_73 : i32 to index
      %get3A_75 = arith.index_cast %mul3A_72 : i32 to index
      %get3A_76 = tpu.vector_load %arg8[%get3A_74, %get3A_75] {strides = array<i32>} : memref<16x640xf32, #tpu.memory_space<vmem>>, vector<16xf32>,
      %add3A_77 = arith.addf %add3A_70, %get3A_76 : vector<16xf32>
      %mul3A_78 = arith.constant 16 : i32
      %mul3A_79 = arith.muli %mul3A_78, %scan3A_17 : i32
      %get3A_80 = arith.constant 9 : i32
      %get3A_81 = arith.index_cast %get3A_80 : i32 to index
      %get3A_82 = arith.index_cast %mul3A_79 : i32 to index
      %get3A_83 = tpu.vector_load %arg8[%get3A_81, %get3A_82] {strides = array<i32>} : memref<16x640xf32, #tpu.memory_space<vmem>>, vector<16xf32>,
      %add3A_84 = arith.addf %add3A_77, %get3A_83 : vector<16xf32>
      %mul3A_85 = arith.constant 16 : i32
      %mul3A_86 = arith.muli %mul3A_85, %scan3A_17 : i32
      %get3A_87 = arith.constant 10 : i32
      %get3A_88 = arith.index_cast %get3A_87 : i32 to index
      %get3A_89 = arith.index_cast %mul3A_86 : i32 to index
      %get3A_90 = tpu.vector_load %arg8[%get3A_88, %get3A_89] {strides = array<i32>} : memref<16x640xf32, #tpu.memory_space<vmem>>, vector<16xf32>,
      %add3A_91 = arith.addf %add3A_84, %get3A_90 : vector<16xf32>
      %mul3A_92 = arith.constant 16 : i32
      %mul3A_93 = arith.muli %mul3A_92, %scan3A_17 : i32
      %get3A_94 = arith.constant 11 : i32
      %get3A_95 = arith.index_cast %get3A_94 : i32 to index
      %get3A_96 = arith.index_cast %mul3A_93 : i32 to index
      %get3A_97 = tpu.vector_load %arg8[%get3A_95, %get3A_96] {strides = array<i32>} : memref<16x640xf32, #tpu.memory_space<vmem>>, vector<16xf32>,
      %add3A_98 = arith.addf %add3A_91, %get3A_97 : vector<16xf32>
      %mul3A_99 = arith.constant 16 : i32
      %mul3A_100 = arith.muli %mul3A_99, %scan3A_17 : i32
      %get3A_101 = arith.constant 12 : i32
      %get3A_102 = arith.index_cast %get3A_101 : i32 to index
      %get3A_103 = arith.index_cast %mul3A_100 : i32 to index
      %get3A_104 = tpu.vector_load %arg8[%get3A_102, %get3A_103] {strides = array<i32>} : memref<16x640xf32, #tpu.memory_space<vmem>>, vector<16xf32>,
      %add3A_105 = arith.addf %add3A_98, %get3A_104 : vector<16xf32>
      %mul3A_106 = arith.constant 16 : i32
      %mul3A_107 = arith.muli %mul3A_106, %scan3A_17 : i32
      %get3A_108 = arith.constant 13 : i32
      %get3A_109 = arith.index_cast %get3A_108 : i32 to index
      %get3A_110 = arith.index_cast %mul3A_107 : i32 to index
      %get3A_111 = tpu.vector_load %arg8[%get3A_109, %get3A_110] {strides = array<i32>} : memref<16x640xf32, #tpu.memory_space<vmem>>, vector<16xf32>,
      %add3A_112 = arith.addf %add3A_105, %get3A_111 : vector<16xf32>
      %mul3A_113 = arith.constant 16 : i32
      %mul3A_114 = arith.muli %mul3A_113, %scan3A_17 : i32
      %get3A_115 = arith.constant 14 : i32
      %get3A_116 = arith.index_cast %get3A_115 : i32 to index
      %get3A_117 = arith.index_cast %mul3A_114 : i32 to index
      %get3A_118 = tpu.vector_load %arg8[%get3A_116, %get3A_117] {strides = array<i32>} : memref<16x640xf32, #tpu.memory_space<vmem>>, vector<16xf32>,
      %add3A_119 = arith.addf %add3A_112, %get3A_118 : vector<16xf32>
      %mul3A_120 = arith.constant 16 : i32
      %mul3A_121 = arith.muli %mul3A_120, %scan3A_17 : i32
      %get3A_122 = arith.constant 15 : i32
      %get3A_123 = arith.index_cast %get3A_122 : i32 to index
      %get3A_124 = arith.index_cast %mul3A_121 : i32 to index
      %get3A_125 = tpu.vector_load %arg8[%get3A_123, %get3A_124] {strides = array<i32>} : memref<16x640xf32, #tpu.memory_space<vmem>>, vector<16xf32>,
      %add3A_126 = arith.addf %add3A_119, %get3A_125 : vector<16xf32>
      %mul3A_127 = arith.constant 16 : i32
      %mul3A_128 = arith.muli %mul3A_127, %scan3A_17 : i32
      %swap3A = arith.constant 0 : i32
      %swap3A_129 = arith.index_cast %swap3A : i32 to index
      %swap3A_130 = arith.index_cast %mul3A_128 : i32 to index
      %swap3A_131 = tpu.vector_load %arg8[%swap3A_129, %swap3A_130] {strides = array<i32>} : memref<16x640xf32, #tpu.memory_space<vmem>>, vector<16xf32>,
      tpu.vector_store %arg8[%swap3A_129, %swap3A_130], %add3A_126 {strides = array<i32>} : memref<16x640xf32, #tpu.memory_space<vmem>>, vector<16xf32>,
    }
    %scan3A_14 = arith.constant 40 : i32
    %mul3A_15 = arith.constant 640 : i32
    %mul3A_16 = arith.muli %arg1, %mul3A_15 : i32
    %run_scoped3A = arith.constant 0 : i32
    "tpu.region"() ({
      %run_scoped3A_17 = tpu.sem_alloc : memref<!tpu.dma_semaphore, #tpu.memory_space<semaphore_mem>>
      %dma_start3A = arith.constant 0 : i32
      %dma_start3A_18 = tpu.memref_slice %arg8[%run_scoped3A, %dma_start3A] : memref<16x640xf32, #tpu.memory_space<vmem>> -> memref<1x640xf32, #tpu.memory_space<vmem>>
      %dma_start3A_19 = tpu.memref_squeeze %dma_start3A_18 : memref<1x640xf32, #tpu.memory_space<vmem>> -> memref<640xf32, #tpu.memory_space<vmem>>
      %dma_start3A_20 = tpu.memref_slice %arg4[%arg0, %mul3A_16] : memref<2x10240xf32, #tpu.memory_space<hbm>> -> memref<1x640xf32, #tpu.memory_space<hbm>>
      %dma_start3A_21 = tpu.memref_squeeze %dma_start3A_20 : memref<1x640xf32, #tpu.memory_space<hbm>> -> memref<640xf32, #tpu.memory_space<hbm>>
      %dma_start3A_22 = tpu.memref_slice %arg4[%arg0, %mul3A_16] : memref<2x10240xf32, #tpu.memory_space<hbm>> -> memref<1x640xf32, #tpu.memory_space<hbm>>
      %dma_start3A_23 = tpu.memref_squeeze %dma_start3A_22 : memref<1x640xf32, #tpu.memory_space<hbm>> -> memref<640xf32, #tpu.memory_space<hbm>>
      %dma_start3A_24 = arith.constant 0 : i32
      %dma_start3A_25 = tpu.memref_slice %arg8[%run_scoped3A, %dma_start3A_24] : memref<16x640xf32, #tpu.memory_space<vmem>> -> memref<1x640xf32, #tpu.memory_space<vmem>>
      %dma_start3A_26 = tpu.memref_squeeze %dma_start3A_25 : memref<1x640xf32, #tpu.memory_space<vmem>> -> memref<640xf32, #tpu.memory_space<vmem>>
      tpu.enqueue_dma source(%dma_start3A_26 : memref<640xf32, #tpu.memory_space<vmem>>) target(%dma_start3A_23 : memref<640xf32, #tpu.memory_space<hbm>>) target_semaphore(%run_scoped3A_17 : memref<!tpu.dma_semaphore, #tpu.memory_space<semaphore_mem>>)
      %dma_wait3A = arith.constant 0 : i32
      %dma_wait3A_27 = tpu.memref_slice %arg8[%run_scoped3A, %dma_wait3A] : memref<16x640xf32, #tpu.memory_space<vmem>> -> memref<1x640xf32, #tpu.memory_space<vmem>>
      %dma_wait3A_28 = tpu.memref_squeeze %dma_wait3A_27 : memref<1x640xf32, #tpu.memory_space<vmem>> -> memref<640xf32, #tpu.memory_space<vmem>>
      %dma_wait3A_29 = tpu.memref_slice %arg4[%arg0, %mul3A_16] : memref<2x10240xf32, #tpu.memory_space<hbm>> -> memref<1x640xf32, #tpu.memory_space<hbm>>
      %dma_wait3A_30 = tpu.memref_squeeze %dma_wait3A_29 : memref<1x640xf32, #tpu.memory_space<hbm>> -> memref<640xf32, #tpu.memory_space<hbm>>
      %dma_wait3A_31 = tpu.memref_slice %arg4[%arg0, %mul3A_16] : memref<2x10240xf32, #tpu.memory_space<hbm>> -> memref<1x640xf32, #tpu.memory_space<hbm>>
      %dma_wait3A_32 = tpu.memref_squeeze %dma_wait3A_31 : memref<1x640xf32, #tpu.memory_space<hbm>> -> memref<640xf32, #tpu.memory_space<hbm>>
      %dma_wait3A_33 = arith.constant 0 : i32
      %dma_wait3A_34 = tpu.memref_slice %arg8[%run_scoped3A, %dma_wait3A_33] : memref<16x640xf32, #tpu.memory_space<vmem>> -> memref<1x640xf32, #tpu.memory_space<vmem>>
      %dma_wait3A_35 = tpu.memref_squeeze %dma_wait3A_34 : memref<1x640xf32, #tpu.memory_space<vmem>> -> memref<640xf32, #tpu.memory_space<vmem>>
      tpu.wait_dma2 semaphore(%run_scoped3A_17 : memref<!tpu.dma_semaphore, #tpu.memory_space<semaphore_mem>>) src(%dma_wait3A_35 : memref<640xf32, #tpu.memory_space<vmem>>) dst(%dma_wait3A_32 : memref<640xf32, #tpu.memory_space<hbm>>)
      tpu.yield
    }) : () -> ()
    return
  }
}

#map = affine_map<(d0, d1) -> (0, 0)>
#map1 = affine_map<(d0, d1) -> (0, 0, 0, 0)>
#map2 = affine_map<(d0, d1) -> (0, 0, 0)>
module attributes {stable_mosaic.version = 14 : i64} {
  func.func @scat_kernel(%arg0: i32, %arg1: i32, %arg2: memref<20480x128xf32, #tpu.memory_space<hbm>>, %arg3: memref<2x16x320x64xi32, #tpu.memory_space<hbm>>, %arg4: memref<16x160x128xi32, #tpu.memory_space<hbm>>, %arg5: memref<10240x128xf32, #tpu.memory_space<hbm>>, %arg6: memref<2x10240x128xf32, #tpu.memory_space<hbm>>, %arg7: memref<10240x128xf32, #tpu.memory_space<vmem_shared>>, %arg8: memref<16x64xi32, #tpu.memory_space<vmem>>, %arg9: memref<16x64xi32, #tpu.memory_space<vmem>>, %arg10: memref<8x128xi32, #tpu.memory_space<vmem>>, %arg11: memref<8x128xi32, #tpu.memory_space<vmem>>, %arg12: memref<128x128xf32, #tpu.memory_space<vmem>>, %arg13: memref<128x128xf32, #tpu.memory_space<vmem>>, %arg14: memref<!tpu.dma_semaphore, #tpu.memory_space<semaphore_mem>>, %arg15: memref<!tpu.dma_semaphore, #tpu.memory_space<semaphore_mem>>, %arg16: memref<!tpu.dma_semaphore, #tpu.memory_space<semaphore_mem>>, %arg17: memref<!tpu.dma_semaphore, #tpu.memory_space<semaphore_mem>>) attributes {dimension_semantics = [#tpu.dimension_semantics<core_parallel>, #tpu.dimension_semantics<subcore_parallel>], iteration_bounds = array<i64: 2, 16>, scalar_prefetch = 0 : i64, scratch_operands = 11 : i64, tpu.core_type = #tpu.core_type<sc_vector_subcore>, window_params = [{transform_indices = #map}, {transform_indices = #map1}, {transform_indices = #map2}, {transform_indices = #map}, {transform_indices = #map2}]} {
    %mul3A = arith.constant 640 : i32
    %mul3A_0 = arith.muli %arg1, %mul3A : i32
    %mul3A_1 = arith.constant 640 : i32
    %mul3A_2 = arith.muli %arg1, %mul3A_1 : i32
    "tpu.region"() ({
      %run_scoped3A = tpu.sem_alloc : memref<!tpu.dma_semaphore, #tpu.memory_space<semaphore_mem>>
      %dma_start3A_63 = arith.constant 0 : i32
      %dma_start3A_64 = tpu.memref_slice %arg7[%mul3A_2, %dma_start3A_63] : memref<10240x128xf32, #tpu.memory_space<vmem_shared>> -> memref<640x128xf32, #tpu.memory_space<vmem_shared>>
      %dma_start3A_65 = arith.constant 0 : i32
      %dma_start3A_66 = tpu.memref_slice %arg5[%mul3A_0, %dma_start3A_65] : memref<10240x128xf32, #tpu.memory_space<hbm>> -> memref<640x128xf32, #tpu.memory_space<hbm>>
      tpu.enqueue_dma source(%dma_start3A_66 : memref<640x128xf32, #tpu.memory_space<hbm>>) target(%dma_start3A_64 : memref<640x128xf32, #tpu.memory_space<vmem_shared>>) target_semaphore(%run_scoped3A : memref<!tpu.dma_semaphore, #tpu.memory_space<semaphore_mem>>)
      %dma_wait3A_67 = arith.constant 0 : i32
      %dma_wait3A_68 = tpu.memref_slice %arg7[%mul3A_2, %dma_wait3A_67] : memref<10240x128xf32, #tpu.memory_space<vmem_shared>> -> memref<640x128xf32, #tpu.memory_space<vmem_shared>>
      %dma_wait3A_69 = arith.constant 0 : i32
      %dma_wait3A_70 = tpu.memref_slice %arg5[%mul3A_0, %dma_wait3A_69] : memref<10240x128xf32, #tpu.memory_space<hbm>> -> memref<640x128xf32, #tpu.memory_space<hbm>>
      tpu.wait_dma2 semaphore(%run_scoped3A : memref<!tpu.dma_semaphore, #tpu.memory_space<semaphore_mem>>) src(%dma_wait3A_70 : memref<640x128xf32, #tpu.memory_space<hbm>>) dst(%dma_wait3A_68 : memref<640x128xf32, #tpu.memory_space<vmem_shared>>)
      tpu.yield
    }) : () -> ()
    %barrier3A = arith.constant 0 : index
    tpu.barrier barrier_id(%barrier3A)
    %dma_start3A = arith.constant 0 : i32
    %dma_start3A_3 = arith.constant 0 : i32
    %dma_start3A_4 = tpu.memref_slice %arg3[%arg0, %arg1, %dma_start3A, %dma_start3A_3] : memref<2x16x320x64xi32, #tpu.memory_space<hbm>> -> memref<1x1x16x64xi32, #tpu.memory_space<hbm>>
    %dma_start3A_5 = tpu.memref_squeeze %dma_start3A_4 : memref<1x1x16x64xi32, #tpu.memory_space<hbm>> -> memref<16x64xi32, #tpu.memory_space<hbm>>
    %dma_start3A_6 = arith.constant 0 : i32
    %dma_start3A_7 = arith.constant 0 : i32
    %dma_start3A_8 = tpu.memref_slice %arg3[%arg0, %arg1, %dma_start3A_6, %dma_start3A_7] : memref<2x16x320x64xi32, #tpu.memory_space<hbm>> -> memref<1x1x16x64xi32, #tpu.memory_space<hbm>>
    %dma_start3A_9 = tpu.memref_squeeze %dma_start3A_8 : memref<1x1x16x64xi32, #tpu.memory_space<hbm>> -> memref<16x64xi32, #tpu.memory_space<hbm>>
    tpu.enqueue_dma source(%dma_start3A_9 : memref<16x64xi32, #tpu.memory_space<hbm>>) target(%arg8 : memref<16x64xi32, #tpu.memory_space<vmem>>) target_semaphore(%arg16 : memref<!tpu.dma_semaphore, #tpu.memory_space<semaphore_mem>>)
    %dma_start3A_10 = arith.constant 0 : i32
    %dma_start3A_11 = arith.constant 0 : i32
    %dma_start3A_12 = tpu.memref_slice %arg4[%arg1, %dma_start3A_10, %dma_start3A_11] : memref<16x160x128xi32, #tpu.memory_space<hbm>> -> memref<1x8x128xi32, #tpu.memory_space<hbm>>
    %dma_start3A_13 = tpu.memref_squeeze %dma_start3A_12 : memref<1x8x128xi32, #tpu.memory_space<hbm>> -> memref<8x128xi32, #tpu.memory_space<hbm>>
    %dma_start3A_14 = arith.constant 0 : i32
    %dma_start3A_15 = arith.constant 0 : i32
    %dma_start3A_16 = tpu.memref_slice %arg4[%arg1, %dma_start3A_14, %dma_start3A_15] : memref<16x160x128xi32, #tpu.memory_space<hbm>> -> memref<1x8x128xi32, #tpu.memory_space<hbm>>
    %dma_start3A_17 = tpu.memref_squeeze %dma_start3A_16 : memref<1x8x128xi32, #tpu.memory_space<hbm>> -> memref<8x128xi32, #tpu.memory_space<hbm>>
    tpu.enqueue_dma source(%dma_start3A_17 : memref<8x128xi32, #tpu.memory_space<hbm>>) target(%arg10 : memref<8x128xi32, #tpu.memory_space<vmem>>) target_semaphore(%arg16 : memref<!tpu.dma_semaphore, #tpu.memory_space<semaphore_mem>>)
    %dma_wait3A = arith.constant 0 : i32
    %dma_wait3A_18 = arith.constant 0 : i32
    %dma_wait3A_19 = tpu.memref_slice %arg3[%arg0, %arg1, %dma_wait3A, %dma_wait3A_18] : memref<2x16x320x64xi32, #tpu.memory_space<hbm>> -> memref<1x1x16x64xi32, #tpu.memory_space<hbm>>
    %dma_wait3A_20 = tpu.memref_squeeze %dma_wait3A_19 : memref<1x1x16x64xi32, #tpu.memory_space<hbm>> -> memref<16x64xi32, #tpu.memory_space<hbm>>
    %dma_wait3A_21 = arith.constant 0 : i32
    %dma_wait3A_22 = arith.constant 0 : i32
    %dma_wait3A_23 = tpu.memref_slice %arg3[%arg0, %arg1, %dma_wait3A_21, %dma_wait3A_22] : memref<2x16x320x64xi32, #tpu.memory_space<hbm>> -> memref<1x1x16x64xi32, #tpu.memory_space<hbm>>
    %dma_wait3A_24 = tpu.memref_squeeze %dma_wait3A_23 : memref<1x1x16x64xi32, #tpu.memory_space<hbm>> -> memref<16x64xi32, #tpu.memory_space<hbm>>
    tpu.wait_dma2 semaphore(%arg16 : memref<!tpu.dma_semaphore, #tpu.memory_space<semaphore_mem>>) src(%dma_wait3A_24 : memref<16x64xi32, #tpu.memory_space<hbm>>) dst(%arg8 : memref<16x64xi32, #tpu.memory_space<vmem>>)
    %dma_wait3A_25 = arith.constant 0 : i32
    %dma_wait3A_26 = arith.constant 0 : i32
    %dma_wait3A_27 = tpu.memref_slice %arg4[%arg1, %dma_wait3A_25, %dma_wait3A_26] : memref<16x160x128xi32, #tpu.memory_space<hbm>> -> memref<1x8x128xi32, #tpu.memory_space<hbm>>
    %dma_wait3A_28 = tpu.memref_squeeze %dma_wait3A_27 : memref<1x8x128xi32, #tpu.memory_space<hbm>> -> memref<8x128xi32, #tpu.memory_space<hbm>>
    %dma_wait3A_29 = arith.constant 0 : i32
    %dma_wait3A_30 = arith.constant 0 : i32
    %dma_wait3A_31 = tpu.memref_slice %arg4[%arg1, %dma_wait3A_29, %dma_wait3A_30] : memref<16x160x128xi32, #tpu.memory_space<hbm>> -> memref<1x8x128xi32, #tpu.memory_space<hbm>>
    %dma_wait3A_32 = tpu.memref_squeeze %dma_wait3A_31 : memref<1x8x128xi32, #tpu.memory_space<hbm>> -> memref<8x128xi32, #tpu.memory_space<hbm>>
    tpu.wait_dma2 semaphore(%arg16 : memref<!tpu.dma_semaphore, #tpu.memory_space<semaphore_mem>>) src(%dma_wait3A_32 : memref<8x128xi32, #tpu.memory_space<hbm>>) dst(%arg10 : memref<8x128xi32, #tpu.memory_space<vmem>>)
    %dma_start3A_33 = arith.constant 0 : i32
    %dma_start3A_34 = arith.constant 0 : i32
    %dma_start3A_35 = arith.constant 0 : i32
    %dma_start3A_36 = tpu.memref_slice %arg12[%dma_start3A_34, %dma_start3A_35] : memref<128x128xf32, #tpu.memory_space<vmem>> -> memref<64x128xf32, #tpu.memory_space<vmem>>
    %dma_start3A_37 = arith.constant 0 : i32
    %dma_start3A_38 = tpu.memref_slice %arg8[%dma_start3A_33, %dma_start3A_37] : memref<16x64xi32, #tpu.memory_space<vmem>> -> memref<1x64xi32, #tpu.memory_space<vmem>>
    %dma_start3A_39 = tpu.memref_squeeze %dma_start3A_38 : memref<1x64xi32, #tpu.memory_space<vmem>> -> memref<64xi32, #tpu.memory_space<vmem>>
    %dma_start3A_40 = arith.constant 0 : i32
    %dma_start3A_41 = arith.constant 0 : i32
    %dma_start3A_42 = tpu.memref_slice %arg2[%dma_start3A_40, %dma_start3A_41] : memref<20480x128xf32, #tpu.memory_space<hbm>> -> memref<20480x128xf32, #tpu.memory_space<hbm>>
    tpu.enqueue_indirect_dma source(%dma_start3A_42 : memref<20480x128xf32, #tpu.memory_space<hbm>>) target(%dma_start3A_36 : memref<64x128xf32, #tpu.memory_space<vmem>>) offsets(%dma_start3A_39 : memref<64xi32, #tpu.memory_space<vmem>>) semaphore(%arg14 : memref<!tpu.dma_semaphore, #tpu.memory_space<semaphore_mem>>)
    %dma_start3A_43 = arith.constant 1 : i32
    %dma_start3A_44 = arith.constant 64 : i32
    %dma_start3A_45 = arith.constant 0 : i32
    %dma_start3A_46 = tpu.memref_slice %arg12[%dma_start3A_44, %dma_start3A_45] : memref<128x128xf32, #tpu.memory_space<vmem>> -> memref<64x128xf32, #tpu.memory_space<vmem>>
    %dma_start3A_47 = arith.constant 0 : i32
    %dma_start3A_48 = tpu.memref_slice %arg8[%dma_start3A_43, %dma_start3A_47] : memref<16x64xi32, #tpu.memory_space<vmem>> -> memref<1x64xi32, #tpu.memory_space<vmem>>
    %dma_start3A_49 = tpu.memref_squeeze %dma_start3A_48 : memref<1x64xi32, #tpu.memory_space<vmem>> -> memref<64xi32, #tpu.memory_space<vmem>>
    %dma_start3A_50 = arith.constant 0 : i32
    %dma_start3A_51 = arith.constant 0 : i32
    %dma_start3A_52 = tpu.memref_slice %arg2[%dma_start3A_50, %dma_start3A_51] : memref<20480x128xf32, #tpu.memory_space<hbm>> -> memref<20480x128xf32, #tpu.memory_space<hbm>>
    tpu.enqueue_indirect_dma source(%dma_start3A_52 : memref<20480x128xf32, #tpu.memory_space<hbm>>) target(%dma_start3A_46 : memref<64x128xf32, #tpu.memory_space<vmem>>) offsets(%dma_start3A_49 : memref<64xi32, #tpu.memory_space<vmem>>) semaphore(%arg14 : memref<!tpu.dma_semaphore, #tpu.memory_space<semaphore_mem>>)
    %scan3A = arith.constant 0 : i32
    %scan3A_53 = arith.constant 0 : i32
    %scan3A_54 = arith.constant 10 : i32
    %scan3A_55 = arith.addi %scan3A_53, %scan3A_54 : i32
    %scan3A_56 = arith.constant 1 : i32
    scf.for %scan3A_63 = %scan3A_53 to %scan3A_55 step %scan3A_56  : i32 {
      %mul3A_64 = arith.constant 2 : i32
      %mul3A_65 = arith.muli %mul3A_64, %scan3A_63 : i32
      %add3A = arith.constant 1 : i32
      %add3A_66 = arith.addi %mul3A_65, %add3A : i32
      %mul3A_67 = arith.constant 2 : i32
      %mul3A_68 = arith.muli %mul3A_67, %add3A_66 : i32
      %mul3A_69 = arith.constant 8 : i32
      %mul3A_70 = arith.muli %mul3A_68, %mul3A_69 : i32
      %dma_start3A_71 = arith.constant 0 : i32
      %dma_start3A_72 = tpu.memref_slice %arg3[%arg0, %arg1, %mul3A_70, %dma_start3A_71] : memref<2x16x320x64xi32, #tpu.memory_space<hbm>> -> memref<1x1x16x64xi32, #tpu.memory_space<hbm>>
      %dma_start3A_73 = tpu.memref_squeeze %dma_start3A_72 : memref<1x1x16x64xi32, #tpu.memory_space<hbm>> -> memref<16x64xi32, #tpu.memory_space<hbm>>
      %dma_start3A_74 = arith.constant 0 : i32
      %dma_start3A_75 = tpu.memref_slice %arg3[%arg0, %arg1, %mul3A_70, %dma_start3A_74] : memref<2x16x320x64xi32, #tpu.memory_space<hbm>> -> memref<1x1x16x64xi32, #tpu.memory_space<hbm>>
      %dma_start3A_76 = tpu.memref_squeeze %dma_start3A_75 : memref<1x1x16x64xi32, #tpu.memory_space<hbm>> -> memref<16x64xi32, #tpu.memory_space<hbm>>
      tpu.enqueue_dma source(%dma_start3A_76 : memref<16x64xi32, #tpu.memory_space<hbm>>) target(%arg9 : memref<16x64xi32, #tpu.memory_space<vmem>>) target_semaphore(%arg17 : memref<!tpu.dma_semaphore, #tpu.memory_space<semaphore_mem>>)
      %mul3A_77 = arith.constant 8 : i32
      %mul3A_78 = arith.muli %add3A_66, %mul3A_77 : i32
      %dma_start3A_79 = arith.constant 0 : i32
      %dma_start3A_80 = tpu.memref_slice %arg4[%arg1, %mul3A_78, %dma_start3A_79] : memref<16x160x128xi32, #tpu.memory_space<hbm>> -> memref<1x8x128xi32, #tpu.memory_space<hbm>>
      %dma_start3A_81 = tpu.memref_squeeze %dma_start3A_80 : memref<1x8x128xi32, #tpu.memory_space<hbm>> -> memref<8x128xi32, #tpu.memory_space<hbm>>
      %dma_start3A_82 = arith.constant 0 : i32
      %dma_start3A_83 = tpu.memref_slice %arg4[%arg1, %mul3A_78, %dma_start3A_82] : memref<16x160x128xi32, #tpu.memory_space<hbm>> -> memref<1x8x128xi32, #tpu.memory_space<hbm>>
      %dma_start3A_84 = tpu.memref_squeeze %dma_start3A_83 : memref<1x8x128xi32, #tpu.memory_space<hbm>> -> memref<8x128xi32, #tpu.memory_space<hbm>>
      tpu.enqueue_dma source(%dma_start3A_84 : memref<8x128xi32, #tpu.memory_space<hbm>>) target(%arg11 : memref<8x128xi32, #tpu.memory_space<vmem>>) target_semaphore(%arg17 : memref<!tpu.dma_semaphore, #tpu.memory_space<semaphore_mem>>)
      %dma_start3A_85 = arith.constant 2 : i32
      %dma_start3A_86 = arith.constant 0 : i32
      %dma_start3A_87 = arith.constant 0 : i32
      %dma_start3A_88 = tpu.memref_slice %arg13[%dma_start3A_86, %dma_start3A_87] : memref<128x128xf32, #tpu.memory_space<vmem>> -> memref<64x128xf32, #tpu.memory_space<vmem>>
      %dma_start3A_89 = arith.constant 0 : i32
      %dma_start3A_90 = tpu.memref_slice %arg8[%dma_start3A_85, %dma_start3A_89] : memref<16x64xi32, #tpu.memory_space<vmem>> -> memref<1x64xi32, #tpu.memory_space<vmem>>
      %dma_start3A_91 = tpu.memref_squeeze %dma_start3A_90 : memref<1x64xi32, #tpu.memory_space<vmem>> -> memref<64xi32, #tpu.memory_space<vmem>>
      %dma_start3A_92 = arith.constant 0 : i32
      %dma_start3A_93 = arith.constant 0 : i32
      %dma_start3A_94 = tpu.memref_slice %arg2[%dma_start3A_92, %dma_start3A_93] : memref<20480x128xf32, #tpu.memory_space<hbm>> -> memref<20480x128xf32, #tpu.memory_space<hbm>>
      tpu.enqueue_indirect_dma source(%dma_start3A_94 : memref<20480x128xf32, #tpu.memory_space<hbm>>) target(%dma_start3A_88 : memref<64x128xf32, #tpu.memory_space<vmem>>) offsets(%dma_start3A_91 : memref<64xi32, #tpu.memory_space<vmem>>) semaphore(%arg15 : memref<!tpu.dma_semaphore, #tpu.memory_space<semaphore_mem>>)
      %dma_start3A_95 = arith.constant 3 : i32
      %dma_start3A_96 = arith.constant 64 : i32
      %dma_start3A_97 = arith.constant 0 : i32
      %dma_start3A_98 = tpu.memref_slice %arg13[%dma_start3A_96, %dma_start3A_97] : memref<128x128xf32, #tpu.memory_space<vmem>> -> memref<64x128xf32, #tpu.memory_space<vmem>>
      %dma_start3A_99 = arith.constant 0 : i32
      %dma_start3A_100 = tpu.memref_slice %arg8[%dma_start3A_95, %dma_start3A_99] : memref<16x64xi32, #tpu.memory_space<vmem>> -> memref<1x64xi32, #tpu.memory_space<vmem>>
      %dma_start3A_101 = tpu.memref_squeeze %dma_start3A_100 : memref<1x64xi32, #tpu.memory_space<vmem>> -> memref<64xi32, #tpu.memory_space<vmem>>
      %dma_start3A_102 = arith.constant 0 : i32
      %dma_start3A_103 = arith.constant 0 : i32
      %dma_start3A_104 = tpu.memref_slice %arg2[%dma_start3A_102, %dma_start3A_103] : memref<20480x128xf32, #tpu.memory_space<hbm>> -> memref<20480x128xf32, #tpu.memory_space<hbm>>
      tpu.enqueue_indirect_dma source(%dma_start3A_104 : memref<20480x128xf32, #tpu.memory_space<hbm>>) target(%dma_start3A_98 : memref<64x128xf32, #tpu.memory_space<vmem>>) offsets(%dma_start3A_101 : memref<64xi32, #tpu.memory_space<vmem>>) semaphore(%arg15 : memref<!tpu.dma_semaphore, #tpu.memory_space<semaphore_mem>>)
      %dma_wait3A_105 = arith.constant 0 : i32
      %dma_wait3A_106 = arith.constant 0 : i32
      %dma_wait3A_107 = arith.constant 0 : i32
      %dma_wait3A_108 = tpu.memref_slice %arg12[%dma_wait3A_106, %dma_wait3A_107] : memref<128x128xf32, #tpu.memory_space<vmem>> -> memref<64x128xf32, #tpu.memory_space<vmem>>
      %dma_wait3A_109 = arith.constant 0 : i32
      %dma_wait3A_110 = tpu.memref_slice %arg8[%dma_wait3A_105, %dma_wait3A_109] : memref<16x64xi32, #tpu.memory_space<vmem>> -> memref<1x64xi32, #tpu.memory_space<vmem>>
      %dma_wait3A_111 = tpu.memref_squeeze %dma_wait3A_110 : memref<1x64xi32, #tpu.memory_space<vmem>> -> memref<64xi32, #tpu.memory_space<vmem>>
      %dma_wait3A_112 = arith.constant 0 : i32
      %dma_wait3A_113 = arith.constant 0 : i32
      %dma_wait3A_114 = tpu.memref_slice %arg2[%dma_wait3A_112, %dma_wait3A_113] : memref<20480x128xf32, #tpu.memory_space<hbm>> -> memref<20480x128xf32, #tpu.memory_space<hbm>>
      tpu.wait_indirect_dma semaphore(%arg14 : memref<!tpu.dma_semaphore, #tpu.memory_space<semaphore_mem>>) src(%dma_wait3A_114 : memref<20480x128xf32, #tpu.memory_space<hbm>>) dst(%dma_wait3A_108 : memref<64x128xf32, #tpu.memory_space<vmem>>)
      %dma_wait3A_115 = arith.constant 0 : i32
      %dma_wait3A_116 = arith.constant 64 : i32
      %dma_wait3A_117 = arith.constant 0 : i32
      %dma_wait3A_118 = tpu.memref_slice %arg12[%dma_wait3A_116, %dma_wait3A_117] : memref<128x128xf32, #tpu.memory_space<vmem>> -> memref<64x128xf32, #tpu.memory_space<vmem>>
      %dma_wait3A_119 = arith.constant 0 : i32
      %dma_wait3A_120 = tpu.memref_slice %arg8[%dma_wait3A_115, %dma_wait3A_119] : memref<16x64xi32, #tpu.memory_space<vmem>> -> memref<1x64xi32, #tpu.memory_space<vmem>>
      %dma_wait3A_121 = tpu.memref_squeeze %dma_wait3A_120 : memref<1x64xi32, #tpu.memory_space<vmem>> -> memref<64xi32, #tpu.memory_space<vmem>>
      %dma_wait3A_122 = arith.constant 0 : i32
      %dma_wait3A_123 = arith.constant 0 : i32
      %dma_wait3A_124 = tpu.memref_slice %arg2[%dma_wait3A_122, %dma_wait3A_123] : memref<20480x128xf32, #tpu.memory_space<hbm>> -> memref<20480x128xf32, #tpu.memory_space<hbm>>
      tpu.wait_indirect_dma semaphore(%arg14 : memref<!tpu.dma_semaphore, #tpu.memory_space<semaphore_mem>>) src(%dma_wait3A_124 : memref<20480x128xf32, #tpu.memory_space<hbm>>) dst(%dma_wait3A_118 : memref<64x128xf32, #tpu.memory_space<vmem>>)
      %run_scoped3A = arith.constant 0 : i32
      "tpu.region"() ({
        %run_scoped3A_749 = tpu.sem_alloc : memref<!tpu.dma_semaphore, #tpu.memory_space<semaphore_mem>>
        %dma_start3A_750 = arith.constant 0 : i32
        %dma_start3A_751 = tpu.memref_slice %arg10[%run_scoped3A, %dma_start3A_750] : memref<8x128xi32, #tpu.memory_space<vmem>> -> memref<1x128xi32, #tpu.memory_space<vmem>>
        %dma_start3A_752 = tpu.memref_squeeze %dma_start3A_751 : memref<1x128xi32, #tpu.memory_space<vmem>> -> memref<128xi32, #tpu.memory_space<vmem>>
        %dma_start3A_753 = arith.constant 0 : i32
        %dma_start3A_754 = arith.constant 0 : i32
        %dma_start3A_755 = tpu.memref_slice %arg7[%dma_start3A_753, %dma_start3A_754] : memref<10240x128xf32, #tpu.memory_space<vmem_shared>> -> memref<10240x128xf32, #tpu.memory_space<vmem_shared>>
        tpu.enqueue_indirect_dma source(%arg12 : memref<128x128xf32, #tpu.memory_space<vmem>>) target(%dma_start3A_755 : memref<10240x128xf32, #tpu.memory_space<vmem_shared>>) offsets(%dma_start3A_752 : memref<128xi32, #tpu.memory_space<vmem>>) semaphore(%run_scoped3A_749 : memref<!tpu.dma_semaphore, #tpu.memory_space<semaphore_mem>>) {add = true}
        %dma_wait3A_756 = arith.constant 0 : i32
        %dma_wait3A_757 = tpu.memref_slice %arg10[%run_scoped3A, %dma_wait3A_756] : memref<8x128xi32, #tpu.memory_space<vmem>> -> memref<1x128xi32, #tpu.memory_space<vmem>>
        %dma_wait3A_758 = tpu.memref_squeeze %dma_wait3A_757 : memref<1x128xi32, #tpu.memory_space<vmem>> -> memref<128xi32, #tpu.memory_space<vmem>>
        %dma_wait3A_759 = arith.constant 0 : i32
        %dma_wait3A_760 = arith.constant 0 : i32
        %dma_wait3A_761 = tpu.memref_slice %arg7[%dma_wait3A_759, %dma_wait3A_760] : memref<10240x128xf32, #tpu.memory_space<vmem_shared>> -> memref<10240x128xf32, #tpu.memory_space<vmem_shared>>
        tpu.wait_indirect_dma semaphore(%run_scoped3A_749 : memref<!tpu.dma_semaphore, #tpu.memory_space<semaphore_mem>>) src(%arg12 : memref<128x128xf32, #tpu.memory_space<vmem>>) dst(%dma_wait3A_761 : memref<10240x128xf32, #tpu.memory_space<vmem_shared>>)
        tpu.yield
      }) : () -> ()
      %dma_start3A_125 = arith.constant 4 : i32
      %dma_start3A_126 = arith.constant 0 : i32
      %dma_start3A_127 = arith.constant 0 : i32
      %dma_start3A_128 = tpu.memref_slice %arg12[%dma_start3A_126, %dma_start3A_127] : memref<128x128xf32, #tpu.memory_space<vmem>> -> memref<64x128xf32, #tpu.memory_space<vmem>>
      %dma_start3A_129 = arith.constant 0 : i32
      %dma_start3A_130 = tpu.memref_slice %arg8[%dma_start3A_125, %dma_start3A_129] : memref<16x64xi32, #tpu.memory_space<vmem>> -> memref<1x64xi32, #tpu.memory_space<vmem>>
      %dma_start3A_131 = tpu.memref_squeeze %dma_start3A_130 : memref<1x64xi32, #tpu.memory_space<vmem>> -> memref<64xi32, #tpu.memory_space<vmem>>
      %dma_start3A_132 = arith.constant 0 : i32
      %dma_start3A_133 = arith.constant 0 : i32
      %dma_start3A_134 = tpu.memref_slice %arg2[%dma_start3A_132, %dma_start3A_133] : memref<20480x128xf32, #tpu.memory_space<hbm>> -> memref<20480x128xf32, #tpu.memory_space<hbm>>
      tpu.enqueue_indirect_dma source(%dma_start3A_134 : memref<20480x128xf32, #tpu.memory_space<hbm>>) target(%dma_start3A_128 : memref<64x128xf32, #tpu.memory_space<vmem>>) offsets(%dma_start3A_131 : memref<64xi32, #tpu.memory_space<vmem>>) semaphore(%arg14 : memref<!tpu.dma_semaphore, #tpu.memory_space<semaphore_mem>>)
      %dma_start3A_135 = arith.constant 5 : i32
      %dma_start3A_136 = arith.constant 64 : i32
      %dma_start3A_137 = arith.constant 0 : i32
      %dma_start3A_138 = tpu.memref_slice %arg12[%dma_start3A_136, %dma_start3A_137] : memref<128x128xf32, #tpu.memory_space<vmem>> -> memref<64x128xf32, #tpu.memory_space<vmem>>
      %dma_start3A_139 = arith.constant 0 : i32
      %dma_start3A_140 = tpu.memref_slice %arg8[%dma_start3A_135, %dma_start3A_139] : memref<16x64xi32, #tpu.memory_space<vmem>> -> memref<1x64xi32, #tpu.memory_space<vmem>>
      %dma_start3A_141 = tpu.memref_squeeze %dma_start3A_140 : memref<1x64xi32, #tpu.memory_space<vmem>> -> memref<64xi32, #tpu.memory_space<vmem>>
      %dma_start3A_142 = arith.constant 0 : i32
      %dma_start3A_143 = arith.constant 0 : i32
      %dma_start3A_144 = tpu.memref_slice %arg2[%dma_start3A_142, %dma_start3A_143] : memref<20480x128xf32, #tpu.memory_space<hbm>> -> memref<20480x128xf32, #tpu.memory_space<hbm>>
      tpu.enqueue_indirect_dma source(%dma_start3A_144 : memref<20480x128xf32, #tpu.memory_space<hbm>>) target(%dma_start3A_138 : memref<64x128xf32, #tpu.memory_space<vmem>>) offsets(%dma_start3A_141 : memref<64xi32, #tpu.memory_space<vmem>>) semaphore(%arg14 : memref<!tpu.dma_semaphore, #tpu.memory_space<semaphore_mem>>)
      %dma_wait3A_145 = arith.constant 0 : i32
      %dma_wait3A_146 = arith.constant 0 : i32
      %dma_wait3A_147 = arith.constant 0 : i32
      %dma_wait3A_148 = tpu.memref_slice %arg13[%dma_wait3A_146, %dma_wait3A_147] : memref<128x128xf32, #tpu.memory_space<vmem>> -> memref<64x128xf32, #tpu.memory_space<vmem>>
      %dma_wait3A_149 = arith.constant 0 : i32
      %dma_wait3A_150 = tpu.memref_slice %arg8[%dma_wait3A_145, %dma_wait3A_149] : memref<16x64xi32, #tpu.memory_space<vmem>> -> memref<1x64xi32, #tpu.memory_space<vmem>>
      %dma_wait3A_151 = tpu.memref_squeeze %dma_wait3A_150 : memref<1x64xi32, #tpu.memory_space<vmem>> -> memref<64xi32, #tpu.memory_space<vmem>>
      %dma_wait3A_152 = arith.constant 0 : i32
      %dma_wait3A_153 = arith.constant 0 : i32
      %dma_wait3A_154 = tpu.memref_slice %arg2[%dma_wait3A_152, %dma_wait3A_153] : memref<20480x128xf32, #tpu.memory_space<hbm>> -> memref<20480x128xf32, #tpu.memory_space<hbm>>
      tpu.wait_indirect_dma semaphore(%arg15 : memref<!tpu.dma_semaphore, #tpu.memory_space<semaphore_mem>>) src(%dma_wait3A_154 : memref<20480x128xf32, #tpu.memory_space<hbm>>) dst(%dma_wait3A_148 : memref<64x128xf32, #tpu.memory_space<vmem>>)
      %dma_wait3A_155 = arith.constant 0 : i32
      %dma_wait3A_156 = arith.constant 64 : i32
      %dma_wait3A_157 = arith.constant 0 : i32
      %dma_wait3A_158 = tpu.memref_slice %arg13[%dma_wait3A_156, %dma_wait3A_157] : memref<128x128xf32, #tpu.memory_space<vmem>> -> memref<64x128xf32, #tpu.memory_space<vmem>>
      %dma_wait3A_159 = arith.constant 0 : i32
      %dma_wait3A_160 = tpu.memref_slice %arg8[%dma_wait3A_155, %dma_wait3A_159] : memref<16x64xi32, #tpu.memory_space<vmem>> -> memref<1x64xi32, #tpu.memory_space<vmem>>
      %dma_wait3A_161 = tpu.memref_squeeze %dma_wait3A_160 : memref<1x64xi32, #tpu.memory_space<vmem>> -> memref<64xi32, #tpu.memory_space<vmem>>
      %dma_wait3A_162 = arith.constant 0 : i32
      %dma_wait3A_163 = arith.constant 0 : i32
      %dma_wait3A_164 = tpu.memref_slice %arg2[%dma_wait3A_162, %dma_wait3A_163] : memref<20480x128xf32, #tpu.memory_space<hbm>> -> memref<20480x128xf32, #tpu.memory_space<hbm>>
      tpu.wait_indirect_dma semaphore(%arg15 : memref<!tpu.dma_semaphore, #tpu.memory_space<semaphore_mem>>) src(%dma_wait3A_164 : memref<20480x128xf32, #tpu.memory_space<hbm>>) dst(%dma_wait3A_158 : memref<64x128xf32, #tpu.memory_space<vmem>>)
      %run_scoped3A_165 = arith.constant 1 : i32
      "tpu.region"() ({
        %run_scoped3A_749 = tpu.sem_alloc : memref<!tpu.dma_semaphore, #tpu.memory_space<semaphore_mem>>
        %dma_start3A_750 = arith.constant 0 : i32
        %dma_start3A_751 = tpu.memref_slice %arg10[%run_scoped3A_165, %dma_start3A_750] : memref<8x128xi32, #tpu.memory_space<vmem>> -> memref<1x128xi32, #tpu.memory_space<vmem>>
        %dma_start3A_752 = tpu.memref_squeeze %dma_start3A_751 : memref<1x128xi32, #tpu.memory_space<vmem>> -> memref<128xi32, #tpu.memory_space<vmem>>
        %dma_start3A_753 = arith.constant 0 : i32
        %dma_start3A_754 = arith.constant 0 : i32
        %dma_start3A_755 = tpu.memref_slice %arg7[%dma_start3A_753, %dma_start3A_754] : memref<10240x128xf32, #tpu.memory_space<vmem_shared>> -> memref<10240x128xf32, #tpu.memory_space<vmem_shared>>
        tpu.enqueue_indirect_dma source(%arg13 : memref<128x128xf32, #tpu.memory_space<vmem>>) target(%dma_start3A_755 : memref<10240x128xf32, #tpu.memory_space<vmem_shared>>) offsets(%dma_start3A_752 : memref<128xi32, #tpu.memory_space<vmem>>) semaphore(%run_scoped3A_749 : memref<!tpu.dma_semaphore, #tpu.memory_space<semaphore_mem>>) {add = true}
        %dma_wait3A_756 = arith.constant 0 : i32
        %dma_wait3A_757 = tpu.memref_slice %arg10[%run_scoped3A_165, %dma_wait3A_756] : memref<8x128xi32, #tpu.memory_space<vmem>> -> memref<1x128xi32, #tpu.memory_space<vmem>>
        %dma_wait3A_758 = tpu.memref_squeeze %dma_wait3A_757 : memref<1x128xi32, #tpu.memory_space<vmem>> -> memref<128xi32, #tpu.memory_space<vmem>>
        %dma_wait3A_759 = arith.constant 0 : i32
        %dma_wait3A_760 = arith.constant 0 : i32
        %dma_wait3A_761 = tpu.memref_slice %arg7[%dma_wait3A_759, %dma_wait3A_760] : memref<10240x128xf32, #tpu.memory_space<vmem_shared>> -> memref<10240x128xf32, #tpu.memory_space<vmem_shared>>
        tpu.wait_indirect_dma semaphore(%run_scoped3A_749 : memref<!tpu.dma_semaphore, #tpu.memory_space<semaphore_mem>>) src(%arg13 : memref<128x128xf32, #tpu.memory_space<vmem>>) dst(%dma_wait3A_761 : memref<10240x128xf32, #tpu.memory_space<vmem_shared>>)
        tpu.yield
      }) : () -> ()
      %dma_start3A_166 = arith.constant 6 : i32
      %dma_start3A_167 = arith.constant 0 : i32
      %dma_start3A_168 = arith.constant 0 : i32
      %dma_start3A_169 = tpu.memref_slice %arg13[%dma_start3A_167, %dma_start3A_168] : memref<128x128xf32, #tpu.memory_space<vmem>> -> memref<64x128xf32, #tpu.memory_space<vmem>>
      %dma_start3A_170 = arith.constant 0 : i32
      %dma_start3A_171 = tpu.memref_slice %arg8[%dma_start3A_166, %dma_start3A_170] : memref<16x64xi32, #tpu.memory_space<vmem>> -> memref<1x64xi32, #tpu.memory_space<vmem>>
      %dma_start3A_172 = tpu.memref_squeeze %dma_start3A_171 : memref<1x64xi32, #tpu.memory_space<vmem>> -> memref<64xi32, #tpu.memory_space<vmem>>
      %dma_start3A_173 = arith.constant 0 : i32
      %dma_start3A_174 = arith.constant 0 : i32
      %dma_start3A_175 = tpu.memref_slice %arg2[%dma_start3A_173, %dma_start3A_174] : memref<20480x128xf32, #tpu.memory_space<hbm>> -> memref<20480x128xf32, #tpu.memory_space<hbm>>
      tpu.enqueue_indirect_dma source(%dma_start3A_175 : memref<20480x128xf32, #tpu.memory_space<hbm>>) target(%dma_start3A_169 : memref<64x128xf32, #tpu.memory_space<vmem>>) offsets(%dma_start3A_172 : memref<64xi32, #tpu.memory_space<vmem>>) semaphore(%arg15 : memref<!tpu.dma_semaphore, #tpu.memory_space<semaphore_mem>>)
      %dma_start3A_176 = arith.constant 7 : i32
      %dma_start3A_177 = arith.constant 64 : i32
      %dma_start3A_178 = arith.constant 0 : i32
      %dma_start3A_179 = tpu.memref_slice %arg13[%dma_start3A_177, %dma_start3A_178] : memref<128x128xf32, #tpu.memory_space<vmem>> -> memref<64x128xf32, #tpu.memory_space<vmem>>
      %dma_start3A_180 = arith.constant 0 : i32
      %dma_start3A_181 = tpu.memref_slice %arg8[%dma_start3A_176, %dma_start3A_180] : memref<16x64xi32, #tpu.memory_space<vmem>> -> memref<1x64xi32, #tpu.memory_space<vmem>>
      %dma_start3A_182 = tpu.memref_squeeze %dma_start3A_181 : memref<1x64xi32, #tpu.memory_space<vmem>> -> memref<64xi32, #tpu.memory_space<vmem>>
      %dma_start3A_183 = arith.constant 0 : i32
      %dma_start3A_184 = arith.constant 0 : i32
      %dma_start3A_185 = tpu.memref_slice %arg2[%dma_start3A_183, %dma_start3A_184] : memref<20480x128xf32, #tpu.memory_space<hbm>> -> memref<20480x128xf32, #tpu.memory_space<hbm>>
      tpu.enqueue_indirect_dma source(%dma_start3A_185 : memref<20480x128xf32, #tpu.memory_space<hbm>>) target(%dma_start3A_179 : memref<64x128xf32, #tpu.memory_space<vmem>>) offsets(%dma_start3A_182 : memref<64xi32, #tpu.memory_space<vmem>>) semaphore(%arg15 : memref<!tpu.dma_semaphore, #tpu.memory_space<semaphore_mem>>)
      %dma_wait3A_186 = arith.constant 0 : i32
      %dma_wait3A_187 = arith.constant 0 : i32
      %dma_wait3A_188 = arith.constant 0 : i32
      %dma_wait3A_189 = tpu.memref_slice %arg12[%dma_wait3A_187, %dma_wait3A_188] : memref<128x128xf32, #tpu.memory_space<vmem>> -> memref<64x128xf32, #tpu.memory_space<vmem>>
      %dma_wait3A_190 = arith.constant 0 : i32
      %dma_wait3A_191 = tpu.memref_slice %arg8[%dma_wait3A_186, %dma_wait3A_190] : memref<16x64xi32, #tpu.memory_space<vmem>> -> memref<1x64xi32, #tpu.memory_space<vmem>>
      %dma_wait3A_192 = tpu.memref_squeeze %dma_wait3A_191 : memref<1x64xi32, #tpu.memory_space<vmem>> -> memref<64xi32, #tpu.memory_space<vmem>>
      %dma_wait3A_193 = arith.constant 0 : i32
      %dma_wait3A_194 = arith.constant 0 : i32
      %dma_wait3A_195 = tpu.memref_slice %arg2[%dma_wait3A_193, %dma_wait3A_194] : memref<20480x128xf32, #tpu.memory_space<hbm>> -> memref<20480x128xf32, #tpu.memory_space<hbm>>
      tpu.wait_indirect_dma semaphore(%arg14 : memref<!tpu.dma_semaphore, #tpu.memory_space<semaphore_mem>>) src(%dma_wait3A_195 : memref<20480x128xf32, #tpu.memory_space<hbm>>) dst(%dma_wait3A_189 : memref<64x128xf32, #tpu.memory_space<vmem>>)
      %dma_wait3A_196 = arith.constant 0 : i32
      %dma_wait3A_197 = arith.constant 64 : i32
      %dma_wait3A_198 = arith.constant 0 : i32
      %dma_wait3A_199 = tpu.memref_slice %arg12[%dma_wait3A_197, %dma_wait3A_198] : memref<128x128xf32, #tpu.memory_space<vmem>> -> memref<64x128xf32, #tpu.memory_space<vmem>>
      %dma_wait3A_200 = arith.constant 0 : i32
      %dma_wait3A_201 = tpu.memref_slice %arg8[%dma_wait3A_196, %dma_wait3A_200] : memref<16x64xi32, #tpu.memory_space<vmem>> -> memref<1x64xi32, #tpu.memory_space<vmem>>
      %dma_wait3A_202 = tpu.memref_squeeze %dma_wait3A_201 : memref<1x64xi32, #tpu.memory_space<vmem>> -> memref<64xi32, #tpu.memory_space<vmem>>
      %dma_wait3A_203 = arith.constant 0 : i32
      %dma_wait3A_204 = arith.constant 0 : i32
      %dma_wait3A_205 = tpu.memref_slice %arg2[%dma_wait3A_203, %dma_wait3A_204] : memref<20480x128xf32, #tpu.memory_space<hbm>> -> memref<20480x128xf32, #tpu.memory_space<hbm>>
      tpu.wait_indirect_dma semaphore(%arg14 : memref<!tpu.dma_semaphore, #tpu.memory_space<semaphore_mem>>) src(%dma_wait3A_205 : memref<20480x128xf32, #tpu.memory_space<hbm>>) dst(%dma_wait3A_199 : memref<64x128xf32, #tpu.memory_space<vmem>>)
      %run_scoped3A_206 = arith.constant 2 : i32
      "tpu.region"() ({
        %run_scoped3A_749 = tpu.sem_alloc : memref<!tpu.dma_semaphore, #tpu.memory_space<semaphore_mem>>
        %dma_start3A_750 = arith.constant 0 : i32
        %dma_start3A_751 = tpu.memref_slice %arg10[%run_scoped3A_206, %dma_start3A_750] : memref<8x128xi32, #tpu.memory_space<vmem>> -> memref<1x128xi32, #tpu.memory_space<vmem>>
        %dma_start3A_752 = tpu.memref_squeeze %dma_start3A_751 : memref<1x128xi32, #tpu.memory_space<vmem>> -> memref<128xi32, #tpu.memory_space<vmem>>
        %dma_start3A_753 = arith.constant 0 : i32
        %dma_start3A_754 = arith.constant 0 : i32
        %dma_start3A_755 = tpu.memref_slice %arg7[%dma_start3A_753, %dma_start3A_754] : memref<10240x128xf32, #tpu.memory_space<vmem_shared>> -> memref<10240x128xf32, #tpu.memory_space<vmem_shared>>
        tpu.enqueue_indirect_dma source(%arg12 : memref<128x128xf32, #tpu.memory_space<vmem>>) target(%dma_start3A_755 : memref<10240x128xf32, #tpu.memory_space<vmem_shared>>) offsets(%dma_start3A_752 : memref<128xi32, #tpu.memory_space<vmem>>) semaphore(%run_scoped3A_749 : memref<!tpu.dma_semaphore, #tpu.memory_space<semaphore_mem>>) {add = true}
        %dma_wait3A_756 = arith.constant 0 : i32
        %dma_wait3A_757 = tpu.memref_slice %arg10[%run_scoped3A_206, %dma_wait3A_756] : memref<8x128xi32, #tpu.memory_space<vmem>> -> memref<1x128xi32, #tpu.memory_space<vmem>>
        %dma_wait3A_758 = tpu.memref_squeeze %dma_wait3A_757 : memref<1x128xi32, #tpu.memory_space<vmem>> -> memref<128xi32, #tpu.memory_space<vmem>>
        %dma_wait3A_759 = arith.constant 0 : i32
        %dma_wait3A_760 = arith.constant 0 : i32
        %dma_wait3A_761 = tpu.memref_slice %arg7[%dma_wait3A_759, %dma_wait3A_760] : memref<10240x128xf32, #tpu.memory_space<vmem_shared>> -> memref<10240x128xf32, #tpu.memory_space<vmem_shared>>
        tpu.wait_indirect_dma semaphore(%run_scoped3A_749 : memref<!tpu.dma_semaphore, #tpu.memory_space<semaphore_mem>>) src(%arg12 : memref<128x128xf32, #tpu.memory_space<vmem>>) dst(%dma_wait3A_761 : memref<10240x128xf32, #tpu.memory_space<vmem_shared>>)
        tpu.yield
      }) : () -> ()
      %dma_start3A_207 = arith.constant 8 : i32
      %dma_start3A_208 = arith.constant 0 : i32
      %dma_start3A_209 = arith.constant 0 : i32
      %dma_start3A_210 = tpu.memref_slice %arg12[%dma_start3A_208, %dma_start3A_209] : memref<128x128xf32, #tpu.memory_space<vmem>> -> memref<64x128xf32, #tpu.memory_space<vmem>>
      %dma_start3A_211 = arith.constant 0 : i32
      %dma_start3A_212 = tpu.memref_slice %arg8[%dma_start3A_207, %dma_start3A_211] : memref<16x64xi32, #tpu.memory_space<vmem>> -> memref<1x64xi32, #tpu.memory_space<vmem>>
      %dma_start3A_213 = tpu.memref_squeeze %dma_start3A_212 : memref<1x64xi32, #tpu.memory_space<vmem>> -> memref<64xi32, #tpu.memory_space<vmem>>
      %dma_start3A_214 = arith.constant 0 : i32
      %dma_start3A_215 = arith.constant 0 : i32
      %dma_start3A_216 = tpu.memref_slice %arg2[%dma_start3A_214, %dma_start3A_215] : memref<20480x128xf32, #tpu.memory_space<hbm>> -> memref<20480x128xf32, #tpu.memory_space<hbm>>
      tpu.enqueue_indirect_dma source(%dma_start3A_216 : memref<20480x128xf32, #tpu.memory_space<hbm>>) target(%dma_start3A_210 : memref<64x128xf32, #tpu.memory_space<vmem>>) offsets(%dma_start3A_213 : memref<64xi32, #tpu.memory_space<vmem>>) semaphore(%arg14 : memref<!tpu.dma_semaphore, #tpu.memory_space<semaphore_mem>>)
      %dma_start3A_217 = arith.constant 9 : i32
      %dma_start3A_218 = arith.constant 64 : i32
      %dma_start3A_219 = arith.constant 0 : i32
      %dma_start3A_220 = tpu.memref_slice %arg12[%dma_start3A_218, %dma_start3A_219] : memref<128x128xf32, #tpu.memory_space<vmem>> -> memref<64x128xf32, #tpu.memory_space<vmem>>
      %dma_start3A_221 = arith.constant 0 : i32
      %dma_start3A_222 = tpu.memref_slice %arg8[%dma_start3A_217, %dma_start3A_221] : memref<16x64xi32, #tpu.memory_space<vmem>> -> memref<1x64xi32, #tpu.memory_space<vmem>>
      %dma_start3A_223 = tpu.memref_squeeze %dma_start3A_222 : memref<1x64xi32, #tpu.memory_space<vmem>> -> memref<64xi32, #tpu.memory_space<vmem>>
      %dma_start3A_224 = arith.constant 0 : i32
      %dma_start3A_225 = arith.constant 0 : i32
      %dma_start3A_226 = tpu.memref_slice %arg2[%dma_start3A_224, %dma_start3A_225] : memref<20480x128xf32, #tpu.memory_space<hbm>> -> memref<20480x128xf32, #tpu.memory_space<hbm>>
      tpu.enqueue_indirect_dma source(%dma_start3A_226 : memref<20480x128xf32, #tpu.memory_space<hbm>>) target(%dma_start3A_220 : memref<64x128xf32, #tpu.memory_space<vmem>>) offsets(%dma_start3A_223 : memref<64xi32, #tpu.memory_space<vmem>>) semaphore(%arg14 : memref<!tpu.dma_semaphore, #tpu.memory_space<semaphore_mem>>)
      %dma_wait3A_227 = arith.constant 0 : i32
      %dma_wait3A_228 = arith.constant 0 : i32
      %dma_wait3A_229 = arith.constant 0 : i32
      %dma_wait3A_230 = tpu.memref_slice %arg13[%dma_wait3A_228, %dma_wait3A_229] : memref<128x128xf32, #tpu.memory_space<vmem>> -> memref<64x128xf32, #tpu.memory_space<vmem>>
      %dma_wait3A_231 = arith.constant 0 : i32
      %dma_wait3A_232 = tpu.memref_slice %arg8[%dma_wait3A_227, %dma_wait3A_231] : memref<16x64xi32, #tpu.memory_space<vmem>> -> memref<1x64xi32, #tpu.memory_space<vmem>>
      %dma_wait3A_233 = tpu.memref_squeeze %dma_wait3A_232 : memref<1x64xi32, #tpu.memory_space<vmem>> -> memref<64xi32, #tpu.memory_space<vmem>>
      %dma_wait3A_234 = arith.constant 0 : i32
      %dma_wait3A_235 = arith.constant 0 : i32
      %dma_wait3A_236 = tpu.memref_slice %arg2[%dma_wait3A_234, %dma_wait3A_235] : memref<20480x128xf32, #tpu.memory_space<hbm>> -> memref<20480x128xf32, #tpu.memory_space<hbm>>
      tpu.wait_indirect_dma semaphore(%arg15 : memref<!tpu.dma_semaphore, #tpu.memory_space<semaphore_mem>>) src(%dma_wait3A_236 : memref<20480x128xf32, #tpu.memory_space<hbm>>) dst(%dma_wait3A_230 : memref<64x128xf32, #tpu.memory_space<vmem>>)
      %dma_wait3A_237 = arith.constant 0 : i32
      %dma_wait3A_238 = arith.constant 64 : i32
      %dma_wait3A_239 = arith.constant 0 : i32
      %dma_wait3A_240 = tpu.memref_slice %arg13[%dma_wait3A_238, %dma_wait3A_239] : memref<128x128xf32, #tpu.memory_space<vmem>> -> memref<64x128xf32, #tpu.memory_space<vmem>>
      %dma_wait3A_241 = arith.constant 0 : i32
      %dma_wait3A_242 = tpu.memref_slice %arg8[%dma_wait3A_237, %dma_wait3A_241] : memref<16x64xi32, #tpu.memory_space<vmem>> -> memref<1x64xi32, #tpu.memory_space<vmem>>
      %dma_wait3A_243 = tpu.memref_squeeze %dma_wait3A_242 : memref<1x64xi32, #tpu.memory_space<vmem>> -> memref<64xi32, #tpu.memory_space<vmem>>
      %dma_wait3A_244 = arith.constant 0 : i32
      %dma_wait3A_245 = arith.constant 0 : i32
      %dma_wait3A_246 = tpu.memref_slice %arg2[%dma_wait3A_244, %dma_wait3A_245] : memref<20480x128xf32, #tpu.memory_space<hbm>> -> memref<20480x128xf32, #tpu.memory_space<hbm>>
      tpu.wait_indirect_dma semaphore(%arg15 : memref<!tpu.dma_semaphore, #tpu.memory_space<semaphore_mem>>) src(%dma_wait3A_246 : memref<20480x128xf32, #tpu.memory_space<hbm>>) dst(%dma_wait3A_240 : memref<64x128xf32, #tpu.memory_space<vmem>>)
      %run_scoped3A_247 = arith.constant 3 : i32
      "tpu.region"() ({
        %run_scoped3A_749 = tpu.sem_alloc : memref<!tpu.dma_semaphore, #tpu.memory_space<semaphore_mem>>
        %dma_start3A_750 = arith.constant 0 : i32
        %dma_start3A_751 = tpu.memref_slice %arg10[%run_scoped3A_247, %dma_start3A_750] : memref<8x128xi32, #tpu.memory_space<vmem>> -> memref<1x128xi32, #tpu.memory_space<vmem>>
        %dma_start3A_752 = tpu.memref_squeeze %dma_start3A_751 : memref<1x128xi32, #tpu.memory_space<vmem>> -> memref<128xi32, #tpu.memory_space<vmem>>
        %dma_start3A_753 = arith.constant 0 : i32
        %dma_start3A_754 = arith.constant 0 : i32
        %dma_start3A_755 = tpu.memref_slice %arg7[%dma_start3A_753, %dma_start3A_754] : memref<10240x128xf32, #tpu.memory_space<vmem_shared>> -> memref<10240x128xf32, #tpu.memory_space<vmem_shared>>
        tpu.enqueue_indirect_dma source(%arg13 : memref<128x128xf32, #tpu.memory_space<vmem>>) target(%dma_start3A_755 : memref<10240x128xf32, #tpu.memory_space<vmem_shared>>) offsets(%dma_start3A_752 : memref<128xi32, #tpu.memory_space<vmem>>) semaphore(%run_scoped3A_749 : memref<!tpu.dma_semaphore, #tpu.memory_space<semaphore_mem>>) {add = true}
        %dma_wait3A_756 = arith.constant 0 : i32
        %dma_wait3A_757 = tpu.memref_slice %arg10[%run_scoped3A_247, %dma_wait3A_756] : memref<8x128xi32, #tpu.memory_space<vmem>> -> memref<1x128xi32, #tpu.memory_space<vmem>>
        %dma_wait3A_758 = tpu.memref_squeeze %dma_wait3A_757 : memref<1x128xi32, #tpu.memory_space<vmem>> -> memref<128xi32, #tpu.memory_space<vmem>>
        %dma_wait3A_759 = arith.constant 0 : i32
        %dma_wait3A_760 = arith.constant 0 : i32
        %dma_wait3A_761 = tpu.memref_slice %arg7[%dma_wait3A_759, %dma_wait3A_760] : memref<10240x128xf32, #tpu.memory_space<vmem_shared>> -> memref<10240x128xf32, #tpu.memory_space<vmem_shared>>
        tpu.wait_indirect_dma semaphore(%run_scoped3A_749 : memref<!tpu.dma_semaphore, #tpu.memory_space<semaphore_mem>>) src(%arg13 : memref<128x128xf32, #tpu.memory_space<vmem>>) dst(%dma_wait3A_761 : memref<10240x128xf32, #tpu.memory_space<vmem_shared>>)
        tpu.yield
      }) : () -> ()
      %dma_start3A_248 = arith.constant 10 : i32
      %dma_start3A_249 = arith.constant 0 : i32
      %dma_start3A_250 = arith.constant 0 : i32
      %dma_start3A_251 = tpu.memref_slice %arg13[%dma_start3A_249, %dma_start3A_250] : memref<128x128xf32, #tpu.memory_space<vmem>> -> memref<64x128xf32, #tpu.memory_space<vmem>>
      %dma_start3A_252 = arith.constant 0 : i32
      %dma_start3A_253 = tpu.memref_slice %arg8[%dma_start3A_248, %dma_start3A_252] : memref<16x64xi32, #tpu.memory_space<vmem>> -> memref<1x64xi32, #tpu.memory_space<vmem>>
      %dma_start3A_254 = tpu.memref_squeeze %dma_start3A_253 : memref<1x64xi32, #tpu.memory_space<vmem>> -> memref<64xi32, #tpu.memory_space<vmem>>
      %dma_start3A_255 = arith.constant 0 : i32
      %dma_start3A_256 = arith.constant 0 : i32
      %dma_start3A_257 = tpu.memref_slice %arg2[%dma_start3A_255, %dma_start3A_256] : memref<20480x128xf32, #tpu.memory_space<hbm>> -> memref<20480x128xf32, #tpu.memory_space<hbm>>
      tpu.enqueue_indirect_dma source(%dma_start3A_257 : memref<20480x128xf32, #tpu.memory_space<hbm>>) target(%dma_start3A_251 : memref<64x128xf32, #tpu.memory_space<vmem>>) offsets(%dma_start3A_254 : memref<64xi32, #tpu.memory_space<vmem>>) semaphore(%arg15 : memref<!tpu.dma_semaphore, #tpu.memory_space<semaphore_mem>>)
      %dma_start3A_258 = arith.constant 11 : i32
      %dma_start3A_259 = arith.constant 64 : i32
      %dma_start3A_260 = arith.constant 0 : i32
      %dma_start3A_261 = tpu.memref_slice %arg13[%dma_start3A_259, %dma_start3A_260] : memref<128x128xf32, #tpu.memory_space<vmem>> -> memref<64x128xf32, #tpu.memory_space<vmem>>
      %dma_start3A_262 = arith.constant 0 : i32
      %dma_start3A_263 = tpu.memref_slice %arg8[%dma_start3A_258, %dma_start3A_262] : memref<16x64xi32, #tpu.memory_space<vmem>> -> memref<1x64xi32, #tpu.memory_space<vmem>>
      %dma_start3A_264 = tpu.memref_squeeze %dma_start3A_263 : memref<1x64xi32, #tpu.memory_space<vmem>> -> memref<64xi32, #tpu.memory_space<vmem>>
      %dma_start3A_265 = arith.constant 0 : i32
      %dma_start3A_266 = arith.constant 0 : i32
      %dma_start3A_267 = tpu.memref_slice %arg2[%dma_start3A_265, %dma_start3A_266] : memref<20480x128xf32, #tpu.memory_space<hbm>> -> memref<20480x128xf32, #tpu.memory_space<hbm>>
      tpu.enqueue_indirect_dma source(%dma_start3A_267 : memref<20480x128xf32, #tpu.memory_space<hbm>>) target(%dma_start3A_261 : memref<64x128xf32, #tpu.memory_space<vmem>>) offsets(%dma_start3A_264 : memref<64xi32, #tpu.memory_space<vmem>>) semaphore(%arg15 : memref<!tpu.dma_semaphore, #tpu.memory_space<semaphore_mem>>)
      %dma_wait3A_268 = arith.constant 0 : i32
      %dma_wait3A_269 = arith.constant 0 : i32
      %dma_wait3A_270 = arith.constant 0 : i32
      %dma_wait3A_271 = tpu.memref_slice %arg12[%dma_wait3A_269, %dma_wait3A_270] : memref<128x128xf32, #tpu.memory_space<vmem>> -> memref<64x128xf32, #tpu.memory_space<vmem>>
      %dma_wait3A_272 = arith.constant 0 : i32
      %dma_wait3A_273 = tpu.memref_slice %arg8[%dma_wait3A_268, %dma_wait3A_272] : memref<16x64xi32, #tpu.memory_space<vmem>> -> memref<1x64xi32, #tpu.memory_space<vmem>>
      %dma_wait3A_274 = tpu.memref_squeeze %dma_wait3A_273 : memref<1x64xi32, #tpu.memory_space<vmem>> -> memref<64xi32, #tpu.memory_space<vmem>>
      %dma_wait3A_275 = arith.constant 0 : i32
      %dma_wait3A_276 = arith.constant 0 : i32
      %dma_wait3A_277 = tpu.memref_slice %arg2[%dma_wait3A_275, %dma_wait3A_276] : memref<20480x128xf32, #tpu.memory_space<hbm>> -> memref<20480x128xf32, #tpu.memory_space<hbm>>
      tpu.wait_indirect_dma semaphore(%arg14 : memref<!tpu.dma_semaphore, #tpu.memory_space<semaphore_mem>>) src(%dma_wait3A_277 : memref<20480x128xf32, #tpu.memory_space<hbm>>) dst(%dma_wait3A_271 : memref<64x128xf32, #tpu.memory_space<vmem>>)
      %dma_wait3A_278 = arith.constant 0 : i32
      %dma_wait3A_279 = arith.constant 64 : i32
      %dma_wait3A_280 = arith.constant 0 : i32
      %dma_wait3A_281 = tpu.memref_slice %arg12[%dma_wait3A_279, %dma_wait3A_280] : memref<128x128xf32, #tpu.memory_space<vmem>> -> memref<64x128xf32, #tpu.memory_space<vmem>>
      %dma_wait3A_282 = arith.constant 0 : i32
      %dma_wait3A_283 = tpu.memref_slice %arg8[%dma_wait3A_278, %dma_wait3A_282] : memref<16x64xi32, #tpu.memory_space<vmem>> -> memref<1x64xi32, #tpu.memory_space<vmem>>
      %dma_wait3A_284 = tpu.memref_squeeze %dma_wait3A_283 : memref<1x64xi32, #tpu.memory_space<vmem>> -> memref<64xi32, #tpu.memory_space<vmem>>
      %dma_wait3A_285 = arith.constant 0 : i32
      %dma_wait3A_286 = arith.constant 0 : i32
      %dma_wait3A_287 = tpu.memref_slice %arg2[%dma_wait3A_285, %dma_wait3A_286] : memref<20480x128xf32, #tpu.memory_space<hbm>> -> memref<20480x128xf32, #tpu.memory_space<hbm>>
      tpu.wait_indirect_dma semaphore(%arg14 : memref<!tpu.dma_semaphore, #tpu.memory_space<semaphore_mem>>) src(%dma_wait3A_287 : memref<20480x128xf32, #tpu.memory_space<hbm>>) dst(%dma_wait3A_281 : memref<64x128xf32, #tpu.memory_space<vmem>>)
      %run_scoped3A_288 = arith.constant 4 : i32
      "tpu.region"() ({
        %run_scoped3A_749 = tpu.sem_alloc : memref<!tpu.dma_semaphore, #tpu.memory_space<semaphore_mem>>
        %dma_start3A_750 = arith.constant 0 : i32
        %dma_start3A_751 = tpu.memref_slice %arg10[%run_scoped3A_288, %dma_start3A_750] : memref<8x128xi32, #tpu.memory_space<vmem>> -> memref<1x128xi32, #tpu.memory_space<vmem>>
        %dma_start3A_752 = tpu.memref_squeeze %dma_start3A_751 : memref<1x128xi32, #tpu.memory_space<vmem>> -> memref<128xi32, #tpu.memory_space<vmem>>
        %dma_start3A_753 = arith.constant 0 : i32
        %dma_start3A_754 = arith.constant 0 : i32
        %dma_start3A_755 = tpu.memref_slice %arg7[%dma_start3A_753, %dma_start3A_754] : memref<10240x128xf32, #tpu.memory_space<vmem_shared>> -> memref<10240x128xf32, #tpu.memory_space<vmem_shared>>
        tpu.enqueue_indirect_dma source(%arg12 : memref<128x128xf32, #tpu.memory_space<vmem>>) target(%dma_start3A_755 : memref<10240x128xf32, #tpu.memory_space<vmem_shared>>) offsets(%dma_start3A_752 : memref<128xi32, #tpu.memory_space<vmem>>) semaphore(%run_scoped3A_749 : memref<!tpu.dma_semaphore, #tpu.memory_space<semaphore_mem>>) {add = true}
        %dma_wait3A_756 = arith.constant 0 : i32
        %dma_wait3A_757 = tpu.memref_slice %arg10[%run_scoped3A_288, %dma_wait3A_756] : memref<8x128xi32, #tpu.memory_space<vmem>> -> memref<1x128xi32, #tpu.memory_space<vmem>>
        %dma_wait3A_758 = tpu.memref_squeeze %dma_wait3A_757 : memref<1x128xi32, #tpu.memory_space<vmem>> -> memref<128xi32, #tpu.memory_space<vmem>>
        %dma_wait3A_759 = arith.constant 0 : i32
        %dma_wait3A_760 = arith.constant 0 : i32
        %dma_wait3A_761 = tpu.memref_slice %arg7[%dma_wait3A_759, %dma_wait3A_760] : memref<10240x128xf32, #tpu.memory_space<vmem_shared>> -> memref<10240x128xf32, #tpu.memory_space<vmem_shared>>
        tpu.wait_indirect_dma semaphore(%run_scoped3A_749 : memref<!tpu.dma_semaphore, #tpu.memory_space<semaphore_mem>>) src(%arg12 : memref<128x128xf32, #tpu.memory_space<vmem>>) dst(%dma_wait3A_761 : memref<10240x128xf32, #tpu.memory_space<vmem_shared>>)
        tpu.yield
      }) : () -> ()
      %dma_start3A_289 = arith.constant 12 : i32
      %dma_start3A_290 = arith.constant 0 : i32
      %dma_start3A_291 = arith.constant 0 : i32
      %dma_start3A_292 = tpu.memref_slice %arg12[%dma_start3A_290, %dma_start3A_291] : memref<128x128xf32, #tpu.memory_space<vmem>> -> memref<64x128xf32, #tpu.memory_space<vmem>>
      %dma_start3A_293 = arith.constant 0 : i32
      %dma_start3A_294 = tpu.memref_slice %arg8[%dma_start3A_289, %dma_start3A_293] : memref<16x64xi32, #tpu.memory_space<vmem>> -> memref<1x64xi32, #tpu.memory_space<vmem>>
      %dma_start3A_295 = tpu.memref_squeeze %dma_start3A_294 : memref<1x64xi32, #tpu.memory_space<vmem>> -> memref<64xi32, #tpu.memory_space<vmem>>
      %dma_start3A_296 = arith.constant 0 : i32
      %dma_start3A_297 = arith.constant 0 : i32
      %dma_start3A_298 = tpu.memref_slice %arg2[%dma_start3A_296, %dma_start3A_297] : memref<20480x128xf32, #tpu.memory_space<hbm>> -> memref<20480x128xf32, #tpu.memory_space<hbm>>
      tpu.enqueue_indirect_dma source(%dma_start3A_298 : memref<20480x128xf32, #tpu.memory_space<hbm>>) target(%dma_start3A_292 : memref<64x128xf32, #tpu.memory_space<vmem>>) offsets(%dma_start3A_295 : memref<64xi32, #tpu.memory_space<vmem>>) semaphore(%arg14 : memref<!tpu.dma_semaphore, #tpu.memory_space<semaphore_mem>>)
      %dma_start3A_299 = arith.constant 13 : i32
      %dma_start3A_300 = arith.constant 64 : i32
      %dma_start3A_301 = arith.constant 0 : i32
      %dma_start3A_302 = tpu.memref_slice %arg12[%dma_start3A_300, %dma_start3A_301] : memref<128x128xf32, #tpu.memory_space<vmem>> -> memref<64x128xf32, #tpu.memory_space<vmem>>
      %dma_start3A_303 = arith.constant 0 : i32
      %dma_start3A_304 = tpu.memref_slice %arg8[%dma_start3A_299, %dma_start3A_303] : memref<16x64xi32, #tpu.memory_space<vmem>> -> memref<1x64xi32, #tpu.memory_space<vmem>>
      %dma_start3A_305 = tpu.memref_squeeze %dma_start3A_304 : memref<1x64xi32, #tpu.memory_space<vmem>> -> memref<64xi32, #tpu.memory_space<vmem>>
      %dma_start3A_306 = arith.constant 0 : i32
      %dma_start3A_307 = arith.constant 0 : i32
      %dma_start3A_308 = tpu.memref_slice %arg2[%dma_start3A_306, %dma_start3A_307] : memref<20480x128xf32, #tpu.memory_space<hbm>> -> memref<20480x128xf32, #tpu.memory_space<hbm>>
      tpu.enqueue_indirect_dma source(%dma_start3A_308 : memref<20480x128xf32, #tpu.memory_space<hbm>>) target(%dma_start3A_302 : memref<64x128xf32, #tpu.memory_space<vmem>>) offsets(%dma_start3A_305 : memref<64xi32, #tpu.memory_space<vmem>>) semaphore(%arg14 : memref<!tpu.dma_semaphore, #tpu.memory_space<semaphore_mem>>)
      %dma_wait3A_309 = arith.constant 0 : i32
      %dma_wait3A_310 = arith.constant 0 : i32
      %dma_wait3A_311 = arith.constant 0 : i32
      %dma_wait3A_312 = tpu.memref_slice %arg13[%dma_wait3A_310, %dma_wait3A_311] : memref<128x128xf32, #tpu.memory_space<vmem>> -> memref<64x128xf32, #tpu.memory_space<vmem>>
      %dma_wait3A_313 = arith.constant 0 : i32
      %dma_wait3A_314 = tpu.memref_slice %arg8[%dma_wait3A_309, %dma_wait3A_313] : memref<16x64xi32, #tpu.memory_space<vmem>> -> memref<1x64xi32, #tpu.memory_space<vmem>>
      %dma_wait3A_315 = tpu.memref_squeeze %dma_wait3A_314 : memref<1x64xi32, #tpu.memory_space<vmem>> -> memref<64xi32, #tpu.memory_space<vmem>>
      %dma_wait3A_316 = arith.constant 0 : i32
      %dma_wait3A_317 = arith.constant 0 : i32
      %dma_wait3A_318 = tpu.memref_slice %arg2[%dma_wait3A_316, %dma_wait3A_317] : memref<20480x128xf32, #tpu.memory_space<hbm>> -> memref<20480x128xf32, #tpu.memory_space<hbm>>
      tpu.wait_indirect_dma semaphore(%arg15 : memref<!tpu.dma_semaphore, #tpu.memory_space<semaphore_mem>>) src(%dma_wait3A_318 : memref<20480x128xf32, #tpu.memory_space<hbm>>) dst(%dma_wait3A_312 : memref<64x128xf32, #tpu.memory_space<vmem>>)
      %dma_wait3A_319 = arith.constant 0 : i32
      %dma_wait3A_320 = arith.constant 64 : i32
      %dma_wait3A_321 = arith.constant 0 : i32
      %dma_wait3A_322 = tpu.memref_slice %arg13[%dma_wait3A_320, %dma_wait3A_321] : memref<128x128xf32, #tpu.memory_space<vmem>> -> memref<64x128xf32, #tpu.memory_space<vmem>>
      %dma_wait3A_323 = arith.constant 0 : i32
      %dma_wait3A_324 = tpu.memref_slice %arg8[%dma_wait3A_319, %dma_wait3A_323] : memref<16x64xi32, #tpu.memory_space<vmem>> -> memref<1x64xi32, #tpu.memory_space<vmem>>
      %dma_wait3A_325 = tpu.memref_squeeze %dma_wait3A_324 : memref<1x64xi32, #tpu.memory_space<vmem>> -> memref<64xi32, #tpu.memory_space<vmem>>
      %dma_wait3A_326 = arith.constant 0 : i32
      %dma_wait3A_327 = arith.constant 0 : i32
      %dma_wait3A_328 = tpu.memref_slice %arg2[%dma_wait3A_326, %dma_wait3A_327] : memref<20480x128xf32, #tpu.memory_space<hbm>> -> memref<20480x128xf32, #tpu.memory_space<hbm>>
      tpu.wait_indirect_dma semaphore(%arg15 : memref<!tpu.dma_semaphore, #tpu.memory_space<semaphore_mem>>) src(%dma_wait3A_328 : memref<20480x128xf32, #tpu.memory_space<hbm>>) dst(%dma_wait3A_322 : memref<64x128xf32, #tpu.memory_space<vmem>>)
      %run_scoped3A_329 = arith.constant 5 : i32
      "tpu.region"() ({
        %run_scoped3A_749 = tpu.sem_alloc : memref<!tpu.dma_semaphore, #tpu.memory_space<semaphore_mem>>
        %dma_start3A_750 = arith.constant 0 : i32
        %dma_start3A_751 = tpu.memref_slice %arg10[%run_scoped3A_329, %dma_start3A_750] : memref<8x128xi32, #tpu.memory_space<vmem>> -> memref<1x128xi32, #tpu.memory_space<vmem>>
        %dma_start3A_752 = tpu.memref_squeeze %dma_start3A_751 : memref<1x128xi32, #tpu.memory_space<vmem>> -> memref<128xi32, #tpu.memory_space<vmem>>
        %dma_start3A_753 = arith.constant 0 : i32
        %dma_start3A_754 = arith.constant 0 : i32
        %dma_start3A_755 = tpu.memref_slice %arg7[%dma_start3A_753, %dma_start3A_754] : memref<10240x128xf32, #tpu.memory_space<vmem_shared>> -> memref<10240x128xf32, #tpu.memory_space<vmem_shared>>
        tpu.enqueue_indirect_dma source(%arg13 : memref<128x128xf32, #tpu.memory_space<vmem>>) target(%dma_start3A_755 : memref<10240x128xf32, #tpu.memory_space<vmem_shared>>) offsets(%dma_start3A_752 : memref<128xi32, #tpu.memory_space<vmem>>) semaphore(%run_scoped3A_749 : memref<!tpu.dma_semaphore, #tpu.memory_space<semaphore_mem>>) {add = true}
        %dma_wait3A_756 = arith.constant 0 : i32
        %dma_wait3A_757 = tpu.memref_slice %arg10[%run_scoped3A_329, %dma_wait3A_756] : memref<8x128xi32, #tpu.memory_space<vmem>> -> memref<1x128xi32, #tpu.memory_space<vmem>>
        %dma_wait3A_758 = tpu.memref_squeeze %dma_wait3A_757 : memref<1x128xi32, #tpu.memory_space<vmem>> -> memref<128xi32, #tpu.memory_space<vmem>>
        %dma_wait3A_759 = arith.constant 0 : i32
        %dma_wait3A_760 = arith.constant 0 : i32
        %dma_wait3A_761 = tpu.memref_slice %arg7[%dma_wait3A_759, %dma_wait3A_760] : memref<10240x128xf32, #tpu.memory_space<vmem_shared>> -> memref<10240x128xf32, #tpu.memory_space<vmem_shared>>
        tpu.wait_indirect_dma semaphore(%run_scoped3A_749 : memref<!tpu.dma_semaphore, #tpu.memory_space<semaphore_mem>>) src(%arg13 : memref<128x128xf32, #tpu.memory_space<vmem>>) dst(%dma_wait3A_761 : memref<10240x128xf32, #tpu.memory_space<vmem_shared>>)
        tpu.yield
      }) : () -> ()
      %dma_start3A_330 = arith.constant 14 : i32
      %dma_start3A_331 = arith.constant 0 : i32
      %dma_start3A_332 = arith.constant 0 : i32
      %dma_start3A_333 = tpu.memref_slice %arg13[%dma_start3A_331, %dma_start3A_332] : memref<128x128xf32, #tpu.memory_space<vmem>> -> memref<64x128xf32, #tpu.memory_space<vmem>>
      %dma_start3A_334 = arith.constant 0 : i32
      %dma_start3A_335 = tpu.memref_slice %arg8[%dma_start3A_330, %dma_start3A_334] : memref<16x64xi32, #tpu.memory_space<vmem>> -> memref<1x64xi32, #tpu.memory_space<vmem>>
      %dma_start3A_336 = tpu.memref_squeeze %dma_start3A_335 : memref<1x64xi32, #tpu.memory_space<vmem>> -> memref<64xi32, #tpu.memory_space<vmem>>
      %dma_start3A_337 = arith.constant 0 : i32
      %dma_start3A_338 = arith.constant 0 : i32
      %dma_start3A_339 = tpu.memref_slice %arg2[%dma_start3A_337, %dma_start3A_338] : memref<20480x128xf32, #tpu.memory_space<hbm>> -> memref<20480x128xf32, #tpu.memory_space<hbm>>
      tpu.enqueue_indirect_dma source(%dma_start3A_339 : memref<20480x128xf32, #tpu.memory_space<hbm>>) target(%dma_start3A_333 : memref<64x128xf32, #tpu.memory_space<vmem>>) offsets(%dma_start3A_336 : memref<64xi32, #tpu.memory_space<vmem>>) semaphore(%arg15 : memref<!tpu.dma_semaphore, #tpu.memory_space<semaphore_mem>>)
      %dma_start3A_340 = arith.constant 15 : i32
      %dma_start3A_341 = arith.constant 64 : i32
      %dma_start3A_342 = arith.constant 0 : i32
      %dma_start3A_343 = tpu.memref_slice %arg13[%dma_start3A_341, %dma_start3A_342] : memref<128x128xf32, #tpu.memory_space<vmem>> -> memref<64x128xf32, #tpu.memory_space<vmem>>
      %dma_start3A_344 = arith.constant 0 : i32
      %dma_start3A_345 = tpu.memref_slice %arg8[%dma_start3A_340, %dma_start3A_344] : memref<16x64xi32, #tpu.memory_space<vmem>> -> memref<1x64xi32, #tpu.memory_space<vmem>>
      %dma_start3A_346 = tpu.memref_squeeze %dma_start3A_345 : memref<1x64xi32, #tpu.memory_space<vmem>> -> memref<64xi32, #tpu.memory_space<vmem>>
      %dma_start3A_347 = arith.constant 0 : i32
      %dma_start3A_348 = arith.constant 0 : i32
      %dma_start3A_349 = tpu.memref_slice %arg2[%dma_start3A_347, %dma_start3A_348] : memref<20480x128xf32, #tpu.memory_space<hbm>> -> memref<20480x128xf32, #tpu.memory_space<hbm>>
      tpu.enqueue_indirect_dma source(%dma_start3A_349 : memref<20480x128xf32, #tpu.memory_space<hbm>>) target(%dma_start3A_343 : memref<64x128xf32, #tpu.memory_space<vmem>>) offsets(%dma_start3A_346 : memref<64xi32, #tpu.memory_space<vmem>>) semaphore(%arg15 : memref<!tpu.dma_semaphore, #tpu.memory_space<semaphore_mem>>)
      %dma_wait3A_350 = arith.constant 0 : i32
      %dma_wait3A_351 = arith.constant 0 : i32
      %dma_wait3A_352 = arith.constant 0 : i32
      %dma_wait3A_353 = tpu.memref_slice %arg12[%dma_wait3A_351, %dma_wait3A_352] : memref<128x128xf32, #tpu.memory_space<vmem>> -> memref<64x128xf32, #tpu.memory_space<vmem>>
      %dma_wait3A_354 = arith.constant 0 : i32
      %dma_wait3A_355 = tpu.memref_slice %arg8[%dma_wait3A_350, %dma_wait3A_354] : memref<16x64xi32, #tpu.memory_space<vmem>> -> memref<1x64xi32, #tpu.memory_space<vmem>>
      %dma_wait3A_356 = tpu.memref_squeeze %dma_wait3A_355 : memref<1x64xi32, #tpu.memory_space<vmem>> -> memref<64xi32, #tpu.memory_space<vmem>>
      %dma_wait3A_357 = arith.constant 0 : i32
      %dma_wait3A_358 = arith.constant 0 : i32
      %dma_wait3A_359 = tpu.memref_slice %arg2[%dma_wait3A_357, %dma_wait3A_358] : memref<20480x128xf32, #tpu.memory_space<hbm>> -> memref<20480x128xf32, #tpu.memory_space<hbm>>
      tpu.wait_indirect_dma semaphore(%arg14 : memref<!tpu.dma_semaphore, #tpu.memory_space<semaphore_mem>>) src(%dma_wait3A_359 : memref<20480x128xf32, #tpu.memory_space<hbm>>) dst(%dma_wait3A_353 : memref<64x128xf32, #tpu.memory_space<vmem>>)
      %dma_wait3A_360 = arith.constant 0 : i32
      %dma_wait3A_361 = arith.constant 64 : i32
      %dma_wait3A_362 = arith.constant 0 : i32
      %dma_wait3A_363 = tpu.memref_slice %arg12[%dma_wait3A_361, %dma_wait3A_362] : memref<128x128xf32, #tpu.memory_space<vmem>> -> memref<64x128xf32, #tpu.memory_space<vmem>>
      %dma_wait3A_364 = arith.constant 0 : i32
      %dma_wait3A_365 = tpu.memref_slice %arg8[%dma_wait3A_360, %dma_wait3A_364] : memref<16x64xi32, #tpu.memory_space<vmem>> -> memref<1x64xi32, #tpu.memory_space<vmem>>
      %dma_wait3A_366 = tpu.memref_squeeze %dma_wait3A_365 : memref<1x64xi32, #tpu.memory_space<vmem>> -> memref<64xi32, #tpu.memory_space<vmem>>
      %dma_wait3A_367 = arith.constant 0 : i32
      %dma_wait3A_368 = arith.constant 0 : i32
      %dma_wait3A_369 = tpu.memref_slice %arg2[%dma_wait3A_367, %dma_wait3A_368] : memref<20480x128xf32, #tpu.memory_space<hbm>> -> memref<20480x128xf32, #tpu.memory_space<hbm>>
      tpu.wait_indirect_dma semaphore(%arg14 : memref<!tpu.dma_semaphore, #tpu.memory_space<semaphore_mem>>) src(%dma_wait3A_369 : memref<20480x128xf32, #tpu.memory_space<hbm>>) dst(%dma_wait3A_363 : memref<64x128xf32, #tpu.memory_space<vmem>>)
      %run_scoped3A_370 = arith.constant 6 : i32
      "tpu.region"() ({
        %run_scoped3A_749 = tpu.sem_alloc : memref<!tpu.dma_semaphore, #tpu.memory_space<semaphore_mem>>
        %dma_start3A_750 = arith.constant 0 : i32
        %dma_start3A_751 = tpu.memref_slice %arg10[%run_scoped3A_370, %dma_start3A_750] : memref<8x128xi32, #tpu.memory_space<vmem>> -> memref<1x128xi32, #tpu.memory_space<vmem>>
        %dma_start3A_752 = tpu.memref_squeeze %dma_start3A_751 : memref<1x128xi32, #tpu.memory_space<vmem>> -> memref<128xi32, #tpu.memory_space<vmem>>
        %dma_start3A_753 = arith.constant 0 : i32
        %dma_start3A_754 = arith.constant 0 : i32
        %dma_start3A_755 = tpu.memref_slice %arg7[%dma_start3A_753, %dma_start3A_754] : memref<10240x128xf32, #tpu.memory_space<vmem_shared>> -> memref<10240x128xf32, #tpu.memory_space<vmem_shared>>
        tpu.enqueue_indirect_dma source(%arg12 : memref<128x128xf32, #tpu.memory_space<vmem>>) target(%dma_start3A_755 : memref<10240x128xf32, #tpu.memory_space<vmem_shared>>) offsets(%dma_start3A_752 : memref<128xi32, #tpu.memory_space<vmem>>) semaphore(%run_scoped3A_749 : memref<!tpu.dma_semaphore, #tpu.memory_space<semaphore_mem>>) {add = true}
        %dma_wait3A_756 = arith.constant 0 : i32
        %dma_wait3A_757 = tpu.memref_slice %arg10[%run_scoped3A_370, %dma_wait3A_756] : memref<8x128xi32, #tpu.memory_space<vmem>> -> memref<1x128xi32, #tpu.memory_space<vmem>>
        %dma_wait3A_758 = tpu.memref_squeeze %dma_wait3A_757 : memref<1x128xi32, #tpu.memory_space<vmem>> -> memref<128xi32, #tpu.memory_space<vmem>>
        %dma_wait3A_759 = arith.constant 0 : i32
        %dma_wait3A_760 = arith.constant 0 : i32
        %dma_wait3A_761 = tpu.memref_slice %arg7[%dma_wait3A_759, %dma_wait3A_760] : memref<10240x128xf32, #tpu.memory_space<vmem_shared>> -> memref<10240x128xf32, #tpu.memory_space<vmem_shared>>
        tpu.wait_indirect_dma semaphore(%run_scoped3A_749 : memref<!tpu.dma_semaphore, #tpu.memory_space<semaphore_mem>>) src(%arg12 : memref<128x128xf32, #tpu.memory_space<vmem>>) dst(%dma_wait3A_761 : memref<10240x128xf32, #tpu.memory_space<vmem_shared>>)
        tpu.yield
      }) : () -> ()
      %dma_wait3A_371 = arith.constant 0 : i32
      %dma_wait3A_372 = arith.constant 0 : i32
      %dma_wait3A_373 = tpu.memref_slice %arg3[%arg0, %arg1, %dma_wait3A_371, %dma_wait3A_372] : memref<2x16x320x64xi32, #tpu.memory_space<hbm>> -> memref<1x1x16x64xi32, #tpu.memory_space<hbm>>
      %dma_wait3A_374 = tpu.memref_squeeze %dma_wait3A_373 : memref<1x1x16x64xi32, #tpu.memory_space<hbm>> -> memref<16x64xi32, #tpu.memory_space<hbm>>
      %dma_wait3A_375 = arith.constant 0 : i32
      %dma_wait3A_376 = arith.constant 0 : i32
      %dma_wait3A_377 = tpu.memref_slice %arg3[%arg0, %arg1, %dma_wait3A_375, %dma_wait3A_376] : memref<2x16x320x64xi32, #tpu.memory_space<hbm>> -> memref<1x1x16x64xi32, #tpu.memory_space<hbm>>
      %dma_wait3A_378 = tpu.memref_squeeze %dma_wait3A_377 : memref<1x1x16x64xi32, #tpu.memory_space<hbm>> -> memref<16x64xi32, #tpu.memory_space<hbm>>
      tpu.wait_dma2 semaphore(%arg17 : memref<!tpu.dma_semaphore, #tpu.memory_space<semaphore_mem>>) src(%dma_wait3A_378 : memref<16x64xi32, #tpu.memory_space<hbm>>) dst(%arg9 : memref<16x64xi32, #tpu.memory_space<vmem>>)
      %dma_wait3A_379 = arith.constant 0 : i32
      %dma_wait3A_380 = arith.constant 0 : i32
      %dma_wait3A_381 = tpu.memref_slice %arg4[%arg1, %dma_wait3A_379, %dma_wait3A_380] : memref<16x160x128xi32, #tpu.memory_space<hbm>> -> memref<1x8x128xi32, #tpu.memory_space<hbm>>
      %dma_wait3A_382 = tpu.memref_squeeze %dma_wait3A_381 : memref<1x8x128xi32, #tpu.memory_space<hbm>> -> memref<8x128xi32, #tpu.memory_space<hbm>>
      %dma_wait3A_383 = arith.constant 0 : i32
      %dma_wait3A_384 = arith.constant 0 : i32
      %dma_wait3A_385 = tpu.memref_slice %arg4[%arg1, %dma_wait3A_383, %dma_wait3A_384] : memref<16x160x128xi32, #tpu.memory_space<hbm>> -> memref<1x8x128xi32, #tpu.memory_space<hbm>>
      %dma_wait3A_386 = tpu.memref_squeeze %dma_wait3A_385 : memref<1x8x128xi32, #tpu.memory_space<hbm>> -> memref<8x128xi32, #tpu.memory_space<hbm>>
      tpu.wait_dma2 semaphore(%arg17 : memref<!tpu.dma_semaphore, #tpu.memory_space<semaphore_mem>>) src(%dma_wait3A_386 : memref<8x128xi32, #tpu.memory_space<hbm>>) dst(%arg11 : memref<8x128xi32, #tpu.memory_space<vmem>>)
      %dma_start3A_387 = arith.constant 0 : i32
      %dma_start3A_388 = arith.constant 0 : i32
      %dma_start3A_389 = arith.constant 0 : i32
      %dma_start3A_390 = tpu.memref_slice %arg12[%dma_start3A_388, %dma_start3A_389] : memref<128x128xf32, #tpu.memory_space<vmem>> -> memref<64x128xf32, #tpu.memory_space<vmem>>
      %dma_start3A_391 = arith.constant 0 : i32
      %dma_start3A_392 = tpu.memref_slice %arg9[%dma_start3A_387, %dma_start3A_391] : memref<16x64xi32, #tpu.memory_space<vmem>> -> memref<1x64xi32, #tpu.memory_space<vmem>>
      %dma_start3A_393 = tpu.memref_squeeze %dma_start3A_392 : memref<1x64xi32, #tpu.memory_space<vmem>> -> memref<64xi32, #tpu.memory_space<vmem>>
      %dma_start3A_394 = arith.constant 0 : i32
      %dma_start3A_395 = arith.constant 0 : i32
      %dma_start3A_396 = tpu.memref_slice %arg2[%dma_start3A_394, %dma_start3A_395] : memref<20480x128xf32, #tpu.memory_space<hbm>> -> memref<20480x128xf32, #tpu.memory_space<hbm>>
      tpu.enqueue_indirect_dma source(%dma_start3A_396 : memref<20480x128xf32, #tpu.memory_space<hbm>>) target(%dma_start3A_390 : memref<64x128xf32, #tpu.memory_space<vmem>>) offsets(%dma_start3A_393 : memref<64xi32, #tpu.memory_space<vmem>>) semaphore(%arg14 : memref<!tpu.dma_semaphore, #tpu.memory_space<semaphore_mem>>)
      %dma_start3A_397 = arith.constant 1 : i32
      %dma_start3A_398 = arith.constant 64 : i32
      %dma_start3A_399 = arith.constant 0 : i32
      %dma_start3A_400 = tpu.memref_slice %arg12[%dma_start3A_398, %dma_start3A_399] : memref<128x128xf32, #tpu.memory_space<vmem>> -> memref<64x128xf32, #tpu.memory_space<vmem>>
      %dma_start3A_401 = arith.constant 0 : i32
      %dma_start3A_402 = tpu.memref_slice %arg9[%dma_start3A_397, %dma_start3A_401] : memref<16x64xi32, #tpu.memory_space<vmem>> -> memref<1x64xi32, #tpu.memory_space<vmem>>
      %dma_start3A_403 = tpu.memref_squeeze %dma_start3A_402 : memref<1x64xi32, #tpu.memory_space<vmem>> -> memref<64xi32, #tpu.memory_space<vmem>>
      %dma_start3A_404 = arith.constant 0 : i32
      %dma_start3A_405 = arith.constant 0 : i32
      %dma_start3A_406 = tpu.memref_slice %arg2[%dma_start3A_404, %dma_start3A_405] : memref<20480x128xf32, #tpu.memory_space<hbm>> -> memref<20480x128xf32, #tpu.memory_space<hbm>>
      tpu.enqueue_indirect_dma source(%dma_start3A_406 : memref<20480x128xf32, #tpu.memory_space<hbm>>) target(%dma_start3A_400 : memref<64x128xf32, #tpu.memory_space<vmem>>) offsets(%dma_start3A_403 : memref<64xi32, #tpu.memory_space<vmem>>) semaphore(%arg14 : memref<!tpu.dma_semaphore, #tpu.memory_space<semaphore_mem>>)
      %dma_wait3A_407 = arith.constant 0 : i32
      %dma_wait3A_408 = arith.constant 0 : i32
      %dma_wait3A_409 = arith.constant 0 : i32
      %dma_wait3A_410 = tpu.memref_slice %arg13[%dma_wait3A_408, %dma_wait3A_409] : memref<128x128xf32, #tpu.memory_space<vmem>> -> memref<64x128xf32, #tpu.memory_space<vmem>>
      %dma_wait3A_411 = arith.constant 0 : i32
      %dma_wait3A_412 = tpu.memref_slice %arg8[%dma_wait3A_407, %dma_wait3A_411] : memref<16x64xi32, #tpu.memory_space<vmem>> -> memref<1x64xi32, #tpu.memory_space<vmem>>
      %dma_wait3A_413 = tpu.memref_squeeze %dma_wait3A_412 : memref<1x64xi32, #tpu.memory_space<vmem>> -> memref<64xi32, #tpu.memory_space<vmem>>
      %dma_wait3A_414 = arith.constant 0 : i32
      %dma_wait3A_415 = arith.constant 0 : i32
      %dma_wait3A_416 = tpu.memref_slice %arg2[%dma_wait3A_414, %dma_wait3A_415] : memref<20480x128xf32, #tpu.memory_space<hbm>> -> memref<20480x128xf32, #tpu.memory_space<hbm>>
      tpu.wait_indirect_dma semaphore(%arg15 : memref<!tpu.dma_semaphore, #tpu.memory_space<semaphore_mem>>) src(%dma_wait3A_416 : memref<20480x128xf32, #tpu.memory_space<hbm>>) dst(%dma_wait3A_410 : memref<64x128xf32, #tpu.memory_space<vmem>>)
      %dma_wait3A_417 = arith.constant 0 : i32
      %dma_wait3A_418 = arith.constant 64 : i32
      %dma_wait3A_419 = arith.constant 0 : i32
      %dma_wait3A_420 = tpu.memref_slice %arg13[%dma_wait3A_418, %dma_wait3A_419] : memref<128x128xf32, #tpu.memory_space<vmem>> -> memref<64x128xf32, #tpu.memory_space<vmem>>
      %dma_wait3A_421 = arith.constant 0 : i32
      %dma_wait3A_422 = tpu.memref_slice %arg8[%dma_wait3A_417, %dma_wait3A_421] : memref<16x64xi32, #tpu.memory_space<vmem>> -> memref<1x64xi32, #tpu.memory_space<vmem>>
      %dma_wait3A_423 = tpu.memref_squeeze %dma_wait3A_422 : memref<1x64xi32, #tpu.memory_space<vmem>> -> memref<64xi32, #tpu.memory_space<vmem>>
      %dma_wait3A_424 = arith.constant 0 : i32
      %dma_wait3A_425 = arith.constant 0 : i32
      %dma_wait3A_426 = tpu.memref_slice %arg2[%dma_wait3A_424, %dma_wait3A_425] : memref<20480x128xf32, #tpu.memory_space<hbm>> -> memref<20480x128xf32, #tpu.memory_space<hbm>>
      tpu.wait_indirect_dma semaphore(%arg15 : memref<!tpu.dma_semaphore, #tpu.memory_space<semaphore_mem>>) src(%dma_wait3A_426 : memref<20480x128xf32, #tpu.memory_space<hbm>>) dst(%dma_wait3A_420 : memref<64x128xf32, #tpu.memory_space<vmem>>)
      %run_scoped3A_427 = arith.constant 7 : i32
      "tpu.region"() ({
        %run_scoped3A_749 = tpu.sem_alloc : memref<!tpu.dma_semaphore, #tpu.memory_space<semaphore_mem>>
        %dma_start3A_750 = arith.constant 0 : i32
        %dma_start3A_751 = tpu.memref_slice %arg10[%run_scoped3A_427, %dma_start3A_750] : memref<8x128xi32, #tpu.memory_space<vmem>> -> memref<1x128xi32, #tpu.memory_space<vmem>>
        %dma_start3A_752 = tpu.memref_squeeze %dma_start3A_751 : memref<1x128xi32, #tpu.memory_space<vmem>> -> memref<128xi32, #tpu.memory_space<vmem>>
        %dma_start3A_753 = arith.constant 0 : i32
        %dma_start3A_754 = arith.constant 0 : i32
        %dma_start3A_755 = tpu.memref_slice %arg7[%dma_start3A_753, %dma_start3A_754] : memref<10240x128xf32, #tpu.memory_space<vmem_shared>> -> memref<10240x128xf32, #tpu.memory_space<vmem_shared>>
        tpu.enqueue_indirect_dma source(%arg13 : memref<128x128xf32, #tpu.memory_space<vmem>>) target(%dma_start3A_755 : memref<10240x128xf32, #tpu.memory_space<vmem_shared>>) offsets(%dma_start3A_752 : memref<128xi32, #tpu.memory_space<vmem>>) semaphore(%run_scoped3A_749 : memref<!tpu.dma_semaphore, #tpu.memory_space<semaphore_mem>>) {add = true}
        %dma_wait3A_756 = arith.constant 0 : i32
        %dma_wait3A_757 = tpu.memref_slice %arg10[%run_scoped3A_427, %dma_wait3A_756] : memref<8x128xi32, #tpu.memory_space<vmem>> -> memref<1x128xi32, #tpu.memory_space<vmem>>
        %dma_wait3A_758 = tpu.memref_squeeze %dma_wait3A_757 : memref<1x128xi32, #tpu.memory_space<vmem>> -> memref<128xi32, #tpu.memory_space<vmem>>
        %dma_wait3A_759 = arith.constant 0 : i32
        %dma_wait3A_760 = arith.constant 0 : i32
        %dma_wait3A_761 = tpu.memref_slice %arg7[%dma_wait3A_759, %dma_wait3A_760] : memref<10240x128xf32, #tpu.memory_space<vmem_shared>> -> memref<10240x128xf32, #tpu.memory_space<vmem_shared>>
        tpu.wait_indirect_dma semaphore(%run_scoped3A_749 : memref<!tpu.dma_semaphore, #tpu.memory_space<semaphore_mem>>) src(%arg13 : memref<128x128xf32, #tpu.memory_space<vmem>>) dst(%dma_wait3A_761 : memref<10240x128xf32, #tpu.memory_space<vmem_shared>>)
        tpu.yield
      }) : () -> ()
      %add3A_428 = arith.constant 1 : i32
      %add3A_429 = arith.addi %scan3A_63, %add3A_428 : i32
      %lt3A = arith.constant 10 : i32
      %lt3A_430 = arith.cmpi slt, %add3A_429, %lt3A : i32
      %convert_element_type3A = arith.extui %lt3A_430 : i1 to i32
      %cond3A = arith.constant 0 : i32
      %cond3A_431 = arith.cmpi ne, %convert_element_type3A, %cond3A : i32
      scf.if %cond3A_431 {
        %add3A_749 = arith.constant 2 : i32
        %add3A_750 = arith.addi %mul3A_65, %add3A_749 : i32
        %mul3A_751 = arith.constant 2 : i32
        %mul3A_752 = arith.muli %mul3A_751, %add3A_750 : i32
        %mul3A_753 = arith.constant 8 : i32
        %mul3A_754 = arith.muli %mul3A_752, %mul3A_753 : i32
        %dma_start3A_755 = arith.constant 0 : i32
        %dma_start3A_756 = tpu.memref_slice %arg3[%arg0, %arg1, %mul3A_754, %dma_start3A_755] : memref<2x16x320x64xi32, #tpu.memory_space<hbm>> -> memref<1x1x16x64xi32, #tpu.memory_space<hbm>>
        %dma_start3A_757 = tpu.memref_squeeze %dma_start3A_756 : memref<1x1x16x64xi32, #tpu.memory_space<hbm>> -> memref<16x64xi32, #tpu.memory_space<hbm>>
        %dma_start3A_758 = arith.constant 0 : i32
        %dma_start3A_759 = tpu.memref_slice %arg3[%arg0, %arg1, %mul3A_754, %dma_start3A_758] : memref<2x16x320x64xi32, #tpu.memory_space<hbm>> -> memref<1x1x16x64xi32, #tpu.memory_space<hbm>>
        %dma_start3A_760 = tpu.memref_squeeze %dma_start3A_759 : memref<1x1x16x64xi32, #tpu.memory_space<hbm>> -> memref<16x64xi32, #tpu.memory_space<hbm>>
        tpu.enqueue_dma source(%dma_start3A_760 : memref<16x64xi32, #tpu.memory_space<hbm>>) target(%arg8 : memref<16x64xi32, #tpu.memory_space<vmem>>) target_semaphore(%arg16 : memref<!tpu.dma_semaphore, #tpu.memory_space<semaphore_mem>>)
        %mul3A_761 = arith.constant 8 : i32
        %mul3A_762 = arith.muli %add3A_750, %mul3A_761 : i32
        %dma_start3A_763 = arith.constant 0 : i32
        %dma_start3A_764 = tpu.memref_slice %arg4[%arg1, %mul3A_762, %dma_start3A_763] : memref<16x160x128xi32, #tpu.memory_space<hbm>> -> memref<1x8x128xi32, #tpu.memory_space<hbm>>
        %dma_start3A_765 = tpu.memref_squeeze %dma_start3A_764 : memref<1x8x128xi32, #tpu.memory_space<hbm>> -> memref<8x128xi32, #tpu.memory_space<hbm>>
        %dma_start3A_766 = arith.constant 0 : i32
        %dma_start3A_767 = tpu.memref_slice %arg4[%arg1, %mul3A_762, %dma_start3A_766] : memref<16x160x128xi32, #tpu.memory_space<hbm>> -> memref<1x8x128xi32, #tpu.memory_space<hbm>>
        %dma_start3A_768 = tpu.memref_squeeze %dma_start3A_767 : memref<1x8x128xi32, #tpu.memory_space<hbm>> -> memref<8x128xi32, #tpu.memory_space<hbm>>
        tpu.enqueue_dma source(%dma_start3A_768 : memref<8x128xi32, #tpu.memory_space<hbm>>) target(%arg10 : memref<8x128xi32, #tpu.memory_space<vmem>>) target_semaphore(%arg16 : memref<!tpu.dma_semaphore, #tpu.memory_space<semaphore_mem>>)
      } else {
      }
      %add3A_432 = arith.constant 1 : i32
      %add3A_433 = arith.addi %mul3A_65, %add3A_432 : i32
      %add3A_434 = arith.constant 1 : i32
      %add3A_435 = arith.addi %scan3A_63, %add3A_434 : i32
      %lt3A_436 = arith.constant 10 : i32
      %lt3A_437 = arith.cmpi slt, %add3A_435, %lt3A_436 : i32
      %dma_start3A_438 = arith.constant 2 : i32
      %dma_start3A_439 = arith.constant 0 : i32
      %dma_start3A_440 = arith.constant 0 : i32
      %dma_start3A_441 = tpu.memref_slice %arg13[%dma_start3A_439, %dma_start3A_440] : memref<128x128xf32, #tpu.memory_space<vmem>> -> memref<64x128xf32, #tpu.memory_space<vmem>>
      %dma_start3A_442 = arith.constant 0 : i32
      %dma_start3A_443 = tpu.memref_slice %arg9[%dma_start3A_438, %dma_start3A_442] : memref<16x64xi32, #tpu.memory_space<vmem>> -> memref<1x64xi32, #tpu.memory_space<vmem>>
      %dma_start3A_444 = tpu.memref_squeeze %dma_start3A_443 : memref<1x64xi32, #tpu.memory_space<vmem>> -> memref<64xi32, #tpu.memory_space<vmem>>
      %dma_start3A_445 = arith.constant 0 : i32
      %dma_start3A_446 = arith.constant 0 : i32
      %dma_start3A_447 = tpu.memref_slice %arg2[%dma_start3A_445, %dma_start3A_446] : memref<20480x128xf32, #tpu.memory_space<hbm>> -> memref<20480x128xf32, #tpu.memory_space<hbm>>
      tpu.enqueue_indirect_dma source(%dma_start3A_447 : memref<20480x128xf32, #tpu.memory_space<hbm>>) target(%dma_start3A_441 : memref<64x128xf32, #tpu.memory_space<vmem>>) offsets(%dma_start3A_444 : memref<64xi32, #tpu.memory_space<vmem>>) semaphore(%arg15 : memref<!tpu.dma_semaphore, #tpu.memory_space<semaphore_mem>>)
      %dma_start3A_448 = arith.constant 3 : i32
      %dma_start3A_449 = arith.constant 64 : i32
      %dma_start3A_450 = arith.constant 0 : i32
      %dma_start3A_451 = tpu.memref_slice %arg13[%dma_start3A_449, %dma_start3A_450] : memref<128x128xf32, #tpu.memory_space<vmem>> -> memref<64x128xf32, #tpu.memory_space<vmem>>
      %dma_start3A_452 = arith.constant 0 : i32
      %dma_start3A_453 = tpu.memref_slice %arg9[%dma_start3A_448, %dma_start3A_452] : memref<16x64xi32, #tpu.memory_space<vmem>> -> memref<1x64xi32, #tpu.memory_space<vmem>>
      %dma_start3A_454 = tpu.memref_squeeze %dma_start3A_453 : memref<1x64xi32, #tpu.memory_space<vmem>> -> memref<64xi32, #tpu.memory_space<vmem>>
      %dma_start3A_455 = arith.constant 0 : i32
      %dma_start3A_456 = arith.constant 0 : i32
      %dma_start3A_457 = tpu.memref_slice %arg2[%dma_start3A_455, %dma_start3A_456] : memref<20480x128xf32, #tpu.memory_space<hbm>> -> memref<20480x128xf32, #tpu.memory_space<hbm>>
      tpu.enqueue_indirect_dma source(%dma_start3A_457 : memref<20480x128xf32, #tpu.memory_space<hbm>>) target(%dma_start3A_451 : memref<64x128xf32, #tpu.memory_space<vmem>>) offsets(%dma_start3A_454 : memref<64xi32, #tpu.memory_space<vmem>>) semaphore(%arg15 : memref<!tpu.dma_semaphore, #tpu.memory_space<semaphore_mem>>)
      %dma_wait3A_458 = arith.constant 0 : i32
      %dma_wait3A_459 = arith.constant 0 : i32
      %dma_wait3A_460 = arith.constant 0 : i32
      %dma_wait3A_461 = tpu.memref_slice %arg12[%dma_wait3A_459, %dma_wait3A_460] : memref<128x128xf32, #tpu.memory_space<vmem>> -> memref<64x128xf32, #tpu.memory_space<vmem>>
      %dma_wait3A_462 = arith.constant 0 : i32
      %dma_wait3A_463 = tpu.memref_slice %arg8[%dma_wait3A_458, %dma_wait3A_462] : memref<16x64xi32, #tpu.memory_space<vmem>> -> memref<1x64xi32, #tpu.memory_space<vmem>>
      %dma_wait3A_464 = tpu.memref_squeeze %dma_wait3A_463 : memref<1x64xi32, #tpu.memory_space<vmem>> -> memref<64xi32, #tpu.memory_space<vmem>>
      %dma_wait3A_465 = arith.constant 0 : i32
      %dma_wait3A_466 = arith.constant 0 : i32
      %dma_wait3A_467 = tpu.memref_slice %arg2[%dma_wait3A_465, %dma_wait3A_466] : memref<20480x128xf32, #tpu.memory_space<hbm>> -> memref<20480x128xf32, #tpu.memory_space<hbm>>
      tpu.wait_indirect_dma semaphore(%arg14 : memref<!tpu.dma_semaphore, #tpu.memory_space<semaphore_mem>>) src(%dma_wait3A_467 : memref<20480x128xf32, #tpu.memory_space<hbm>>) dst(%dma_wait3A_461 : memref<64x128xf32, #tpu.memory_space<vmem>>)
      %dma_wait3A_468 = arith.constant 0 : i32
      %dma_wait3A_469 = arith.constant 64 : i32
      %dma_wait3A_470 = arith.constant 0 : i32
      %dma_wait3A_471 = tpu.memref_slice %arg12[%dma_wait3A_469, %dma_wait3A_470] : memref<128x128xf32, #tpu.memory_space<vmem>> -> memref<64x128xf32, #tpu.memory_space<vmem>>
      %dma_wait3A_472 = arith.constant 0 : i32
      %dma_wait3A_473 = tpu.memref_slice %arg8[%dma_wait3A_468, %dma_wait3A_472] : memref<16x64xi32, #tpu.memory_space<vmem>> -> memref<1x64xi32, #tpu.memory_space<vmem>>
      %dma_wait3A_474 = tpu.memref_squeeze %dma_wait3A_473 : memref<1x64xi32, #tpu.memory_space<vmem>> -> memref<64xi32, #tpu.memory_space<vmem>>
      %dma_wait3A_475 = arith.constant 0 : i32
      %dma_wait3A_476 = arith.constant 0 : i32
      %dma_wait3A_477 = tpu.memref_slice %arg2[%dma_wait3A_475, %dma_wait3A_476] : memref<20480x128xf32, #tpu.memory_space<hbm>> -> memref<20480x128xf32, #tpu.memory_space<hbm>>
      tpu.wait_indirect_dma semaphore(%arg14 : memref<!tpu.dma_semaphore, #tpu.memory_space<semaphore_mem>>) src(%dma_wait3A_477 : memref<20480x128xf32, #tpu.memory_space<hbm>>) dst(%dma_wait3A_471 : memref<64x128xf32, #tpu.memory_space<vmem>>)
      %run_scoped3A_478 = arith.constant 0 : i32
      "tpu.region"() ({
        %run_scoped3A_749 = tpu.sem_alloc : memref<!tpu.dma_semaphore, #tpu.memory_space<semaphore_mem>>
        %dma_start3A_750 = arith.constant 0 : i32
        %dma_start3A_751 = tpu.memref_slice %arg11[%run_scoped3A_478, %dma_start3A_750] : memref<8x128xi32, #tpu.memory_space<vmem>> -> memref<1x128xi32, #tpu.memory_space<vmem>>
        %dma_start3A_752 = tpu.memref_squeeze %dma_start3A_751 : memref<1x128xi32, #tpu.memory_space<vmem>> -> memref<128xi32, #tpu.memory_space<vmem>>
        %dma_start3A_753 = arith.constant 0 : i32
        %dma_start3A_754 = arith.constant 0 : i32
        %dma_start3A_755 = tpu.memref_slice %arg7[%dma_start3A_753, %dma_start3A_754] : memref<10240x128xf32, #tpu.memory_space<vmem_shared>> -> memref<10240x128xf32, #tpu.memory_space<vmem_shared>>
        tpu.enqueue_indirect_dma source(%arg12 : memref<128x128xf32, #tpu.memory_space<vmem>>) target(%dma_start3A_755 : memref<10240x128xf32, #tpu.memory_space<vmem_shared>>) offsets(%dma_start3A_752 : memref<128xi32, #tpu.memory_space<vmem>>) semaphore(%run_scoped3A_749 : memref<!tpu.dma_semaphore, #tpu.memory_space<semaphore_mem>>) {add = true}
        %dma_wait3A_756 = arith.constant 0 : i32
        %dma_wait3A_757 = tpu.memref_slice %arg11[%run_scoped3A_478, %dma_wait3A_756] : memref<8x128xi32, #tpu.memory_space<vmem>> -> memref<1x128xi32, #tpu.memory_space<vmem>>
        %dma_wait3A_758 = tpu.memref_squeeze %dma_wait3A_757 : memref<1x128xi32, #tpu.memory_space<vmem>> -> memref<128xi32, #tpu.memory_space<vmem>>
        %dma_wait3A_759 = arith.constant 0 : i32
        %dma_wait3A_760 = arith.constant 0 : i32
        %dma_wait3A_761 = tpu.memref_slice %arg7[%dma_wait3A_759, %dma_wait3A_760] : memref<10240x128xf32, #tpu.memory_space<vmem_shared>> -> memref<10240x128xf32, #tpu.memory_space<vmem_shared>>
        tpu.wait_indirect_dma semaphore(%run_scoped3A_749 : memref<!tpu.dma_semaphore, #tpu.memory_space<semaphore_mem>>) src(%arg12 : memref<128x128xf32, #tpu.memory_space<vmem>>) dst(%dma_wait3A_761 : memref<10240x128xf32, #tpu.memory_space<vmem_shared>>)
        tpu.yield
      }) : () -> ()
      %dma_start3A_479 = arith.constant 4 : i32
      %dma_start3A_480 = arith.constant 0 : i32
      %dma_start3A_481 = arith.constant 0 : i32
      %dma_start3A_482 = tpu.memref_slice %arg12[%dma_start3A_480, %dma_start3A_481] : memref<128x128xf32, #tpu.memory_space<vmem>> -> memref<64x128xf32, #tpu.memory_space<vmem>>
      %dma_start3A_483 = arith.constant 0 : i32
      %dma_start3A_484 = tpu.memref_slice %arg9[%dma_start3A_479, %dma_start3A_483] : memref<16x64xi32, #tpu.memory_space<vmem>> -> memref<1x64xi32, #tpu.memory_space<vmem>>
      %dma_start3A_485 = tpu.memref_squeeze %dma_start3A_484 : memref<1x64xi32, #tpu.memory_space<vmem>> -> memref<64xi32, #tpu.memory_space<vmem>>
      %dma_start3A_486 = arith.constant 0 : i32
      %dma_start3A_487 = arith.constant 0 : i32
      %dma_start3A_488 = tpu.memref_slice %arg2[%dma_start3A_486, %dma_start3A_487] : memref<20480x128xf32, #tpu.memory_space<hbm>> -> memref<20480x128xf32, #tpu.memory_space<hbm>>
      tpu.enqueue_indirect_dma source(%dma_start3A_488 : memref<20480x128xf32, #tpu.memory_space<hbm>>) target(%dma_start3A_482 : memref<64x128xf32, #tpu.memory_space<vmem>>) offsets(%dma_start3A_485 : memref<64xi32, #tpu.memory_space<vmem>>) semaphore(%arg14 : memref<!tpu.dma_semaphore, #tpu.memory_space<semaphore_mem>>)
      %dma_start3A_489 = arith.constant 5 : i32
      %dma_start3A_490 = arith.constant 64 : i32
      %dma_start3A_491 = arith.constant 0 : i32
      %dma_start3A_492 = tpu.memref_slice %arg12[%dma_start3A_490, %dma_start3A_491] : memref<128x128xf32, #tpu.memory_space<vmem>> -> memref<64x128xf32, #tpu.memory_space<vmem>>
      %dma_start3A_493 = arith.constant 0 : i32
      %dma_start3A_494 = tpu.memref_slice %arg9[%dma_start3A_489, %dma_start3A_493] : memref<16x64xi32, #tpu.memory_space<vmem>> -> memref<1x64xi32, #tpu.memory_space<vmem>>
      %dma_start3A_495 = tpu.memref_squeeze %dma_start3A_494 : memref<1x64xi32, #tpu.memory_space<vmem>> -> memref<64xi32, #tpu.memory_space<vmem>>
      %dma_start3A_496 = arith.constant 0 : i32
      %dma_start3A_497 = arith.constant 0 : i32
      %dma_start3A_498 = tpu.memref_slice %arg2[%dma_start3A_496, %dma_start3A_497] : memref<20480x128xf32, #tpu.memory_space<hbm>> -> memref<20480x128xf32, #tpu.memory_space<hbm>>
      tpu.enqueue_indirect_dma source(%dma_start3A_498 : memref<20480x128xf32, #tpu.memory_space<hbm>>) target(%dma_start3A_492 : memref<64x128xf32, #tpu.memory_space<vmem>>) offsets(%dma_start3A_495 : memref<64xi32, #tpu.memory_space<vmem>>) semaphore(%arg14 : memref<!tpu.dma_semaphore, #tpu.memory_space<semaphore_mem>>)
      %dma_wait3A_499 = arith.constant 0 : i32
      %dma_wait3A_500 = arith.constant 0 : i32
      %dma_wait3A_501 = arith.constant 0 : i32
      %dma_wait3A_502 = tpu.memref_slice %arg13[%dma_wait3A_500, %dma_wait3A_501] : memref<128x128xf32, #tpu.memory_space<vmem>> -> memref<64x128xf32, #tpu.memory_space<vmem>>
      %dma_wait3A_503 = arith.constant 0 : i32
      %dma_wait3A_504 = tpu.memref_slice %arg8[%dma_wait3A_499, %dma_wait3A_503] : memref<16x64xi32, #tpu.memory_space<vmem>> -> memref<1x64xi32, #tpu.memory_space<vmem>>
      %dma_wait3A_505 = tpu.memref_squeeze %dma_wait3A_504 : memref<1x64xi32, #tpu.memory_space<vmem>> -> memref<64xi32, #tpu.memory_space<vmem>>
      %dma_wait3A_506 = arith.constant 0 : i32
      %dma_wait3A_507 = arith.constant 0 : i32
      %dma_wait3A_508 = tpu.memref_slice %arg2[%dma_wait3A_506, %dma_wait3A_507] : memref<20480x128xf32, #tpu.memory_space<hbm>> -> memref<20480x128xf32, #tpu.memory_space<hbm>>
      tpu.wait_indirect_dma semaphore(%arg15 : memref<!tpu.dma_semaphore, #tpu.memory_space<semaphore_mem>>) src(%dma_wait3A_508 : memref<20480x128xf32, #tpu.memory_space<hbm>>) dst(%dma_wait3A_502 : memref<64x128xf32, #tpu.memory_space<vmem>>)
      %dma_wait3A_509 = arith.constant 0 : i32
      %dma_wait3A_510 = arith.constant 64 : i32
      %dma_wait3A_511 = arith.constant 0 : i32
      %dma_wait3A_512 = tpu.memref_slice %arg13[%dma_wait3A_510, %dma_wait3A_511] : memref<128x128xf32, #tpu.memory_space<vmem>> -> memref<64x128xf32, #tpu.memory_space<vmem>>
      %dma_wait3A_513 = arith.constant 0 : i32
      %dma_wait3A_514 = tpu.memref_slice %arg8[%dma_wait3A_509, %dma_wait3A_513] : memref<16x64xi32, #tpu.memory_space<vmem>> -> memref<1x64xi32, #tpu.memory_space<vmem>>
      %dma_wait3A_515 = tpu.memref_squeeze %dma_wait3A_514 : memref<1x64xi32, #tpu.memory_space<vmem>> -> memref<64xi32, #tpu.memory_space<vmem>>
      %dma_wait3A_516 = arith.constant 0 : i32
      %dma_wait3A_517 = arith.constant 0 : i32
      %dma_wait3A_518 = tpu.memref_slice %arg2[%dma_wait3A_516, %dma_wait3A_517] : memref<20480x128xf32, #tpu.memory_space<hbm>> -> memref<20480x128xf32, #tpu.memory_space<hbm>>
      tpu.wait_indirect_dma semaphore(%arg15 : memref<!tpu.dma_semaphore, #tpu.memory_space<semaphore_mem>>) src(%dma_wait3A_518 : memref<20480x128xf32, #tpu.memory_space<hbm>>) dst(%dma_wait3A_512 : memref<64x128xf32, #tpu.memory_space<vmem>>)
      %run_scoped3A_519 = arith.constant 1 : i32
      "tpu.region"() ({
        %run_scoped3A_749 = tpu.sem_alloc : memref<!tpu.dma_semaphore, #tpu.memory_space<semaphore_mem>>
        %dma_start3A_750 = arith.constant 0 : i32
        %dma_start3A_751 = tpu.memref_slice %arg11[%run_scoped3A_519, %dma_start3A_750] : memref<8x128xi32, #tpu.memory_space<vmem>> -> memref<1x128xi32, #tpu.memory_space<vmem>>
        %dma_start3A_752 = tpu.memref_squeeze %dma_start3A_751 : memref<1x128xi32, #tpu.memory_space<vmem>> -> memref<128xi32, #tpu.memory_space<vmem>>
        %dma_start3A_753 = arith.constant 0 : i32
        %dma_start3A_754 = arith.constant 0 : i32
        %dma_start3A_755 = tpu.memref_slice %arg7[%dma_start3A_753, %dma_start3A_754] : memref<10240x128xf32, #tpu.memory_space<vmem_shared>> -> memref<10240x128xf32, #tpu.memory_space<vmem_shared>>
        tpu.enqueue_indirect_dma source(%arg13 : memref<128x128xf32, #tpu.memory_space<vmem>>) target(%dma_start3A_755 : memref<10240x128xf32, #tpu.memory_space<vmem_shared>>) offsets(%dma_start3A_752 : memref<128xi32, #tpu.memory_space<vmem>>) semaphore(%run_scoped3A_749 : memref<!tpu.dma_semaphore, #tpu.memory_space<semaphore_mem>>) {add = true}
        %dma_wait3A_756 = arith.constant 0 : i32
        %dma_wait3A_757 = tpu.memref_slice %arg11[%run_scoped3A_519, %dma_wait3A_756] : memref<8x128xi32, #tpu.memory_space<vmem>> -> memref<1x128xi32, #tpu.memory_space<vmem>>
        %dma_wait3A_758 = tpu.memref_squeeze %dma_wait3A_757 : memref<1x128xi32, #tpu.memory_space<vmem>> -> memref<128xi32, #tpu.memory_space<vmem>>
        %dma_wait3A_759 = arith.constant 0 : i32
        %dma_wait3A_760 = arith.constant 0 : i32
        %dma_wait3A_761 = tpu.memref_slice %arg7[%dma_wait3A_759, %dma_wait3A_760] : memref<10240x128xf32, #tpu.memory_space<vmem_shared>> -> memref<10240x128xf32, #tpu.memory_space<vmem_shared>>
        tpu.wait_indirect_dma semaphore(%run_scoped3A_749 : memref<!tpu.dma_semaphore, #tpu.memory_space<semaphore_mem>>) src(%arg13 : memref<128x128xf32, #tpu.memory_space<vmem>>) dst(%dma_wait3A_761 : memref<10240x128xf32, #tpu.memory_space<vmem_shared>>)
        tpu.yield
      }) : () -> ()
      %dma_start3A_520 = arith.constant 6 : i32
      %dma_start3A_521 = arith.constant 0 : i32
      %dma_start3A_522 = arith.constant 0 : i32
      %dma_start3A_523 = tpu.memref_slice %arg13[%dma_start3A_521, %dma_start3A_522] : memref<128x128xf32, #tpu.memory_space<vmem>> -> memref<64x128xf32, #tpu.memory_space<vmem>>
      %dma_start3A_524 = arith.constant 0 : i32
      %dma_start3A_525 = tpu.memref_slice %arg9[%dma_start3A_520, %dma_start3A_524] : memref<16x64xi32, #tpu.memory_space<vmem>> -> memref<1x64xi32, #tpu.memory_space<vmem>>
      %dma_start3A_526 = tpu.memref_squeeze %dma_start3A_525 : memref<1x64xi32, #tpu.memory_space<vmem>> -> memref<64xi32, #tpu.memory_space<vmem>>
      %dma_start3A_527 = arith.constant 0 : i32
      %dma_start3A_528 = arith.constant 0 : i32
      %dma_start3A_529 = tpu.memref_slice %arg2[%dma_start3A_527, %dma_start3A_528] : memref<20480x128xf32, #tpu.memory_space<hbm>> -> memref<20480x128xf32, #tpu.memory_space<hbm>>
      tpu.enqueue_indirect_dma source(%dma_start3A_529 : memref<20480x128xf32, #tpu.memory_space<hbm>>) target(%dma_start3A_523 : memref<64x128xf32, #tpu.memory_space<vmem>>) offsets(%dma_start3A_526 : memref<64xi32, #tpu.memory_space<vmem>>) semaphore(%arg15 : memref<!tpu.dma_semaphore, #tpu.memory_space<semaphore_mem>>)
      %dma_start3A_530 = arith.constant 7 : i32
      %dma_start3A_531 = arith.constant 64 : i32
      %dma_start3A_532 = arith.constant 0 : i32
      %dma_start3A_533 = tpu.memref_slice %arg13[%dma_start3A_531, %dma_start3A_532] : memref<128x128xf32, #tpu.memory_space<vmem>> -> memref<64x128xf32, #tpu.memory_space<vmem>>
      %dma_start3A_534 = arith.constant 0 : i32
      %dma_start3A_535 = tpu.memref_slice %arg9[%dma_start3A_530, %dma_start3A_534] : memref<16x64xi32, #tpu.memory_space<vmem>> -> memref<1x64xi32, #tpu.memory_space<vmem>>
      %dma_start3A_536 = tpu.memref_squeeze %dma_start3A_535 : memref<1x64xi32, #tpu.memory_space<vmem>> -> memref<64xi32, #tpu.memory_space<vmem>>
      %dma_start3A_537 = arith.constant 0 : i32
      %dma_start3A_538 = arith.constant 0 : i32
      %dma_start3A_539 = tpu.memref_slice %arg2[%dma_start3A_537, %dma_start3A_538] : memref<20480x128xf32, #tpu.memory_space<hbm>> -> memref<20480x128xf32, #tpu.memory_space<hbm>>
      tpu.enqueue_indirect_dma source(%dma_start3A_539 : memref<20480x128xf32, #tpu.memory_space<hbm>>) target(%dma_start3A_533 : memref<64x128xf32, #tpu.memory_space<vmem>>) offsets(%dma_start3A_536 : memref<64xi32, #tpu.memory_space<vmem>>) semaphore(%arg15 : memref<!tpu.dma_semaphore, #tpu.memory_space<semaphore_mem>>)
      %dma_wait3A_540 = arith.constant 0 : i32
      %dma_wait3A_541 = arith.constant 0 : i32
      %dma_wait3A_542 = arith.constant 0 : i32
      %dma_wait3A_543 = tpu.memref_slice %arg12[%dma_wait3A_541, %dma_wait3A_542] : memref<128x128xf32, #tpu.memory_space<vmem>> -> memref<64x128xf32, #tpu.memory_space<vmem>>
      %dma_wait3A_544 = arith.constant 0 : i32
      %dma_wait3A_545 = tpu.memref_slice %arg8[%dma_wait3A_540, %dma_wait3A_544] : memref<16x64xi32, #tpu.memory_space<vmem>> -> memref<1x64xi32, #tpu.memory_space<vmem>>
      %dma_wait3A_546 = tpu.memref_squeeze %dma_wait3A_545 : memref<1x64xi32, #tpu.memory_space<vmem>> -> memref<64xi32, #tpu.memory_space<vmem>>
      %dma_wait3A_547 = arith.constant 0 : i32
      %dma_wait3A_548 = arith.constant 0 : i32
      %dma_wait3A_549 = tpu.memref_slice %arg2[%dma_wait3A_547, %dma_wait3A_548] : memref<20480x128xf32, #tpu.memory_space<hbm>> -> memref<20480x128xf32, #tpu.memory_space<hbm>>
      tpu.wait_indirect_dma semaphore(%arg14 : memref<!tpu.dma_semaphore, #tpu.memory_space<semaphore_mem>>) src(%dma_wait3A_549 : memref<20480x128xf32, #tpu.memory_space<hbm>>) dst(%dma_wait3A_543 : memref<64x128xf32, #tpu.memory_space<vmem>>)
      %dma_wait3A_550 = arith.constant 0 : i32
      %dma_wait3A_551 = arith.constant 64 : i32
      %dma_wait3A_552 = arith.constant 0 : i32
      %dma_wait3A_553 = tpu.memref_slice %arg12[%dma_wait3A_551, %dma_wait3A_552] : memref<128x128xf32, #tpu.memory_space<vmem>> -> memref<64x128xf32, #tpu.memory_space<vmem>>
      %dma_wait3A_554 = arith.constant 0 : i32
      %dma_wait3A_555 = tpu.memref_slice %arg8[%dma_wait3A_550, %dma_wait3A_554] : memref<16x64xi32, #tpu.memory_space<vmem>> -> memref<1x64xi32, #tpu.memory_space<vmem>>
      %dma_wait3A_556 = tpu.memref_squeeze %dma_wait3A_555 : memref<1x64xi32, #tpu.memory_space<vmem>> -> memref<64xi32, #tpu.memory_space<vmem>>
      %dma_wait3A_557 = arith.constant 0 : i32
      %dma_wait3A_558 = arith.constant 0 : i32
      %dma_wait3A_559 = tpu.memref_slice %arg2[%dma_wait3A_557, %dma_wait3A_558] : memref<20480x128xf32, #tpu.memory_space<hbm>> -> memref<20480x128xf32, #tpu.memory_space<hbm>>
      tpu.wait_indirect_dma semaphore(%arg14 : memref<!tpu.dma_semaphore, #tpu.memory_space<semaphore_mem>>) src(%dma_wait3A_559 : memref<20480x128xf32, #tpu.memory_space<hbm>>) dst(%dma_wait3A_553 : memref<64x128xf32, #tpu.memory_space<vmem>>)
      %run_scoped3A_560 = arith.constant 2 : i32
      "tpu.region"() ({
        %run_scoped3A_749 = tpu.sem_alloc : memref<!tpu.dma_semaphore, #tpu.memory_space<semaphore_mem>>
        %dma_start3A_750 = arith.constant 0 : i32
        %dma_start3A_751 = tpu.memref_slice %arg11[%run_scoped3A_560, %dma_start3A_750] : memref<8x128xi32, #tpu.memory_space<vmem>> -> memref<1x128xi32, #tpu.memory_space<vmem>>
        %dma_start3A_752 = tpu.memref_squeeze %dma_start3A_751 : memref<1x128xi32, #tpu.memory_space<vmem>> -> memref<128xi32, #tpu.memory_space<vmem>>
        %dma_start3A_753 = arith.constant 0 : i32
        %dma_start3A_754 = arith.constant 0 : i32
        %dma_start3A_755 = tpu.memref_slice %arg7[%dma_start3A_753, %dma_start3A_754] : memref<10240x128xf32, #tpu.memory_space<vmem_shared>> -> memref<10240x128xf32, #tpu.memory_space<vmem_shared>>
        tpu.enqueue_indirect_dma source(%arg12 : memref<128x128xf32, #tpu.memory_space<vmem>>) target(%dma_start3A_755 : memref<10240x128xf32, #tpu.memory_space<vmem_shared>>) offsets(%dma_start3A_752 : memref<128xi32, #tpu.memory_space<vmem>>) semaphore(%run_scoped3A_749 : memref<!tpu.dma_semaphore, #tpu.memory_space<semaphore_mem>>) {add = true}
        %dma_wait3A_756 = arith.constant 0 : i32
        %dma_wait3A_757 = tpu.memref_slice %arg11[%run_scoped3A_560, %dma_wait3A_756] : memref<8x128xi32, #tpu.memory_space<vmem>> -> memref<1x128xi32, #tpu.memory_space<vmem>>
        %dma_wait3A_758 = tpu.memref_squeeze %dma_wait3A_757 : memref<1x128xi32, #tpu.memory_space<vmem>> -> memref<128xi32, #tpu.memory_space<vmem>>
        %dma_wait3A_759 = arith.constant 0 : i32
        %dma_wait3A_760 = arith.constant 0 : i32
        %dma_wait3A_761 = tpu.memref_slice %arg7[%dma_wait3A_759, %dma_wait3A_760] : memref<10240x128xf32, #tpu.memory_space<vmem_shared>> -> memref<10240x128xf32, #tpu.memory_space<vmem_shared>>
        tpu.wait_indirect_dma semaphore(%run_scoped3A_749 : memref<!tpu.dma_semaphore, #tpu.memory_space<semaphore_mem>>) src(%arg12 : memref<128x128xf32, #tpu.memory_space<vmem>>) dst(%dma_wait3A_761 : memref<10240x128xf32, #tpu.memory_space<vmem_shared>>)
        tpu.yield
      }) : () -> ()
      %dma_start3A_561 = arith.constant 8 : i32
      %dma_start3A_562 = arith.constant 0 : i32
      %dma_start3A_563 = arith.constant 0 : i32
      %dma_start3A_564 = tpu.memref_slice %arg12[%dma_start3A_562, %dma_start3A_563] : memref<128x128xf32, #tpu.memory_space<vmem>> -> memref<64x128xf32, #tpu.memory_space<vmem>>
      %dma_start3A_565 = arith.constant 0 : i32
      %dma_start3A_566 = tpu.memref_slice %arg9[%dma_start3A_561, %dma_start3A_565] : memref<16x64xi32, #tpu.memory_space<vmem>> -> memref<1x64xi32, #tpu.memory_space<vmem>>
      %dma_start3A_567 = tpu.memref_squeeze %dma_start3A_566 : memref<1x64xi32, #tpu.memory_space<vmem>> -> memref<64xi32, #tpu.memory_space<vmem>>
      %dma_start3A_568 = arith.constant 0 : i32
      %dma_start3A_569 = arith.constant 0 : i32
      %dma_start3A_570 = tpu.memref_slice %arg2[%dma_start3A_568, %dma_start3A_569] : memref<20480x128xf32, #tpu.memory_space<hbm>> -> memref<20480x128xf32, #tpu.memory_space<hbm>>
      tpu.enqueue_indirect_dma source(%dma_start3A_570 : memref<20480x128xf32, #tpu.memory_space<hbm>>) target(%dma_start3A_564 : memref<64x128xf32, #tpu.memory_space<vmem>>) offsets(%dma_start3A_567 : memref<64xi32, #tpu.memory_space<vmem>>) semaphore(%arg14 : memref<!tpu.dma_semaphore, #tpu.memory_space<semaphore_mem>>)
      %dma_start3A_571 = arith.constant 9 : i32
      %dma_start3A_572 = arith.constant 64 : i32
      %dma_start3A_573 = arith.constant 0 : i32
      %dma_start3A_574 = tpu.memref_slice %arg12[%dma_start3A_572, %dma_start3A_573] : memref<128x128xf32, #tpu.memory_space<vmem>> -> memref<64x128xf32, #tpu.memory_space<vmem>>
      %dma_start3A_575 = arith.constant 0 : i32
      %dma_start3A_576 = tpu.memref_slice %arg9[%dma_start3A_571, %dma_start3A_575] : memref<16x64xi32, #tpu.memory_space<vmem>> -> memref<1x64xi32, #tpu.memory_space<vmem>>
      %dma_start3A_577 = tpu.memref_squeeze %dma_start3A_576 : memref<1x64xi32, #tpu.memory_space<vmem>> -> memref<64xi32, #tpu.memory_space<vmem>>
      %dma_start3A_578 = arith.constant 0 : i32
      %dma_start3A_579 = arith.constant 0 : i32
      %dma_start3A_580 = tpu.memref_slice %arg2[%dma_start3A_578, %dma_start3A_579] : memref<20480x128xf32, #tpu.memory_space<hbm>> -> memref<20480x128xf32, #tpu.memory_space<hbm>>
      tpu.enqueue_indirect_dma source(%dma_start3A_580 : memref<20480x128xf32, #tpu.memory_space<hbm>>) target(%dma_start3A_574 : memref<64x128xf32, #tpu.memory_space<vmem>>) offsets(%dma_start3A_577 : memref<64xi32, #tpu.memory_space<vmem>>) semaphore(%arg14 : memref<!tpu.dma_semaphore, #tpu.memory_space<semaphore_mem>>)
      %dma_wait3A_581 = arith.constant 0 : i32
      %dma_wait3A_582 = arith.constant 0 : i32
      %dma_wait3A_583 = arith.constant 0 : i32
      %dma_wait3A_584 = tpu.memref_slice %arg13[%dma_wait3A_582, %dma_wait3A_583] : memref<128x128xf32, #tpu.memory_space<vmem>> -> memref<64x128xf32, #tpu.memory_space<vmem>>
      %dma_wait3A_585 = arith.constant 0 : i32
      %dma_wait3A_586 = tpu.memref_slice %arg8[%dma_wait3A_581, %dma_wait3A_585] : memref<16x64xi32, #tpu.memory_space<vmem>> -> memref<1x64xi32, #tpu.memory_space<vmem>>
      %dma_wait3A_587 = tpu.memref_squeeze %dma_wait3A_586 : memref<1x64xi32, #tpu.memory_space<vmem>> -> memref<64xi32, #tpu.memory_space<vmem>>
      %dma_wait3A_588 = arith.constant 0 : i32
      %dma_wait3A_589 = arith.constant 0 : i32
      %dma_wait3A_590 = tpu.memref_slice %arg2[%dma_wait3A_588, %dma_wait3A_589] : memref<20480x128xf32, #tpu.memory_space<hbm>> -> memref<20480x128xf32, #tpu.memory_space<hbm>>
      tpu.wait_indirect_dma semaphore(%arg15 : memref<!tpu.dma_semaphore, #tpu.memory_space<semaphore_mem>>) src(%dma_wait3A_590 : memref<20480x128xf32, #tpu.memory_space<hbm>>) dst(%dma_wait3A_584 : memref<64x128xf32, #tpu.memory_space<vmem>>)
      %dma_wait3A_591 = arith.constant 0 : i32
      %dma_wait3A_592 = arith.constant 64 : i32
      %dma_wait3A_593 = arith.constant 0 : i32
      %dma_wait3A_594 = tpu.memref_slice %arg13[%dma_wait3A_592, %dma_wait3A_593] : memref<128x128xf32, #tpu.memory_space<vmem>> -> memref<64x128xf32, #tpu.memory_space<vmem>>
      %dma_wait3A_595 = arith.constant 0 : i32
      %dma_wait3A_596 = tpu.memref_slice %arg8[%dma_wait3A_591, %dma_wait3A_595] : memref<16x64xi32, #tpu.memory_space<vmem>> -> memref<1x64xi32, #tpu.memory_space<vmem>>
      %dma_wait3A_597 = tpu.memref_squeeze %dma_wait3A_596 : memref<1x64xi32, #tpu.memory_space<vmem>> -> memref<64xi32, #tpu.memory_space<vmem>>
      %dma_wait3A_598 = arith.constant 0 : i32
      %dma_wait3A_599 = arith.constant 0 : i32
      %dma_wait3A_600 = tpu.memref_slice %arg2[%dma_wait3A_598, %dma_wait3A_599] : memref<20480x128xf32, #tpu.memory_space<hbm>> -> memref<20480x128xf32, #tpu.memory_space<hbm>>
      tpu.wait_indirect_dma semaphore(%arg15 : memref<!tpu.dma_semaphore, #tpu.memory_space<semaphore_mem>>) src(%dma_wait3A_600 : memref<20480x128xf32, #tpu.memory_space<hbm>>) dst(%dma_wait3A_594 : memref<64x128xf32, #tpu.memory_space<vmem>>)
      %run_scoped3A_601 = arith.constant 3 : i32
      "tpu.region"() ({
        %run_scoped3A_749 = tpu.sem_alloc : memref<!tpu.dma_semaphore, #tpu.memory_space<semaphore_mem>>
        %dma_start3A_750 = arith.constant 0 : i32
        %dma_start3A_751 = tpu.memref_slice %arg11[%run_scoped3A_601, %dma_start3A_750] : memref<8x128xi32, #tpu.memory_space<vmem>> -> memref<1x128xi32, #tpu.memory_space<vmem>>
        %dma_start3A_752 = tpu.memref_squeeze %dma_start3A_751 : memref<1x128xi32, #tpu.memory_space<vmem>> -> memref<128xi32, #tpu.memory_space<vmem>>
        %dma_start3A_753 = arith.constant 0 : i32
        %dma_start3A_754 = arith.constant 0 : i32
        %dma_start3A_755 = tpu.memref_slice %arg7[%dma_start3A_753, %dma_start3A_754] : memref<10240x128xf32, #tpu.memory_space<vmem_shared>> -> memref<10240x128xf32, #tpu.memory_space<vmem_shared>>
        tpu.enqueue_indirect_dma source(%arg13 : memref<128x128xf32, #tpu.memory_space<vmem>>) target(%dma_start3A_755 : memref<10240x128xf32, #tpu.memory_space<vmem_shared>>) offsets(%dma_start3A_752 : memref<128xi32, #tpu.memory_space<vmem>>) semaphore(%run_scoped3A_749 : memref<!tpu.dma_semaphore, #tpu.memory_space<semaphore_mem>>) {add = true}
        %dma_wait3A_756 = arith.constant 0 : i32
        %dma_wait3A_757 = tpu.memref_slice %arg11[%run_scoped3A_601, %dma_wait3A_756] : memref<8x128xi32, #tpu.memory_space<vmem>> -> memref<1x128xi32, #tpu.memory_space<vmem>>
        %dma_wait3A_758 = tpu.memref_squeeze %dma_wait3A_757 : memref<1x128xi32, #tpu.memory_space<vmem>> -> memref<128xi32, #tpu.memory_space<vmem>>
        %dma_wait3A_759 = arith.constant 0 : i32
        %dma_wait3A_760 = arith.constant 0 : i32
        %dma_wait3A_761 = tpu.memref_slice %arg7[%dma_wait3A_759, %dma_wait3A_760] : memref<10240x128xf32, #tpu.memory_space<vmem_shared>> -> memref<10240x128xf32, #tpu.memory_space<vmem_shared>>
        tpu.wait_indirect_dma semaphore(%run_scoped3A_749 : memref<!tpu.dma_semaphore, #tpu.memory_space<semaphore_mem>>) src(%arg13 : memref<128x128xf32, #tpu.memory_space<vmem>>) dst(%dma_wait3A_761 : memref<10240x128xf32, #tpu.memory_space<vmem_shared>>)
        tpu.yield
      }) : () -> ()
      %dma_start3A_602 = arith.constant 10 : i32
      %dma_start3A_603 = arith.constant 0 : i32
      %dma_start3A_604 = arith.constant 0 : i32
      %dma_start3A_605 = tpu.memref_slice %arg13[%dma_start3A_603, %dma_start3A_604] : memref<128x128xf32, #tpu.memory_space<vmem>> -> memref<64x128xf32, #tpu.memory_space<vmem>>
      %dma_start3A_606 = arith.constant 0 : i32
      %dma_start3A_607 = tpu.memref_slice %arg9[%dma_start3A_602, %dma_start3A_606] : memref<16x64xi32, #tpu.memory_space<vmem>> -> memref<1x64xi32, #tpu.memory_space<vmem>>
      %dma_start3A_608 = tpu.memref_squeeze %dma_start3A_607 : memref<1x64xi32, #tpu.memory_space<vmem>> -> memref<64xi32, #tpu.memory_space<vmem>>
      %dma_start3A_609 = arith.constant 0 : i32
      %dma_start3A_610 = arith.constant 0 : i32
      %dma_start3A_611 = tpu.memref_slice %arg2[%dma_start3A_609, %dma_start3A_610] : memref<20480x128xf32, #tpu.memory_space<hbm>> -> memref<20480x128xf32, #tpu.memory_space<hbm>>
      tpu.enqueue_indirect_dma source(%dma_start3A_611 : memref<20480x128xf32, #tpu.memory_space<hbm>>) target(%dma_start3A_605 : memref<64x128xf32, #tpu.memory_space<vmem>>) offsets(%dma_start3A_608 : memref<64xi32, #tpu.memory_space<vmem>>) semaphore(%arg15 : memref<!tpu.dma_semaphore, #tpu.memory_space<semaphore_mem>>)
      %dma_start3A_612 = arith.constant 11 : i32
      %dma_start3A_613 = arith.constant 64 : i32
      %dma_start3A_614 = arith.constant 0 : i32
      %dma_start3A_615 = tpu.memref_slice %arg13[%dma_start3A_613, %dma_start3A_614] : memref<128x128xf32, #tpu.memory_space<vmem>> -> memref<64x128xf32, #tpu.memory_space<vmem>>
      %dma_start3A_616 = arith.constant 0 : i32
      %dma_start3A_617 = tpu.memref_slice %arg9[%dma_start3A_612, %dma_start3A_616] : memref<16x64xi32, #tpu.memory_space<vmem>> -> memref<1x64xi32, #tpu.memory_space<vmem>>
      %dma_start3A_618 = tpu.memref_squeeze %dma_start3A_617 : memref<1x64xi32, #tpu.memory_space<vmem>> -> memref<64xi32, #tpu.memory_space<vmem>>
      %dma_start3A_619 = arith.constant 0 : i32
      %dma_start3A_620 = arith.constant 0 : i32
      %dma_start3A_621 = tpu.memref_slice %arg2[%dma_start3A_619, %dma_start3A_620] : memref<20480x128xf32, #tpu.memory_space<hbm>> -> memref<20480x128xf32, #tpu.memory_space<hbm>>
      tpu.enqueue_indirect_dma source(%dma_start3A_621 : memref<20480x128xf32, #tpu.memory_space<hbm>>) target(%dma_start3A_615 : memref<64x128xf32, #tpu.memory_space<vmem>>) offsets(%dma_start3A_618 : memref<64xi32, #tpu.memory_space<vmem>>) semaphore(%arg15 : memref<!tpu.dma_semaphore, #tpu.memory_space<semaphore_mem>>)
      %dma_wait3A_622 = arith.constant 0 : i32
      %dma_wait3A_623 = arith.constant 0 : i32
      %dma_wait3A_624 = arith.constant 0 : i32
      %dma_wait3A_625 = tpu.memref_slice %arg12[%dma_wait3A_623, %dma_wait3A_624] : memref<128x128xf32, #tpu.memory_space<vmem>> -> memref<64x128xf32, #tpu.memory_space<vmem>>
      %dma_wait3A_626 = arith.constant 0 : i32
      %dma_wait3A_627 = tpu.memref_slice %arg8[%dma_wait3A_622, %dma_wait3A_626] : memref<16x64xi32, #tpu.memory_space<vmem>> -> memref<1x64xi32, #tpu.memory_space<vmem>>
      %dma_wait3A_628 = tpu.memref_squeeze %dma_wait3A_627 : memref<1x64xi32, #tpu.memory_space<vmem>> -> memref<64xi32, #tpu.memory_space<vmem>>
      %dma_wait3A_629 = arith.constant 0 : i32
      %dma_wait3A_630 = arith.constant 0 : i32
      %dma_wait3A_631 = tpu.memref_slice %arg2[%dma_wait3A_629, %dma_wait3A_630] : memref<20480x128xf32, #tpu.memory_space<hbm>> -> memref<20480x128xf32, #tpu.memory_space<hbm>>
      tpu.wait_indirect_dma semaphore(%arg14 : memref<!tpu.dma_semaphore, #tpu.memory_space<semaphore_mem>>) src(%dma_wait3A_631 : memref<20480x128xf32, #tpu.memory_space<hbm>>) dst(%dma_wait3A_625 : memref<64x128xf32, #tpu.memory_space<vmem>>)
      %dma_wait3A_632 = arith.constant 0 : i32
      %dma_wait3A_633 = arith.constant 64 : i32
      %dma_wait3A_634 = arith.constant 0 : i32
      %dma_wait3A_635 = tpu.memref_slice %arg12[%dma_wait3A_633, %dma_wait3A_634] : memref<128x128xf32, #tpu.memory_space<vmem>> -> memref<64x128xf32, #tpu.memory_space<vmem>>
      %dma_wait3A_636 = arith.constant 0 : i32
      %dma_wait3A_637 = tpu.memref_slice %arg8[%dma_wait3A_632, %dma_wait3A_636] : memref<16x64xi32, #tpu.memory_space<vmem>> -> memref<1x64xi32, #tpu.memory_space<vmem>>
      %dma_wait3A_638 = tpu.memref_squeeze %dma_wait3A_637 : memref<1x64xi32, #tpu.memory_space<vmem>> -> memref<64xi32, #tpu.memory_space<vmem>>
      %dma_wait3A_639 = arith.constant 0 : i32
      %dma_wait3A_640 = arith.constant 0 : i32
      %dma_wait3A_641 = tpu.memref_slice %arg2[%dma_wait3A_639, %dma_wait3A_640] : memref<20480x128xf32, #tpu.memory_space<hbm>> -> memref<20480x128xf32, #tpu.memory_space<hbm>>
      tpu.wait_indirect_dma semaphore(%arg14 : memref<!tpu.dma_semaphore, #tpu.memory_space<semaphore_mem>>) src(%dma_wait3A_641 : memref<20480x128xf32, #tpu.memory_space<hbm>>) dst(%dma_wait3A_635 : memref<64x128xf32, #tpu.memory_space<vmem>>)
      %run_scoped3A_642 = arith.constant 4 : i32
      "tpu.region"() ({
        %run_scoped3A_749 = tpu.sem_alloc : memref<!tpu.dma_semaphore, #tpu.memory_space<semaphore_mem>>
        %dma_start3A_750 = arith.constant 0 : i32
        %dma_start3A_751 = tpu.memref_slice %arg11[%run_scoped3A_642, %dma_start3A_750] : memref<8x128xi32, #tpu.memory_space<vmem>> -> memref<1x128xi32, #tpu.memory_space<vmem>>
        %dma_start3A_752 = tpu.memref_squeeze %dma_start3A_751 : memref<1x128xi32, #tpu.memory_space<vmem>> -> memref<128xi32, #tpu.memory_space<vmem>>
        %dma_start3A_753 = arith.constant 0 : i32
        %dma_start3A_754 = arith.constant 0 : i32
        %dma_start3A_755 = tpu.memref_slice %arg7[%dma_start3A_753, %dma_start3A_754] : memref<10240x128xf32, #tpu.memory_space<vmem_shared>> -> memref<10240x128xf32, #tpu.memory_space<vmem_shared>>
        tpu.enqueue_indirect_dma source(%arg12 : memref<128x128xf32, #tpu.memory_space<vmem>>) target(%dma_start3A_755 : memref<10240x128xf32, #tpu.memory_space<vmem_shared>>) offsets(%dma_start3A_752 : memref<128xi32, #tpu.memory_space<vmem>>) semaphore(%run_scoped3A_749 : memref<!tpu.dma_semaphore, #tpu.memory_space<semaphore_mem>>) {add = true}
        %dma_wait3A_756 = arith.constant 0 : i32
        %dma_wait3A_757 = tpu.memref_slice %arg11[%run_scoped3A_642, %dma_wait3A_756] : memref<8x128xi32, #tpu.memory_space<vmem>> -> memref<1x128xi32, #tpu.memory_space<vmem>>
        %dma_wait3A_758 = tpu.memref_squeeze %dma_wait3A_757 : memref<1x128xi32, #tpu.memory_space<vmem>> -> memref<128xi32, #tpu.memory_space<vmem>>
        %dma_wait3A_759 = arith.constant 0 : i32
        %dma_wait3A_760 = arith.constant 0 : i32
        %dma_wait3A_761 = tpu.memref_slice %arg7[%dma_wait3A_759, %dma_wait3A_760] : memref<10240x128xf32, #tpu.memory_space<vmem_shared>> -> memref<10240x128xf32, #tpu.memory_space<vmem_shared>>
        tpu.wait_indirect_dma semaphore(%run_scoped3A_749 : memref<!tpu.dma_semaphore, #tpu.memory_space<semaphore_mem>>) src(%arg12 : memref<128x128xf32, #tpu.memory_space<vmem>>) dst(%dma_wait3A_761 : memref<10240x128xf32, #tpu.memory_space<vmem_shared>>)
        tpu.yield
      }) : () -> ()
      %dma_start3A_643 = arith.constant 12 : i32
      %dma_start3A_644 = arith.constant 0 : i32
      %dma_start3A_645 = arith.constant 0 : i32
      %dma_start3A_646 = tpu.memref_slice %arg12[%dma_start3A_644, %dma_start3A_645] : memref<128x128xf32, #tpu.memory_space<vmem>> -> memref<64x128xf32, #tpu.memory_space<vmem>>
      %dma_start3A_647 = arith.constant 0 : i32
      %dma_start3A_648 = tpu.memref_slice %arg9[%dma_start3A_643, %dma_start3A_647] : memref<16x64xi32, #tpu.memory_space<vmem>> -> memref<1x64xi32, #tpu.memory_space<vmem>>
      %dma_start3A_649 = tpu.memref_squeeze %dma_start3A_648 : memref<1x64xi32, #tpu.memory_space<vmem>> -> memref<64xi32, #tpu.memory_space<vmem>>
      %dma_start3A_650 = arith.constant 0 : i32
      %dma_start3A_651 = arith.constant 0 : i32
      %dma_start3A_652 = tpu.memref_slice %arg2[%dma_start3A_650, %dma_start3A_651] : memref<20480x128xf32, #tpu.memory_space<hbm>> -> memref<20480x128xf32, #tpu.memory_space<hbm>>
      tpu.enqueue_indirect_dma source(%dma_start3A_652 : memref<20480x128xf32, #tpu.memory_space<hbm>>) target(%dma_start3A_646 : memref<64x128xf32, #tpu.memory_space<vmem>>) offsets(%dma_start3A_649 : memref<64xi32, #tpu.memory_space<vmem>>) semaphore(%arg14 : memref<!tpu.dma_semaphore, #tpu.memory_space<semaphore_mem>>)
      %dma_start3A_653 = arith.constant 13 : i32
      %dma_start3A_654 = arith.constant 64 : i32
      %dma_start3A_655 = arith.constant 0 : i32
      %dma_start3A_656 = tpu.memref_slice %arg12[%dma_start3A_654, %dma_start3A_655] : memref<128x128xf32, #tpu.memory_space<vmem>> -> memref<64x128xf32, #tpu.memory_space<vmem>>
      %dma_start3A_657 = arith.constant 0 : i32
      %dma_start3A_658 = tpu.memref_slice %arg9[%dma_start3A_653, %dma_start3A_657] : memref<16x64xi32, #tpu.memory_space<vmem>> -> memref<1x64xi32, #tpu.memory_space<vmem>>
      %dma_start3A_659 = tpu.memref_squeeze %dma_start3A_658 : memref<1x64xi32, #tpu.memory_space<vmem>> -> memref<64xi32, #tpu.memory_space<vmem>>
      %dma_start3A_660 = arith.constant 0 : i32
      %dma_start3A_661 = arith.constant 0 : i32
      %dma_start3A_662 = tpu.memref_slice %arg2[%dma_start3A_660, %dma_start3A_661] : memref<20480x128xf32, #tpu.memory_space<hbm>> -> memref<20480x128xf32, #tpu.memory_space<hbm>>
      tpu.enqueue_indirect_dma source(%dma_start3A_662 : memref<20480x128xf32, #tpu.memory_space<hbm>>) target(%dma_start3A_656 : memref<64x128xf32, #tpu.memory_space<vmem>>) offsets(%dma_start3A_659 : memref<64xi32, #tpu.memory_space<vmem>>) semaphore(%arg14 : memref<!tpu.dma_semaphore, #tpu.memory_space<semaphore_mem>>)
      %dma_wait3A_663 = arith.constant 0 : i32
      %dma_wait3A_664 = arith.constant 0 : i32
      %dma_wait3A_665 = arith.constant 0 : i32
      %dma_wait3A_666 = tpu.memref_slice %arg13[%dma_wait3A_664, %dma_wait3A_665] : memref<128x128xf32, #tpu.memory_space<vmem>> -> memref<64x128xf32, #tpu.memory_space<vmem>>
      %dma_wait3A_667 = arith.constant 0 : i32
      %dma_wait3A_668 = tpu.memref_slice %arg8[%dma_wait3A_663, %dma_wait3A_667] : memref<16x64xi32, #tpu.memory_space<vmem>> -> memref<1x64xi32, #tpu.memory_space<vmem>>
      %dma_wait3A_669 = tpu.memref_squeeze %dma_wait3A_668 : memref<1x64xi32, #tpu.memory_space<vmem>> -> memref<64xi32, #tpu.memory_space<vmem>>
      %dma_wait3A_670 = arith.constant 0 : i32
      %dma_wait3A_671 = arith.constant 0 : i32
      %dma_wait3A_672 = tpu.memref_slice %arg2[%dma_wait3A_670, %dma_wait3A_671] : memref<20480x128xf32, #tpu.memory_space<hbm>> -> memref<20480x128xf32, #tpu.memory_space<hbm>>
      tpu.wait_indirect_dma semaphore(%arg15 : memref<!tpu.dma_semaphore, #tpu.memory_space<semaphore_mem>>) src(%dma_wait3A_672 : memref<20480x128xf32, #tpu.memory_space<hbm>>) dst(%dma_wait3A_666 : memref<64x128xf32, #tpu.memory_space<vmem>>)
      %dma_wait3A_673 = arith.constant 0 : i32
      %dma_wait3A_674 = arith.constant 64 : i32
      %dma_wait3A_675 = arith.constant 0 : i32
      %dma_wait3A_676 = tpu.memref_slice %arg13[%dma_wait3A_674, %dma_wait3A_675] : memref<128x128xf32, #tpu.memory_space<vmem>> -> memref<64x128xf32, #tpu.memory_space<vmem>>
      %dma_wait3A_677 = arith.constant 0 : i32
      %dma_wait3A_678 = tpu.memref_slice %arg8[%dma_wait3A_673, %dma_wait3A_677] : memref<16x64xi32, #tpu.memory_space<vmem>> -> memref<1x64xi32, #tpu.memory_space<vmem>>
      %dma_wait3A_679 = tpu.memref_squeeze %dma_wait3A_678 : memref<1x64xi32, #tpu.memory_space<vmem>> -> memref<64xi32, #tpu.memory_space<vmem>>
      %dma_wait3A_680 = arith.constant 0 : i32
      %dma_wait3A_681 = arith.constant 0 : i32
      %dma_wait3A_682 = tpu.memref_slice %arg2[%dma_wait3A_680, %dma_wait3A_681] : memref<20480x128xf32, #tpu.memory_space<hbm>> -> memref<20480x128xf32, #tpu.memory_space<hbm>>
      tpu.wait_indirect_dma semaphore(%arg15 : memref<!tpu.dma_semaphore, #tpu.memory_space<semaphore_mem>>) src(%dma_wait3A_682 : memref<20480x128xf32, #tpu.memory_space<hbm>>) dst(%dma_wait3A_676 : memref<64x128xf32, #tpu.memory_space<vmem>>)
      %run_scoped3A_683 = arith.constant 5 : i32
      "tpu.region"() ({
        %run_scoped3A_749 = tpu.sem_alloc : memref<!tpu.dma_semaphore, #tpu.memory_space<semaphore_mem>>
        %dma_start3A_750 = arith.constant 0 : i32
        %dma_start3A_751 = tpu.memref_slice %arg11[%run_scoped3A_683, %dma_start3A_750] : memref<8x128xi32, #tpu.memory_space<vmem>> -> memref<1x128xi32, #tpu.memory_space<vmem>>
        %dma_start3A_752 = tpu.memref_squeeze %dma_start3A_751 : memref<1x128xi32, #tpu.memory_space<vmem>> -> memref<128xi32, #tpu.memory_space<vmem>>
        %dma_start3A_753 = arith.constant 0 : i32
        %dma_start3A_754 = arith.constant 0 : i32
        %dma_start3A_755 = tpu.memref_slice %arg7[%dma_start3A_753, %dma_start3A_754] : memref<10240x128xf32, #tpu.memory_space<vmem_shared>> -> memref<10240x128xf32, #tpu.memory_space<vmem_shared>>
        tpu.enqueue_indirect_dma source(%arg13 : memref<128x128xf32, #tpu.memory_space<vmem>>) target(%dma_start3A_755 : memref<10240x128xf32, #tpu.memory_space<vmem_shared>>) offsets(%dma_start3A_752 : memref<128xi32, #tpu.memory_space<vmem>>) semaphore(%run_scoped3A_749 : memref<!tpu.dma_semaphore, #tpu.memory_space<semaphore_mem>>) {add = true}
        %dma_wait3A_756 = arith.constant 0 : i32
        %dma_wait3A_757 = tpu.memref_slice %arg11[%run_scoped3A_683, %dma_wait3A_756] : memref<8x128xi32, #tpu.memory_space<vmem>> -> memref<1x128xi32, #tpu.memory_space<vmem>>
        %dma_wait3A_758 = tpu.memref_squeeze %dma_wait3A_757 : memref<1x128xi32, #tpu.memory_space<vmem>> -> memref<128xi32, #tpu.memory_space<vmem>>
        %dma_wait3A_759 = arith.constant 0 : i32
        %dma_wait3A_760 = arith.constant 0 : i32
        %dma_wait3A_761 = tpu.memref_slice %arg7[%dma_wait3A_759, %dma_wait3A_760] : memref<10240x128xf32, #tpu.memory_space<vmem_shared>> -> memref<10240x128xf32, #tpu.memory_space<vmem_shared>>
        tpu.wait_indirect_dma semaphore(%run_scoped3A_749 : memref<!tpu.dma_semaphore, #tpu.memory_space<semaphore_mem>>) src(%arg13 : memref<128x128xf32, #tpu.memory_space<vmem>>) dst(%dma_wait3A_761 : memref<10240x128xf32, #tpu.memory_space<vmem_shared>>)
        tpu.yield
      }) : () -> ()
      %dma_start3A_684 = arith.constant 14 : i32
      %dma_start3A_685 = arith.constant 0 : i32
      %dma_start3A_686 = arith.constant 0 : i32
      %dma_start3A_687 = tpu.memref_slice %arg13[%dma_start3A_685, %dma_start3A_686] : memref<128x128xf32, #tpu.memory_space<vmem>> -> memref<64x128xf32, #tpu.memory_space<vmem>>
      %dma_start3A_688 = arith.constant 0 : i32
      %dma_start3A_689 = tpu.memref_slice %arg9[%dma_start3A_684, %dma_start3A_688] : memref<16x64xi32, #tpu.memory_space<vmem>> -> memref<1x64xi32, #tpu.memory_space<vmem>>
      %dma_start3A_690 = tpu.memref_squeeze %dma_start3A_689 : memref<1x64xi32, #tpu.memory_space<vmem>> -> memref<64xi32, #tpu.memory_space<vmem>>
      %dma_start3A_691 = arith.constant 0 : i32
      %dma_start3A_692 = arith.constant 0 : i32
      %dma_start3A_693 = tpu.memref_slice %arg2[%dma_start3A_691, %dma_start3A_692] : memref<20480x128xf32, #tpu.memory_space<hbm>> -> memref<20480x128xf32, #tpu.memory_space<hbm>>
      tpu.enqueue_indirect_dma source(%dma_start3A_693 : memref<20480x128xf32, #tpu.memory_space<hbm>>) target(%dma_start3A_687 : memref<64x128xf32, #tpu.memory_space<vmem>>) offsets(%dma_start3A_690 : memref<64xi32, #tpu.memory_space<vmem>>) semaphore(%arg15 : memref<!tpu.dma_semaphore, #tpu.memory_space<semaphore_mem>>)
      %dma_start3A_694 = arith.constant 15 : i32
      %dma_start3A_695 = arith.constant 64 : i32
      %dma_start3A_696 = arith.constant 0 : i32
      %dma_start3A_697 = tpu.memref_slice %arg13[%dma_start3A_695, %dma_start3A_696] : memref<128x128xf32, #tpu.memory_space<vmem>> -> memref<64x128xf32, #tpu.memory_space<vmem>>
      %dma_start3A_698 = arith.constant 0 : i32
      %dma_start3A_699 = tpu.memref_slice %arg9[%dma_start3A_694, %dma_start3A_698] : memref<16x64xi32, #tpu.memory_space<vmem>> -> memref<1x64xi32, #tpu.memory_space<vmem>>
      %dma_start3A_700 = tpu.memref_squeeze %dma_start3A_699 : memref<1x64xi32, #tpu.memory_space<vmem>> -> memref<64xi32, #tpu.memory_space<vmem>>
      %dma_start3A_701 = arith.constant 0 : i32
      %dma_start3A_702 = arith.constant 0 : i32
      %dma_start3A_703 = tpu.memref_slice %arg2[%dma_start3A_701, %dma_start3A_702] : memref<20480x128xf32, #tpu.memory_space<hbm>> -> memref<20480x128xf32, #tpu.memory_space<hbm>>
      tpu.enqueue_indirect_dma source(%dma_start3A_703 : memref<20480x128xf32, #tpu.memory_space<hbm>>) target(%dma_start3A_697 : memref<64x128xf32, #tpu.memory_space<vmem>>) offsets(%dma_start3A_700 : memref<64xi32, #tpu.memory_space<vmem>>) semaphore(%arg15 : memref<!tpu.dma_semaphore, #tpu.memory_space<semaphore_mem>>)
      %dma_wait3A_704 = arith.constant 0 : i32
      %dma_wait3A_705 = arith.constant 0 : i32
      %dma_wait3A_706 = arith.constant 0 : i32
      %dma_wait3A_707 = tpu.memref_slice %arg12[%dma_wait3A_705, %dma_wait3A_706] : memref<128x128xf32, #tpu.memory_space<vmem>> -> memref<64x128xf32, #tpu.memory_space<vmem>>
      %dma_wait3A_708 = arith.constant 0 : i32
      %dma_wait3A_709 = tpu.memref_slice %arg8[%dma_wait3A_704, %dma_wait3A_708] : memref<16x64xi32, #tpu.memory_space<vmem>> -> memref<1x64xi32, #tpu.memory_space<vmem>>
      %dma_wait3A_710 = tpu.memref_squeeze %dma_wait3A_709 : memref<1x64xi32, #tpu.memory_space<vmem>> -> memref<64xi32, #tpu.memory_space<vmem>>
      %dma_wait3A_711 = arith.constant 0 : i32
      %dma_wait3A_712 = arith.constant 0 : i32
      %dma_wait3A_713 = tpu.memref_slice %arg2[%dma_wait3A_711, %dma_wait3A_712] : memref<20480x128xf32, #tpu.memory_space<hbm>> -> memref<20480x128xf32, #tpu.memory_space<hbm>>
      tpu.wait_indirect_dma semaphore(%arg14 : memref<!tpu.dma_semaphore, #tpu.memory_space<semaphore_mem>>) src(%dma_wait3A_713 : memref<20480x128xf32, #tpu.memory_space<hbm>>) dst(%dma_wait3A_707 : memref<64x128xf32, #tpu.memory_space<vmem>>)
      %dma_wait3A_714 = arith.constant 0 : i32
      %dma_wait3A_715 = arith.constant 64 : i32
      %dma_wait3A_716 = arith.constant 0 : i32
      %dma_wait3A_717 = tpu.memref_slice %arg12[%dma_wait3A_715, %dma_wait3A_716] : memref<128x128xf32, #tpu.memory_space<vmem>> -> memref<64x128xf32, #tpu.memory_space<vmem>>
      %dma_wait3A_718 = arith.constant 0 : i32
      %dma_wait3A_719 = tpu.memref_slice %arg8[%dma_wait3A_714, %dma_wait3A_718] : memref<16x64xi32, #tpu.memory_space<vmem>> -> memref<1x64xi32, #tpu.memory_space<vmem>>
      %dma_wait3A_720 = tpu.memref_squeeze %dma_wait3A_719 : memref<1x64xi32, #tpu.memory_space<vmem>> -> memref<64xi32, #tpu.memory_space<vmem>>
      %dma_wait3A_721 = arith.constant 0 : i32
      %dma_wait3A_722 = arith.constant 0 : i32
      %dma_wait3A_723 = tpu.memref_slice %arg2[%dma_wait3A_721, %dma_wait3A_722] : memref<20480x128xf32, #tpu.memory_space<hbm>> -> memref<20480x128xf32, #tpu.memory_space<hbm>>
      tpu.wait_indirect_dma semaphore(%arg14 : memref<!tpu.dma_semaphore, #tpu.memory_space<semaphore_mem>>) src(%dma_wait3A_723 : memref<20480x128xf32, #tpu.memory_space<hbm>>) dst(%dma_wait3A_717 : memref<64x128xf32, #tpu.memory_space<vmem>>)
      %run_scoped3A_724 = arith.constant 6 : i32
      "tpu.region"() ({
        %run_scoped3A_749 = tpu.sem_alloc : memref<!tpu.dma_semaphore, #tpu.memory_space<semaphore_mem>>
        %dma_start3A_750 = arith.constant 0 : i32
        %dma_start3A_751 = tpu.memref_slice %arg11[%run_scoped3A_724, %dma_start3A_750] : memref<8x128xi32, #tpu.memory_space<vmem>> -> memref<1x128xi32, #tpu.memory_space<vmem>>
        %dma_start3A_752 = tpu.memref_squeeze %dma_start3A_751 : memref<1x128xi32, #tpu.memory_space<vmem>> -> memref<128xi32, #tpu.memory_space<vmem>>
        %dma_start3A_753 = arith.constant 0 : i32
        %dma_start3A_754 = arith.constant 0 : i32
        %dma_start3A_755 = tpu.memref_slice %arg7[%dma_start3A_753, %dma_start3A_754] : memref<10240x128xf32, #tpu.memory_space<vmem_shared>> -> memref<10240x128xf32, #tpu.memory_space<vmem_shared>>
        tpu.enqueue_indirect_dma source(%arg12 : memref<128x128xf32, #tpu.memory_space<vmem>>) target(%dma_start3A_755 : memref<10240x128xf32, #tpu.memory_space<vmem_shared>>) offsets(%dma_start3A_752 : memref<128xi32, #tpu.memory_space<vmem>>) semaphore(%run_scoped3A_749 : memref<!tpu.dma_semaphore, #tpu.memory_space<semaphore_mem>>) {add = true}
        %dma_wait3A_756 = arith.constant 0 : i32
        %dma_wait3A_757 = tpu.memref_slice %arg11[%run_scoped3A_724, %dma_wait3A_756] : memref<8x128xi32, #tpu.memory_space<vmem>> -> memref<1x128xi32, #tpu.memory_space<vmem>>
        %dma_wait3A_758 = tpu.memref_squeeze %dma_wait3A_757 : memref<1x128xi32, #tpu.memory_space<vmem>> -> memref<128xi32, #tpu.memory_space<vmem>>
        %dma_wait3A_759 = arith.constant 0 : i32
        %dma_wait3A_760 = arith.constant 0 : i32
        %dma_wait3A_761 = tpu.memref_slice %arg7[%dma_wait3A_759, %dma_wait3A_760] : memref<10240x128xf32, #tpu.memory_space<vmem_shared>> -> memref<10240x128xf32, #tpu.memory_space<vmem_shared>>
        tpu.wait_indirect_dma semaphore(%run_scoped3A_749 : memref<!tpu.dma_semaphore, #tpu.memory_space<semaphore_mem>>) src(%arg12 : memref<128x128xf32, #tpu.memory_space<vmem>>) dst(%dma_wait3A_761 : memref<10240x128xf32, #tpu.memory_space<vmem_shared>>)
        tpu.yield
      }) : () -> ()
      %convert_element_type3A_725 = arith.extui %lt3A_437 : i1 to i32
      %cond3A_726 = arith.constant 0 : i32
      %cond3A_727 = arith.cmpi ne, %convert_element_type3A_725, %cond3A_726 : i32
      scf.if %cond3A_727 {
        %dma_wait3A_749 = arith.constant 0 : i32
        %dma_wait3A_750 = arith.constant 0 : i32
        %dma_wait3A_751 = tpu.memref_slice %arg3[%arg0, %arg1, %dma_wait3A_749, %dma_wait3A_750] : memref<2x16x320x64xi32, #tpu.memory_space<hbm>> -> memref<1x1x16x64xi32, #tpu.memory_space<hbm>>
        %dma_wait3A_752 = tpu.memref_squeeze %dma_wait3A_751 : memref<1x1x16x64xi32, #tpu.memory_space<hbm>> -> memref<16x64xi32, #tpu.memory_space<hbm>>
        %dma_wait3A_753 = arith.constant 0 : i32
        %dma_wait3A_754 = arith.constant 0 : i32
        %dma_wait3A_755 = tpu.memref_slice %arg3[%arg0, %arg1, %dma_wait3A_753, %dma_wait3A_754] : memref<2x16x320x64xi32, #tpu.memory_space<hbm>> -> memref<1x1x16x64xi32, #tpu.memory_space<hbm>>
        %dma_wait3A_756 = tpu.memref_squeeze %dma_wait3A_755 : memref<1x1x16x64xi32, #tpu.memory_space<hbm>> -> memref<16x64xi32, #tpu.memory_space<hbm>>
        tpu.wait_dma2 semaphore(%arg16 : memref<!tpu.dma_semaphore, #tpu.memory_space<semaphore_mem>>) src(%dma_wait3A_756 : memref<16x64xi32, #tpu.memory_space<hbm>>) dst(%arg8 : memref<16x64xi32, #tpu.memory_space<vmem>>)
        %dma_wait3A_757 = arith.constant 0 : i32
        %dma_wait3A_758 = arith.constant 0 : i32
        %dma_wait3A_759 = tpu.memref_slice %arg4[%arg1, %dma_wait3A_757, %dma_wait3A_758] : memref<16x160x128xi32, #tpu.memory_space<hbm>> -> memref<1x8x128xi32, #tpu.memory_space<hbm>>
        %dma_wait3A_760 = tpu.memref_squeeze %dma_wait3A_759 : memref<1x8x128xi32, #tpu.memory_space<hbm>> -> memref<8x128xi32, #tpu.memory_space<hbm>>
        %dma_wait3A_761 = arith.constant 0 : i32
        %dma_wait3A_762 = arith.constant 0 : i32
        %dma_wait3A_763 = tpu.memref_slice %arg4[%arg1, %dma_wait3A_761, %dma_wait3A_762] : memref<16x160x128xi32, #tpu.memory_space<hbm>> -> memref<1x8x128xi32, #tpu.memory_space<hbm>>
        %dma_wait3A_764 = tpu.memref_squeeze %dma_wait3A_763 : memref<1x8x128xi32, #tpu.memory_space<hbm>> -> memref<8x128xi32, #tpu.memory_space<hbm>>
        tpu.wait_dma2 semaphore(%arg16 : memref<!tpu.dma_semaphore, #tpu.memory_space<semaphore_mem>>) src(%dma_wait3A_764 : memref<8x128xi32, #tpu.memory_space<hbm>>) dst(%arg10 : memref<8x128xi32, #tpu.memory_space<vmem>>)
        %dma_start3A_765 = arith.constant 0 : i32
        %dma_start3A_766 = arith.constant 0 : i32
        %dma_start3A_767 = arith.constant 0 : i32
        %dma_start3A_768 = tpu.memref_slice %arg12[%dma_start3A_766, %dma_start3A_767] : memref<128x128xf32, #tpu.memory_space<vmem>> -> memref<64x128xf32, #tpu.memory_space<vmem>>
        %dma_start3A_769 = arith.constant 0 : i32
        %dma_start3A_770 = tpu.memref_slice %arg8[%dma_start3A_765, %dma_start3A_769] : memref<16x64xi32, #tpu.memory_space<vmem>> -> memref<1x64xi32, #tpu.memory_space<vmem>>
        %dma_start3A_771 = tpu.memref_squeeze %dma_start3A_770 : memref<1x64xi32, #tpu.memory_space<vmem>> -> memref<64xi32, #tpu.memory_space<vmem>>
        %dma_start3A_772 = arith.constant 0 : i32
        %dma_start3A_773 = arith.constant 0 : i32
        %dma_start3A_774 = tpu.memref_slice %arg2[%dma_start3A_772, %dma_start3A_773] : memref<20480x128xf32, #tpu.memory_space<hbm>> -> memref<20480x128xf32, #tpu.memory_space<hbm>>
        tpu.enqueue_indirect_dma source(%dma_start3A_774 : memref<20480x128xf32, #tpu.memory_space<hbm>>) target(%dma_start3A_768 : memref<64x128xf32, #tpu.memory_space<vmem>>) offsets(%dma_start3A_771 : memref<64xi32, #tpu.memory_space<vmem>>) semaphore(%arg14 : memref<!tpu.dma_semaphore, #tpu.memory_space<semaphore_mem>>)
        %dma_start3A_775 = arith.constant 1 : i32
        %dma_start3A_776 = arith.constant 64 : i32
        %dma_start3A_777 = arith.constant 0 : i32
        %dma_start3A_778 = tpu.memref_slice %arg12[%dma_start3A_776, %dma_start3A_777] : memref<128x128xf32, #tpu.memory_space<vmem>> -> memref<64x128xf32, #tpu.memory_space<vmem>>
        %dma_start3A_779 = arith.constant 0 : i32
        %dma_start3A_780 = tpu.memref_slice %arg8[%dma_start3A_775, %dma_start3A_779] : memref<16x64xi32, #tpu.memory_space<vmem>> -> memref<1x64xi32, #tpu.memory_space<vmem>>
        %dma_start3A_781 = tpu.memref_squeeze %dma_start3A_780 : memref<1x64xi32, #tpu.memory_space<vmem>> -> memref<64xi32, #tpu.memory_space<vmem>>
        %dma_start3A_782 = arith.constant 0 : i32
        %dma_start3A_783 = arith.constant 0 : i32
        %dma_start3A_784 = tpu.memref_slice %arg2[%dma_start3A_782, %dma_start3A_783] : memref<20480x128xf32, #tpu.memory_space<hbm>> -> memref<20480x128xf32, #tpu.memory_space<hbm>>
        tpu.enqueue_indirect_dma source(%dma_start3A_784 : memref<20480x128xf32, #tpu.memory_space<hbm>>) target(%dma_start3A_778 : memref<64x128xf32, #tpu.memory_space<vmem>>) offsets(%dma_start3A_781 : memref<64xi32, #tpu.memory_space<vmem>>) semaphore(%arg14 : memref<!tpu.dma_semaphore, #tpu.memory_space<semaphore_mem>>)
      } else {
      }
      %dma_wait3A_728 = arith.constant 0 : i32
      %dma_wait3A_729 = arith.constant 0 : i32
      %dma_wait3A_730 = arith.constant 0 : i32
      %dma_wait3A_731 = tpu.memref_slice %arg13[%dma_wait3A_729, %dma_wait3A_730] : memref<128x128xf32, #tpu.memory_space<vmem>> -> memref<64x128xf32, #tpu.memory_space<vmem>>
      %dma_wait3A_732 = arith.constant 0 : i32
      %dma_wait3A_733 = tpu.memref_slice %arg8[%dma_wait3A_728, %dma_wait3A_732] : memref<16x64xi32, #tpu.memory_space<vmem>> -> memref<1x64xi32, #tpu.memory_space<vmem>>
      %dma_wait3A_734 = tpu.memref_squeeze %dma_wait3A_733 : memref<1x64xi32, #tpu.memory_space<vmem>> -> memref<64xi32, #tpu.memory_space<vmem>>
      %dma_wait3A_735 = arith.constant 0 : i32
      %dma_wait3A_736 = arith.constant 0 : i32
      %dma_wait3A_737 = tpu.memref_slice %arg2[%dma_wait3A_735, %dma_wait3A_736] : memref<20480x128xf32, #tpu.memory_space<hbm>> -> memref<20480x128xf32, #tpu.memory_space<hbm>>
      tpu.wait_indirect_dma semaphore(%arg15 : memref<!tpu.dma_semaphore, #tpu.memory_space<semaphore_mem>>) src(%dma_wait3A_737 : memref<20480x128xf32, #tpu.memory_space<hbm>>) dst(%dma_wait3A_731 : memref<64x128xf32, #tpu.memory_space<vmem>>)
      %dma_wait3A_738 = arith.constant 0 : i32
      %dma_wait3A_739 = arith.constant 64 : i32
      %dma_wait3A_740 = arith.constant 0 : i32
      %dma_wait3A_741 = tpu.memref_slice %arg13[%dma_wait3A_739, %dma_wait3A_740] : memref<128x128xf32, #tpu.memory_space<vmem>> -> memref<64x128xf32, #tpu.memory_space<vmem>>
      %dma_wait3A_742 = arith.constant 0 : i32
      %dma_wait3A_743 = tpu.memref_slice %arg8[%dma_wait3A_738, %dma_wait3A_742] : memref<16x64xi32, #tpu.memory_space<vmem>> -> memref<1x64xi32, #tpu.memory_space<vmem>>
      %dma_wait3A_744 = tpu.memref_squeeze %dma_wait3A_743 : memref<1x64xi32, #tpu.memory_space<vmem>> -> memref<64xi32, #tpu.memory_space<vmem>>
      %dma_wait3A_745 = arith.constant 0 : i32
      %dma_wait3A_746 = arith.constant 0 : i32
      %dma_wait3A_747 = tpu.memref_slice %arg2[%dma_wait3A_745, %dma_wait3A_746] : memref<20480x128xf32, #tpu.memory_space<hbm>> -> memref<20480x128xf32, #tpu.memory_space<hbm>>
      tpu.wait_indirect_dma semaphore(%arg15 : memref<!tpu.dma_semaphore, #tpu.memory_space<semaphore_mem>>) src(%dma_wait3A_747 : memref<20480x128xf32, #tpu.memory_space<hbm>>) dst(%dma_wait3A_741 : memref<64x128xf32, #tpu.memory_space<vmem>>)
      %run_scoped3A_748 = arith.constant 7 : i32
      "tpu.region"() ({
        %run_scoped3A_749 = tpu.sem_alloc : memref<!tpu.dma_semaphore, #tpu.memory_space<semaphore_mem>>
        %dma_start3A_750 = arith.constant 0 : i32
        %dma_start3A_751 = tpu.memref_slice %arg11[%run_scoped3A_748, %dma_start3A_750] : memref<8x128xi32, #tpu.memory_space<vmem>> -> memref<1x128xi32, #tpu.memory_space<vmem>>
        %dma_start3A_752 = tpu.memref_squeeze %dma_start3A_751 : memref<1x128xi32, #tpu.memory_space<vmem>> -> memref<128xi32, #tpu.memory_space<vmem>>
        %dma_start3A_753 = arith.constant 0 : i32
        %dma_start3A_754 = arith.constant 0 : i32
        %dma_start3A_755 = tpu.memref_slice %arg7[%dma_start3A_753, %dma_start3A_754] : memref<10240x128xf32, #tpu.memory_space<vmem_shared>> -> memref<10240x128xf32, #tpu.memory_space<vmem_shared>>
        tpu.enqueue_indirect_dma source(%arg13 : memref<128x128xf32, #tpu.memory_space<vmem>>) target(%dma_start3A_755 : memref<10240x128xf32, #tpu.memory_space<vmem_shared>>) offsets(%dma_start3A_752 : memref<128xi32, #tpu.memory_space<vmem>>) semaphore(%run_scoped3A_749 : memref<!tpu.dma_semaphore, #tpu.memory_space<semaphore_mem>>) {add = true}
        %dma_wait3A_756 = arith.constant 0 : i32
        %dma_wait3A_757 = tpu.memref_slice %arg11[%run_scoped3A_748, %dma_wait3A_756] : memref<8x128xi32, #tpu.memory_space<vmem>> -> memref<1x128xi32, #tpu.memory_space<vmem>>
        %dma_wait3A_758 = tpu.memref_squeeze %dma_wait3A_757 : memref<1x128xi32, #tpu.memory_space<vmem>> -> memref<128xi32, #tpu.memory_space<vmem>>
        %dma_wait3A_759 = arith.constant 0 : i32
        %dma_wait3A_760 = arith.constant 0 : i32
        %dma_wait3A_761 = tpu.memref_slice %arg7[%dma_wait3A_759, %dma_wait3A_760] : memref<10240x128xf32, #tpu.memory_space<vmem_shared>> -> memref<10240x128xf32, #tpu.memory_space<vmem_shared>>
        tpu.wait_indirect_dma semaphore(%run_scoped3A_749 : memref<!tpu.dma_semaphore, #tpu.memory_space<semaphore_mem>>) src(%arg13 : memref<128x128xf32, #tpu.memory_space<vmem>>) dst(%dma_wait3A_761 : memref<10240x128xf32, #tpu.memory_space<vmem_shared>>)
        tpu.yield
      }) : () -> ()
    }
    %scan3A_57 = arith.constant 10 : i32
    %barrier3A_58 = arith.constant 0 : index
    tpu.barrier barrier_id(%barrier3A_58)
    %mul3A_59 = arith.constant 640 : i32
    %mul3A_60 = arith.muli %arg1, %mul3A_59 : i32
    %mul3A_61 = arith.constant 640 : i32
    %mul3A_62 = arith.muli %arg1, %mul3A_61 : i32
    "tpu.region"() ({
      %run_scoped3A = tpu.sem_alloc : memref<!tpu.dma_semaphore, #tpu.memory_space<semaphore_mem>>
      %dma_start3A_63 = arith.constant 0 : i32
      %dma_start3A_64 = tpu.memref_slice %arg6[%arg0, %mul3A_62, %dma_start3A_63] : memref<2x10240x128xf32, #tpu.memory_space<hbm>> -> memref<1x640x128xf32, #tpu.memory_space<hbm>>
      %dma_start3A_65 = tpu.memref_squeeze %dma_start3A_64 : memref<1x640x128xf32, #tpu.memory_space<hbm>> -> memref<640x128xf32, #tpu.memory_space<hbm>>
      %dma_start3A_66 = arith.constant 0 : i32
      %dma_start3A_67 = tpu.memref_slice %arg7[%mul3A_60, %dma_start3A_66] : memref<10240x128xf32, #tpu.memory_space<vmem_shared>> -> memref<640x128xf32, #tpu.memory_space<vmem_shared>>
      tpu.enqueue_dma source(%dma_start3A_67 : memref<640x128xf32, #tpu.memory_space<vmem_shared>>) target(%dma_start3A_65 : memref<640x128xf32, #tpu.memory_space<hbm>>) target_semaphore(%run_scoped3A : memref<!tpu.dma_semaphore, #tpu.memory_space<semaphore_mem>>)
      %dma_wait3A_68 = arith.constant 0 : i32
      %dma_wait3A_69 = tpu.memref_slice %arg6[%arg0, %mul3A_62, %dma_wait3A_68] : memref<2x10240x128xf32, #tpu.memory_space<hbm>> -> memref<1x640x128xf32, #tpu.memory_space<hbm>>
      %dma_wait3A_70 = tpu.memref_squeeze %dma_wait3A_69 : memref<1x640x128xf32, #tpu.memory_space<hbm>> -> memref<640x128xf32, #tpu.memory_space<hbm>>
      %dma_wait3A_71 = arith.constant 0 : i32
      %dma_wait3A_72 = tpu.memref_slice %arg7[%mul3A_60, %dma_wait3A_71] : memref<10240x128xf32, #tpu.memory_space<vmem_shared>> -> memref<640x128xf32, #tpu.memory_space<vmem_shared>>
      tpu.wait_dma2 semaphore(%run_scoped3A : memref<!tpu.dma_semaphore, #tpu.memory_space<semaphore_mem>>) src(%dma_wait3A_72 : memref<640x128xf32, #tpu.memory_space<vmem_shared>>) dst(%dma_wait3A_70 : memref<640x128xf32, #tpu.memory_space<hbm>>)
      tpu.yield
    }) : () -> ()
    return
  }
}

module attributes {stable_mosaic.version = 14 : i64} {
  func.func @body(%arg0: i32, %arg1: memref<512x128xf32, #tpu.memory_space<vmem>>, %arg2: memref<128x256xf32, #tpu.memory_space<vmem>>, %arg3: memref<1x256xf32, #tpu.memory_space<vmem>>, %arg4: memref<1x1xf32, #tpu.memory_space<smem>>, %arg5: memref<256x128xf32, #tpu.memory_space<vmem>>, %arg6: memref<1x128xf32, #tpu.memory_space<vmem>>, %arg7: memref<128x256xf32, #tpu.memory_space<vmem>>, %arg8: memref<2x512x1xf32, #tpu.memory_space<vmem>>, %arg9: memref<2x512x128xf32, #tpu.memory_space<vmem>>) attributes {dimension_semantics = [#tpu.dimension_semantics<arbitrary>], iteration_bounds = array<i64: 20>, scalar_prefetch = 0 : i64, scratch_operands = 0 : i64, tpu.core_type = #tpu.core_type<tc>, window_params = [{transform_indices = @transform_0, window_bounds = array<i64: 512, 128>}, {pipeline_mode = #tpu.pipeline_mode<synchronous>, transform_indices = @transform_1, window_bounds = array<i64: 128, 256>}, {pipeline_mode = #tpu.pipeline_mode<synchronous>, transform_indices = @transform_2, window_bounds = array<i64: 1, 256>}, {transform_indices = @transform_3, window_bounds = array<i64: 1, 1>}, {pipeline_mode = #tpu.pipeline_mode<synchronous>, transform_indices = @transform_4, window_bounds = array<i64: 256, 128>}, {pipeline_mode = #tpu.pipeline_mode<synchronous>, transform_indices = @transform_5, window_bounds = array<i64: 1, 128>}, {pipeline_mode = #tpu.pipeline_mode<synchronous>, transform_indices = @transform_6, window_bounds = array<i64: 128, 256>}, {transform_indices = @transform_7, window_bounds = array<i64: 2, 512, 1>}, {transform_indices = @transform_8, window_bounds = array<i64: 2, 512, 128>}]} {
    %get3A = arith.constant 0 : index
    %get3A_0 = arith.constant 0 : index
    %get3A_1 = arith.constant 0 : index
    %get3A_2 = vector.load %arg8[%get3A, %get3A_0, %get3A_1] : memref<2x512x1xf32, #tpu.memory_space<vmem>>, vector<1x512x1xf32>
    %get3A_3 = vector.shape_cast %get3A_2 : vector<1x512x1xf32> to vector<512x1xf32>
    %get3A_4 = arith.constant 1 : index
    %get3A_5 = arith.constant 0 : index
    %get3A_6 = arith.constant 0 : index
    %get3A_7 = vector.load %arg8[%get3A_4, %get3A_5, %get3A_6] : memref<2x512x1xf32, #tpu.memory_space<vmem>>, vector<1x512x1xf32>
    %get3A_8 = vector.shape_cast %get3A_7 : vector<1x512x1xf32> to vector<512x1xf32>
    %add3A = arith.addf %get3A_3, %get3A_8 : vector<512x1xf32>
    %add3A_9 = arith.constant 1.000000e+00 : f32
    %add3A_10 = vector.broadcast %add3A_9 : f32 to vector<512x1xf32>
    %add3A_11 = arith.addf %add3A, %add3A_10 : vector<512x1xf32>
    %max3A = arith.constant 1.000000e+00 : f32
    %max3A_12 = vector.broadcast %max3A : f32 to vector<512x1xf32>
    %max3A_13 = arith.maximumf %add3A_11, %max3A_12 : vector<512x1xf32>
    %rsqrt3A = math.rsqrt %max3A_13 : vector<512x1xf32>
    %get3A_14 = arith.constant 0 : index
    %get3A_15 = arith.constant 0 : index
    %get3A_16 = vector.load %arg1[%get3A_14, %get3A_15] : memref<512x128xf32, #tpu.memory_space<vmem>>, vector<512x128xf32>
    %get3A_17 = arith.constant 0 : index
    %get3A_18 = arith.constant 0 : index
    %get3A_19 = vector.load %arg2[%get3A_17, %get3A_18] : memref<128x256xf32, #tpu.memory_space<vmem>>, vector<128x256xf32>
    %dot_general3A = arith.constant dense<0.000000e+00> : vector<512x256xf32>
    %dot_general3A_20 = tpu.matmul %get3A_16, %get3A_19, %dot_general3A {dimension_numbers = #tpu.dot_dimension_numbers<[1], [0], [0], [1], [0, 0, 1, 1], [], []>, transpose_lhs_hint = false} : vector<512x128xf32>, vector<128x256xf32>, vector<512x256xf32> -> vector<512x256xf32>
    %get3A_21 = arith.constant 0 : index
    %get3A_22 = arith.constant 0 : index
    %get3A_23 = vector.load %arg3[%get3A_21, %get3A_22] : memref<1x256xf32, #tpu.memory_space<vmem>>, vector<1x256xf32>
    %add3A_24 = vector.broadcast %get3A_23 : vector<1x256xf32> to vector<512x256xf32>
    %add3A_25 = arith.addf %dot_general3A_20, %add3A_24 : vector<512x256xf32>
    %get3A_26 = arith.constant 0 : index
    %get3A_27 = arith.constant 0 : index
    %get3A_28 = memref.load %arg4[%get3A_26, %get3A_27] : memref<1x1xf32, #tpu.memory_space<smem>>
    %ge3A = arith.constant 0.000000e+00 : f32
    %ge3A_29 = vector.broadcast %ge3A : f32 to vector<512x256xf32>
    %ge3A_30 = arith.cmpf oge, %add3A_25, %ge3A_29 : vector<512x256xf32>
    %mul3A = vector.broadcast %get3A_28 : f32 to vector<512x256xf32>
    %mul3A_31 = arith.mulf %mul3A, %add3A_25 : vector<512x256xf32>
    %select_n3A = arith.select %ge3A_30, %add3A_25, %mul3A_31 : vector<512x256xi1>, vector<512x256xf32>
    %get3A_32 = arith.constant 0 : index
    %get3A_33 = arith.constant 0 : index
    %get3A_34 = vector.load %arg5[%get3A_32, %get3A_33] : memref<256x128xf32, #tpu.memory_space<vmem>>, vector<256x128xf32>
    %dot_general3A_35 = arith.constant dense<0.000000e+00> : vector<512x128xf32>
    %dot_general3A_36 = tpu.matmul %select_n3A, %get3A_34, %dot_general3A_35 {dimension_numbers = #tpu.dot_dimension_numbers<[1], [0], [0], [1], [0, 0, 1, 1], [], []>, transpose_lhs_hint = false} : vector<512x256xf32>, vector<256x128xf32>, vector<512x128xf32> -> vector<512x128xf32>
    %get3A_37 = arith.constant 0 : index
    %get3A_38 = arith.constant 0 : index
    %get3A_39 = vector.load %arg6[%get3A_37, %get3A_38] : memref<1x128xf32, #tpu.memory_space<vmem>>, vector<1x128xf32>
    %add3A_40 = vector.broadcast %get3A_39 : vector<1x128xf32> to vector<512x128xf32>
    %add3A_41 = arith.addf %dot_general3A_36, %add3A_40 : vector<512x128xf32>
    %get3A_42 = arith.constant 0 : index
    %get3A_43 = arith.constant 0 : index
    %get3A_44 = vector.load %arg7[%get3A_42, %get3A_43] : memref<128x256xf32, #tpu.memory_space<vmem>>, vector<128x256xf32>
    %dot_general3A_45 = arith.constant dense<0.000000e+00> : vector<512x256xf32>
    %dot_general3A_46 = tpu.matmul %add3A_41, %get3A_44, %dot_general3A_45 {dimension_numbers = #tpu.dot_dimension_numbers<[1], [0], [0], [1], [0, 0, 1, 1], [], []>, transpose_lhs_hint = false} : vector<512x128xf32>, vector<128x256xf32>, vector<512x256xf32> -> vector<512x256xf32>
    %mul3A_47 = vector.broadcast %rsqrt3A : vector<512x1xf32> to vector<512x256xf32>
    %mul3A_48 = arith.mulf %dot_general3A_46, %mul3A_47 : vector<512x256xf32>
    %slice3A = vector.extract_strided_slice %mul3A_48 {offsets = [0, 0], sizes = [512, 128], strides = [1, 1]} : vector<512x256xf32> to vector<512x128xf32>
    %swap3A = arith.constant 0 : index
    %swap3A_49 = arith.constant 0 : index
    %swap3A_50 = arith.constant 0 : index
    %swap3A_51 = vector.load %arg9[%swap3A, %swap3A_49, %swap3A_50] : memref<2x512x128xf32, #tpu.memory_space<vmem>>, vector<1x512x128xf32>
    %swap3A_52 = vector.shape_cast %swap3A_51 : vector<1x512x128xf32> to vector<512x128xf32>
    %swap3A_53 = vector.shape_cast %slice3A : vector<512x128xf32> to vector<1x512x128xf32>
    tpu.vector_store %arg9[%swap3A, %swap3A_49, %swap3A_50], %swap3A_53 {strides = array<i32>} : memref<2x512x128xf32, #tpu.memory_space<vmem>>, vector<1x512x128xf32>,
    %slice3A_54 = vector.extract_strided_slice %mul3A_48 {offsets = [0, 128], sizes = [512, 128], strides = [1, 1]} : vector<512x256xf32> to vector<512x128xf32>
    %swap3A_55 = arith.constant 1 : index
    %swap3A_56 = arith.constant 0 : index
    %swap3A_57 = arith.constant 0 : index
    %swap3A_58 = vector.load %arg9[%swap3A_55, %swap3A_56, %swap3A_57] : memref<2x512x128xf32, #tpu.memory_space<vmem>>, vector<1x512x128xf32>
    %swap3A_59 = vector.shape_cast %swap3A_58 : vector<1x512x128xf32> to vector<512x128xf32>
    %swap3A_60 = vector.shape_cast %slice3A_54 : vector<512x128xf32> to vector<1x512x128xf32>
    tpu.vector_store %arg9[%swap3A_55, %swap3A_56, %swap3A_57], %swap3A_60 {strides = array<i32>} : memref<2x512x128xf32, #tpu.memory_space<vmem>>, vector<1x512x128xf32>,
    return
  }
  func.func @transform_0(%arg0: i32) -> (i32, i32) {
    %c0_i32 = arith.constant 0 : i32
    %c0_i32_0 = arith.constant 0 : i32
    return %arg0, %c0_i32 : i32, i32
  }
  func.func @transform_1(%arg0: i32) -> (i32, i32) {
    %c0_i32 = arith.constant 0 : i32
    %c0_i32_0 = arith.constant 0 : i32
    %c0_i32_1 = arith.constant 0 : i32
    return %c0_i32, %c0_i32_0 : i32, i32
  }
  func.func @transform_2(%arg0: i32) -> (i32, i32) {
    %c0_i32 = arith.constant 0 : i32
    %c0_i32_0 = arith.constant 0 : i32
    %c0_i32_1 = arith.constant 0 : i32
    return %c0_i32, %c0_i32_0 : i32, i32
  }
  func.func @transform_3(%arg0: i32) -> (i32, i32) {
    %c0_i32 = arith.constant 0 : i32
    %c0_i32_0 = arith.constant 0 : i32
    %c0_i32_1 = arith.constant 0 : i32
    return %c0_i32, %c0_i32_0 : i32, i32
  }
  func.func @transform_4(%arg0: i32) -> (i32, i32) {
    %c0_i32 = arith.constant 0 : i32
    %c0_i32_0 = arith.constant 0 : i32
    %c0_i32_1 = arith.constant 0 : i32
    return %c0_i32, %c0_i32_0 : i32, i32
  }
  func.func @transform_5(%arg0: i32) -> (i32, i32) {
    %c0_i32 = arith.constant 0 : i32
    %c0_i32_0 = arith.constant 0 : i32
    %c0_i32_1 = arith.constant 0 : i32
    return %c0_i32, %c0_i32_0 : i32, i32
  }
  func.func @transform_6(%arg0: i32) -> (i32, i32) {
    %c0_i32 = arith.constant 0 : i32
    %c0_i32_0 = arith.constant 0 : i32
    %c0_i32_1 = arith.constant 0 : i32
    return %c0_i32, %c0_i32_0 : i32, i32
  }
  func.func @transform_7(%arg0: i32) -> (i32, i32, i32) {
    %c0_i32 = arith.constant 0 : i32
    %c0_i32_0 = arith.constant 0 : i32
    %c0_i32_1 = arith.constant 0 : i32
    return %c0_i32, %arg0, %c0_i32_0 : i32, i32, i32
  }
  func.func @transform_8(%arg0: i32) -> (i32, i32, i32) {
    %c0_i32 = arith.constant 0 : i32
    %c0_i32_0 = arith.constant 0 : i32
    %c0_i32_1 = arith.constant 0 : i32
    return %c0_i32, %arg0, %c0_i32_0 : i32, i32, i32
  }
}

module attributes {stable_mosaic.version = 14 : i64} {
  func.func @body(%arg0: i32, %arg1: memref<2x512x128xf32, #tpu.memory_space<vmem>>, %arg2: memref<2x512x128xf32, #tpu.memory_space<vmem>>, %arg3: memref<2x512x1xf32, #tpu.memory_space<vmem>>, %arg4: memref<1x256xf32, #tpu.memory_space<vmem>>, %arg5: memref<1x1xf32, #tpu.memory_space<smem>>, %arg6: memref<256x128xf32, #tpu.memory_space<vmem>>, %arg7: memref<512x128xf32, #tpu.memory_space<vmem>>) attributes {dimension_semantics = [#tpu.dimension_semantics<arbitrary>], iteration_bounds = array<i64: 20>, scalar_prefetch = 0 : i64, scratch_operands = 0 : i64, tpu.core_type = #tpu.core_type<tc>, window_params = [{transform_indices = @transform_0, window_bounds = array<i64: 2, 512, 128>}, {transform_indices = @transform_1, window_bounds = array<i64: 2, 512, 128>}, {transform_indices = @transform_2, window_bounds = array<i64: 2, 512, 1>}, {pipeline_mode = #tpu.pipeline_mode<synchronous>, transform_indices = @transform_3, window_bounds = array<i64: 1, 256>}, {transform_indices = @transform_4, window_bounds = array<i64: 1, 1>}, {pipeline_mode = #tpu.pipeline_mode<synchronous>, transform_indices = @transform_5, window_bounds = array<i64: 256, 128>}, {transform_indices = @transform_6, window_bounds = array<i64: 512, 128>}]} {
    %get3A = arith.constant 0 : index
    %get3A_0 = arith.constant 0 : index
    %get3A_1 = arith.constant 0 : index
    %get3A_2 = vector.load %arg3[%get3A, %get3A_0, %get3A_1] : memref<2x512x1xf32, #tpu.memory_space<vmem>>, vector<1x512x1xf32>
    %get3A_3 = vector.shape_cast %get3A_2 : vector<1x512x1xf32> to vector<512x1xf32>
    %get3A_4 = arith.constant 1 : index
    %get3A_5 = arith.constant 0 : index
    %get3A_6 = arith.constant 0 : index
    %get3A_7 = vector.load %arg3[%get3A_4, %get3A_5, %get3A_6] : memref<2x512x1xf32, #tpu.memory_space<vmem>>, vector<1x512x1xf32>
    %get3A_8 = vector.shape_cast %get3A_7 : vector<1x512x1xf32> to vector<512x1xf32>
    %add3A = arith.addf %get3A_3, %get3A_8 : vector<512x1xf32>
    %add3A_9 = arith.constant 1.000000e+00 : f32
    %add3A_10 = vector.broadcast %add3A_9 : f32 to vector<512x1xf32>
    %add3A_11 = arith.addf %add3A, %add3A_10 : vector<512x1xf32>
    %max3A = arith.constant 1.000000e+00 : f32
    %max3A_12 = vector.broadcast %max3A : f32 to vector<512x1xf32>
    %max3A_13 = arith.maximumf %add3A_11, %max3A_12 : vector<512x1xf32>
    %rsqrt3A = math.rsqrt %max3A_13 : vector<512x1xf32>
    %get3A_14 = arith.constant 0 : index
    %get3A_15 = arith.constant 0 : index
    %get3A_16 = arith.constant 0 : index
    %get3A_17 = vector.load %arg1[%get3A_14, %get3A_15, %get3A_16] : memref<2x512x128xf32, #tpu.memory_space<vmem>>, vector<1x512x128xf32>
    %get3A_18 = vector.shape_cast %get3A_17 : vector<1x512x128xf32> to vector<512x128xf32>
    %get3A_19 = arith.constant 0 : index
    %get3A_20 = arith.constant 0 : index
    %get3A_21 = arith.constant 0 : index
    %get3A_22 = vector.load %arg2[%get3A_19, %get3A_20, %get3A_21] : memref<2x512x128xf32, #tpu.memory_space<vmem>>, vector<1x512x128xf32>
    %get3A_23 = vector.shape_cast %get3A_22 : vector<1x512x128xf32> to vector<512x128xf32>
    %add3A_24 = arith.addf %get3A_18, %get3A_23 : vector<512x128xf32>
    %get3A_25 = arith.constant 1 : index
    %get3A_26 = arith.constant 0 : index
    %get3A_27 = arith.constant 0 : index
    %get3A_28 = vector.load %arg1[%get3A_25, %get3A_26, %get3A_27] : memref<2x512x128xf32, #tpu.memory_space<vmem>>, vector<1x512x128xf32>
    %get3A_29 = vector.shape_cast %get3A_28 : vector<1x512x128xf32> to vector<512x128xf32>
    %get3A_30 = arith.constant 1 : index
    %get3A_31 = arith.constant 0 : index
    %get3A_32 = arith.constant 0 : index
    %get3A_33 = vector.load %arg2[%get3A_30, %get3A_31, %get3A_32] : memref<2x512x128xf32, #tpu.memory_space<vmem>>, vector<1x512x128xf32>
    %get3A_34 = vector.shape_cast %get3A_33 : vector<1x512x128xf32> to vector<512x128xf32>
    %add3A_35 = arith.addf %get3A_29, %get3A_34 : vector<512x128xf32>
    %concatenate3A = tpu.concatenate %add3A_24, %add3A_35 in 1 : vector<512x128xf32>, vector<512x128xf32> -> vector<512x256xf32>
    %mul3A = vector.broadcast %rsqrt3A : vector<512x1xf32> to vector<512x256xf32>
    %mul3A_36 = arith.mulf %mul3A, %concatenate3A : vector<512x256xf32>
    %get3A_37 = arith.constant 0 : index
    %get3A_38 = arith.constant 0 : index
    %get3A_39 = vector.load %arg4[%get3A_37, %get3A_38] : memref<1x256xf32, #tpu.memory_space<vmem>>, vector<1x256xf32>
    %add3A_40 = vector.broadcast %get3A_39 : vector<1x256xf32> to vector<512x256xf32>
    %add3A_41 = arith.addf %mul3A_36, %add3A_40 : vector<512x256xf32>
    %get3A_42 = arith.constant 0 : index
    %get3A_43 = arith.constant 0 : index
    %get3A_44 = memref.load %arg5[%get3A_42, %get3A_43] : memref<1x1xf32, #tpu.memory_space<smem>>
    %ge3A = arith.constant 0.000000e+00 : f32
    %ge3A_45 = vector.broadcast %ge3A : f32 to vector<512x256xf32>
    %ge3A_46 = arith.cmpf oge, %add3A_41, %ge3A_45 : vector<512x256xf32>
    %mul3A_47 = vector.broadcast %get3A_44 : f32 to vector<512x256xf32>
    %mul3A_48 = arith.mulf %mul3A_47, %add3A_41 : vector<512x256xf32>
    %select_n3A = arith.select %ge3A_46, %add3A_41, %mul3A_48 : vector<512x256xi1>, vector<512x256xf32>
    %get3A_49 = arith.constant 0 : index
    %get3A_50 = arith.constant 0 : index
    %get3A_51 = vector.load %arg6[%get3A_49, %get3A_50] : memref<256x128xf32, #tpu.memory_space<vmem>>, vector<256x128xf32>
    %dot_general3A = arith.constant dense<0.000000e+00> : vector<512x128xf32>
    %dot_general3A_52 = tpu.matmul %select_n3A, %get3A_51, %dot_general3A {dimension_numbers = #tpu.dot_dimension_numbers<[1], [0], [0], [1], [0, 0, 1, 1], [], []>, transpose_lhs_hint = false} : vector<512x256xf32>, vector<256x128xf32>, vector<512x128xf32> -> vector<512x128xf32>
    %mul3A_53 = vector.broadcast %rsqrt3A : vector<512x1xf32> to vector<512x128xf32>
    %mul3A_54 = arith.mulf %dot_general3A_52, %mul3A_53 : vector<512x128xf32>
    %swap3A = arith.constant 0 : index
    %swap3A_55 = arith.constant 0 : index
    %swap3A_56 = vector.load %arg7[%swap3A, %swap3A_55] : memref<512x128xf32, #tpu.memory_space<vmem>>, vector<512x128xf32>
    tpu.vector_store %arg7[%swap3A, %swap3A_55], %mul3A_54 {strides = array<i32>} : memref<512x128xf32, #tpu.memory_space<vmem>>, vector<512x128xf32>,
    return
  }
  func.func @transform_0(%arg0: i32) -> (i32, i32, i32) {
    %c0_i32 = arith.constant 0 : i32
    %c0_i32_0 = arith.constant 0 : i32
    %c0_i32_1 = arith.constant 0 : i32
    return %c0_i32, %arg0, %c0_i32_0 : i32, i32, i32
  }
  func.func @transform_1(%arg0: i32) -> (i32, i32, i32) {
    %c0_i32 = arith.constant 0 : i32
    %c0_i32_0 = arith.constant 0 : i32
    %c0_i32_1 = arith.constant 0 : i32
    return %c0_i32, %arg0, %c0_i32_0 : i32, i32, i32
  }
  func.func @transform_2(%arg0: i32) -> (i32, i32, i32) {
    %c0_i32 = arith.constant 0 : i32
    %c0_i32_0 = arith.constant 0 : i32
    %c0_i32_1 = arith.constant 0 : i32
    return %c0_i32, %arg0, %c0_i32_0 : i32, i32, i32
  }
  func.func @transform_3(%arg0: i32) -> (i32, i32) {
    %c0_i32 = arith.constant 0 : i32
    %c0_i32_0 = arith.constant 0 : i32
    %c0_i32_1 = arith.constant 0 : i32
    return %c0_i32, %c0_i32_0 : i32, i32
  }
  func.func @transform_4(%arg0: i32) -> (i32, i32) {
    %c0_i32 = arith.constant 0 : i32
    %c0_i32_0 = arith.constant 0 : i32
    %c0_i32_1 = arith.constant 0 : i32
    return %c0_i32, %c0_i32_0 : i32, i32
  }
  func.func @transform_5(%arg0: i32) -> (i32, i32) {
    %c0_i32 = arith.constant 0 : i32
    %c0_i32_0 = arith.constant 0 : i32
    %c0_i32_1 = arith.constant 0 : i32
    return %c0_i32, %c0_i32_0 : i32, i32
  }
  func.func @transform_6(%arg0: i32) -> (i32, i32) {
    %c0_i32 = arith.constant 0 : i32
    %c0_i32_0 = arith.constant 0 : i32
    return %arg0, %c0_i32 : i32, i32
  }
}

module attributes {stable_mosaic.version = 14 : i64} {
  func.func @body(%arg0: i32, %arg1: memref<2x512x128xf32, #tpu.memory_space<vmem>>, %arg2: memref<512x128xf32, #tpu.memory_space<vmem>>, %arg3: memref<2x512x1xf32, #tpu.memory_space<vmem>>, %arg4: memref<1x128xf32, #tpu.memory_space<vmem>>, %arg5: memref<512x128xf32, #tpu.memory_space<vmem>>) attributes {dimension_semantics = [#tpu.dimension_semantics<arbitrary>], iteration_bounds = array<i64: 20>, scalar_prefetch = 0 : i64, scratch_operands = 0 : i64, tpu.core_type = #tpu.core_type<tc>, window_params = [{transform_indices = @transform_0, window_bounds = array<i64: 2, 512, 128>}, {transform_indices = @transform_1, window_bounds = array<i64: 512, 128>}, {transform_indices = @transform_2, window_bounds = array<i64: 2, 512, 1>}, {pipeline_mode = #tpu.pipeline_mode<synchronous>, transform_indices = @transform_3, window_bounds = array<i64: 1, 128>}, {transform_indices = @transform_4, window_bounds = array<i64: 512, 128>}]} {
    %get3A = arith.constant 0 : index
    %get3A_0 = arith.constant 0 : index
    %get3A_1 = arith.constant 0 : index
    %get3A_2 = vector.load %arg3[%get3A, %get3A_0, %get3A_1] : memref<2x512x1xf32, #tpu.memory_space<vmem>>, vector<1x512x1xf32>
    %get3A_3 = vector.shape_cast %get3A_2 : vector<1x512x1xf32> to vector<512x1xf32>
    %get3A_4 = arith.constant 1 : index
    %get3A_5 = arith.constant 0 : index
    %get3A_6 = arith.constant 0 : index
    %get3A_7 = vector.load %arg3[%get3A_4, %get3A_5, %get3A_6] : memref<2x512x1xf32, #tpu.memory_space<vmem>>, vector<1x512x1xf32>
    %get3A_8 = vector.shape_cast %get3A_7 : vector<1x512x1xf32> to vector<512x1xf32>
    %add3A = arith.addf %get3A_3, %get3A_8 : vector<512x1xf32>
    %add3A_9 = arith.constant 1.000000e+00 : f32
    %add3A_10 = vector.broadcast %add3A_9 : f32 to vector<512x1xf32>
    %add3A_11 = arith.addf %add3A, %add3A_10 : vector<512x1xf32>
    %max3A = arith.constant 1.000000e+00 : f32
    %max3A_12 = vector.broadcast %max3A : f32 to vector<512x1xf32>
    %max3A_13 = arith.maximumf %add3A_11, %max3A_12 : vector<512x1xf32>
    %rsqrt3A = math.rsqrt %max3A_13 : vector<512x1xf32>
    %get3A_14 = arith.constant 0 : index
    %get3A_15 = arith.constant 0 : index
    %get3A_16 = arith.constant 0 : index
    %get3A_17 = vector.load %arg1[%get3A_14, %get3A_15, %get3A_16] : memref<2x512x128xf32, #tpu.memory_space<vmem>>, vector<1x512x128xf32>
    %get3A_18 = vector.shape_cast %get3A_17 : vector<1x512x128xf32> to vector<512x128xf32>
    %get3A_19 = arith.constant 1 : index
    %get3A_20 = arith.constant 0 : index
    %get3A_21 = arith.constant 0 : index
    %get3A_22 = vector.load %arg1[%get3A_19, %get3A_20, %get3A_21] : memref<2x512x128xf32, #tpu.memory_space<vmem>>, vector<1x512x128xf32>
    %get3A_23 = vector.shape_cast %get3A_22 : vector<1x512x128xf32> to vector<512x128xf32>
    %add3A_24 = arith.addf %get3A_18, %get3A_23 : vector<512x128xf32>
    %get3A_25 = arith.constant 0 : index
    %get3A_26 = arith.constant 0 : index
    %get3A_27 = vector.load %arg2[%get3A_25, %get3A_26] : memref<512x128xf32, #tpu.memory_space<vmem>>, vector<512x128xf32>
    %add3A_28 = arith.addf %add3A_24, %get3A_27 : vector<512x128xf32>
    %mul3A = vector.broadcast %rsqrt3A : vector<512x1xf32> to vector<512x128xf32>
    %mul3A_29 = arith.mulf %mul3A, %add3A_28 : vector<512x128xf32>
    %get3A_30 = arith.constant 0 : index
    %get3A_31 = arith.constant 0 : index
    %get3A_32 = vector.load %arg4[%get3A_30, %get3A_31] : memref<1x128xf32, #tpu.memory_space<vmem>>, vector<1x128xf32>
    %add3A_33 = vector.broadcast %get3A_32 : vector<1x128xf32> to vector<512x128xf32>
    %add3A_34 = arith.addf %mul3A_29, %add3A_33 : vector<512x128xf32>
    %swap3A = arith.constant 0 : index
    %swap3A_35 = arith.constant 0 : index
    %swap3A_36 = vector.load %arg5[%swap3A, %swap3A_35] : memref<512x128xf32, #tpu.memory_space<vmem>>, vector<512x128xf32>
    tpu.vector_store %arg5[%swap3A, %swap3A_35], %add3A_34 {strides = array<i32>} : memref<512x128xf32, #tpu.memory_space<vmem>>, vector<512x128xf32>,
    return
  }
  func.func @transform_0(%arg0: i32) -> (i32, i32, i32) {
    %c0_i32 = arith.constant 0 : i32
    %c0_i32_0 = arith.constant 0 : i32
    %c0_i32_1 = arith.constant 0 : i32
    return %c0_i32, %arg0, %c0_i32_0 : i32, i32, i32
  }
  func.func @transform_1(%arg0: i32) -> (i32, i32) {
    %c0_i32 = arith.constant 0 : i32
    %c0_i32_0 = arith.constant 0 : i32
    return %arg0, %c0_i32 : i32, i32
  }
  func.func @transform_2(%arg0: i32) -> (i32, i32, i32) {
    %c0_i32 = arith.constant 0 : i32
    %c0_i32_0 = arith.constant 0 : i32
    %c0_i32_1 = arith.constant 0 : i32
    return %c0_i32, %arg0, %c0_i32_0 : i32, i32, i32
  }
  func.func @transform_3(%arg0: i32) -> (i32, i32) {
    %c0_i32 = arith.constant 0 : i32
    %c0_i32_0 = arith.constant 0 : i32
    %c0_i32_1 = arith.constant 0 : i32
    return %c0_i32, %c0_i32_0 : i32, i32
  }
  func.func @transform_4(%arg0: i32) -> (i32, i32) {
    %c0_i32 = arith.constant 0 : i32
    %c0_i32_0 = arith.constant 0 : i32
    return %arg0, %c0_i32 : i32, i32
  }
}

</mosaic_0001>

<sc_bundles>
// kernel: kernel.11.cloned.1.call-start
scs
__scs_entry_jumppad:
0x0: {  	(pc) =	sbr.rel $0x88, $3  }
0x1: {  	(tag) =	ssettag $0x0;
	lr =	simm.s32 $0x1  }
0x2: {  	[smem:$0x3F95] =	sst lr;
	_ =	strace $0xD0000000  }
0x3: {  	_ = 	snop  }
0x4: {  	_ = 	snop  }
0x5: {  	_ = 	snop  }
0x6: {  	_ = 	snop  }
0x7: {  	_ = 	snop  }
__scs_overlays_trampoline_lowered:
0x8: {  	[smem:$0x3FA4] =	sst s0  }
0x9: {  	[smem:$0x3FA5] =	sst s1  }
0xa: {  	[smem:$0x3FA6] =	sst s2  }
0xb: {  	[smem:$0x3FA7] =	sst s3  }
0xc: {  	[smem:$0x3FA8] =	sst s4  }
0xd: {  	[smem:$0x3FA9] =	sst s5  }
0xe: {  	[smem:$0x3FAA] =	sst s6  }
0xf: {  	[smem:$0x3FAB] =	sst s7  }
0x10: {  	[smem:$0x3FAC] =	sst s8  }
0x11: {  	[smem:$0x3FAD] =	sst s9;
	s0 =	simm.s32 @!p0 $0x0  }
0x12: {  	s1 =	sld [smem:$0x3F93];
	s0 =	simm.s32 @p0 $0x1  }
0x13: {  	[smem:$0x3FAE] =	sst s0;
	s0 =	simm.s32 @!p1 $0x0  }
0x14: {  	s2 =	sld [smem:$0x3F92];
	s0 =	simm.s32 @p1 $0x1  }
0x15: {  	[smem:$0x3FAF] =	sst s0;
	s0 =	simm.s32 @!p2 $0x0  }
0x16: {  	s3 =	sld [smem:$0x3FDB];
	s0 =	simm.s32 @p2 $0x1  }
0x17: {  	s4 =	simm.s32 $0x1BF5;
	[smem:$0x3FB1] =	sst s0  }
0x18: {  	s0 =	sld [smem:$0x3F94];
	_ =	swait.ge [sflag:s4], $0x0  }
0x19: {  	s7 =	sld [smem:$0x3F95]  }
0x1a: {  	s8 =	sadd.s32 $0xFFFFE003, lr  }
0x1b: {  	s9 =	sadd.s32 $0xFFFFFEF7, lr;
	s5 =	simm.s32 $0xFFFFFFFF;
	p2 =	slt.u32 s8, $0xFFFFF086  }
0x1c: {  	p1 =	slt.u32 s9, $0xF7A;
	s5 =	simm.s32 @!p2 $0x0  }
0x1d: {  	s5 =	simm.s32 @p1 $0x1;
	p0 =	seq.s32 s7, s2  }
0x1e: {  	s7 =	smul.u32 @!p0 $0xF7A, s2;
	p2 =	seq.s32 @!p0 s5, $0x0  }
0x1f: {  	s9 =	smul.u32 $0xF7A, s1;
	s8 =	simm.s32 @!p0 $0x1BF5;
	p2 =	por !p2, p0  }
0x20: {  	[sflag:s8] =	ssyncset.s32 @!p0 $0xFFFFF086;
	s6 =	sadd.s32 @!p0 s3, s7;
	s7 =	simm.s32 @!p0 $0x108  }
0x21: {  	s3 =	sadd.s32 s3, s9;
	s6 =	sadd.s32 @!p0 $0x88, s6;
	s7 =	simm.s32 @p2 $0x1082  }
0x22: {  	[simem:s7], [sflag:s8] =	dma.local @!p0 [hbm:s6], $0xF7A  }
0x23: {  	s9 =	sor.u32 $0xD0000000, s2;
	s6 =	simm.s32 $0x108;
	_ =	swait.ge @!p0 [sflag:s8], $0x0  }
0x24: {  	s3 =	sadd.s32 $0x88, s3;
	s6 =	simm.s32 @!p1 $0x1082;
	[sflag:s4] =	ssyncset.s32 $0xFFFFF086  }
0x25: {  	[simem:s6], [sflag:s4] =	dma.local [hbm:s3], $0xF7A  }
0x26: {  	[smem:$0x3F95] =	sst s1;
	(tag) =	ssettag s2;
	_ =	strace s9  }
0x27: {  	s1 =	sld [smem:$0x3FA5]  }
0x28: {  	s2 =	sld [smem:$0x3FA6]  }
0x29: {  	s4 =	sld [smem:$0x3FA8]  }
0x2a: {  	p0 =	seq.s32 s5, $0x0;
	s5 =	sld [smem:$0x3FA9]  }
0x2b: {  	s6 =	sld [smem:$0x3FAA]  }
0x2c: {  	s7 =	sld [smem:$0x3FAB]  }
0x2d: {  	s3 =	simm.s32 $0x108;
	s8 =	sld [smem:$0x3FAC]  }
0x2e: {  	s3 =	simm.s32 @!p0 $0x1082;
	s9 =	sld [smem:$0x3FAD]  }
0x2f: {  	lr =	sadd.s32 s0, s3;
	s0 =	sld [smem:$0x3FA4]  }
0x30: {  	s3 =	sld [smem:$0x3FA7]  }
0x31: {  	[smem:$0x3FB0] =	sst s10  }
0x32: {  	s10 =	sld [smem:$0x3FAE];
	_ =	sdelay $0x3  }
0x33: {  	p0 =	seq.s32 s10, $0x1;
	s10 =	sld [smem:$0x3FB0];
	_ =	sdelay $0x3  }
0x34: {  	[smem:$0x3FB0] =	sst s10  }
0x35: {  	s10 =	sld [smem:$0x3FAF];
	_ =	sdelay $0x3  }
0x36: {  	p1 =	seq.s32 s10, $0x1;
	s10 =	sld [smem:$0x3FB0];
	_ =	sdelay $0x3  }
0x37: {  	[smem:$0x3FB0] =	sst s10  }
0x38: {  	s10 =	sld [smem:$0x3FB1]  }
0x39: {  	_ = 	snop;
	(pc) =	sbr.ind lr, $3  }
0x3a: {  	_ = 	snop  }
0x3b: {  	_ = 	snop  }
0x3c: {  	p2 =	seq.s32 s10, $0x1;
	s10 =	sld [smem:$0x3FB0]  }
0x3d: {  	_ =	shalt  }
0x3e: {  	_ =	shalt  }
0x3f: {  	_ =	shalt  }
0x40: {  	_ =	shalt  }
0x41: {  	_ =	shalt  }
0x42: {  	_ =	shalt  }
0x43: {  	_ =	shalt  }
0x44: {  	_ =	shalt  }
0x45: {  	_ =	shalt  }
0x46: {  	_ =	shalt  }
0x47: {  	_ =	shalt  }
0x48: {  	_ =	shalt  }
0x49: {  	_ =	shalt  }
0x4a: {  	_ =	shalt  }
0x4b: {  	_ =	shalt  }
0x4c: {  	_ =	shalt  }
0x4d: {  	_ =	shalt  }
0x4e: {  	_ =	shalt  }
0x4f: {  	_ =	shalt  }
0x50: {  	_ =	shalt  }
0x51: {  	_ =	shalt  }
0x52: {  	_ =	shalt  }
0x53: {  	_ =	shalt  }
0x54: {  	_ =	shalt  }
0x55: {  	_ =	shalt  }
0x56: {  	_ =	shalt  }
0x57: {  	_ =	shalt  }
0x58: {  	_ =	shalt  }
0x59: {  	_ =	shalt  }
0x5a: {  	_ =	shalt  }
0x5b: {  	_ =	shalt  }
0x5c: {  	_ =	shalt  }
0x5d: {  	_ =	shalt  }
0x5e: {  	_ =	shalt  }
0x5f: {  	_ =	shalt  }
0x60: {  	_ =	shalt  }
0x61: {  	_ =	shalt  }
0x62: {  	_ =	shalt  }
0x63: {  	_ =	shalt  }
0x64: {  	_ =	shalt  }
0x65: {  	_ =	shalt  }
0x66: {  	_ =	shalt  }
0x67: {  	_ =	shalt  }
0x68: {  	_ =	shalt  }
0x69: {  	_ =	shalt  }
0x6a: {  	_ =	shalt  }
0x6b: {  	_ =	shalt  }
0x6c: {  	_ =	shalt  }
0x6d: {  	_ =	shalt  }
0x6e: {  	_ =	shalt  }
0x6f: {  	_ =	shalt  }
0x70: {  	_ =	shalt  }
0x71: {  	_ =	shalt  }
0x72: {  	_ =	shalt  }
0x73: {  	_ =	shalt  }
0x74: {  	_ =	shalt  }
0x75: {  	_ =	shalt  }
0x76: {  	_ =	shalt  }
0x77: {  	_ =	shalt  }
0x78: {  	_ =	shalt  }
0x79: {  	_ =	shalt  }
0x7a: {  	_ =	shalt  }
0x7b: {  	_ =	shalt  }
0x7c: {  	_ =	shalt  }
0x7d: {  	_ =	shalt  }
0x7e: {  	_ =	shalt  }
0x7f: {  	_ =	shalt  }
0x80: {  	_ =	shalt  }
0x81: {  	_ =	shalt  }
0x82: {  	_ =	shalt  }
0x83: {  	_ =	shalt  }
0x84: {  	_ =	shalt  }
0x85: {  	_ =	shalt  }
0x86: {  	_ =	shalt  }
0x87: {  	_ =	shalt  }
.Lfunc_end0:
.L_simem_size_0:
called_computation.1_lowered:
.L_overlay_start_0:
0x88: {  	s2 =	sld [smem:$0x3FD9]  }
0x89: {  	s3 =	sld [smem:$0x3FFE];
	_ =	sdelay $0x1  }
0x8a: {  	s1 =	srdreg.scid  }
0x8b: {  	s0 =	sand.u32 $0x1, s1  }
0x8c: {  	s16 =	sshll.u32 s0, $0xA;
	s2 =	sadd.s32 s3, s2  }
0x8d: {  	s2 =	sadd.s32 s2, s16  }
0x8e: {  	[smem:$0x3FBC] =	sst s2  }
0x8f: {  	_ = 	snop  }
0x90: {  	(tm) =	ssettm $0x1  }
0x91: {  	s17 =	sld [smem:$0x3FFB];
	_ =	sdelay $0x3  }
0x92: {  	_ =	strace s17  }
0x93: {  	s2 =	sld [smem:$0x3FFC];
	_ =	sdelay $0x3  }
0x94: {  	_ =	strace s2  }
0x95: {  	s2 =	sld [smem:$0x3FFD];
	_ =	sdelay $0x3  }
0x96: {  	_ =	strace s2  }
0x97: {  	_ =	strace $0x8FFFFFFF  }
0x98: {  	s18 =	sld [smem:$0x3FDB];
	_ =	sdelay $0x1  }
0x99: {  	s19 =	simm.s32 $_scs_section_size  }
0x9a: {  	s4 =	simm.s32 $_size__tile_overlayer_lowered;
	s5 =	simm.s32 $_tile_overlayer_lowered  }
0x9b: {  	s22 =	simm.s32 $0x1BFF;
	s21 =	sshll.u32 s5, $0x1;
	s2 =	sadd.s32 s19, s18  }
0x9c: {  	s6 =	simm.s32 $0x0;
	s20 =	sshll.u32 s4, $0x1;
	s4 =	sadd.s32 s21, s2  }
0x9d: {  	[timem:s6], [sflag:s22] =	dma.local [hbm:s4], s20  }
0x9e: {  	_ =	swait.ge [sflag:s22], s20  }
0x9f: {  	s3 =	ssub.s32 $0x0, s20;
	[sflag:s22] =	ssyncset.done $0x0  }
0xa0: {  	[sflag:s22] =	ssyncadd.s32 s3;
	_ =	sdelay $0x1  }
0xa1: {  	s23 =	simm.s32 $0x1B8B  }
0xa2: {  	_ =	swait.ge [sflag:s23], $0x1  }
0xa3: {  	[sflag:s23] =	ssyncset.done $0x0  }
0xa4: {  	s25 =	simm.s32 $0x1B8E;
	s24 =	sld [smem:$0x3FFE];
	[sflag:s23] =	ssyncadd.s32 $0xFFFFFFFF  }
0xa5: {  	s26 =	simm.s32 $execute0_lowered;
	[smem:$0x3FD2] =	sst s25  }
0xa6: {  	s4 =	sshll.u32 s26, $0x1;
	_ =	strace $0x80000049;
	[dreg:$0x1] =	wrdreg $0xFFFFFFFF  }
0xa7: {  	s28 =	simm.s32 $_size_execute0_lowered;
	s2 =	sadd.s32 s2, s4;
	[dreg:$0x0] =	wrdreg $0x0  }
0xa8: {  	s4 =	sshll.u32 s28, $0x1;
	[dreg:$0x2] =	wrdreg s2  }
0xa9: {  	[dreg:$0x3] =	wrdreg s4  }
0xaa: {  	[dreg:$0x4] =	wrdreg $0xC0  }
0xab: {  	_ =	task [dreg:s6], $0x5FFFF  }
0xac: {  	[dreg:$0x1] =	wrdreg $0xFFFFFFFF  }
0xad: {  	[dreg:$0x0] =	wrdreg $0x60  }
0xae: {  	[dreg:$0x2] =	wrdreg s24  }
0xaf: {  	[dreg:$0x3] =	wrdreg $0x0  }
0xb0: {  	[dreg:$0x4] =	wrdreg $0x9  }
0xb1: {  	_ =	task.clear_ibuf [dreg:s6], $0x5FFFF;
	_ =	strace $0x90000049  }
0xb2: {  	s29 =	simm.s32 $0x9;
	_ =	strace $0x8000004B  }
0xb3: {  	_ =	swait.ge [sflag:s29], $0x1  }
0xb4: {  	[sflag:s29] =	ssyncadd.s32 $0xFFFFFFFF  }
0xb5: {  	_ =	strace $0x9000004B  }
0xb6: {  	_ =	sfence  }
0xb7: {  	s30 =	sld [smem:$0x0];
	_ =	sdelay $0x2  }
0xb8: {  	s31 =	sshll.u32 s1, $0xD;
	s1 =	sshrl.u32 s1, $0x2  }
0xb9: {  	s3 =	sand.u32 $0x4000, s31;
	s1 =	sadd.s32 s1, s30  }
0xba: {  	s0 =	sor.u32 s3, s0;
	s1 =	sshll.u32 s1, $0x11  }
0xbb: {  	s0 =	sor.u32 s1, s0  }
0xbc: {  	s0 =	sadd.s32 $0x8F2B, s0  }
0xbd: {  	[sflag:s0] =	ssyncadd.remote.s32 $0x1  }
0xbe: {  	_ =	sfence.sel $0xFFFF  }
0xbf: {  	[dreg:$0x0] =	wrdreg $0xFFFFFFFF;
	(pc) =	sbr.abs _section_cstart, $3  }
0xc0: {  	[dreg:$0x1] =	wrdreg $0xFFFFFFFF  }
0xc1: {  	_ =	task.clear_ibuf [dreg:s6], $0x2FFFF;
	_ =	strace $0x9FFFFFFF  }
0xc2: {  	(tm) =	ssettm $0x7FFFFFFF  }
0xc3: {  	_ =	shalt  }
tec
execute0_lowered:
.L_overlay_start_1:
0x0: {  	(tag) =	ssettag $0x1  }
0x1: {  	s5 =	rddreg [dreg:$0x0]  }
0x2: {  	s2 =	rddreg [dreg:$0x1]  }
0x3: {  	s3 =	simm.s32 $0x0;
	s13 =	stileid.u32;
	s7 =	srdreg.scid  }
0x4: {  	s9 =	simm.s32 $0x14100;
	s17 =	simm.s32 $0x14180;
	[smem:$0x7FF] =	sst s3  }
0x5: {  	s18 =	simm.s32 $0x14200;
	_ =	strace $0x8000004A;
	[dreg:$0x3] =	wrdreg s9  }
0x6: {  	s19 =	simm.s32 $0x14280;
	s20 =	simm.s32 $0x15080;
	[dreg:$0x4] =	wrdreg s17  }
0x7: {  	s21 =	simm.s32 $0x14300;
	s23 =	simm.s32 $0x14380;
	[dreg:$0x5] =	wrdreg s18  }
0x8: {  	s25 =	simm.s32 $0x15100;
	s26 =	simm.s32 $0x14400;
	[dreg:$0x6] =	wrdreg s19  }
0x9: {  	s15 =	simm.s32 $0x15180;
	s16 =	simm.s32 $0x14500;
	[dreg:$0x7] =	wrdreg s20  }
0xa: {  	s28 =	simm.s32 $0x1;
	s29 =	simm.s32 $0x80;
	[dreg:$0x8] =	wrdreg s21  }
0xb: {  	s30 =	simm.s32 $0x2;
	s31 =	simm.s32 $0x4;
	[dreg:$0x9] =	wrdreg s23  }
0xc: {  	s4 =	sadd.s32 $0x84800, s5;
	s6 =	smul.u32 $0x14000, s13;
	[dreg:$0xa] =	wrdreg s25  }
0xd: {  	s0 =	sadd.s32 $0xC800, s5;
	s1 =	sadd.s32 $0x2000, s5;
	[dreg:$0xb] =	wrdreg s26  }
0xe: {  	s7 =	sand.u32 $0x1, s7;
	s11 =	smul.u32 $0x50000, s13;
	[dreg:$0xd] =	wrdreg s15  }
0xf: {  	s10 =	smul.u32 $0x140000, s7;
	s9 =	simm.s32 $0x14480;
	[dreg:$0xe] =	wrdreg s16  }
0x10: {  	s22 =	ssub.s32 $0x2, s7;
	s17 =	simm.s32 $0x14580;
	[dreg:$0xc] =	wrdreg s9  }
0x11: {  	s18 =	sshll.u32 s13, $0x6;
	s19 =	simm.s32 $0x15200;
	[dreg:$0xf] =	wrdreg s17  }
0x12: {  	s7 =	smul.u32 $0xA0000, s7;
	s20 =	simm.s32 $0x14600;
	[dreg:$0x10] =	wrdreg s19  }
0x13: {  	s21 =	smul.u32 $0xA000, s13;
	s23 =	simm.s32 $0x15280;
	[dreg:$0x11] =	wrdreg s20  }
0x14: {  	s25 =	simm.s32 $0x14780;
	s26 =	smul.u32 $0x5000, s13;
	[dreg:$0x13] =	wrdreg s23  }
0x15: {  	s15 =	simm.s32 $0x14880;
	s8 =	sshrl.u32 s6, $0x3;
	[dreg:$0x15] =	wrdreg s25  }
0x16: {  	s24 =	sshrl.u32 s22, $0x1;
	[dreg:$0x17] =	wrdreg s15;
	s17 =	simm.s32 $0x15380  }
0x17: {  	s14 =	sshrl.u32 s11, $0x2;
	s20 =	simm.s32 $0x14980;
	[dreg:$0x18] =	wrdreg s17  }
0x18: {  	s25 =	simm.s32 $0x15480;
	s15 =	simm.s32 $0x14C80;
	[dreg:$0x1a] =	wrdreg s20  }
0x19: {  	s8 =	sadd.s32 s8, s5;
	s6 =	sadd.s32 s6, s10;
	[dreg:$0x1d] =	wrdreg s25  }
0x1a: {  	s12 =	ssub.s32 s22, s24;
	s22 =	simm.s32 $0x14680;
	[smem:$0x7F2] =	sst s15  }
0x1b: {  	s7 =	sadd.s32 s21, s7;
	s24 =	simm.s32 $0x14700;
	[dreg:$0x12] =	wrdreg s22  }
0x1c: {  	s21 =	smul.u32 $0xA00, s13;
	s13 =	simm.s32 $0x15500;
	[dreg:$0x14] =	wrdreg s24  }
0x1d: {  	s16 =	sshrl.u32 s26, $0x3;
	s17 =	simm.s32 $0x14D00;
	[smem:$0x7F0] =	sst s13  }
0x1e: {  	s15 =	simm.s32 $0x5;
	s20 =	simm.s32 $0x14E00;
	[smem:$0x7F4] =	sst s17  }
0x1f: {  	s25 =	simm.s32 $0x15700;
	s6 =	sshrl.u32 s6, $0x3;
	[smem:$0x7F7] =	sst s20  }
0x20: {  	s8 =	sadd.s32 $0xD4800, s8;
	s9 =	sshrl.u32 s7, $0x3;
	[smem:$0x7FC] =	sst s25  }
0x21: {  	s22 =	simm.s32 $0x14A00;
	s23 =	smax.u32 s12, $0x1;
	[smem:$0x7EB] =	sst s8  }
0x22: {  	s24 =	simm.s32 $0x14A80;
	s26 =	sor.u32 $0x800, s7;
	[smem:$0x7EF] =	sst s23  }
0x23: {  	s7 =	sor.u32 $0x1000, s7;
	s17 =	simm.s32 $0x15000;
	[dreg:$0x1b] =	wrdreg s22  }
0x24: {  	s10 =	sadd.s32 s6, s5;
	s9 =	sadd.s32 s0, s9;
	[dreg:$0x1c] =	wrdreg s24  }
0x25: {  	s5 =	sadd.s32 s14, s2;
	s14 =	simm.s32 $0x15300;
	[smem:$0x7EC] =	sst s9  }
0x26: {  	s6 =	sor.u32 $0x1C05, s18;
	s18 =	simm.s32 $0x14900;
	[dreg:$0x16] =	wrdreg s14  }
0x27: {  	s11 =	sadd.s32 s21, s1;
	s21 =	simm.s32 $0x14E80;
	[dreg:$0x19] =	wrdreg s18  }
0x28: {  	s20 =	simm.s32 $0x15800;
	s22 =	simm.s32 $0x15680;
	[smem:$0x7F8] =	sst s21  }
0x29: {  	s25 =	simm.s32 $0x19800;
	s23 =	simm.s32 $0x14F00;
	[smem:$0x7F9] =	sst s22  }
0x2a: {  	s8 =	sshrl.u32 s26, $0x3;
	s24 =	simm.s32 $0x14F80;
	[smem:$0x7FA] =	sst s23  }
0x2b: {  	s7 =	sshrl.u32 s7, $0x3;
	s26 =	simm.s32 $0x15780;
	[smem:$0x7FB] =	sst s24  }
0x2c: {  	s9 =	sadd.s32 s1, s16;
	s19 =	sadd.s32 $0xFC800, s10;
	[smem:$0x7FD] =	sst s26  }
0x2d: {  	s10 =	simm.s32 $0x14B80;
	s12 =	sadd.s32 s8, s0;
	[smem:$0x7ED] =	sst s9  }
0x2e: {  	s14 =	simm.s32 $0x14C00;
	s13 =	sadd.s32 s7, s0;
	[smem:$0x7EE] =	sst s19  }
0x2f: {  	s16 =	simm.s32 $0x15580;
	s18 =	simm.s32 $0x14D80;
	[dreg:$0x1f] =	wrdreg s10  }
0x30: {  	s22 =	simm.s32 $0x17800;
	s23 =	simm.s32 $0x14800;
	[smem:$0x7F1] =	sst s14  }
0x31: {  	s24 =	simm.s32 $0x15400;
	s26 =	simm.s32 $0x1B800;
	[smem:$0x7F3] =	sst s16  }
0x32: {  	s0 =	simm.s32 $0x0;
	s9 =	simm.s32 $0x14B00;
	[smem:$0x7F5] =	sst s18  }
0x33: {  	s14 =	sshrl.u32 s5, $0x3;
	s19 =	simm.s32 $0x15600;
	[dreg:$0x1e] =	wrdreg s9  }
0x34: {  	s18 =	simm.s32 $0x3;
	[smem:$0x7F6] =	sst s19;
	s19 =	simm.s32 $0x40  }
.LBB2_1:
0x35: {  	s1 =	sld [smem:$0x7EB];
	_ =	sdelay $0x2  }
0x36: {  	[spmem:s14], [sflag:s6] =	dma.local [hbm:s1], $0x2800  }
0x37: {  	_ =	swait.ge [sflag:s15], $0x2800  }
0x38: {  	[sflag:s15] =	ssyncset.done $0x0  }
0x39: {  	[sflag:s15] =	ssyncadd.s32 $0xFFFFD800  }
0x3a: {  	[bflag:$0x0] =	sbarrier.arrive $0xFFFF  }
0x3b: {  	s8 =	sld [smem:$0x7EC];
	_ =	sdelay $0x1  }
0x3c: {  	s5 =	simm.s32 $0x14000;
	s9 =	sld [smem:$0x7ED]  }
0x3d: {  	[tilespmem:s5], [sflag:$0x3] =	stream.linear.gather [hbm4b:s8+s3], $0x800, $0x38;
	[tilespmem:$0x1D800] =	vst v63  }
0x3e: {  	_ = 	snop  }
0x3f: {  	[tilespmem:s17], [sflag:$0x3] =	stream.linear.gather [hbm4b:s9+s3], $0x400, $0x38;
	[tilespmem:$0x1D800] =	vst v63  }
0x40: {  	_ =	swait.ge [sflag:s18], $0x800  }
0x41: {  	[sflag:s18] =	ssyncset.done $0x0  }
0x42: {  	[sflag:s18] =	ssyncadd.s32 $0xFFFFF800  }
0x43: {  	_ =	swait.ge [sflag:s18], $0x400  }
0x44: {  	[sflag:s18] =	ssyncset.done $0x0  }
0x45: {  	[sflag:s18] =	ssyncadd.s32 $0xFFFFFC00  }
0x46: {  	[tilespmem:s20], [sflag:$0x1] =	stream.indirect.gather [hbm4b:s4+s19], $0x80, s5, s19, $0xb8;
	[tilespmem:$0x1D800] =	vst v63  }
0x47: {  	s10 =	simm.s32 $0x14080  }
0x48: {  	[tilespmem:s22], [sflag:$0x1] =	stream.indirect.gather [hbm4b:s4+s19], $0x80, s10, s19, $0xb8;
	[tilespmem:$0x1D800] =	vst v63  }
0x49: {  	s16 =	sadd.s32 $0x0, s11  }
0x4a: {  	[tilespmem:s23], [sflag:$0x4] =	stream.linear.gather [hbm4b:s12+s3], $0x800, $0x38;
	[tilespmem:$0x1D800] =	vst v63  }
0x4b: {  	s1 =	sadd.s32 $0x80, s16  }
0x4c: {  	[tilespmem:s24], [sflag:$0x4] =	stream.linear.gather [hbm4b:s1+s3], $0x400, $0x38;
	[tilespmem:$0x1D800] =	vst v63  }
0x4d: {  	s21 =	rddreg [dreg:$0x3]  }
0x4e: {  	[tilespmem:s25], [sflag:$0x2] =	stream.indirect.gather [hbm4b:s4+s19], $0x80, s21, s19, $0xb8;
	[tilespmem:$0x1D800] =	vst v63  }
0x4f: {  	s7 =	rddreg [dreg:$0x4]  }
0x50: {  	[tilespmem:s26], [sflag:$0x2] =	stream.indirect.gather [hbm4b:s4+s19], $0x80, s7, s19, $0xb8;
	[tilespmem:$0x1D800] =	vst v63  }
0x51: {  	_ =	swait.ge [sflag:s28], $0x2000  }
0x52: {  	[sflag:s28] =	ssyncset.done $0x0  }
0x53: {  	[sflag:s28] =	ssyncadd.s32 $0xFFFFE000  }
0x54: {  	_ =	swait.ge [sflag:s28], $0x2000  }
0x55: {  	[sflag:s28] =	ssyncset.done $0x0  }
0x56: {  	[sflag:s28] =	ssyncadd.s32 $0xFFFFE000  }
0x57: {  	[spmem:s2] =	stream.indirect.scatter.add.f32 [tilespmem:s20], [sflag:$0x5], $0x80, s17, s29, $0xb8;
	[tilespmem:$0x1D800] =	vst v63  }
0x58: {  	_ =	swait.ge [sflag:s15], $0x4000  }
0x59: {  	[sflag:s15] =	ssyncset.done $0x0  }
0x5a: {  	s8 =	rddreg [dreg:$0x5];
	[sflag:s15] =	ssyncadd.s32 $0xFFFFC000  }
0x5b: {  	[tilespmem:s20], [sflag:$0x1] =	stream.indirect.gather [hbm4b:s4+s19], $0x80, s8, s19, $0xb8;
	[tilespmem:$0x1D800] =	vst v63  }
0x5c: {  	s9 =	rddreg [dreg:$0x6]  }
0x5d: {  	[tilespmem:s22], [sflag:$0x1] =	stream.indirect.gather [hbm4b:s4+s19], $0x80, s9, s19, $0xb8;
	[tilespmem:$0x1D800] =	vst v63  }
0x5e: {  	_ =	swait.ge [sflag:s30], $0x2000  }
0x5f: {  	[sflag:s30] =	ssyncset.done $0x0  }
0x60: {  	[sflag:s30] =	ssyncadd.s32 $0xFFFFE000  }
0x61: {  	_ =	swait.ge [sflag:s30], $0x2000  }
0x62: {  	[sflag:s30] =	ssyncset.done $0x0  }
0x63: {  	s10 =	rddreg [dreg:$0x7];
	[sflag:s30] =	ssyncadd.s32 $0xFFFFE000  }
0x64: {  	[spmem:s2] =	stream.indirect.scatter.add.f32 [tilespmem:s25], [sflag:$0x5], $0x80, s10, s29, $0xb8;
	[tilespmem:$0x1D800] =	vst v63  }
0x65: {  	_ =	swait.ge [sflag:s15], $0x4000  }
0x66: {  	[sflag:s15] =	ssyncset.done $0x0  }
0x67: {  	s16 =	rddreg [dreg:$0x8];
	[sflag:s15] =	ssyncadd.s32 $0xFFFFC000  }
0x68: {  	[tilespmem:s25], [sflag:$0x2] =	stream.indirect.gather [hbm4b:s4+s19], $0x80, s16, s19, $0xb8;
	[tilespmem:$0x1D800] =	vst v63  }
0x69: {  	s21 =	rddreg [dreg:$0x9]  }
0x6a: {  	[tilespmem:s26], [sflag:$0x2] =	stream.indirect.gather [hbm4b:s4+s19], $0x80, s21, s19, $0xb8;
	[tilespmem:$0x1D800] =	vst v63  }
0x6b: {  	_ =	swait.ge [sflag:s28], $0x2000  }
0x6c: {  	[sflag:s28] =	ssyncset.done $0x0  }
0x6d: {  	[sflag:s28] =	ssyncadd.s32 $0xFFFFE000  }
0x6e: {  	_ =	swait.ge [sflag:s28], $0x2000  }
0x6f: {  	[sflag:s28] =	ssyncset.done $0x0  }
0x70: {  	s7 =	rddreg [dreg:$0xa];
	[sflag:s28] =	ssyncadd.s32 $0xFFFFE000  }
0x71: {  	[spmem:s2] =	stream.indirect.scatter.add.f32 [tilespmem:s20], [sflag:$0x5], $0x80, s7, s29, $0xb8;
	[tilespmem:$0x1D800] =	vst v63  }
0x72: {  	_ =	swait.ge [sflag:s15], $0x4000  }
0x73: {  	[sflag:s15] =	ssyncset.done $0x0  }
0x74: {  	s8 =	rddreg [dreg:$0xb];
	[sflag:s15] =	ssyncadd.s32 $0xFFFFC000  }
0x75: {  	[tilespmem:s20], [sflag:$0x1] =	stream.indirect.gather [hbm4b:s4+s19], $0x80, s8, s19, $0xb8;
	[tilespmem:$0x1D800] =	vst v63  }
0x76: {  	s9 =	rddreg [dreg:$0xc]  }
0x77: {  	[tilespmem:s22], [sflag:$0x1] =	stream.indirect.gather [hbm4b:s4+s19], $0x80, s9, s19, $0xb8;
	[tilespmem:$0x1D800] =	vst v63  }
0x78: {  	_ =	swait.ge [sflag:s30], $0x2000  }
0x79: {  	[sflag:s30] =	ssyncset.done $0x0  }
0x7a: {  	[sflag:s30] =	ssyncadd.s32 $0xFFFFE000  }
0x7b: {  	_ =	swait.ge [sflag:s30], $0x2000  }
0x7c: {  	[sflag:s30] =	ssyncset.done $0x0  }
0x7d: {  	s10 =	rddreg [dreg:$0xd];
	[sflag:s30] =	ssyncadd.s32 $0xFFFFE000  }
0x7e: {  	[spmem:s2] =	stream.indirect.scatter.add.f32 [tilespmem:s25], [sflag:$0x5], $0x80, s10, s29, $0xb8;
	[tilespmem:$0x1D800] =	vst v63  }
0x7f: {  	_ =	swait.ge [sflag:s15], $0x4000  }
0x80: {  	[sflag:s15] =	ssyncset.done $0x0  }
0x81: {  	s16 =	rddreg [dreg:$0xe];
	[sflag:s15] =	ssyncadd.s32 $0xFFFFC000  }
0x82: {  	[tilespmem:s25], [sflag:$0x2] =	stream.indirect.gather [hbm4b:s4+s19], $0x80, s16, s19, $0xb8;
	[tilespmem:$0x1D800] =	vst v63  }
0x83: {  	s21 =	rddreg [dreg:$0xf]  }
0x84: {  	[tilespmem:s26], [sflag:$0x2] =	stream.indirect.gather [hbm4b:s4+s19], $0x80, s21, s19, $0xb8;
	[tilespmem:$0x1D800] =	vst v63  }
0x85: {  	_ =	swait.ge [sflag:s28], $0x2000  }
0x86: {  	[sflag:s28] =	ssyncset.done $0x0  }
0x87: {  	[sflag:s28] =	ssyncadd.s32 $0xFFFFE000  }
0x88: {  	_ =	swait.ge [sflag:s28], $0x2000  }
0x89: {  	[sflag:s28] =	ssyncset.done $0x0  }
0x8a: {  	s7 =	rddreg [dreg:$0x10];
	[sflag:s28] =	ssyncadd.s32 $0xFFFFE000  }
0x8b: {  	[spmem:s2] =	stream.indirect.scatter.add.f32 [tilespmem:s20], [sflag:$0x5], $0x80, s7, s29, $0xb8;
	[tilespmem:$0x1D800] =	vst v63  }
0x8c: {  	_ =	swait.ge [sflag:s15], $0x4000  }
0x8d: {  	[sflag:s15] =	ssyncset.done $0x0  }
0x8e: {  	s8 =	rddreg [dreg:$0x11];
	[sflag:s15] =	ssyncadd.s32 $0xFFFFC000  }
0x8f: {  	[tilespmem:s20], [sflag:$0x1] =	stream.indirect.gather [hbm4b:s4+s19], $0x80, s8, s19, $0xb8;
	[tilespmem:$0x1D800] =	vst v63  }
0x90: {  	s9 =	rddreg [dreg:$0x12]  }
0x91: {  	[tilespmem:s22], [sflag:$0x1] =	stream.indirect.gather [hbm4b:s4+s19], $0x80, s9, s19, $0xb8;
	[tilespmem:$0x1D800] =	vst v63  }
0x92: {  	_ =	swait.ge [sflag:s30], $0x2000  }
0x93: {  	[sflag:s30] =	ssyncset.done $0x0  }
0x94: {  	[sflag:s30] =	ssyncadd.s32 $0xFFFFE000  }
0x95: {  	_ =	swait.ge [sflag:s30], $0x2000  }
0x96: {  	[sflag:s30] =	ssyncset.done $0x0  }
0x97: {  	s10 =	rddreg [dreg:$0x13];
	[sflag:s30] =	ssyncadd.s32 $0xFFFFE000  }
0x98: {  	[spmem:s2] =	stream.indirect.scatter.add.f32 [tilespmem:s25], [sflag:$0x5], $0x80, s10, s29, $0xb8;
	[tilespmem:$0x1D800] =	vst v63  }
0x99: {  	_ =	swait.ge [sflag:s15], $0x4000  }
0x9a: {  	[sflag:s15] =	ssyncset.done $0x0  }
0x9b: {  	s16 =	rddreg [dreg:$0x14];
	[sflag:s15] =	ssyncadd.s32 $0xFFFFC000  }
0x9c: {  	[tilespmem:s25], [sflag:$0x2] =	stream.indirect.gather [hbm4b:s4+s19], $0x80, s16, s19, $0xb8;
	[tilespmem:$0x1D800] =	vst v63  }
0x9d: {  	s21 =	rddreg [dreg:$0x15]  }
0x9e: {  	[tilespmem:s26], [sflag:$0x2] =	stream.indirect.gather [hbm4b:s4+s19], $0x80, s21, s19, $0xb8;
	[tilespmem:$0x1D800] =	vst v63  }
0x9f: {  	_ =	swait.ge [sflag:s28], $0x2000  }
0xa0: {  	[sflag:s28] =	ssyncset.done $0x0  }
0xa1: {  	[sflag:s28] =	ssyncadd.s32 $0xFFFFE000  }
0xa2: {  	_ =	swait.ge [sflag:s28], $0x2000  }
0xa3: {  	[sflag:s28] =	ssyncset.done $0x0  }
0xa4: {  	s7 =	rddreg [dreg:$0x16];
	[sflag:s28] =	ssyncadd.s32 $0xFFFFE000  }
0xa5: {  	[spmem:s2] =	stream.indirect.scatter.add.f32 [tilespmem:s20], [sflag:$0x5], $0x80, s7, s29, $0xb8;
	[tilespmem:$0x1D800] =	vst v63  }
0xa6: {  	_ =	swait.ge [sflag:s15], $0x4000  }
0xa7: {  	[sflag:s15] =	ssyncset.done $0x0  }
0xa8: {  	[sflag:s15] =	ssyncadd.s32 $0xFFFFC000  }
0xa9: {  	_ =	swait.ge [sflag:s31], $0x800  }
0xaa: {  	[sflag:s31] =	ssyncset.done $0x0  }
0xab: {  	[sflag:s31] =	ssyncadd.s32 $0xFFFFF800  }
0xac: {  	_ =	swait.ge [sflag:s31], $0x400  }
0xad: {  	[sflag:s31] =	ssyncset.done $0x0  }
0xae: {  	[sflag:s31] =	ssyncadd.s32 $0xFFFFFC00  }
0xaf: {  	[tilespmem:s20], [sflag:$0x1] =	stream.indirect.gather [hbm4b:s4+s19], $0x80, s23, s19, $0xb8;
	[tilespmem:$0x1D800] =	vst v63  }
0xb0: {  	s8 =	rddreg [dreg:$0x17]  }
0xb1: {  	[tilespmem:s22], [sflag:$0x1] =	stream.indirect.gather [hbm4b:s4+s19], $0x80, s8, s19, $0xb8;
	[tilespmem:$0x1D800] =	vst v63  }
0xb2: {  	_ =	swait.ge [sflag:s30], $0x2000  }
0xb3: {  	[sflag:s30] =	ssyncset.done $0x0  }
0xb4: {  	[sflag:s30] =	ssyncadd.s32 $0xFFFFE000  }
0xb5: {  	_ =	swait.ge [sflag:s30], $0x2000  }
0xb6: {  	[sflag:s30] =	ssyncset.done $0x0  }
0xb7: {  	s9 =	rddreg [dreg:$0x18];
	[sflag:s30] =	ssyncadd.s32 $0xFFFFE000  }
0xb8: {  	[spmem:s2] =	stream.indirect.scatter.add.f32 [tilespmem:s25], [sflag:$0x5], $0x80, s9, s29, $0xb8;
	[tilespmem:$0x1D800] =	vst v63  }
0xb9: {  	p0 =	por $0x0, $0x0;
	_ =	swait.ge [sflag:s15], $0x4000  }
0xba: {  	s5 =	simm.s32 @!p0 $0x0;
	[sflag:s15] =	ssyncset.done $0x0  }
0xbb: {  	s1 =	simm.s32 @!p0 $0x14000;
	s7 =	sadd.s32 @!p0 $0x0, s11;
	[sflag:s15] =	ssyncadd.s32 $0xFFFFC000  }
0xbc: {  	[tilespmem:s1], [sflag:$0x3] =	stream.linear.gather @!p0 [hbm4b:s13+s5], $0x800, $0x38;
	[tilespmem:$0x1D800] =	vst v63  }
0xbd: {  	s7 =	sadd.s32 @!p0 $0x100, s7;
	s8 =	simm.s32 @!p0 $0x15000  }
0xbe: {  	[tilespmem:s8], [sflag:$0x3] =	stream.linear.gather @!p0 [hbm4b:s7+s5], $0x400, $0x38;
	[tilespmem:$0x1D800] =	vst v63  }
0xbf: {  	s21 =	rddreg [dreg:$0x19]  }
0xc0: {  	[tilespmem:s25], [sflag:$0x2] =	stream.indirect.gather [hbm4b:s4+s19], $0x80, s21, s19, $0xb8;
	[tilespmem:$0x1D800] =	vst v63  }
0xc1: {  	s10 =	rddreg [dreg:$0x1a]  }
0xc2: {  	[tilespmem:s26], [sflag:$0x2] =	stream.indirect.gather [hbm4b:s4+s19], $0x80, s10, s19, $0xb8;
	[tilespmem:$0x1D800] =	vst v63  }
0xc3: {  	_ =	swait.ge [sflag:s28], $0x2000  }
0xc4: {  	[sflag:s28] =	ssyncset.done $0x0  }
0xc5: {  	[sflag:s28] =	ssyncadd.s32 $0xFFFFE000  }
0xc6: {  	_ =	swait.ge [sflag:s28], $0x2000  }
0xc7: {  	[sflag:s28] =	ssyncset.done $0x0  }
0xc8: {  	[sflag:s28] =	ssyncadd.s32 $0xFFFFE000  }
0xc9: {  	[spmem:s2] =	stream.indirect.scatter.add.f32 [tilespmem:s20], [sflag:$0x5], $0x80, s24, s29, $0xb8;
	[tilespmem:$0x1D800] =	vst v63  }
0xca: {  	_ =	swait.ge [sflag:s15], $0x4000  }
0xcb: {  	[sflag:s15] =	ssyncset.done $0x0  }
0xcc: {  	s16 =	rddreg [dreg:$0x1b];
	[sflag:s15] =	ssyncadd.s32 $0xFFFFC000  }
0xcd: {  	[tilespmem:s20], [sflag:$0x1] =	stream.indirect.gather [hbm4b:s4+s19], $0x80, s16, s19, $0xb8;
	[tilespmem:$0x1D800] =	vst v63  }
0xce: {  	s21 =	rddreg [dreg:$0x1c]  }
0xcf: {  	[tilespmem:s22], [sflag:$0x1] =	stream.indirect.gather [hbm4b:s4+s19], $0x80, s21, s19, $0xb8;
	[tilespmem:$0x1D800] =	vst v63  }
0xd0: {  	_ =	swait.ge [sflag:s30], $0x2000  }
0xd1: {  	[sflag:s30] =	ssyncset.done $0x0  }
0xd2: {  	[sflag:s30] =	ssyncadd.s32 $0xFFFFE000  }
0xd3: {  	_ =	swait.ge [sflag:s30], $0x2000  }
0xd4: {  	[sflag:s30] =	ssyncset.done $0x0  }
0xd5: {  	s7 =	rddreg [dreg:$0x1d];
	[sflag:s30] =	ssyncadd.s32 $0xFFFFE000  }
0xd6: {  	[spmem:s2] =	stream.indirect.scatter.add.f32 [tilespmem:s25], [sflag:$0x5], $0x80, s7, s29, $0xb8;
	[tilespmem:$0x1D800] =	vst v63  }
0xd7: {  	_ =	swait.ge [sflag:s15], $0x4000  }
0xd8: {  	[sflag:s15] =	ssyncset.done $0x0  }
0xd9: {  	s8 =	rddreg [dreg:$0x1e];
	[sflag:s15] =	ssyncadd.s32 $0xFFFFC000  }
0xda: {  	[tilespmem:s25], [sflag:$0x2] =	stream.indirect.gather [hbm4b:s4+s19], $0x80, s8, s19, $0xb8;
	[tilespmem:$0x1D800] =	vst v63  }
0xdb: {  	s9 =	rddreg [dreg:$0x1f]  }
0xdc: {  	[tilespmem:s26], [sflag:$0x2] =	stream.indirect.gather [hbm4b:s4+s19], $0x80, s9, s19, $0xb8;
	[tilespmem:$0x1D800] =	vst v63  }
0xdd: {  	_ =	swait.ge [sflag:s28], $0x2000  }
0xde: {  	[sflag:s28] =	ssyncset.done $0x0  }
0xdf: {  	[sflag:s28] =	ssyncadd.s32 $0xFFFFE000  }
0xe0: {  	_ =	swait.ge [sflag:s28], $0x2000  }
0xe1: {  	s10 =	sld [smem:$0x7F0]  }
0xe2: {  	[sflag:s28] =	ssyncset.done $0x0  }
0xe3: {  	[sflag:s28] =	ssyncadd.s32 $0xFFFFE000  }
0xe4: {  	[spmem:s2] =	stream.indirect.scatter.add.f32 [tilespmem:s20], [sflag:$0x5], $0x80, s10, s29, $0xb8;
	[tilespmem:$0x1D800] =	vst v63  }
0xe5: {  	_ =	swait.ge [sflag:s15], $0x4000  }
0xe6: {  	s16 =	sld [smem:$0x7F1]  }
0xe7: {  	[sflag:s15] =	ssyncset.done $0x0  }
0xe8: {  	s21 =	sld [smem:$0x7F2];
	[sflag:s15] =	ssyncadd.s32 $0xFFFFC000  }
0xe9: {  	[tilespmem:s20], [sflag:$0x1] =	stream.indirect.gather [hbm4b:s4+s19], $0x80, s16, s19, $0xb8;
	[tilespmem:$0x1D800] =	vst v63  }
0xea: {  	_ = 	snop  }
0xeb: {  	[tilespmem:s22], [sflag:$0x1] =	stream.indirect.gather [hbm4b:s4+s19], $0x80, s21, s19, $0xb8;
	[tilespmem:$0x1D800] =	vst v63  }
0xec: {  	_ =	swait.ge [sflag:s30], $0x2000  }
0xed: {  	[sflag:s30] =	ssyncset.done $0x0  }
0xee: {  	[sflag:s30] =	ssyncadd.s32 $0xFFFFE000  }
0xef: {  	_ =	swait.ge [sflag:s30], $0x2000  }
0xf0: {  	s7 =	sld [smem:$0x7F3]  }
0xf1: {  	[sflag:s30] =	ssyncset.done $0x0  }
0xf2: {  	[sflag:s30] =	ssyncadd.s32 $0xFFFFE000  }
0xf3: {  	[spmem:s2] =	stream.indirect.scatter.add.f32 [tilespmem:s25], [sflag:$0x5], $0x80, s7, s29, $0xb8;
	[tilespmem:$0x1D800] =	vst v63  }
0xf4: {  	_ =	swait.ge [sflag:s15], $0x4000  }
0xf5: {  	s8 =	sld [smem:$0x7F4]  }
0xf6: {  	[sflag:s15] =	ssyncset.done $0x0  }
0xf7: {  	s9 =	sld [smem:$0x7F5];
	[sflag:s15] =	ssyncadd.s32 $0xFFFFC000  }
0xf8: {  	[tilespmem:s25], [sflag:$0x2] =	stream.indirect.gather [hbm4b:s4+s19], $0x80, s8, s19, $0xb8;
	[tilespmem:$0x1D800] =	vst v63  }
0xf9: {  	_ = 	snop  }
0xfa: {  	[tilespmem:s26], [sflag:$0x2] =	stream.indirect.gather [hbm4b:s4+s19], $0x80, s9, s19, $0xb8;
	[tilespmem:$0x1D800] =	vst v63  }
0xfb: {  	_ =	swait.ge [sflag:s28], $0x2000  }
0xfc: {  	[sflag:s28] =	ssyncset.done $0x0  }
0xfd: {  	[sflag:s28] =	ssyncadd.s32 $0xFFFFE000  }
0xfe: {  	_ =	swait.ge [sflag:s28], $0x2000  }
0xff: {  	s10 =	sld [smem:$0x7F6]  }
0x100: {  	[sflag:s28] =	ssyncset.done $0x0  }
0x101: {  	[sflag:s28] =	ssyncadd.s32 $0xFFFFE000  }
0x102: {  	[spmem:s2] =	stream.indirect.scatter.add.f32 [tilespmem:s20], [sflag:$0x5], $0x80, s10, s29, $0xb8;
	[tilespmem:$0x1D800] =	vst v63  }
0x103: {  	_ =	swait.ge [sflag:s15], $0x4000  }
0x104: {  	s16 =	sld [smem:$0x7F7]  }
0x105: {  	[sflag:s15] =	ssyncset.done $0x0  }
0x106: {  	s21 =	sld [smem:$0x7F8];
	[sflag:s15] =	ssyncadd.s32 $0xFFFFC000  }
0x107: {  	[tilespmem:s20], [sflag:$0x1] =	stream.indirect.gather [hbm4b:s4+s19], $0x80, s16, s19, $0xb8;
	[tilespmem:$0x1D800] =	vst v63  }
0x108: {  	_ = 	snop  }
0x109: {  	[tilespmem:s22], [sflag:$0x1] =	stream.indirect.gather [hbm4b:s4+s19], $0x80, s21, s19, $0xb8;
	[tilespmem:$0x1D800] =	vst v63  }
0x10a: {  	_ =	swait.ge [sflag:s30], $0x2000  }
0x10b: {  	[sflag:s30] =	ssyncset.done $0x0  }
0x10c: {  	[sflag:s30] =	ssyncadd.s32 $0xFFFFE000  }
0x10d: {  	_ =	swait.ge [sflag:s30], $0x2000  }
0x10e: {  	s8 =	sld [smem:$0x7F9]  }
0x10f: {  	[sflag:s30] =	ssyncset.done $0x0  }
0x110: {  	[sflag:s30] =	ssyncadd.s32 $0xFFFFE000  }
0x111: {  	[spmem:s2] =	stream.indirect.scatter.add.f32 [tilespmem:s25], [sflag:$0x5], $0x80, s8, s29, $0xb8;
	[tilespmem:$0x1D800] =	vst v63  }
0x112: {  	_ =	swait.ge [sflag:s15], $0x4000  }
0x113: {  	s9 =	sld [smem:$0x7FA]  }
0x114: {  	[sflag:s15] =	ssyncset.done $0x0  }
0x115: {  	s10 =	sld [smem:$0x7FB];
	[sflag:s15] =	ssyncadd.s32 $0xFFFFC000  }
0x116: {  	[tilespmem:s25], [sflag:$0x2] =	stream.indirect.gather [hbm4b:s4+s19], $0x80, s9, s19, $0xb8;
	[tilespmem:$0x1D800] =	vst v63  }
0x117: {  	_ = 	snop  }
0x118: {  	[tilespmem:s26], [sflag:$0x2] =	stream.indirect.gather [hbm4b:s4+s19], $0x80, s10, s19, $0xb8;
	[tilespmem:$0x1D800] =	vst v63  }
0x119: {  	_ =	swait.ge [sflag:s28], $0x2000  }
0x11a: {  	[sflag:s28] =	ssyncset.done $0x0  }
0x11b: {  	[sflag:s28] =	ssyncadd.s32 $0xFFFFE000  }
0x11c: {  	_ =	swait.ge [sflag:s28], $0x2000  }
0x11d: {  	s16 =	sld [smem:$0x7FC]  }
0x11e: {  	[sflag:s28] =	ssyncset.done $0x0  }
0x11f: {  	[sflag:s28] =	ssyncadd.s32 $0xFFFFE000  }
0x120: {  	[spmem:s2] =	stream.indirect.scatter.add.f32 [tilespmem:s20], [sflag:$0x5], $0x80, s16, s29, $0xb8;
	[tilespmem:$0x1D800] =	vst v63  }
0x121: {  	_ =	swait.ge [sflag:s15], $0x4000  }
0x122: {  	[sflag:s15] =	ssyncset.done $0x0  }
0x123: {  	s5 =	simm.s32 @!p0 $0x3;
	[sflag:s15] =	ssyncadd.s32 $0xFFFFC000  }
0x124: {  	_ =	swait.ge @!p0 [sflag:s5], $0x800  }
0x125: {  	[sflag:s5] =	ssyncset.done @!p0 $0x0  }
0x126: {  	[sflag:s5] =	ssyncadd.s32 @!p0 $0xFFFFF800  }
0x127: {  	_ =	swait.ge @!p0 [sflag:s5], $0x400  }
0x128: {  	[sflag:s5] =	ssyncset.done @!p0 $0x0  }
0x129: {  	s7 =	simm.s32 @!p0 $0x40;
	[sflag:s5] =	ssyncadd.s32 @!p0 $0xFFFFFC00;
	s5 =	simm.s32 @!p0 $0x15800  }
0x12a: {  	[tilespmem:s5], [sflag:$0x1] =	stream.indirect.gather @!p0 [hbm4b:s4+s7], $0x80, s1, s7, $0xb8;
	[tilespmem:$0x1D800] =	vst v63  }
0x12b: {  	s1 =	simm.s32 @!p0 $0x14080;
	s5 =	simm.s32 @!p0 $0x17800  }
0x12c: {  	[tilespmem:s5], [sflag:$0x1] =	stream.indirect.gather @!p0 [hbm4b:s4+s7], $0x80, s1, s7, $0xb8;
	[tilespmem:$0x1D800] =	vst v63  }
0x12d: {  	_ =	swait.ge [sflag:s30], $0x2000  }
0x12e: {  	[sflag:s30] =	ssyncset.done $0x0  }
0x12f: {  	[sflag:s30] =	ssyncadd.s32 $0xFFFFE000  }
0x130: {  	_ =	swait.ge [sflag:s30], $0x2000  }
0x131: {  	s21 =	sld [smem:$0x7FD]  }
0x132: {  	[sflag:s30] =	ssyncset.done $0x0  }
0x133: {  	s1 =	simm.s32 $0x100;
	[sflag:s30] =	ssyncadd.s32 $0xFFFFE000  }
0x134: {  	[spmem:s2] =	stream.indirect.scatter.add.f32 [tilespmem:s25], [sflag:$0x5], $0x80, s21, s29, $0xb8;
	[tilespmem:$0x1D800] =	vst v63  }
0x135: {  	s5 =	sadd.s32 $0x200, s13;
	s21 =	sadd.s32 $0x200, s12;
	_ =	swait.ge [sflag:s15], $0x4000  }
.LBB2_2:
0x136: {  	[sflag:s15] =	ssyncset.done $0x0  }
0x137: {  	s8 =	sadd.s32 s1, s11;
	[sflag:s15] =	ssyncadd.s32 $0xFFFFC000  }
0x138: {  	[tilespmem:s23], [sflag:$0x4] =	stream.linear.gather [hbm4b:s21+s3], $0x800, $0x38;
	[tilespmem:$0x1D800] =	vst v63  }
0x139: {  	s8 =	sadd.s32 $0x80, s8  }
0x13a: {  	[tilespmem:s24], [sflag:$0x4] =	stream.linear.gather [hbm4b:s8+s3], $0x400, $0x38;
	[tilespmem:$0x1D800] =	vst v63  }
0x13b: {  	s9 =	rddreg [dreg:$0x3]  }
0x13c: {  	[tilespmem:s25], [sflag:$0x2] =	stream.indirect.gather [hbm4b:s4+s19], $0x80, s9, s19, $0xb8;
	[tilespmem:$0x1D800] =	vst v63  }
0x13d: {  	s16 =	rddreg [dreg:$0x4]  }
0x13e: {  	[tilespmem:s26], [sflag:$0x2] =	stream.indirect.gather [hbm4b:s4+s19], $0x80, s16, s19, $0xb8;
	[tilespmem:$0x1D800] =	vst v63  }
0x13f: {  	_ =	swait.ge [sflag:s28], $0x2000  }
0x140: {  	[sflag:s28] =	ssyncset.done $0x0  }
0x141: {  	[sflag:s28] =	ssyncadd.s32 $0xFFFFE000  }
0x142: {  	_ =	swait.ge [sflag:s28], $0x2000  }
0x143: {  	[sflag:s28] =	ssyncset.done $0x0  }
0x144: {  	[sflag:s28] =	ssyncadd.s32 $0xFFFFE000  }
0x145: {  	[spmem:s2] =	stream.indirect.scatter.add.f32 [tilespmem:s20], [sflag:$0x5], $0x80, s17, s29, $0xb8;
	[tilespmem:$0x1D800] =	vst v63  }
0x146: {  	_ =	swait.ge [sflag:s15], $0x4000  }
0x147: {  	[sflag:s15] =	ssyncset.done $0x0  }
0x148: {  	s10 =	rddreg [dreg:$0x5];
	[sflag:s15] =	ssyncadd.s32 $0xFFFFC000  }
0x149: {  	[tilespmem:s20], [sflag:$0x1] =	stream.indirect.gather [hbm4b:s4+s19], $0x80, s10, s19, $0xb8;
	[tilespmem:$0x1D800] =	vst v63  }
0x14a: {  	s16 =	rddreg [dreg:$0x6]  }
0x14b: {  	[tilespmem:s22], [sflag:$0x1] =	stream.indirect.gather [hbm4b:s4+s19], $0x80, s16, s19, $0xb8;
	[tilespmem:$0x1D800] =	vst v63  }
0x14c: {  	_ =	swait.ge [sflag:s30], $0x2000  }
0x14d: {  	[sflag:s30] =	ssyncset.done $0x0  }
0x14e: {  	[sflag:s30] =	ssyncadd.s32 $0xFFFFE000  }
0x14f: {  	_ =	swait.ge [sflag:s30], $0x2000  }
0x150: {  	[sflag:s30] =	ssyncset.done $0x0  }
0x151: {  	s9 =	rddreg [dreg:$0x7];
	[sflag:s30] =	ssyncadd.s32 $0xFFFFE000  }
0x152: {  	[spmem:s2] =	stream.indirect.scatter.add.f32 [tilespmem:s25], [sflag:$0x5], $0x80, s9, s29, $0xb8;
	[tilespmem:$0x1D800] =	vst v63  }
0x153: {  	_ =	swait.ge [sflag:s15], $0x4000  }
0x154: {  	[sflag:s15] =	ssyncset.done $0x0  }
0x155: {  	s10 =	rddreg [dreg:$0x8];
	[sflag:s15] =	ssyncadd.s32 $0xFFFFC000  }
0x156: {  	[tilespmem:s25], [sflag:$0x2] =	stream.indirect.gather [hbm4b:s4+s19], $0x80, s10, s19, $0xb8;
	[tilespmem:$0x1D800] =	vst v63  }
0x157: {  	s16 =	rddreg [dreg:$0x9]  }
0x158: {  	[tilespmem:s26], [sflag:$0x2] =	stream.indirect.gather [hbm4b:s4+s19], $0x80, s16, s19, $0xb8;
	[tilespmem:$0x1D800] =	vst v63  }
0x159: {  	_ =	swait.ge [sflag:s28], $0x2000  }
0x15a: {  	[sflag:s28] =	ssyncset.done $0x0  }
0x15b: {  	[sflag:s28] =	ssyncadd.s32 $0xFFFFE000  }
0x15c: {  	_ =	swait.ge [sflag:s28], $0x2000  }
0x15d: {  	[sflag:s28] =	ssyncset.done $0x0  }
0x15e: {  	s9 =	rddreg [dreg:$0xa];
	[sflag:s28] =	ssyncadd.s32 $0xFFFFE000  }
0x15f: {  	[spmem:s2] =	stream.indirect.scatter.add.f32 [tilespmem:s20], [sflag:$0x5], $0x80, s9, s29, $0xb8;
	[tilespmem:$0x1D800] =	vst v63  }
0x160: {  	_ =	swait.ge [sflag:s15], $0x4000  }
0x161: {  	[sflag:s15] =	ssyncset.done $0x0  }
0x162: {  	s10 =	rddreg [dreg:$0xb];
	[sflag:s15] =	ssyncadd.s32 $0xFFFFC000  }
0x163: {  	[tilespmem:s20], [sflag:$0x1] =	stream.indirect.gather [hbm4b:s4+s19], $0x80, s10, s19, $0xb8;
	[tilespmem:$0x1D800] =	vst v63  }
0x164: {  	s16 =	rddreg [dreg:$0xc]  }
0x165: {  	[tilespmem:s22], [sflag:$0x1] =	stream.indirect.gather [hbm4b:s4+s19], $0x80, s16, s19, $0xb8;
	[tilespmem:$0x1D800] =	vst v63  }
0x166: {  	_ =	swait.ge [sflag:s30], $0x2000  }
0x167: {  	[sflag:s30] =	ssyncset.done $0x0  }
0x168: {  	[sflag:s30] =	ssyncadd.s32 $0xFFFFE000  }
0x169: {  	_ =	swait.ge [sflag:s30], $0x2000  }
0x16a: {  	[sflag:s30] =	ssyncset.done $0x0  }
0x16b: {  	s9 =	rddreg [dreg:$0xd];
	[sflag:s30] =	ssyncadd.s32 $0xFFFFE000  }
0x16c: {  	[spmem:s2] =	stream.indirect.scatter.add.f32 [tilespmem:s25], [sflag:$0x5], $0x80, s9, s29, $0xb8;
	[tilespmem:$0x1D800] =	vst v63  }
0x16d: {  	_ =	swait.ge [sflag:s15], $0x4000  }
0x16e: {  	[sflag:s15] =	ssyncset.done $0x0  }
0x16f: {  	s10 =	rddreg [dreg:$0xe];
	[sflag:s15] =	ssyncadd.s32 $0xFFFFC000  }
0x170: {  	[tilespmem:s25], [sflag:$0x2] =	stream.indirect.gather [hbm4b:s4+s19], $0x80, s10, s19, $0xb8;
	[tilespmem:$0x1D800] =	vst v63  }
0x171: {  	s16 =	rddreg [dreg:$0xf]  }
0x172: {  	[tilespmem:s26], [sflag:$0x2] =	stream.indirect.gather [hbm4b:s4+s19], $0x80, s16, s19, $0xb8;
	[tilespmem:$0x1D800] =	vst v63  }
0x173: {  	_ =	swait.ge [sflag:s28], $0x2000  }
0x174: {  	[sflag:s28] =	ssyncset.done $0x0  }
0x175: {  	[sflag:s28] =	ssyncadd.s32 $0xFFFFE000  }
0x176: {  	_ =	swait.ge [sflag:s28], $0x2000  }
0x177: {  	[sflag:s28] =	ssyncset.done $0x0  }
0x178: {  	s9 =	rddreg [dreg:$0x10];
	[sflag:s28] =	ssyncadd.s32 $0xFFFFE000  }
0x179: {  	[spmem:s2] =	stream.indirect.scatter.add.f32 [tilespmem:s20], [sflag:$0x5], $0x80, s9, s29, $0xb8;
	[tilespmem:$0x1D800] =	vst v63  }
0x17a: {  	_ =	swait.ge [sflag:s15], $0x4000  }
0x17b: {  	[sflag:s15] =	ssyncset.done $0x0  }
0x17c: {  	s10 =	rddreg [dreg:$0x11];
	[sflag:s15] =	ssyncadd.s32 $0xFFFFC000  }
0x17d: {  	[tilespmem:s20], [sflag:$0x1] =	stream.indirect.gather [hbm4b:s4+s19], $0x80, s10, s19, $0xb8;
	[tilespmem:$0x1D800] =	vst v63  }
0x17e: {  	s16 =	rddreg [dreg:$0x12]  }
0x17f: {  	[tilespmem:s22], [sflag:$0x1] =	stream.indirect.gather [hbm4b:s4+s19], $0x80, s16, s19, $0xb8;
	[tilespmem:$0x1D800] =	vst v63  }
0x180: {  	_ =	swait.ge [sflag:s30], $0x2000  }
0x181: {  	[sflag:s30] =	ssyncset.done $0x0  }
0x182: {  	[sflag:s30] =	ssyncadd.s32 $0xFFFFE000  }
0x183: {  	_ =	swait.ge [sflag:s30], $0x2000  }
0x184: {  	[sflag:s30] =	ssyncset.done $0x0  }
0x185: {  	s9 =	rddreg [dreg:$0x13];
	[sflag:s30] =	ssyncadd.s32 $0xFFFFE000  }
0x186: {  	[spmem:s2] =	stream.indirect.scatter.add.f32 [tilespmem:s25], [sflag:$0x5], $0x80, s9, s29, $0xb8;
	[tilespmem:$0x1D800] =	vst v63  }
0x187: {  	_ =	swait.ge [sflag:s15], $0x4000  }
0x188: {  	[sflag:s15] =	ssyncset.done $0x0  }
0x189: {  	s10 =	rddreg [dreg:$0x14];
	[sflag:s15] =	ssyncadd.s32 $0xFFFFC000  }
0x18a: {  	[tilespmem:s25], [sflag:$0x2] =	stream.indirect.gather [hbm4b:s4+s19], $0x80, s10, s19, $0xb8;
	[tilespmem:$0x1D800] =	vst v63  }
0x18b: {  	s16 =	rddreg [dreg:$0x15]  }
0x18c: {  	[tilespmem:s26], [sflag:$0x2] =	stream.indirect.gather [hbm4b:s4+s19], $0x80, s16, s19, $0xb8;
	[tilespmem:$0x1D800] =	vst v63  }
0x18d: {  	_ =	swait.ge [sflag:s28], $0x2000  }
0x18e: {  	[sflag:s28] =	ssyncset.done $0x0  }
0x18f: {  	[sflag:s28] =	ssyncadd.s32 $0xFFFFE000  }
0x190: {  	_ =	swait.ge [sflag:s28], $0x2000  }
0x191: {  	[sflag:s28] =	ssyncset.done $0x0  }
0x192: {  	s9 =	rddreg [dreg:$0x16];
	[sflag:s28] =	ssyncadd.s32 $0xFFFFE000  }
0x193: {  	[spmem:s2] =	stream.indirect.scatter.add.f32 [tilespmem:s20], [sflag:$0x5], $0x80, s9, s29, $0xb8;
	[tilespmem:$0x1D800] =	vst v63  }
0x194: {  	_ =	swait.ge [sflag:s15], $0x4000  }
0x195: {  	[sflag:s15] =	ssyncset.done $0x0  }
0x196: {  	[sflag:s15] =	ssyncadd.s32 $0xFFFFC000  }
0x197: {  	_ =	swait.ge [sflag:s31], $0x800  }
0x198: {  	[sflag:s31] =	ssyncset.done $0x0  }
0x199: {  	[sflag:s31] =	ssyncadd.s32 $0xFFFFF800  }
0x19a: {  	_ =	swait.ge [sflag:s31], $0x400  }
0x19b: {  	[sflag:s31] =	ssyncset.done $0x0  }
0x19c: {  	[sflag:s31] =	ssyncadd.s32 $0xFFFFFC00  }
0x19d: {  	[tilespmem:s20], [sflag:$0x1] =	stream.indirect.gather [hbm4b:s4+s19], $0x80, s23, s19, $0xb8;
	[tilespmem:$0x1D800] =	vst v63  }
0x19e: {  	s10 =	rddreg [dreg:$0x17]  }
0x19f: {  	[tilespmem:s22], [sflag:$0x1] =	stream.indirect.gather [hbm4b:s4+s19], $0x80, s10, s19, $0xb8;
	[tilespmem:$0x1D800] =	vst v63  }
0x1a0: {  	_ =	swait.ge [sflag:s30], $0x2000  }
0x1a1: {  	[sflag:s30] =	ssyncset.done $0x0  }
0x1a2: {  	[sflag:s30] =	ssyncadd.s32 $0xFFFFE000  }
0x1a3: {  	_ =	swait.ge [sflag:s30], $0x2000  }
0x1a4: {  	[sflag:s30] =	ssyncset.done $0x0  }
0x1a5: {  	s7 =	smov.u32 s1;
	s16 =	rddreg [dreg:$0x18];
	[sflag:s30] =	ssyncadd.s32 $0xFFFFE000  }
0x1a6: {  	[spmem:s2] =	stream.indirect.scatter.add.f32 [tilespmem:s25], [sflag:$0x5], $0x80, s16, s29, $0xb8;
	[tilespmem:$0x1D800] =	vst v63  }
0x1a7: {  	p1 =	seq.s32 s7, $0x900;
	_ =	swait.ge [sflag:s15], $0x4000  }
0x1a8: {  	s7 =	sadd.s32 @!p1 s7, s11;
	[sflag:s15] =	ssyncset.done $0x0  }
0x1a9: {  	s8 =	simm.s32 @!p1 $0x14000;
	s9 =	simm.s32 @!p1 $0x0;
	[sflag:s15] =	ssyncadd.s32 $0xFFFFC000  }
0x1aa: {  	[tilespmem:s8], [sflag:$0x3] =	stream.linear.gather @!p1 [hbm4b:s5+s9], $0x800, $0x38;
	[tilespmem:$0x1D800] =	vst v63  }
0x1ab: {  	s7 =	sadd.s32 @!p1 $0x100, s7;
	s10 =	simm.s32 @!p1 $0x15000  }
0x1ac: {  	[tilespmem:s10], [sflag:$0x3] =	stream.linear.gather @!p1 [hbm4b:s7+s9], $0x400, $0x38;
	[tilespmem:$0x1D800] =	vst v63  }
0x1ad: {  	s16 =	rddreg [dreg:$0x19]  }
0x1ae: {  	[tilespmem:s25], [sflag:$0x2] =	stream.indirect.gather [hbm4b:s4+s19], $0x80, s16, s19, $0xb8;
	[tilespmem:$0x1D800] =	vst v63  }
0x1af: {  	s9 =	rddreg [dreg:$0x1a]  }
0x1b0: {  	[tilespmem:s26], [sflag:$0x2] =	stream.indirect.gather [hbm4b:s4+s19], $0x80, s9, s19, $0xb8;
	[tilespmem:$0x1D800] =	vst v63  }
0x1b1: {  	_ =	swait.ge [sflag:s28], $0x2000  }
0x1b2: {  	[sflag:s28] =	ssyncset.done $0x0  }
0x1b3: {  	[sflag:s28] =	ssyncadd.s32 $0xFFFFE000  }
0x1b4: {  	_ =	swait.ge [sflag:s28], $0x2000  }
0x1b5: {  	[sflag:s28] =	ssyncset.done $0x0  }
0x1b6: {  	[sflag:s28] =	ssyncadd.s32 $0xFFFFE000  }
0x1b7: {  	[spmem:s2] =	stream.indirect.scatter.add.f32 [tilespmem:s20], [sflag:$0x5], $0x80, s24, s29, $0xb8;
	[tilespmem:$0x1D800] =	vst v63  }
0x1b8: {  	_ =	swait.ge [sflag:s15], $0x4000  }
0x1b9: {  	[sflag:s15] =	ssyncset.done $0x0  }
0x1ba: {  	s10 =	rddreg [dreg:$0x1b];
	[sflag:s15] =	ssyncadd.s32 $0xFFFFC000  }
0x1bb: {  	[tilespmem:s20], [sflag:$0x1] =	stream.indirect.gather [hbm4b:s4+s19], $0x80, s10, s19, $0xb8;
	[tilespmem:$0x1D800] =	vst v63  }
0x1bc: {  	s16 =	rddreg [dreg:$0x1c]  }
0x1bd: {  	[tilespmem:s22], [sflag:$0x1] =	stream.indirect.gather [hbm4b:s4+s19], $0x80, s16, s19, $0xb8;
	[tilespmem:$0x1D800] =	vst v63  }
0x1be: {  	_ =	swait.ge [sflag:s30], $0x2000  }
0x1bf: {  	[sflag:s30] =	ssyncset.done $0x0  }
0x1c0: {  	[sflag:s30] =	ssyncadd.s32 $0xFFFFE000  }
0x1c1: {  	_ =	swait.ge [sflag:s30], $0x2000  }
0x1c2: {  	[sflag:s30] =	ssyncset.done $0x0  }
0x1c3: {  	s9 =	rddreg [dreg:$0x1d];
	[sflag:s30] =	ssyncadd.s32 $0xFFFFE000  }
0x1c4: {  	[spmem:s2] =	stream.indirect.scatter.add.f32 [tilespmem:s25], [sflag:$0x5], $0x80, s9, s29, $0xb8;
	[tilespmem:$0x1D800] =	vst v63  }
0x1c5: {  	_ =	swait.ge [sflag:s15], $0x4000  }
0x1c6: {  	[sflag:s15] =	ssyncset.done $0x0  }
0x1c7: {  	s10 =	rddreg [dreg:$0x1e];
	[sflag:s15] =	ssyncadd.s32 $0xFFFFC000  }
0x1c8: {  	[tilespmem:s25], [sflag:$0x2] =	stream.indirect.gather [hbm4b:s4+s19], $0x80, s10, s19, $0xb8;
	[tilespmem:$0x1D800] =	vst v63  }
0x1c9: {  	s16 =	rddreg [dreg:$0x1f]  }
0x1ca: {  	[tilespmem:s26], [sflag:$0x2] =	stream.indirect.gather [hbm4b:s4+s19], $0x80, s16, s19, $0xb8;
	[tilespmem:$0x1D800] =	vst v63  }
0x1cb: {  	_ =	swait.ge [sflag:s28], $0x2000  }
0x1cc: {  	[sflag:s28] =	ssyncset.done $0x0  }
0x1cd: {  	[sflag:s28] =	ssyncadd.s32 $0xFFFFE000  }
0x1ce: {  	_ =	swait.ge [sflag:s28], $0x2000  }
0x1cf: {  	s9 =	sld [smem:$0x7F0]  }
0x1d0: {  	[sflag:s28] =	ssyncset.done $0x0  }
0x1d1: {  	[sflag:s28] =	ssyncadd.s32 $0xFFFFE000  }
0x1d2: {  	[spmem:s2] =	stream.indirect.scatter.add.f32 [tilespmem:s20], [sflag:$0x5], $0x80, s9, s29, $0xb8;
	[tilespmem:$0x1D800] =	vst v63  }
0x1d3: {  	_ =	swait.ge [sflag:s15], $0x4000  }
0x1d4: {  	s10 =	sld [smem:$0x7F1]  }
0x1d5: {  	[sflag:s15] =	ssyncset.done $0x0  }
0x1d6: {  	s16 =	sld [smem:$0x7F2];
	[sflag:s15] =	ssyncadd.s32 $0xFFFFC000  }
0x1d7: {  	[tilespmem:s20], [sflag:$0x1] =	stream.indirect.gather [hbm4b:s4+s19], $0x80, s10, s19, $0xb8;
	[tilespmem:$0x1D800] =	vst v63  }
0x1d8: {  	_ = 	snop  }
0x1d9: {  	[tilespmem:s22], [sflag:$0x1] =	stream.indirect.gather [hbm4b:s4+s19], $0x80, s16, s19, $0xb8;
	[tilespmem:$0x1D800] =	vst v63  }
0x1da: {  	_ =	swait.ge [sflag:s30], $0x2000  }
0x1db: {  	[sflag:s30] =	ssyncset.done $0x0  }
0x1dc: {  	[sflag:s30] =	ssyncadd.s32 $0xFFFFE000  }
0x1dd: {  	_ =	swait.ge [sflag:s30], $0x2000  }
0x1de: {  	s9 =	sld [smem:$0x7F3]  }
0x1df: {  	[sflag:s30] =	ssyncset.done $0x0  }
0x1e0: {  	[sflag:s30] =	ssyncadd.s32 $0xFFFFE000  }
0x1e1: {  	[spmem:s2] =	stream.indirect.scatter.add.f32 [tilespmem:s25], [sflag:$0x5], $0x80, s9, s29, $0xb8;
	[tilespmem:$0x1D800] =	vst v63  }
0x1e2: {  	_ =	swait.ge [sflag:s15], $0x4000  }
0x1e3: {  	s10 =	sld [smem:$0x7F4]  }
0x1e4: {  	[sflag:s15] =	ssyncset.done $0x0  }
0x1e5: {  	s16 =	sld [smem:$0x7F5];
	[sflag:s15] =	ssyncadd.s32 $0xFFFFC000  }
0x1e6: {  	[tilespmem:s25], [sflag:$0x2] =	stream.indirect.gather [hbm4b:s4+s19], $0x80, s10, s19, $0xb8;
	[tilespmem:$0x1D800] =	vst v63  }
0x1e7: {  	_ = 	snop  }
0x1e8: {  	[tilespmem:s26], [sflag:$0x2] =	stream.indirect.gather [hbm4b:s4+s19], $0x80, s16, s19, $0xb8;
	[tilespmem:$0x1D800] =	vst v63  }
0x1e9: {  	_ =	swait.ge [sflag:s28], $0x2000  }
0x1ea: {  	[sflag:s28] =	ssyncset.done $0x0  }
0x1eb: {  	[sflag:s28] =	ssyncadd.s32 $0xFFFFE000  }
0x1ec: {  	_ =	swait.ge [sflag:s28], $0x2000  }
0x1ed: {  	s9 =	sld [smem:$0x7F6]  }
0x1ee: {  	[sflag:s28] =	ssyncset.done $0x0  }
0x1ef: {  	[sflag:s28] =	ssyncadd.s32 $0xFFFFE000  }
0x1f0: {  	[spmem:s2] =	stream.indirect.scatter.add.f32 [tilespmem:s20], [sflag:$0x5], $0x80, s9, s29, $0xb8;
	[tilespmem:$0x1D800] =	vst v63  }
0x1f1: {  	_ =	swait.ge [sflag:s15], $0x4000  }
0x1f2: {  	s10 =	sld [smem:$0x7F7]  }
0x1f3: {  	[sflag:s15] =	ssyncset.done $0x0  }
0x1f4: {  	s16 =	sld [smem:$0x7F8];
	[sflag:s15] =	ssyncadd.s32 $0xFFFFC000  }
0x1f5: {  	[tilespmem:s20], [sflag:$0x1] =	stream.indirect.gather [hbm4b:s4+s19], $0x80, s10, s19, $0xb8;
	[tilespmem:$0x1D800] =	vst v63  }
0x1f6: {  	_ = 	snop  }
0x1f7: {  	[tilespmem:s22], [sflag:$0x1] =	stream.indirect.gather [hbm4b:s4+s19], $0x80, s16, s19, $0xb8;
	[tilespmem:$0x1D800] =	vst v63  }
0x1f8: {  	_ =	swait.ge [sflag:s30], $0x2000  }
0x1f9: {  	[sflag:s30] =	ssyncset.done $0x0  }
0x1fa: {  	[sflag:s30] =	ssyncadd.s32 $0xFFFFE000  }
0x1fb: {  	_ =	swait.ge [sflag:s30], $0x2000  }
0x1fc: {  	s9 =	sld [smem:$0x7F9]  }
0x1fd: {  	[sflag:s30] =	ssyncset.done $0x0  }
0x1fe: {  	[sflag:s30] =	ssyncadd.s32 $0xFFFFE000  }
0x1ff: {  	[spmem:s2] =	stream.indirect.scatter.add.f32 [tilespmem:s25], [sflag:$0x5], $0x80, s9, s29, $0xb8;
	[tilespmem:$0x1D800] =	vst v63  }
0x200: {  	_ =	swait.ge [sflag:s15], $0x4000  }
0x201: {  	s10 =	sld [smem:$0x7FA]  }
0x202: {  	[sflag:s15] =	ssyncset.done $0x0  }
0x203: {  	s16 =	sld [smem:$0x7FB];
	[sflag:s15] =	ssyncadd.s32 $0xFFFFC000  }
0x204: {  	[tilespmem:s25], [sflag:$0x2] =	stream.indirect.gather [hbm4b:s4+s19], $0x80, s10, s19, $0xb8;
	[tilespmem:$0x1D800] =	vst v63  }
0x205: {  	_ = 	snop  }
0x206: {  	[tilespmem:s26], [sflag:$0x2] =	stream.indirect.gather [hbm4b:s4+s19], $0x80, s16, s19, $0xb8;
	[tilespmem:$0x1D800] =	vst v63  }
0x207: {  	_ =	swait.ge [sflag:s28], $0x2000  }
0x208: {  	[sflag:s28] =	ssyncset.done $0x0  }
0x209: {  	[sflag:s28] =	ssyncadd.s32 $0xFFFFE000  }
0x20a: {  	_ =	swait.ge [sflag:s28], $0x2000  }
0x20b: {  	s10 =	sld [smem:$0x7FC]  }
0x20c: {  	[sflag:s28] =	ssyncset.done $0x0  }
0x20d: {  	[sflag:s28] =	ssyncadd.s32 $0xFFFFE000  }
0x20e: {  	[spmem:s2] =	stream.indirect.scatter.add.f32 [tilespmem:s20], [sflag:$0x5], $0x80, s10, s29, $0xb8;
	[tilespmem:$0x1D800] =	vst v63  }
0x20f: {  	_ =	swait.ge [sflag:s15], $0x4000  }
0x210: {  	[sflag:s15] =	ssyncset.done $0x0  }
0x211: {  	s7 =	simm.s32 @!p1 $0x3;
	[sflag:s15] =	ssyncadd.s32 $0xFFFFC000  }
0x212: {  	_ =	swait.ge @!p1 [sflag:s7], $0x800  }
0x213: {  	[sflag:s7] =	ssyncset.done @!p1 $0x0  }
0x214: {  	[sflag:s7] =	ssyncadd.s32 @!p1 $0xFFFFF800  }
0x215: {  	_ =	swait.ge @!p1 [sflag:s7], $0x400  }
0x216: {  	[sflag:s7] =	ssyncset.done @!p1 $0x0  }
0x217: {  	s9 =	simm.s32 @!p1 $0x40;
	s10 =	simm.s32 @!p1 $0x15800;
	[sflag:s7] =	ssyncadd.s32 @!p1 $0xFFFFFC00  }
0x218: {  	[tilespmem:s10], [sflag:$0x1] =	stream.indirect.gather @!p1 [hbm4b:s4+s9], $0x80, s8, s9, $0xb8;
	[tilespmem:$0x1D800] =	vst v63  }
0x219: {  	s16 =	simm.s32 @!p1 $0x17800;
	s7 =	simm.s32 @!p1 $0x14080  }
0x21a: {  	[tilespmem:s16], [sflag:$0x1] =	stream.indirect.gather @!p1 [hbm4b:s4+s9], $0x80, s7, s9, $0xb8;
	[tilespmem:$0x1D800] =	vst v63  }
0x21b: {  	_ =	swait.ge [sflag:s30], $0x2000  }
0x21c: {  	[sflag:s30] =	ssyncset.done $0x0  }
0x21d: {  	s1 =	sadd.s32 $0x100, s1;
	[sflag:s30] =	ssyncadd.s32 $0xFFFFE000  }
0x21e: {  	p0 =	sne.s32 s1, $0xA00;
	_ =	swait.ge [sflag:s30], $0x2000  }
.Ltmp0:
0x21f: {  	s16 =	sld [smem:$0x7FD];
	(pc) =	sbr.rel @p0 .LBB2_2-.Ltmp0, $4  }
0x220: {  	[sflag:s30] =	ssyncset.done $0x0  }
0x221: {  	[sflag:s30] =	ssyncadd.s32 $0xFFFFE000  }
0x222: {  	[spmem:s2] =	stream.indirect.scatter.add.f32 [tilespmem:s25], [sflag:$0x5], $0x80, s16, s29, $0xb8;
	[tilespmem:$0x1D800] =	vst v63  }
0x223: {  	s21 =	sadd.s32 $0x200, s21;
	s5 =	sadd.s32 $0x200, s5;
	_ =	swait.ge [sflag:s15], $0x4000  }
0x224: {  	[sflag:s15] =	ssyncset.done $0x0  }
0x225: {  	[sflag:s15] =	ssyncadd.s32 $0xFFFFC000  }
0x226: {  	[bflag:$0x0] =	sbarrier.arrive $0xFFFF  }
0x227: {  	s1 =	sld [smem:$0x7EE];
	_ =	sdelay $0x2  }
0x228: {  	[hbm:s1], [sflag:s6] =	dma.local [spmem:s14], $0x2800  }
0x229: {  	_ =	swait.ge [sflag:s15], $0x2800  }
0x22a: {  	s21 =	sld [smem:$0x7EF];
	_ =	sdelay $0x1  }
0x22b: {  	s0 =	sadd.s32 $0x1, s0  }
0x22c: {  	p0 =	sne.s32 s0, s21  }
.Ltmp1:
0x22d: {  	_ = 	snop;
	(pc) =	sbr.rel @p0 .LBB2_1-.Ltmp1, $3  }
0x22e: {  	_ =	sdelay $0x1  }
0x22f: {  	[sflag:s15] =	ssyncset.done $0x0  }
0x230: {  	[sflag:s15] =	ssyncadd.s32 $0xFFFFD800  }
0x231: {  	_ =	sfence.sel $0x180000  }
0x232: {  	[bflag:$0x0] =	sbarrier.arrive $0xFFFF  }
0x233: {  	_ =	strace $0x9000004A  }
0x234: {  	s0 =	stileid.u32;
	[bflag:$0x2] =	sbarrier.arrive $0xFFFF  }
0x235: {  	p0 =	sne.s32 s0, $0x0;
	s0 =	rddreg [dreg:$0x2]  }
0x236: {  	s0 =	sadd.s32 @!p0 $0x100000, s0  }
0x237: {  	[sflag:s0] =	ssyncadd.tile.s32 @!p0 $0x1;
	_ =	shalt  }
.Lfunc_end2:
_tile_overlayer_lowered:
.L_overlay_start_2:
0x238: {  	(tag) =	ssettag $0x2  }
0x239: {  	s0 =	rddreg [dreg:$0x0];
	s2 =	stileid.u32  }
0x23a: {  	s1 =	rddreg [dreg:$0x1];
	p0 =	sne.s32 s2, $0x0  }
0x23b: {  	s3 =	rddreg [dreg:$0x2];
	[bflag:$0x3] =	sbarrier.arrive $0xFFFF;
	s2 =	simm.s32 @!p0 $0x1C05  }
0x23c: {  	[timem:s3], [sflag:s2] =	dma.local @!p0 [hbm:s0], s1  }
0x23d: {  	s0 =	simm.s32 @!p0 $0x5  }
0x23e: {  	_ =	swait.ge @!p0 [sflag:s0], s1  }
0x23f: {  	s1 =	ssub.s32 @!p0 $0x0, s1;
	[sflag:s0] =	ssyncset.done @!p0 $0x0  }
0x240: {  	[sflag:s0] =	ssyncadd.s32 @!p0 s1  }
0x241: {  	[bflag:$0x3] =	sbarrier.arrive $0xFFFF  }
0x242: {  	_ =	shalt  }

// kernel: kernel.14.cloned.1.call-start
scs
__scs_entry_jumppad:
0x0: {  	(pc) =	sbr.rel $0x88, $3  }
0x1: {  	(tag) =	ssettag $0x0;
	lr =	simm.s32 $0x1  }
0x2: {  	[smem:$0x3F95] =	sst lr;
	_ =	strace $0xD0000000  }
0x3: {  	_ = 	snop  }
0x4: {  	_ = 	snop  }
0x5: {  	_ = 	snop  }
0x6: {  	_ = 	snop  }
0x7: {  	_ = 	snop  }
__scs_overlays_trampoline_lowered:
0x8: {  	[smem:$0x3FA4] =	sst s0  }
0x9: {  	[smem:$0x3FA5] =	sst s1  }
0xa: {  	[smem:$0x3FA6] =	sst s2  }
0xb: {  	[smem:$0x3FA7] =	sst s3  }
0xc: {  	[smem:$0x3FA8] =	sst s4  }
0xd: {  	[smem:$0x3FA9] =	sst s5  }
0xe: {  	[smem:$0x3FAA] =	sst s6  }
0xf: {  	[smem:$0x3FAB] =	sst s7  }
0x10: {  	[smem:$0x3FAC] =	sst s8  }
0x11: {  	[smem:$0x3FAD] =	sst s9;
	s0 =	simm.s32 @!p0 $0x0  }
0x12: {  	s1 =	sld [smem:$0x3F93];
	s0 =	simm.s32 @p0 $0x1  }
0x13: {  	[smem:$0x3FAE] =	sst s0;
	s0 =	simm.s32 @!p1 $0x0  }
0x14: {  	s2 =	sld [smem:$0x3F92];
	s0 =	simm.s32 @p1 $0x1  }
0x15: {  	[smem:$0x3FAF] =	sst s0;
	s0 =	simm.s32 @!p2 $0x0  }
0x16: {  	s3 =	sld [smem:$0x3FDB];
	s0 =	simm.s32 @p2 $0x1  }
0x17: {  	s4 =	simm.s32 $0x1BF5;
	[smem:$0x3FB1] =	sst s0  }
0x18: {  	s0 =	sld [smem:$0x3F94];
	_ =	swait.ge [sflag:s4], $0x0  }
0x19: {  	s7 =	sld [smem:$0x3F95]  }
0x1a: {  	s8 =	sadd.s32 $0xFFFFE003, lr  }
0x1b: {  	s9 =	sadd.s32 $0xFFFFFEF7, lr;
	s5 =	simm.s32 $0xFFFFFFFF;
	p2 =	slt.u32 s8, $0xFFFFF086  }
0x1c: {  	p1 =	slt.u32 s9, $0xF7A;
	s5 =	simm.s32 @!p2 $0x0  }
0x1d: {  	s5 =	simm.s32 @p1 $0x1;
	p0 =	seq.s32 s7, s2  }
0x1e: {  	s7 =	smul.u32 @!p0 $0xF7A, s2;
	p2 =	seq.s32 @!p0 s5, $0x0  }
0x1f: {  	s9 =	smul.u32 $0xF7A, s1;
	s8 =	simm.s32 @!p0 $0x1BF5;
	p2 =	por !p2, p0  }
0x20: {  	[sflag:s8] =	ssyncset.s32 @!p0 $0xFFFFF086;
	s6 =	sadd.s32 @!p0 s3, s7;
	s7 =	simm.s32 @!p0 $0x108  }
0x21: {  	s3 =	sadd.s32 s3, s9;
	s6 =	sadd.s32 @!p0 $0x88, s6;
	s7 =	simm.s32 @p2 $0x1082  }
0x22: {  	[simem:s7], [sflag:s8] =	dma.local @!p0 [hbm:s6], $0xF7A  }
0x23: {  	s9 =	sor.u32 $0xD0000000, s2;
	s6 =	simm.s32 $0x108;
	_ =	swait.ge @!p0 [sflag:s8], $0x0  }
0x24: {  	s3 =	sadd.s32 $0x88, s3;
	s6 =	simm.s32 @!p1 $0x1082;
	[sflag:s4] =	ssyncset.s32 $0xFFFFF086  }
0x25: {  	[simem:s6], [sflag:s4] =	dma.local [hbm:s3], $0xF7A  }
0x26: {  	[smem:$0x3F95] =	sst s1;
	(tag) =	ssettag s2;
	_ =	strace s9  }
0x27: {  	s1 =	sld [smem:$0x3FA5]  }
0x28: {  	s2 =	sld [smem:$0x3FA6]  }
0x29: {  	s4 =	sld [smem:$0x3FA8]  }
0x2a: {  	p0 =	seq.s32 s5, $0x0;
	s5 =	sld [smem:$0x3FA9]  }
0x2b: {  	s6 =	sld [smem:$0x3FAA]  }
0x2c: {  	s7 =	sld [smem:$0x3FAB]  }
0x2d: {  	s3 =	simm.s32 $0x108;
	s8 =	sld [smem:$0x3FAC]  }
0x2e: {  	s3 =	simm.s32 @!p0 $0x1082;
	s9 =	sld [smem:$0x3FAD]  }
0x2f: {  	lr =	sadd.s32 s0, s3;
	s0 =	sld [smem:$0x3FA4]  }
0x30: {  	s3 =	sld [smem:$0x3FA7]  }
0x31: {  	[smem:$0x3FB0] =	sst s10  }
0x32: {  	s10 =	sld [smem:$0x3FAE];
	_ =	sdelay $0x3  }
0x33: {  	p0 =	seq.s32 s10, $0x1;
	s10 =	sld [smem:$0x3FB0];
	_ =	sdelay $0x3  }
0x34: {  	[smem:$0x3FB0] =	sst s10  }
0x35: {  	s10 =	sld [smem:$0x3FAF];
	_ =	sdelay $0x3  }
0x36: {  	p1 =	seq.s32 s10, $0x1;
	s10 =	sld [smem:$0x3FB0];
	_ =	sdelay $0x3  }
0x37: {  	[smem:$0x3FB0] =	sst s10  }
0x38: {  	s10 =	sld [smem:$0x3FB1]  }
0x39: {  	_ = 	snop;
	(pc) =	sbr.ind lr, $3  }
0x3a: {  	_ = 	snop  }
0x3b: {  	_ = 	snop  }
0x3c: {  	p2 =	seq.s32 s10, $0x1;
	s10 =	sld [smem:$0x3FB0]  }
0x3d: {  	_ =	shalt  }
0x3e: {  	_ =	shalt  }
0x3f: {  	_ =	shalt  }
0x40: {  	_ =	shalt  }
0x41: {  	_ =	shalt  }
0x42: {  	_ =	shalt  }
0x43: {  	_ =	shalt  }
0x44: {  	_ =	shalt  }
0x45: {  	_ =	shalt  }
0x46: {  	_ =	shalt  }
0x47: {  	_ =	shalt  }
0x48: {  	_ =	shalt  }
0x49: {  	_ =	shalt  }
0x4a: {  	_ =	shalt  }
0x4b: {  	_ =	shalt  }
0x4c: {  	_ =	shalt  }
0x4d: {  	_ =	shalt  }
0x4e: {  	_ =	shalt  }
0x4f: {  	_ =	shalt  }
0x50: {  	_ =	shalt  }
0x51: {  	_ =	shalt  }
0x52: {  	_ =	shalt  }
0x53: {  	_ =	shalt  }
0x54: {  	_ =	shalt  }
0x55: {  	_ =	shalt  }
0x56: {  	_ =	shalt  }
0x57: {  	_ =	shalt  }
0x58: {  	_ =	shalt  }
0x59: {  	_ =	shalt  }
0x5a: {  	_ =	shalt  }
0x5b: {  	_ =	shalt  }
0x5c: {  	_ =	shalt  }
0x5d: {  	_ =	shalt  }
0x5e: {  	_ =	shalt  }
0x5f: {  	_ =	shalt  }
0x60: {  	_ =	shalt  }
0x61: {  	_ =	shalt  }
0x62: {  	_ =	shalt  }
0x63: {  	_ =	shalt  }
0x64: {  	_ =	shalt  }
0x65: {  	_ =	shalt  }
0x66: {  	_ =	shalt  }
0x67: {  	_ =	shalt  }
0x68: {  	_ =	shalt  }
0x69: {  	_ =	shalt  }
0x6a: {  	_ =	shalt  }
0x6b: {  	_ =	shalt  }
0x6c: {  	_ =	shalt  }
0x6d: {  	_ =	shalt  }
0x6e: {  	_ =	shalt  }
0x6f: {  	_ =	shalt  }
0x70: {  	_ =	shalt  }
0x71: {  	_ =	shalt  }
0x72: {  	_ =	shalt  }
0x73: {  	_ =	shalt  }
0x74: {  	_ =	shalt  }
0x75: {  	_ =	shalt  }
0x76: {  	_ =	shalt  }
0x77: {  	_ =	shalt  }
0x78: {  	_ =	shalt  }
0x79: {  	_ =	shalt  }
0x7a: {  	_ =	shalt  }
0x7b: {  	_ =	shalt  }
0x7c: {  	_ =	shalt  }
0x7d: {  	_ =	shalt  }
0x7e: {  	_ =	shalt  }
0x7f: {  	_ =	shalt  }
0x80: {  	_ =	shalt  }
0x81: {  	_ =	shalt  }
0x82: {  	_ =	shalt  }
0x83: {  	_ =	shalt  }
0x84: {  	_ =	shalt  }
0x85: {  	_ =	shalt  }
0x86: {  	_ =	shalt  }
0x87: {  	_ =	shalt  }
.Lfunc_end0:
.L_simem_size_0:
called_computation.2_lowered:
.L_overlay_start_0:
0x88: {  	s2 =	sld [smem:$0x3FD9]  }
0x89: {  	s3 =	sld [smem:$0x3FFE];
	_ =	sdelay $0x1  }
0x8a: {  	s1 =	srdreg.scid  }
0x8b: {  	s0 =	sand.u32 $0x1, s1  }
0x8c: {  	s17 =	sshll.u32 s0, $0xA;
	s2 =	sadd.s32 s3, s2  }
0x8d: {  	s2 =	sadd.s32 s2, s17  }
0x8e: {  	[smem:$0x3FBC] =	sst s2  }
0x8f: {  	_ = 	snop  }
0x90: {  	s2 =	sld [smem:$0x3FD0];
	(tm) =	ssettm $0x1  }
0x91: {  	s18 =	sld [smem:$0x3FFB];
	_ =	sdelay $0x3  }
0x92: {  	_ =	strace s18  }
0x93: {  	s3 =	sld [smem:$0x3FFC];
	_ =	sdelay $0x3  }
0x94: {  	_ =	strace s3  }
0x95: {  	s3 =	sld [smem:$0x3FFD];
	_ =	sdelay $0x3  }
0x96: {  	_ =	strace s3  }
0x97: {  	_ =	strace $0x8FFFFFFF  }
0x98: {  	s19 =	sld [smem:$0x3FDB];
	_ =	sdelay $0x1  }
0x99: {  	s4 =	simm.s32 $_scs_section_size  }
0x9a: {  	s5 =	simm.s32 $_size__tile_overlayer_lowered;
	s6 =	simm.s32 $_tile_overlayer_lowered  }
0x9b: {  	s22 =	simm.s32 $0x1BFF;
	s21 =	sshll.u32 s6, $0x1;
	s3 =	sadd.s32 s4, s19  }
0x9c: {  	s7 =	simm.s32 $0x0;
	s20 =	sshll.u32 s5, $0x1;
	s5 =	sadd.s32 s21, s3  }
0x9d: {  	[timem:s7], [sflag:s22] =	dma.local [hbm:s5], s20  }
0x9e: {  	_ =	swait.ge [sflag:s22], s20  }
0x9f: {  	s4 =	ssub.s32 $0x0, s20;
	[sflag:s22] =	ssyncset.done $0x0  }
0xa0: {  	[sflag:s22] =	ssyncadd.s32 s4;
	_ =	sdelay $0x1  }
0xa1: {  	s23 =	simm.s32 $0x1B8B  }
0xa2: {  	_ =	swait.ge [sflag:s23], $0x1  }
0xa3: {  	[sflag:s23] =	ssyncset.done $0x0  }
0xa4: {  	s25 =	simm.s32 $0x1B8E;
	s24 =	sld [smem:$0x3FFE];
	[sflag:s23] =	ssyncadd.s32 $0xFFFFFFFF  }
0xa5: {  	s26 =	simm.s32 $execute0_lowered;
	[smem:$0x3FD2] =	sst s25  }
0xa6: {  	s5 =	sshll.u32 s26, $0x1;
	_ =	strace $0x8000004C;
	[dreg:$0x1] =	wrdreg $0xFFFFFFFF  }
0xa7: {  	s28 =	simm.s32 $_size_execute0_lowered;
	s3 =	sadd.s32 s3, s5;
	[dreg:$0x0] =	wrdreg $0x0  }
0xa8: {  	s5 =	sshll.u32 s28, $0x1;
	[dreg:$0x2] =	wrdreg s3  }
0xa9: {  	[dreg:$0x3] =	wrdreg s5  }
0xaa: {  	[dreg:$0x4] =	wrdreg $0xC0  }
0xab: {  	_ =	task [dreg:s7], $0x5FFFF  }
0xac: {  	[dreg:$0x1] =	wrdreg $0xFFFFFFFF  }
0xad: {  	[dreg:$0x0] =	wrdreg $0x60  }
0xae: {  	[dreg:$0x2] =	wrdreg s24  }
0xaf: {  	[dreg:$0x3] =	wrdreg s2  }
0xb0: {  	[dreg:$0x4] =	wrdreg $0x0  }
0xb1: {  	[dreg:$0x5] =	wrdreg $0x9  }
0xb2: {  	_ =	task.clear_ibuf [dreg:s7], $0x6FFFF;
	_ =	strace $0x9000004C  }
0xb3: {  	s29 =	simm.s32 $0x9;
	_ =	strace $0x8000004E  }
0xb4: {  	_ =	swait.ge [sflag:s29], $0x1  }
0xb5: {  	[sflag:s29] =	ssyncadd.s32 $0xFFFFFFFF  }
0xb6: {  	_ =	strace $0x9000004E  }
0xb7: {  	_ =	sfence  }
0xb8: {  	s30 =	sld [smem:$0x0];
	_ =	sdelay $0x2  }
0xb9: {  	s31 =	sshll.u32 s1, $0xD;
	s1 =	sshrl.u32 s1, $0x2  }
0xba: {  	s3 =	sand.u32 $0x4000, s31;
	s1 =	sadd.s32 s1, s30  }
0xbb: {  	s0 =	sor.u32 s3, s0;
	s1 =	sshll.u32 s1, $0x11  }
0xbc: {  	s0 =	sor.u32 s1, s0  }
0xbd: {  	s0 =	sadd.s32 $0x8F2B, s0  }
0xbe: {  	[sflag:s0] =	ssyncadd.remote.s32 $0x1  }
0xbf: {  	_ =	sfence.sel $0xFFFF  }
0xc0: {  	[dreg:$0x0] =	wrdreg $0xFFFFFFFF;
	(pc) =	sbr.abs _section_cstart, $3  }
0xc1: {  	[dreg:$0x1] =	wrdreg $0xFFFFFFFF  }
0xc2: {  	_ =	task.clear_ibuf [dreg:s7], $0x2FFFF;
	_ =	strace $0x9FFFFFFF  }
0xc3: {  	(tm) =	ssettm $0x7FFFFFFF  }
tec
execute0_lowered:
.L_overlay_start_1:
0x0: {  	(tag) =	ssettag $0x1  }
0x1: {  	s7 =	rddreg [dreg:$0x0]  }
0x2: {  	s2 =	rddreg [dreg:$0x1]  }
0x3: {  	s3 =	rddreg [dreg:$0x2];
	s4 =	simm.s32 $0x0  }
0x4: {  	s23 =	simm.s32 $0x14100;
	[smem:$0x7FF] =	sst s4  }
0x5: {  	s6 =	simm.s32 $0x14180;
	_ =	strace $0x8000004D;
	[dreg:$0x5] =	wrdreg s23  }
0x6: {  	s24 =	simm.s32 $0x14200;
	[dreg:$0x6] =	wrdreg s6  }
0x7: {  	s9 =	simm.s32 $0x14280;
	[dreg:$0x7] =	wrdreg s24  }
0x8: {  	s25 =	simm.s32 $0x15080;
	[dreg:$0x8] =	wrdreg s9  }
0x9: {  	s26 =	simm.s32 $0x14300;
	[dreg:$0x9] =	wrdreg s25  }
0xa: {  	s12 =	simm.s32 $0x14380;
	[dreg:$0xa] =	wrdreg s26  }
0xb: {  	s14 =	simm.s32 $0x15100;
	[dreg:$0xb] =	wrdreg s12  }
0xc: {  	s13 =	stileid.u32;
	s15 =	simm.s32 $0x14400;
	[dreg:$0xc] =	wrdreg s14  }
0xd: {  	s0 =	srdreg.scid;
	s16 =	simm.s32 $0x14480;
	[dreg:$0xd] =	wrdreg s15  }
0xe: {  	s17 =	simm.s32 $0x15180;
	s19 =	simm.s32 $0x14500;
	[dreg:$0xe] =	wrdreg s16  }
0xf: {  	s21 =	simm.s32 $0x14580;
	s28 =	simm.s32 $0x19800;
	[dreg:$0xf] =	wrdreg s17  }
0x10: {  	s29 =	simm.s32 $0x1B800;
	s30 =	simm.s32 $0x1;
	[dreg:$0x10] =	wrdreg s19  }
0x11: {  	s31 =	simm.s32 $0x80;
	[dreg:$0x11] =	wrdreg s21;
	s23 =	simm.s32 $0x14600  }
0x12: {  	s1 =	sand.u32 $0x1, s0;
	s25 =	simm.s32 $0x14680;
	[dreg:$0x13] =	wrdreg s23  }
0x13: {  	s22 =	smul.u32 $0x5000, s13;
	s26 =	simm.s32 $0x15280;
	[dreg:$0x14] =	wrdreg s25  }
0x14: {  	s8 =	smul.u32 $0x14000, s13;
	s15 =	simm.s32 $0x14780;
	[dreg:$0x15] =	wrdreg s26  }
0x15: {  	s5 =	smul.u32 $0x2800, s1;
	s17 =	simm.s32 $0x15300;
	[dreg:$0x17] =	wrdreg s15  }
0x16: {  	s12 =	smul.u32 $0x50000, s13;
	s19 =	simm.s32 $0x15380;
	[dreg:$0x18] =	wrdreg s17  }
0x17: {  	s14 =	sshll.u32 s13, $0x6;
	s21 =	simm.s32 $0x14980;
	[dreg:$0x1a] =	wrdreg s19  }
0x18: {  	s16 =	smul.u32 $0xA000, s13;
	s13 =	simm.s32 $0x15500;
	[dreg:$0x1c] =	wrdreg s21  }
0x19: {  	s6 =	sadd.s32 $0x2000, s7;
	s25 =	simm.s32 $0x15480;
	[smem:$0x7ED] =	sst s13  }
0x1a: {  	s11 =	smul.u32 $0x140000, s1;
	s26 =	simm.s32 $0x14B00;
	[dreg:$0x1f] =	wrdreg s25  }
0x1b: {  	s18 =	ssub.s32 $0x2, s1;
	s15 =	simm.s32 $0x14C80;
	[smem:$0x7EA] =	sst s26  }
0x1c: {  	s1 =	smul.u32 $0x5000, s1;
	s17 =	simm.s32 $0x14D00;
	[smem:$0x7F0] =	sst s15  }
0x1d: {  	s10 =	sshrl.u32 s8, $0x3;
	s19 =	simm.s32 $0x15600;
	[smem:$0x7F2] =	sst s17  }
0x1e: {  	s20 =	sshrl.u32 s18, $0x1;
	s21 =	simm.s32 $0x14E80;
	[smem:$0x7F5] =	sst s19  }
0x1f: {  	s0 =	sadd.s32 s5, s22;
	s22 =	simm.s32 $0x15200;
	[smem:$0x7F7] =	sst s21  }
0x20: {  	s8 =	sadd.s32 s8, s11;
	s11 =	simm.s32 $0x14700;
	[dreg:$0x12] =	wrdreg s22  }
0x21: {  	s9 =	ssub.s32 s18, s20;
	s18 =	simm.s32 $0x14880;
	[dreg:$0x16] =	wrdreg s11  }
0x22: {  	s10 =	sadd.s32 s10, s7;
	s20 =	simm.s32 $0x14900;
	[dreg:$0x19] =	wrdreg s18  }
0x23: {  	s1 =	sadd.s32 s1, s16;
	s16 =	simm.s32 $0x15580;
	[dreg:$0x1b] =	wrdreg s20  }
0x24: {  	s24 =	sshrl.u32 s12, $0x2;
	s25 =	simm.s32 $0x15700;
	[smem:$0x7F1] =	sst s16  }
0x25: {  	s17 =	simm.s32 $0x5;
	s26 =	simm.s32 $0x15780;
	[smem:$0x7FB] =	sst s25  }
0x26: {  	s19 =	simm.s32 $0x15000;
	s5 =	sadd.s32 $0x800, s0;
	[smem:$0x7FC] =	sst s26  }
0x27: {  	s21 =	simm.s32 $0x40;
	s10 =	sadd.s32 $0xD4800, s10;
	[dreg:$0x4] =	wrdreg s5  }
0x28: {  	s8 =	sshrl.u32 s8, $0x3;
	s22 =	simm.s32 $0x14A00;
	[smem:$0x7E5] =	sst s10  }
0x29: {  	s12 =	sadd.s32 s24, s3;
	s24 =	simm.s32 $0x14A80;
	[dreg:$0x1d] =	wrdreg s22  }
0x2a: {  	s11 =	sshrl.u32 s1, $0x3;
	s9 =	smax.u32 s9, $0x1;
	[dreg:$0x1e] =	wrdreg s24  }
0x2b: {  	s23 =	sshrl.u32 s0, $0x3;
	s18 =	simm.s32 $0x14D80;
	[smem:$0x7E9] =	sst s9  }
0x2c: {  	s0 =	sor.u32 $0x400, s0;
	s20 =	simm.s32 $0x14E00;
	[smem:$0x7F4] =	sst s18  }
0x2d: {  	s5 =	sadd.s32 $0xC000, s7;
	s11 =	sadd.s32 s2, s11;
	[smem:$0x7F6] =	sst s20  }
0x2e: {  	s7 =	sadd.s32 s8, s7;
	s10 =	simm.s32 $0x14B80;
	[smem:$0x7E6] =	sst s11  }
0x2f: {  	s8 =	sor.u32 $0x1C05, s14;
	s14 =	simm.s32 $0x14C00;
	[smem:$0x7EC] =	sst s10  }
0x30: {  	s25 =	simm.s32 $0x14800;
	s22 =	simm.s32 $0x15680;
	[smem:$0x7EE] =	sst s14  }
0x31: {  	s26 =	simm.s32 $0x15400;
	s24 =	simm.s32 $0x14F80;
	[smem:$0x7F8] =	sst s22  }
0x32: {  	s0 =	sshrl.u32 s0, $0x3;
	s9 =	sshrl.u32 s12, $0x3;
	[smem:$0x7FA] =	sst s24  }
0x33: {  	s20 =	simm.s32 $0x3;
	s11 =	sadd.s32 s6, s23;
	[smem:$0x7FD] =	sst s9  }
0x34: {  	s7 =	sadd.s32 $0x84800, s7;
	s0 =	sadd.s32 s0, s6;
	[smem:$0x7E7] =	sst s11  }
0x35: {  	s23 =	simm.s32 $0x14F00;
	s22 =	simm.s32 $0x15800;
	[smem:$0x7E8] =	sst s7  }
0x36: {  	s11 =	sadd.s32 $0x1000, s1;
	[smem:$0x7EF] =	sst s0;
	s1 =	sor.u32 $0x800, s1  }
0x37: {  	s24 =	simm.s32 $0x17800;
	[smem:$0x7F9] =	sst s23;
	s1 =	sshrl.u32 s1, $0x3  }
0x38: {  	s0 =	simm.s32 $0x4;
	[smem:$0x7EB] =	sst s11;
	s1 =	sadd.s32 s1, s2  }
0x39: {  	s23 =	simm.s32 $0x0;
	[smem:$0x7F3] =	sst s1;
	s1 =	simm.s32 $0x2  }
.LBB2_1:
0x3a: {  	s7 =	sld [smem:$0x7E5];
	_ =	sdelay $0x2  }
0x3b: {  	[spmem:s9], [sflag:s8] =	dma.local [hbm:s7], $0x2800  }
0x3c: {  	_ =	swait.ge [sflag:s17], $0x2800  }
0x3d: {  	[sflag:s17] =	ssyncset.done $0x0  }
0x3e: {  	[sflag:s17] =	ssyncadd.s32 $0xFFFFD800  }
0x3f: {  	[bflag:$0x0] =	sbarrier.arrive $0xFFFF  }
0x40: {  	s14 =	sld [smem:$0x7E6];
	_ =	sdelay $0x1  }
0x41: {  	s15 =	simm.s32 $0x14000;
	s18 =	sld [smem:$0x7E7]  }
0x42: {  	[tilespmem:s15], [sflag:$0x3] =	stream.linear.gather [hbm4b:s14+s4], $0x800, $0x38;
	[tilespmem:$0x1D800] =	vst v63  }
0x43: {  	_ = 	snop  }
0x44: {  	[tilespmem:s19], [sflag:$0x3] =	stream.linear.gather [hbm4b:s18+s4], $0x400, $0x38;
	[tilespmem:$0x1D800] =	vst v63  }
0x45: {  	_ =	swait.ge [sflag:s20], $0x800  }
0x46: {  	[sflag:s20] =	ssyncset.done $0x0  }
0x47: {  	[sflag:s20] =	ssyncadd.s32 $0xFFFFF800  }
0x48: {  	_ =	swait.ge [sflag:s20], $0x400  }
0x49: {  	[sflag:s20] =	ssyncset.done $0x0  }
0x4a: {  	[sflag:s20] =	ssyncadd.s32 $0xFFFFFC00  }
0x4b: {  	[tilespmem:s22], [sflag:$0x1] =	stream.indirect.gather [hbm4b:s5+s21], $0x80, s15, s21, $0xb8;
	[tilespmem:$0x1D800] =	vst v63  }
0x4c: {  	s16 =	smov.u32 s8;
	s8 =	simm.s32 $0x14080;
	s11 =	sld [smem:$0x7F3]  }
0x4d: {  	[tilespmem:s24], [sflag:$0x1] =	stream.indirect.gather [hbm4b:s5+s21], $0x80, s8, s21, $0xb8;
	[tilespmem:$0x1D800] =	vst v63  }
0x4e: {  	s10 =	sld [smem:$0x7EF]  }
0x4f: {  	[tilespmem:s25], [sflag:$0x4] =	stream.linear.gather [hbm4b:s11+s4], $0x800, $0x38;
	[tilespmem:$0x1D800] =	vst v63  }
0x50: {  	_ = 	snop  }
0x51: {  	[tilespmem:s26], [sflag:$0x4] =	stream.linear.gather [hbm4b:s10+s4], $0x400, $0x38;
	[tilespmem:$0x1D800] =	vst v63  }
0x52: {  	s9 =	rddreg [dreg:$0x5]  }
0x53: {  	[tilespmem:s28], [sflag:$0x2] =	stream.indirect.gather [hbm4b:s5+s21], $0x80, s9, s21, $0xb8;
	[tilespmem:$0x1D800] =	vst v63  }
0x54: {  	s12 =	rddreg [dreg:$0x6]  }
0x55: {  	[tilespmem:s29], [sflag:$0x2] =	stream.indirect.gather [hbm4b:s5+s21], $0x80, s12, s21, $0xb8;
	[tilespmem:$0x1D800] =	vst v63  }
0x56: {  	_ =	swait.ge [sflag:s30], $0x2000  }
0x57: {  	[sflag:s30] =	ssyncset.done $0x0  }
0x58: {  	[sflag:s30] =	ssyncadd.s32 $0xFFFFE000  }
0x59: {  	_ =	swait.ge [sflag:s30], $0x2000  }
0x5a: {  	[sflag:s30] =	ssyncset.done $0x0  }
0x5b: {  	[sflag:s30] =	ssyncadd.s32 $0xFFFFE000  }
0x5c: {  	[spmem:s3] =	stream.indirect.scatter.add.f32 [tilespmem:s22], [sflag:$0x5], $0x80, s19, s31, $0xb8;
	[tilespmem:$0x1D800] =	vst v63  }
0x5d: {  	_ =	swait.ge [sflag:s17], $0x4000  }
0x5e: {  	[sflag:s17] =	ssyncset.done $0x0  }
0x5f: {  	s13 =	rddreg [dreg:$0x7];
	[sflag:s17] =	ssyncadd.s32 $0xFFFFC000  }
0x60: {  	[tilespmem:s22], [sflag:$0x1] =	stream.indirect.gather [hbm4b:s5+s21], $0x80, s13, s21, $0xb8;
	[tilespmem:$0x1D800] =	vst v63  }
0x61: {  	s14 =	rddreg [dreg:$0x8]  }
0x62: {  	[tilespmem:s24], [sflag:$0x1] =	stream.indirect.gather [hbm4b:s5+s21], $0x80, s14, s21, $0xb8;
	[tilespmem:$0x1D800] =	vst v63  }
0x63: {  	_ =	swait.ge [sflag:s1], $0x2000  }
0x64: {  	[sflag:s1] =	ssyncset.done $0x0  }
0x65: {  	[sflag:s1] =	ssyncadd.s32 $0xFFFFE000  }
0x66: {  	_ =	swait.ge [sflag:s1], $0x2000  }
0x67: {  	[sflag:s1] =	ssyncset.done $0x0  }
0x68: {  	s15 =	rddreg [dreg:$0x9];
	[sflag:s1] =	ssyncadd.s32 $0xFFFFE000  }
0x69: {  	[spmem:s3] =	stream.indirect.scatter.add.f32 [tilespmem:s28], [sflag:$0x5], $0x80, s15, s31, $0xb8;
	[tilespmem:$0x1D800] =	vst v63  }
0x6a: {  	_ =	swait.ge [sflag:s17], $0x4000  }
0x6b: {  	[sflag:s17] =	ssyncset.done $0x0  }
0x6c: {  	s18 =	rddreg [dreg:$0xa];
	[sflag:s17] =	ssyncadd.s32 $0xFFFFC000  }
0x6d: {  	[tilespmem:s28], [sflag:$0x2] =	stream.indirect.gather [hbm4b:s5+s21], $0x80, s18, s21, $0xb8;
	[tilespmem:$0x1D800] =	vst v63  }
0x6e: {  	s8 =	rddreg [dreg:$0xb]  }
0x6f: {  	[tilespmem:s29], [sflag:$0x2] =	stream.indirect.gather [hbm4b:s5+s21], $0x80, s8, s21, $0xb8;
	[tilespmem:$0x1D800] =	vst v63  }
0x70: {  	_ =	swait.ge [sflag:s30], $0x2000  }
0x71: {  	[sflag:s30] =	ssyncset.done $0x0  }
0x72: {  	[sflag:s30] =	ssyncadd.s32 $0xFFFFE000  }
0x73: {  	_ =	swait.ge [sflag:s30], $0x2000  }
0x74: {  	[sflag:s30] =	ssyncset.done $0x0  }
0x75: {  	s12 =	rddreg [dreg:$0xc];
	[sflag:s30] =	ssyncadd.s32 $0xFFFFE000  }
0x76: {  	[spmem:s3] =	stream.indirect.scatter.add.f32 [tilespmem:s22], [sflag:$0x5], $0x80, s12, s31, $0xb8;
	[tilespmem:$0x1D800] =	vst v63  }
0x77: {  	_ =	swait.ge [sflag:s17], $0x4000  }
0x78: {  	[sflag:s17] =	ssyncset.done $0x0  }
0x79: {  	s13 =	rddreg [dreg:$0xd];
	[sflag:s17] =	ssyncadd.s32 $0xFFFFC000  }
0x7a: {  	[tilespmem:s22], [sflag:$0x1] =	stream.indirect.gather [hbm4b:s5+s21], $0x80, s13, s21, $0xb8;
	[tilespmem:$0x1D800] =	vst v63  }
0x7b: {  	s14 =	rddreg [dreg:$0xe]  }
0x7c: {  	[tilespmem:s24], [sflag:$0x1] =	stream.indirect.gather [hbm4b:s5+s21], $0x80, s14, s21, $0xb8;
	[tilespmem:$0x1D800] =	vst v63  }
0x7d: {  	_ =	swait.ge [sflag:s1], $0x2000  }
0x7e: {  	[sflag:s1] =	ssyncset.done $0x0  }
0x7f: {  	[sflag:s1] =	ssyncadd.s32 $0xFFFFE000  }
0x80: {  	_ =	swait.ge [sflag:s1], $0x2000  }
0x81: {  	[sflag:s1] =	ssyncset.done $0x0  }
0x82: {  	s15 =	rddreg [dreg:$0xf];
	[sflag:s1] =	ssyncadd.s32 $0xFFFFE000  }
0x83: {  	[spmem:s3] =	stream.indirect.scatter.add.f32 [tilespmem:s28], [sflag:$0x5], $0x80, s15, s31, $0xb8;
	[tilespmem:$0x1D800] =	vst v63  }
0x84: {  	_ =	swait.ge [sflag:s17], $0x4000  }
0x85: {  	[sflag:s17] =	ssyncset.done $0x0  }
0x86: {  	s18 =	rddreg [dreg:$0x10];
	[sflag:s17] =	ssyncadd.s32 $0xFFFFC000  }
0x87: {  	[tilespmem:s28], [sflag:$0x2] =	stream.indirect.gather [hbm4b:s5+s21], $0x80, s18, s21, $0xb8;
	[tilespmem:$0x1D800] =	vst v63  }
0x88: {  	s8 =	rddreg [dreg:$0x11]  }
0x89: {  	[tilespmem:s29], [sflag:$0x2] =	stream.indirect.gather [hbm4b:s5+s21], $0x80, s8, s21, $0xb8;
	[tilespmem:$0x1D800] =	vst v63  }
0x8a: {  	_ =	swait.ge [sflag:s30], $0x2000  }
0x8b: {  	[sflag:s30] =	ssyncset.done $0x0  }
0x8c: {  	[sflag:s30] =	ssyncadd.s32 $0xFFFFE000  }
0x8d: {  	_ =	swait.ge [sflag:s30], $0x2000  }
0x8e: {  	[sflag:s30] =	ssyncset.done $0x0  }
0x8f: {  	s12 =	rddreg [dreg:$0x12];
	[sflag:s30] =	ssyncadd.s32 $0xFFFFE000  }
0x90: {  	[spmem:s3] =	stream.indirect.scatter.add.f32 [tilespmem:s22], [sflag:$0x5], $0x80, s12, s31, $0xb8;
	[tilespmem:$0x1D800] =	vst v63  }
0x91: {  	_ =	swait.ge [sflag:s17], $0x4000  }
0x92: {  	[sflag:s17] =	ssyncset.done $0x0  }
0x93: {  	s13 =	rddreg [dreg:$0x13];
	[sflag:s17] =	ssyncadd.s32 $0xFFFFC000  }
0x94: {  	[tilespmem:s22], [sflag:$0x1] =	stream.indirect.gather [hbm4b:s5+s21], $0x80, s13, s21, $0xb8;
	[tilespmem:$0x1D800] =	vst v63  }
0x95: {  	s14 =	rddreg [dreg:$0x14]  }
0x96: {  	[tilespmem:s24], [sflag:$0x1] =	stream.indirect.gather [hbm4b:s5+s21], $0x80, s14, s21, $0xb8;
	[tilespmem:$0x1D800] =	vst v63  }
0x97: {  	_ =	swait.ge [sflag:s1], $0x2000  }
0x98: {  	[sflag:s1] =	ssyncset.done $0x0  }
0x99: {  	[sflag:s1] =	ssyncadd.s32 $0xFFFFE000  }
0x9a: {  	_ =	swait.ge [sflag:s1], $0x2000  }
0x9b: {  	[sflag:s1] =	ssyncset.done $0x0  }
0x9c: {  	s15 =	rddreg [dreg:$0x15];
	[sflag:s1] =	ssyncadd.s32 $0xFFFFE000  }
0x9d: {  	[spmem:s3] =	stream.indirect.scatter.add.f32 [tilespmem:s28], [sflag:$0x5], $0x80, s15, s31, $0xb8;
	[tilespmem:$0x1D800] =	vst v63  }
0x9e: {  	_ =	swait.ge [sflag:s17], $0x4000  }
0x9f: {  	[sflag:s17] =	ssyncset.done $0x0  }
0xa0: {  	s18 =	rddreg [dreg:$0x16];
	[sflag:s17] =	ssyncadd.s32 $0xFFFFC000  }
0xa1: {  	[tilespmem:s28], [sflag:$0x2] =	stream.indirect.gather [hbm4b:s5+s21], $0x80, s18, s21, $0xb8;
	[tilespmem:$0x1D800] =	vst v63  }
0xa2: {  	s8 =	rddreg [dreg:$0x17]  }
0xa3: {  	[tilespmem:s29], [sflag:$0x2] =	stream.indirect.gather [hbm4b:s5+s21], $0x80, s8, s21, $0xb8;
	[tilespmem:$0x1D800] =	vst v63  }
0xa4: {  	_ =	swait.ge [sflag:s30], $0x2000  }
0xa5: {  	[sflag:s30] =	ssyncset.done $0x0  }
0xa6: {  	[sflag:s30] =	ssyncadd.s32 $0xFFFFE000  }
0xa7: {  	_ =	swait.ge [sflag:s30], $0x2000  }
0xa8: {  	[sflag:s30] =	ssyncset.done $0x0  }
0xa9: {  	s12 =	rddreg [dreg:$0x18];
	[sflag:s30] =	ssyncadd.s32 $0xFFFFE000  }
0xaa: {  	[spmem:s3] =	stream.indirect.scatter.add.f32 [tilespmem:s22], [sflag:$0x5], $0x80, s12, s31, $0xb8;
	[tilespmem:$0x1D800] =	vst v63  }
0xab: {  	_ =	swait.ge [sflag:s17], $0x4000  }
0xac: {  	[sflag:s17] =	ssyncset.done $0x0  }
0xad: {  	[sflag:s17] =	ssyncadd.s32 $0xFFFFC000  }
0xae: {  	_ =	swait.ge [sflag:s0], $0x800  }
0xaf: {  	[sflag:s0] =	ssyncset.done $0x0  }
0xb0: {  	[sflag:s0] =	ssyncadd.s32 $0xFFFFF800  }
0xb1: {  	_ =	swait.ge [sflag:s0], $0x400  }
0xb2: {  	[sflag:s0] =	ssyncset.done $0x0  }
0xb3: {  	[sflag:s0] =	ssyncadd.s32 $0xFFFFFC00  }
0xb4: {  	[tilespmem:s22], [sflag:$0x1] =	stream.indirect.gather [hbm4b:s5+s21], $0x80, s25, s21, $0xb8;
	[tilespmem:$0x1D800] =	vst v63  }
0xb5: {  	s13 =	rddreg [dreg:$0x19]  }
0xb6: {  	[tilespmem:s24], [sflag:$0x1] =	stream.indirect.gather [hbm4b:s5+s21], $0x80, s13, s21, $0xb8;
	[tilespmem:$0x1D800] =	vst v63  }
0xb7: {  	_ =	swait.ge [sflag:s1], $0x2000  }
0xb8: {  	[sflag:s1] =	ssyncset.done $0x0  }
0xb9: {  	[sflag:s1] =	ssyncadd.s32 $0xFFFFE000  }
0xba: {  	_ =	swait.ge [sflag:s1], $0x2000  }
0xbb: {  	[sflag:s1] =	ssyncset.done $0x0  }
0xbc: {  	s14 =	rddreg [dreg:$0x1a];
	[sflag:s1] =	ssyncadd.s32 $0xFFFFE000  }
0xbd: {  	[spmem:s3] =	stream.indirect.scatter.add.f32 [tilespmem:s28], [sflag:$0x5], $0x80, s14, s31, $0xb8;
	[tilespmem:$0x1D800] =	vst v63  }
0xbe: {  	_ =	swait.ge [sflag:s17], $0x4000  }
0xbf: {  	s8 =	sld [smem:$0x7EB]  }
0xc0: {  	p0 =	por $0x0, $0x0  }
0xc1: {  	s7 =	simm.s32 @!p0 $0x14000  }
0xc2: {  	s13 =	simm.s32 @!p0 $0x0;
	[sflag:s17] =	ssyncset.done $0x0;
	s9 =	sshrl.u32 @!p0 s8, $0x3  }
0xc3: {  	s12 =	rddreg [dreg:$0x4];
	[sflag:s17] =	ssyncadd.s32 $0xFFFFC000;
	s9 =	sadd.s32 @!p0 s2, s9  }
0xc4: {  	[tilespmem:s7], [sflag:$0x3] =	stream.linear.gather @!p0 [hbm4b:s9+s13], $0x800, $0x38;
	[tilespmem:$0x1D800] =	vst v63  }
0xc5: {  	s9 =	sadd.s32 @!p0 $0x0, s12  }
0xc6: {  	s9 =	sshrl.u32 @!p0 s9, $0x3  }
0xc7: {  	s14 =	simm.s32 @!p0 $0x15000;
	s9 =	sadd.s32 @!p0 s6, s9  }
0xc8: {  	[tilespmem:s14], [sflag:$0x3] =	stream.linear.gather @!p0 [hbm4b:s9+s13], $0x400, $0x38;
	[tilespmem:$0x1D800] =	vst v63  }
0xc9: {  	s15 =	rddreg [dreg:$0x1b]  }
0xca: {  	[tilespmem:s28], [sflag:$0x2] =	stream.indirect.gather [hbm4b:s5+s21], $0x80, s15, s21, $0xb8;
	[tilespmem:$0x1D800] =	vst v63  }
0xcb: {  	s18 =	rddreg [dreg:$0x1c]  }
0xcc: {  	[tilespmem:s29], [sflag:$0x2] =	stream.indirect.gather [hbm4b:s5+s21], $0x80, s18, s21, $0xb8;
	[tilespmem:$0x1D800] =	vst v63  }
0xcd: {  	_ =	swait.ge [sflag:s30], $0x2000  }
0xce: {  	[sflag:s30] =	ssyncset.done $0x0  }
0xcf: {  	[sflag:s30] =	ssyncadd.s32 $0xFFFFE000  }
0xd0: {  	_ =	swait.ge [sflag:s30], $0x2000  }
0xd1: {  	[sflag:s30] =	ssyncset.done $0x0  }
0xd2: {  	[sflag:s30] =	ssyncadd.s32 $0xFFFFE000  }
0xd3: {  	[spmem:s3] =	stream.indirect.scatter.add.f32 [tilespmem:s22], [sflag:$0x5], $0x80, s26, s31, $0xb8;
	[tilespmem:$0x1D800] =	vst v63  }
0xd4: {  	_ =	swait.ge [sflag:s17], $0x4000  }
0xd5: {  	[sflag:s17] =	ssyncset.done $0x0  }
0xd6: {  	s12 =	rddreg [dreg:$0x1d];
	[sflag:s17] =	ssyncadd.s32 $0xFFFFC000  }
0xd7: {  	[tilespmem:s22], [sflag:$0x1] =	stream.indirect.gather [hbm4b:s5+s21], $0x80, s12, s21, $0xb8;
	[tilespmem:$0x1D800] =	vst v63  }
0xd8: {  	s13 =	rddreg [dreg:$0x1e]  }
0xd9: {  	[tilespmem:s24], [sflag:$0x1] =	stream.indirect.gather [hbm4b:s5+s21], $0x80, s13, s21, $0xb8;
	[tilespmem:$0x1D800] =	vst v63  }
0xda: {  	_ =	swait.ge [sflag:s1], $0x2000  }
0xdb: {  	[sflag:s1] =	ssyncset.done $0x0  }
0xdc: {  	[sflag:s1] =	ssyncadd.s32 $0xFFFFE000  }
0xdd: {  	_ =	swait.ge [sflag:s1], $0x2000  }
0xde: {  	[sflag:s1] =	ssyncset.done $0x0  }
0xdf: {  	s14 =	rddreg [dreg:$0x1f];
	[sflag:s1] =	ssyncadd.s32 $0xFFFFE000  }
0xe0: {  	[spmem:s3] =	stream.indirect.scatter.add.f32 [tilespmem:s28], [sflag:$0x5], $0x80, s14, s31, $0xb8;
	[tilespmem:$0x1D800] =	vst v63  }
0xe1: {  	_ =	swait.ge [sflag:s17], $0x4000  }
0xe2: {  	s15 =	sld [smem:$0x7EA]  }
0xe3: {  	[sflag:s17] =	ssyncset.done $0x0  }
0xe4: {  	s18 =	sld [smem:$0x7EC];
	[sflag:s17] =	ssyncadd.s32 $0xFFFFC000  }
0xe5: {  	[tilespmem:s28], [sflag:$0x2] =	stream.indirect.gather [hbm4b:s5+s21], $0x80, s15, s21, $0xb8;
	[tilespmem:$0x1D800] =	vst v63  }
0xe6: {  	_ = 	snop  }
0xe7: {  	[tilespmem:s29], [sflag:$0x2] =	stream.indirect.gather [hbm4b:s5+s21], $0x80, s18, s21, $0xb8;
	[tilespmem:$0x1D800] =	vst v63  }
0xe8: {  	_ =	swait.ge [sflag:s30], $0x2000  }
0xe9: {  	[sflag:s30] =	ssyncset.done $0x0  }
0xea: {  	[sflag:s30] =	ssyncadd.s32 $0xFFFFE000  }
0xeb: {  	_ =	swait.ge [sflag:s30], $0x2000  }
0xec: {  	s13 =	sld [smem:$0x7ED]  }
0xed: {  	[sflag:s30] =	ssyncset.done $0x0  }
0xee: {  	[sflag:s30] =	ssyncadd.s32 $0xFFFFE000  }
0xef: {  	[spmem:s3] =	stream.indirect.scatter.add.f32 [tilespmem:s22], [sflag:$0x5], $0x80, s13, s31, $0xb8;
	[tilespmem:$0x1D800] =	vst v63  }
0xf0: {  	_ =	swait.ge [sflag:s17], $0x4000  }
0xf1: {  	s14 =	sld [smem:$0x7EE]  }
0xf2: {  	[sflag:s17] =	ssyncset.done $0x0  }
0xf3: {  	s15 =	sld [smem:$0x7F0];
	[sflag:s17] =	ssyncadd.s32 $0xFFFFC000  }
0xf4: {  	[tilespmem:s22], [sflag:$0x1] =	stream.indirect.gather [hbm4b:s5+s21], $0x80, s14, s21, $0xb8;
	[tilespmem:$0x1D800] =	vst v63  }
0xf5: {  	_ = 	snop  }
0xf6: {  	[tilespmem:s24], [sflag:$0x1] =	stream.indirect.gather [hbm4b:s5+s21], $0x80, s15, s21, $0xb8;
	[tilespmem:$0x1D800] =	vst v63  }
0xf7: {  	_ =	swait.ge [sflag:s1], $0x2000  }
0xf8: {  	[sflag:s1] =	ssyncset.done $0x0  }
0xf9: {  	[sflag:s1] =	ssyncadd.s32 $0xFFFFE000  }
0xfa: {  	_ =	swait.ge [sflag:s1], $0x2000  }
0xfb: {  	s18 =	sld [smem:$0x7F1]  }
0xfc: {  	[sflag:s1] =	ssyncset.done $0x0  }
0xfd: {  	[sflag:s1] =	ssyncadd.s32 $0xFFFFE000  }
0xfe: {  	[spmem:s3] =	stream.indirect.scatter.add.f32 [tilespmem:s28], [sflag:$0x5], $0x80, s18, s31, $0xb8;
	[tilespmem:$0x1D800] =	vst v63  }
0xff: {  	_ =	swait.ge [sflag:s17], $0x4000  }
0x100: {  	s12 =	sld [smem:$0x7F2]  }
0x101: {  	[sflag:s17] =	ssyncset.done $0x0  }
0x102: {  	s13 =	sld [smem:$0x7F4];
	[sflag:s17] =	ssyncadd.s32 $0xFFFFC000  }
0x103: {  	[tilespmem:s28], [sflag:$0x2] =	stream.indirect.gather [hbm4b:s5+s21], $0x80, s12, s21, $0xb8;
	[tilespmem:$0x1D800] =	vst v63  }
0x104: {  	_ = 	snop  }
0x105: {  	[tilespmem:s29], [sflag:$0x2] =	stream.indirect.gather [hbm4b:s5+s21], $0x80, s13, s21, $0xb8;
	[tilespmem:$0x1D800] =	vst v63  }
0x106: {  	_ =	swait.ge [sflag:s30], $0x2000  }
0x107: {  	[sflag:s30] =	ssyncset.done $0x0  }
0x108: {  	[sflag:s30] =	ssyncadd.s32 $0xFFFFE000  }
0x109: {  	_ =	swait.ge [sflag:s30], $0x2000  }
0x10a: {  	s14 =	sld [smem:$0x7F5]  }
0x10b: {  	[sflag:s30] =	ssyncset.done $0x0  }
0x10c: {  	[sflag:s30] =	ssyncadd.s32 $0xFFFFE000  }
0x10d: {  	[spmem:s3] =	stream.indirect.scatter.add.f32 [tilespmem:s22], [sflag:$0x5], $0x80, s14, s31, $0xb8;
	[tilespmem:$0x1D800] =	vst v63  }
0x10e: {  	_ =	swait.ge [sflag:s17], $0x4000  }
0x10f: {  	s15 =	sld [smem:$0x7F6]  }
0x110: {  	[sflag:s17] =	ssyncset.done $0x0  }
0x111: {  	s18 =	sld [smem:$0x7F7];
	[sflag:s17] =	ssyncadd.s32 $0xFFFFC000  }
0x112: {  	[tilespmem:s22], [sflag:$0x1] =	stream.indirect.gather [hbm4b:s5+s21], $0x80, s15, s21, $0xb8;
	[tilespmem:$0x1D800] =	vst v63  }
0x113: {  	_ = 	snop  }
0x114: {  	[tilespmem:s24], [sflag:$0x1] =	stream.indirect.gather [hbm4b:s5+s21], $0x80, s18, s21, $0xb8;
	[tilespmem:$0x1D800] =	vst v63  }
0x115: {  	_ =	swait.ge [sflag:s1], $0x2000  }
0x116: {  	[sflag:s1] =	ssyncset.done $0x0  }
0x117: {  	[sflag:s1] =	ssyncadd.s32 $0xFFFFE000  }
0x118: {  	_ =	swait.ge [sflag:s1], $0x2000  }
0x119: {  	s13 =	sld [smem:$0x7F8]  }
0x11a: {  	[sflag:s1] =	ssyncset.done $0x0  }
0x11b: {  	[sflag:s1] =	ssyncadd.s32 $0xFFFFE000  }
0x11c: {  	[spmem:s3] =	stream.indirect.scatter.add.f32 [tilespmem:s28], [sflag:$0x5], $0x80, s13, s31, $0xb8;
	[tilespmem:$0x1D800] =	vst v63  }
0x11d: {  	_ =	swait.ge [sflag:s17], $0x4000  }
0x11e: {  	s14 =	sld [smem:$0x7F9]  }
0x11f: {  	[sflag:s17] =	ssyncset.done $0x0  }
0x120: {  	s15 =	sld [smem:$0x7FA];
	[sflag:s17] =	ssyncadd.s32 $0xFFFFC000  }
0x121: {  	[tilespmem:s28], [sflag:$0x2] =	stream.indirect.gather [hbm4b:s5+s21], $0x80, s14, s21, $0xb8;
	[tilespmem:$0x1D800] =	vst v63  }
0x122: {  	_ = 	snop  }
0x123: {  	[tilespmem:s29], [sflag:$0x2] =	stream.indirect.gather [hbm4b:s5+s21], $0x80, s15, s21, $0xb8;
	[tilespmem:$0x1D800] =	vst v63  }
0x124: {  	_ =	swait.ge [sflag:s30], $0x2000  }
0x125: {  	[sflag:s30] =	ssyncset.done $0x0  }
0x126: {  	[sflag:s30] =	ssyncadd.s32 $0xFFFFE000  }
0x127: {  	_ =	swait.ge [sflag:s30], $0x2000  }
0x128: {  	s18 =	sld [smem:$0x7FB]  }
0x129: {  	[sflag:s30] =	ssyncset.done $0x0  }
0x12a: {  	[sflag:s30] =	ssyncadd.s32 $0xFFFFE000  }
0x12b: {  	[spmem:s3] =	stream.indirect.scatter.add.f32 [tilespmem:s22], [sflag:$0x5], $0x80, s18, s31, $0xb8;
	[tilespmem:$0x1D800] =	vst v63  }
0x12c: {  	_ =	swait.ge [sflag:s17], $0x4000  }
0x12d: {  	[sflag:s17] =	ssyncset.done $0x0  }
0x12e: {  	s9 =	simm.s32 @!p0 $0x3;
	[sflag:s17] =	ssyncadd.s32 $0xFFFFC000  }
0x12f: {  	_ =	swait.ge @!p0 [sflag:s9], $0x800  }
0x130: {  	[sflag:s9] =	ssyncset.done @!p0 $0x0  }
0x131: {  	[sflag:s9] =	ssyncadd.s32 @!p0 $0xFFFFF800  }
0x132: {  	_ =	swait.ge @!p0 [sflag:s9], $0x400  }
0x133: {  	[sflag:s9] =	ssyncset.done @!p0 $0x0  }
0x134: {  	s12 =	simm.s32 @!p0 $0x15800;
	[sflag:s9] =	ssyncadd.s32 @!p0 $0xFFFFFC00;
	s9 =	simm.s32 @!p0 $0x40  }
0x135: {  	[tilespmem:s12], [sflag:$0x1] =	stream.indirect.gather @!p0 [hbm4b:s5+s9], $0x80, s7, s9, $0xb8;
	[tilespmem:$0x1D800] =	vst v63  }
0x136: {  	s7 =	simm.s32 @!p0 $0x14080;
	s12 =	simm.s32 @!p0 $0x17800  }
0x137: {  	[tilespmem:s12], [sflag:$0x1] =	stream.indirect.gather @!p0 [hbm4b:s5+s9], $0x80, s7, s9, $0xb8;
	[tilespmem:$0x1D800] =	vst v63  }
0x138: {  	_ =	swait.ge [sflag:s1], $0x2000  }
0x139: {  	[sflag:s1] =	ssyncset.done $0x0  }
0x13a: {  	s13 =	smov.u32 s8;
	[sflag:s1] =	ssyncadd.s32 $0xFFFFE000  }
0x13b: {  	s14 =	smov.u32 s10;
	s7 =	simm.s32 $0x800;
	_ =	swait.ge [sflag:s1], $0x2000  }
0x13c: {  	s9 =	sadd.s32 $0x200, s11;
	[sflag:s1] =	ssyncset.done $0x0;
	s18 =	sld [smem:$0x7FC]  }
.LBB2_2:
0x13d: {  	_ = 	snop  }
0x13e: {  	[sflag:s1] =	ssyncadd.s32 $0xFFFFE000  }
0x13f: {  	[spmem:s3] =	stream.indirect.scatter.add.f32 [tilespmem:s28], [sflag:$0x5], $0x80, s18, s31, $0xb8;
	[tilespmem:$0x1D800] =	vst v63  }
0x140: {  	_ =	swait.ge [sflag:s17], $0x4000  }
0x141: {  	[sflag:s17] =	ssyncset.done $0x0  }
0x142: {  	[sflag:s17] =	ssyncadd.s32 $0xFFFFC000  }
0x143: {  	[tilespmem:s25], [sflag:$0x4] =	stream.linear.gather [hbm4b:s9+s4], $0x800, $0x38;
	[tilespmem:$0x1D800] =	vst v63  }
0x144: {  	s14 =	sadd.s32 $0x100, s14  }
0x145: {  	[tilespmem:s26], [sflag:$0x4] =	stream.linear.gather [hbm4b:s14+s4], $0x400, $0x38;
	[tilespmem:$0x1D800] =	vst v63  }
0x146: {  	s10 =	rddreg [dreg:$0x5]  }
0x147: {  	[tilespmem:s28], [sflag:$0x2] =	stream.indirect.gather [hbm4b:s5+s21], $0x80, s10, s21, $0xb8;
	[tilespmem:$0x1D800] =	vst v63  }
0x148: {  	s8 =	rddreg [dreg:$0x6]  }
0x149: {  	[tilespmem:s29], [sflag:$0x2] =	stream.indirect.gather [hbm4b:s5+s21], $0x80, s8, s21, $0xb8;
	[tilespmem:$0x1D800] =	vst v63  }
0x14a: {  	_ =	swait.ge [sflag:s30], $0x2000  }
0x14b: {  	[sflag:s30] =	ssyncset.done $0x0  }
0x14c: {  	[sflag:s30] =	ssyncadd.s32 $0xFFFFE000  }
0x14d: {  	_ =	swait.ge [sflag:s30], $0x2000  }
0x14e: {  	[sflag:s30] =	ssyncset.done $0x0  }
0x14f: {  	[sflag:s30] =	ssyncadd.s32 $0xFFFFE000  }
0x150: {  	[spmem:s3] =	stream.indirect.scatter.add.f32 [tilespmem:s22], [sflag:$0x5], $0x80, s19, s31, $0xb8;
	[tilespmem:$0x1D800] =	vst v63  }
0x151: {  	_ =	swait.ge [sflag:s17], $0x4000  }
0x152: {  	[sflag:s17] =	ssyncset.done $0x0  }
0x153: {  	s11 =	rddreg [dreg:$0x7];
	[sflag:s17] =	ssyncadd.s32 $0xFFFFC000  }
0x154: {  	[tilespmem:s22], [sflag:$0x1] =	stream.indirect.gather [hbm4b:s5+s21], $0x80, s11, s21, $0xb8;
	[tilespmem:$0x1D800] =	vst v63  }
0x155: {  	s15 =	rddreg [dreg:$0x8]  }
0x156: {  	[tilespmem:s24], [sflag:$0x1] =	stream.indirect.gather [hbm4b:s5+s21], $0x80, s15, s21, $0xb8;
	[tilespmem:$0x1D800] =	vst v63  }
0x157: {  	_ =	swait.ge [sflag:s1], $0x2000  }
0x158: {  	[sflag:s1] =	ssyncset.done $0x0  }
0x159: {  	[sflag:s1] =	ssyncadd.s32 $0xFFFFE000  }
0x15a: {  	_ =	swait.ge [sflag:s1], $0x2000  }
0x15b: {  	[sflag:s1] =	ssyncset.done $0x0  }
0x15c: {  	s10 =	rddreg [dreg:$0x9];
	[sflag:s1] =	ssyncadd.s32 $0xFFFFE000  }
0x15d: {  	[spmem:s3] =	stream.indirect.scatter.add.f32 [tilespmem:s28], [sflag:$0x5], $0x80, s10, s31, $0xb8;
	[tilespmem:$0x1D800] =	vst v63  }
0x15e: {  	_ =	swait.ge [sflag:s17], $0x4000  }
0x15f: {  	[sflag:s17] =	ssyncset.done $0x0  }
0x160: {  	s11 =	rddreg [dreg:$0xa];
	[sflag:s17] =	ssyncadd.s32 $0xFFFFC000  }
0x161: {  	[tilespmem:s28], [sflag:$0x2] =	stream.indirect.gather [hbm4b:s5+s21], $0x80, s11, s21, $0xb8;
	[tilespmem:$0x1D800] =	vst v63  }
0x162: {  	s15 =	rddreg [dreg:$0xb]  }
0x163: {  	[tilespmem:s29], [sflag:$0x2] =	stream.indirect.gather [hbm4b:s5+s21], $0x80, s15, s21, $0xb8;
	[tilespmem:$0x1D800] =	vst v63  }
0x164: {  	_ =	swait.ge [sflag:s30], $0x2000  }
0x165: {  	[sflag:s30] =	ssyncset.done $0x0  }
0x166: {  	[sflag:s30] =	ssyncadd.s32 $0xFFFFE000  }
0x167: {  	_ =	swait.ge [sflag:s30], $0x2000  }
0x168: {  	[sflag:s30] =	ssyncset.done $0x0  }
0x169: {  	s10 =	rddreg [dreg:$0xc];
	[sflag:s30] =	ssyncadd.s32 $0xFFFFE000  }
0x16a: {  	[spmem:s3] =	stream.indirect.scatter.add.f32 [tilespmem:s22], [sflag:$0x5], $0x80, s10, s31, $0xb8;
	[tilespmem:$0x1D800] =	vst v63  }
0x16b: {  	_ =	swait.ge [sflag:s17], $0x4000  }
0x16c: {  	[sflag:s17] =	ssyncset.done $0x0  }
0x16d: {  	s11 =	rddreg [dreg:$0xd];
	[sflag:s17] =	ssyncadd.s32 $0xFFFFC000  }
0x16e: {  	[tilespmem:s22], [sflag:$0x1] =	stream.indirect.gather [hbm4b:s5+s21], $0x80, s11, s21, $0xb8;
	[tilespmem:$0x1D800] =	vst v63  }
0x16f: {  	s15 =	rddreg [dreg:$0xe]  }
0x170: {  	[tilespmem:s24], [sflag:$0x1] =	stream.indirect.gather [hbm4b:s5+s21], $0x80, s15, s21, $0xb8;
	[tilespmem:$0x1D800] =	vst v63  }
0x171: {  	_ =	swait.ge [sflag:s1], $0x2000  }
0x172: {  	[sflag:s1] =	ssyncset.done $0x0  }
0x173: {  	[sflag:s1] =	ssyncadd.s32 $0xFFFFE000  }
0x174: {  	_ =	swait.ge [sflag:s1], $0x2000  }
0x175: {  	[sflag:s1] =	ssyncset.done $0x0  }
0x176: {  	s10 =	rddreg [dreg:$0xf];
	[sflag:s1] =	ssyncadd.s32 $0xFFFFE000  }
0x177: {  	[spmem:s3] =	stream.indirect.scatter.add.f32 [tilespmem:s28], [sflag:$0x5], $0x80, s10, s31, $0xb8;
	[tilespmem:$0x1D800] =	vst v63  }
0x178: {  	_ =	swait.ge [sflag:s17], $0x4000  }
0x179: {  	[sflag:s17] =	ssyncset.done $0x0  }
0x17a: {  	s11 =	rddreg [dreg:$0x10];
	[sflag:s17] =	ssyncadd.s32 $0xFFFFC000  }
0x17b: {  	[tilespmem:s28], [sflag:$0x2] =	stream.indirect.gather [hbm4b:s5+s21], $0x80, s11, s21, $0xb8;
	[tilespmem:$0x1D800] =	vst v63  }
0x17c: {  	s15 =	rddreg [dreg:$0x11]  }
0x17d: {  	[tilespmem:s29], [sflag:$0x2] =	stream.indirect.gather [hbm4b:s5+s21], $0x80, s15, s21, $0xb8;
	[tilespmem:$0x1D800] =	vst v63  }
0x17e: {  	_ =	swait.ge [sflag:s30], $0x2000  }
0x17f: {  	[sflag:s30] =	ssyncset.done $0x0  }
0x180: {  	[sflag:s30] =	ssyncadd.s32 $0xFFFFE000  }
0x181: {  	_ =	swait.ge [sflag:s30], $0x2000  }
0x182: {  	[sflag:s30] =	ssyncset.done $0x0  }
0x183: {  	s10 =	rddreg [dreg:$0x12];
	[sflag:s30] =	ssyncadd.s32 $0xFFFFE000  }
0x184: {  	[spmem:s3] =	stream.indirect.scatter.add.f32 [tilespmem:s22], [sflag:$0x5], $0x80, s10, s31, $0xb8;
	[tilespmem:$0x1D800] =	vst v63  }
0x185: {  	_ =	swait.ge [sflag:s17], $0x4000  }
0x186: {  	[sflag:s17] =	ssyncset.done $0x0  }
0x187: {  	s11 =	rddreg [dreg:$0x13];
	[sflag:s17] =	ssyncadd.s32 $0xFFFFC000  }
0x188: {  	[tilespmem:s22], [sflag:$0x1] =	stream.indirect.gather [hbm4b:s5+s21], $0x80, s11, s21, $0xb8;
	[tilespmem:$0x1D800] =	vst v63  }
0x189: {  	s15 =	rddreg [dreg:$0x14]  }
0x18a: {  	[tilespmem:s24], [sflag:$0x1] =	stream.indirect.gather [hbm4b:s5+s21], $0x80, s15, s21, $0xb8;
	[tilespmem:$0x1D800] =	vst v63  }
0x18b: {  	_ =	swait.ge [sflag:s1], $0x2000  }
0x18c: {  	[sflag:s1] =	ssyncset.done $0x0  }
0x18d: {  	[sflag:s1] =	ssyncadd.s32 $0xFFFFE000  }
0x18e: {  	_ =	swait.ge [sflag:s1], $0x2000  }
0x18f: {  	[sflag:s1] =	ssyncset.done $0x0  }
0x190: {  	s10 =	rddreg [dreg:$0x15];
	[sflag:s1] =	ssyncadd.s32 $0xFFFFE000  }
0x191: {  	[spmem:s3] =	stream.indirect.scatter.add.f32 [tilespmem:s28], [sflag:$0x5], $0x80, s10, s31, $0xb8;
	[tilespmem:$0x1D800] =	vst v63  }
0x192: {  	_ =	swait.ge [sflag:s17], $0x4000  }
0x193: {  	[sflag:s17] =	ssyncset.done $0x0  }
0x194: {  	s11 =	rddreg [dreg:$0x16];
	[sflag:s17] =	ssyncadd.s32 $0xFFFFC000  }
0x195: {  	[tilespmem:s28], [sflag:$0x2] =	stream.indirect.gather [hbm4b:s5+s21], $0x80, s11, s21, $0xb8;
	[tilespmem:$0x1D800] =	vst v63  }
0x196: {  	s15 =	rddreg [dreg:$0x17]  }
0x197: {  	[tilespmem:s29], [sflag:$0x2] =	stream.indirect.gather [hbm4b:s5+s21], $0x80, s15, s21, $0xb8;
	[tilespmem:$0x1D800] =	vst v63  }
0x198: {  	_ =	swait.ge [sflag:s30], $0x2000  }
0x199: {  	[sflag:s30] =	ssyncset.done $0x0  }
0x19a: {  	[sflag:s30] =	ssyncadd.s32 $0xFFFFE000  }
0x19b: {  	_ =	swait.ge [sflag:s30], $0x2000  }
0x19c: {  	[sflag:s30] =	ssyncset.done $0x0  }
0x19d: {  	s18 =	rddreg [dreg:$0x18];
	[sflag:s30] =	ssyncadd.s32 $0xFFFFE000  }
0x19e: {  	[spmem:s3] =	stream.indirect.scatter.add.f32 [tilespmem:s22], [sflag:$0x5], $0x80, s18, s31, $0xb8;
	[tilespmem:$0x1D800] =	vst v63  }
0x19f: {  	_ =	swait.ge [sflag:s17], $0x4000  }
0x1a0: {  	[sflag:s17] =	ssyncset.done $0x0  }
0x1a1: {  	[sflag:s17] =	ssyncadd.s32 $0xFFFFC000  }
0x1a2: {  	_ =	swait.ge [sflag:s0], $0x800  }
0x1a3: {  	[sflag:s0] =	ssyncset.done $0x0  }
0x1a4: {  	[sflag:s0] =	ssyncadd.s32 $0xFFFFF800  }
0x1a5: {  	_ =	swait.ge [sflag:s0], $0x400  }
0x1a6: {  	[sflag:s0] =	ssyncset.done $0x0  }
0x1a7: {  	[sflag:s0] =	ssyncadd.s32 $0xFFFFFC00  }
0x1a8: {  	[tilespmem:s22], [sflag:$0x1] =	stream.indirect.gather [hbm4b:s5+s21], $0x80, s25, s21, $0xb8;
	[tilespmem:$0x1D800] =	vst v63  }
0x1a9: {  	s10 =	rddreg [dreg:$0x19]  }
0x1aa: {  	[tilespmem:s24], [sflag:$0x1] =	stream.indirect.gather [hbm4b:s5+s21], $0x80, s10, s21, $0xb8;
	[tilespmem:$0x1D800] =	vst v63  }
0x1ab: {  	_ =	swait.ge [sflag:s1], $0x2000  }
0x1ac: {  	[sflag:s1] =	ssyncset.done $0x0  }
0x1ad: {  	[sflag:s1] =	ssyncadd.s32 $0xFFFFE000  }
0x1ae: {  	_ =	swait.ge [sflag:s1], $0x2000  }
0x1af: {  	s13 =	sadd.s32 $0x1000, s13;
	s12 =	smov.u32 s7;
	[sflag:s1] =	ssyncset.done $0x0  }
0x1b0: {  	p1 =	seq.s32 s12, $0x2000;
	s11 =	rddreg [dreg:$0x1a];
	[sflag:s1] =	ssyncadd.s32 $0xFFFFE000  }
0x1b1: {  	[spmem:s3] =	stream.indirect.scatter.add.f32 [tilespmem:s28], [sflag:$0x5], $0x80, s11, s31, $0xb8;
	[tilespmem:$0x1D800] =	vst v63  }
0x1b2: {  	s8 =	sshrl.u32 @!p1 s13, $0x3;
	_ =	swait.ge [sflag:s17], $0x4000  }
0x1b3: {  	s8 =	sadd.s32 @!p1 s2, s8;
	s18 =	simm.s32 @!p1 $0x14000;
	[sflag:s17] =	ssyncset.done $0x0  }
0x1b4: {  	s11 =	simm.s32 @!p1 $0x0;
	s10 =	rddreg [dreg:$0x4];
	[sflag:s17] =	ssyncadd.s32 $0xFFFFC000  }
0x1b5: {  	[tilespmem:s18], [sflag:$0x3] =	stream.linear.gather @!p1 [hbm4b:s8+s11], $0x800, $0x38;
	[tilespmem:$0x1D800] =	vst v63  }
0x1b6: {  	s8 =	sadd.s32 @!p1 s12, s10  }
0x1b7: {  	s8 =	sshrl.u32 @!p1 s8, $0x3  }
0x1b8: {  	s10 =	simm.s32 @!p1 $0x15000;
	s8 =	sadd.s32 @!p1 s6, s8  }
0x1b9: {  	[tilespmem:s10], [sflag:$0x3] =	stream.linear.gather @!p1 [hbm4b:s8+s11], $0x400, $0x38;
	[tilespmem:$0x1D800] =	vst v63  }
0x1ba: {  	s15 =	rddreg [dreg:$0x1b]  }
0x1bb: {  	[tilespmem:s28], [sflag:$0x2] =	stream.indirect.gather [hbm4b:s5+s21], $0x80, s15, s21, $0xb8;
	[tilespmem:$0x1D800] =	vst v63  }
0x1bc: {  	s12 =	rddreg [dreg:$0x1c]  }
0x1bd: {  	[tilespmem:s29], [sflag:$0x2] =	stream.indirect.gather [hbm4b:s5+s21], $0x80, s12, s21, $0xb8;
	[tilespmem:$0x1D800] =	vst v63  }
0x1be: {  	_ =	swait.ge [sflag:s30], $0x2000  }
0x1bf: {  	[sflag:s30] =	ssyncset.done $0x0  }
0x1c0: {  	[sflag:s30] =	ssyncadd.s32 $0xFFFFE000  }
0x1c1: {  	_ =	swait.ge [sflag:s30], $0x2000  }
0x1c2: {  	[sflag:s30] =	ssyncset.done $0x0  }
0x1c3: {  	[sflag:s30] =	ssyncadd.s32 $0xFFFFE000  }
0x1c4: {  	[spmem:s3] =	stream.indirect.scatter.add.f32 [tilespmem:s22], [sflag:$0x5], $0x80, s26, s31, $0xb8;
	[tilespmem:$0x1D800] =	vst v63  }
0x1c5: {  	_ =	swait.ge [sflag:s17], $0x4000  }
0x1c6: {  	[sflag:s17] =	ssyncset.done $0x0  }
0x1c7: {  	s12 =	rddreg [dreg:$0x1d];
	[sflag:s17] =	ssyncadd.s32 $0xFFFFC000  }
0x1c8: {  	[tilespmem:s22], [sflag:$0x1] =	stream.indirect.gather [hbm4b:s5+s21], $0x80, s12, s21, $0xb8;
	[tilespmem:$0x1D800] =	vst v63  }
0x1c9: {  	s15 =	rddreg [dreg:$0x1e]  }
0x1ca: {  	[tilespmem:s24], [sflag:$0x1] =	stream.indirect.gather [hbm4b:s5+s21], $0x80, s15, s21, $0xb8;
	[tilespmem:$0x1D800] =	vst v63  }
0x1cb: {  	_ =	swait.ge [sflag:s1], $0x2000  }
0x1cc: {  	[sflag:s1] =	ssyncset.done $0x0  }
0x1cd: {  	[sflag:s1] =	ssyncadd.s32 $0xFFFFE000  }
0x1ce: {  	_ =	swait.ge [sflag:s1], $0x2000  }
0x1cf: {  	[sflag:s1] =	ssyncset.done $0x0  }
0x1d0: {  	s11 =	rddreg [dreg:$0x1f];
	[sflag:s1] =	ssyncadd.s32 $0xFFFFE000  }
0x1d1: {  	[spmem:s3] =	stream.indirect.scatter.add.f32 [tilespmem:s28], [sflag:$0x5], $0x80, s11, s31, $0xb8;
	[tilespmem:$0x1D800] =	vst v63  }
0x1d2: {  	_ =	swait.ge [sflag:s17], $0x4000  }
0x1d3: {  	s12 =	sld [smem:$0x7EA]  }
0x1d4: {  	[sflag:s17] =	ssyncset.done $0x0  }
0x1d5: {  	s15 =	sld [smem:$0x7EC];
	[sflag:s17] =	ssyncadd.s32 $0xFFFFC000  }
0x1d6: {  	[tilespmem:s28], [sflag:$0x2] =	stream.indirect.gather [hbm4b:s5+s21], $0x80, s12, s21, $0xb8;
	[tilespmem:$0x1D800] =	vst v63  }
0x1d7: {  	_ = 	snop  }
0x1d8: {  	[tilespmem:s29], [sflag:$0x2] =	stream.indirect.gather [hbm4b:s5+s21], $0x80, s15, s21, $0xb8;
	[tilespmem:$0x1D800] =	vst v63  }
0x1d9: {  	_ =	swait.ge [sflag:s30], $0x2000  }
0x1da: {  	[sflag:s30] =	ssyncset.done $0x0  }
0x1db: {  	[sflag:s30] =	ssyncadd.s32 $0xFFFFE000  }
0x1dc: {  	_ =	swait.ge [sflag:s30], $0x2000  }
0x1dd: {  	s11 =	sld [smem:$0x7ED]  }
0x1de: {  	[sflag:s30] =	ssyncset.done $0x0  }
0x1df: {  	[sflag:s30] =	ssyncadd.s32 $0xFFFFE000  }
0x1e0: {  	[spmem:s3] =	stream.indirect.scatter.add.f32 [tilespmem:s22], [sflag:$0x5], $0x80, s11, s31, $0xb8;
	[tilespmem:$0x1D800] =	vst v63  }
0x1e1: {  	_ =	swait.ge [sflag:s17], $0x4000  }
0x1e2: {  	s12 =	sld [smem:$0x7EE]  }
0x1e3: {  	[sflag:s17] =	ssyncset.done $0x0  }
0x1e4: {  	s15 =	sld [smem:$0x7F0];
	[sflag:s17] =	ssyncadd.s32 $0xFFFFC000  }
0x1e5: {  	[tilespmem:s22], [sflag:$0x1] =	stream.indirect.gather [hbm4b:s5+s21], $0x80, s12, s21, $0xb8;
	[tilespmem:$0x1D800] =	vst v63  }
0x1e6: {  	_ = 	snop  }
0x1e7: {  	[tilespmem:s24], [sflag:$0x1] =	stream.indirect.gather [hbm4b:s5+s21], $0x80, s15, s21, $0xb8;
	[tilespmem:$0x1D800] =	vst v63  }
0x1e8: {  	_ =	swait.ge [sflag:s1], $0x2000  }
0x1e9: {  	[sflag:s1] =	ssyncset.done $0x0  }
0x1ea: {  	[sflag:s1] =	ssyncadd.s32 $0xFFFFE000  }
0x1eb: {  	_ =	swait.ge [sflag:s1], $0x2000  }
0x1ec: {  	s11 =	sld [smem:$0x7F1]  }
0x1ed: {  	[sflag:s1] =	ssyncset.done $0x0  }
0x1ee: {  	[sflag:s1] =	ssyncadd.s32 $0xFFFFE000  }
0x1ef: {  	[spmem:s3] =	stream.indirect.scatter.add.f32 [tilespmem:s28], [sflag:$0x5], $0x80, s11, s31, $0xb8;
	[tilespmem:$0x1D800] =	vst v63  }
0x1f0: {  	_ =	swait.ge [sflag:s17], $0x4000  }
0x1f1: {  	s12 =	sld [smem:$0x7F2]  }
0x1f2: {  	[sflag:s17] =	ssyncset.done $0x0  }
0x1f3: {  	s15 =	sld [smem:$0x7F4];
	[sflag:s17] =	ssyncadd.s32 $0xFFFFC000  }
0x1f4: {  	[tilespmem:s28], [sflag:$0x2] =	stream.indirect.gather [hbm4b:s5+s21], $0x80, s12, s21, $0xb8;
	[tilespmem:$0x1D800] =	vst v63  }
0x1f5: {  	_ = 	snop  }
0x1f6: {  	[tilespmem:s29], [sflag:$0x2] =	stream.indirect.gather [hbm4b:s5+s21], $0x80, s15, s21, $0xb8;
	[tilespmem:$0x1D800] =	vst v63  }
0x1f7: {  	_ =	swait.ge [sflag:s30], $0x2000  }
0x1f8: {  	[sflag:s30] =	ssyncset.done $0x0  }
0x1f9: {  	[sflag:s30] =	ssyncadd.s32 $0xFFFFE000  }
0x1fa: {  	_ =	swait.ge [sflag:s30], $0x2000  }
0x1fb: {  	s11 =	sld [smem:$0x7F5]  }
0x1fc: {  	[sflag:s30] =	ssyncset.done $0x0  }
0x1fd: {  	[sflag:s30] =	ssyncadd.s32 $0xFFFFE000  }
0x1fe: {  	[spmem:s3] =	stream.indirect.scatter.add.f32 [tilespmem:s22], [sflag:$0x5], $0x80, s11, s31, $0xb8;
	[tilespmem:$0x1D800] =	vst v63  }
0x1ff: {  	_ =	swait.ge [sflag:s17], $0x4000  }
0x200: {  	s12 =	sld [smem:$0x7F6]  }
0x201: {  	[sflag:s17] =	ssyncset.done $0x0  }
0x202: {  	s15 =	sld [smem:$0x7F7];
	[sflag:s17] =	ssyncadd.s32 $0xFFFFC000  }
0x203: {  	[tilespmem:s22], [sflag:$0x1] =	stream.indirect.gather [hbm4b:s5+s21], $0x80, s12, s21, $0xb8;
	[tilespmem:$0x1D800] =	vst v63  }
0x204: {  	_ = 	snop  }
0x205: {  	[tilespmem:s24], [sflag:$0x1] =	stream.indirect.gather [hbm4b:s5+s21], $0x80, s15, s21, $0xb8;
	[tilespmem:$0x1D800] =	vst v63  }
0x206: {  	_ =	swait.ge [sflag:s1], $0x2000  }
0x207: {  	[sflag:s1] =	ssyncset.done $0x0  }
0x208: {  	[sflag:s1] =	ssyncadd.s32 $0xFFFFE000  }
0x209: {  	_ =	swait.ge [sflag:s1], $0x2000  }
0x20a: {  	s10 =	sld [smem:$0x7F8]  }
0x20b: {  	[sflag:s1] =	ssyncset.done $0x0  }
0x20c: {  	[sflag:s1] =	ssyncadd.s32 $0xFFFFE000  }
0x20d: {  	[spmem:s3] =	stream.indirect.scatter.add.f32 [tilespmem:s28], [sflag:$0x5], $0x80, s10, s31, $0xb8;
	[tilespmem:$0x1D800] =	vst v63  }
0x20e: {  	_ =	swait.ge [sflag:s17], $0x4000  }
0x20f: {  	s11 =	sld [smem:$0x7F9]  }
0x210: {  	[sflag:s17] =	ssyncset.done $0x0  }
0x211: {  	s12 =	sld [smem:$0x7FA];
	[sflag:s17] =	ssyncadd.s32 $0xFFFFC000  }
0x212: {  	[tilespmem:s28], [sflag:$0x2] =	stream.indirect.gather [hbm4b:s5+s21], $0x80, s11, s21, $0xb8;
	[tilespmem:$0x1D800] =	vst v63  }
0x213: {  	_ = 	snop  }
0x214: {  	[tilespmem:s29], [sflag:$0x2] =	stream.indirect.gather [hbm4b:s5+s21], $0x80, s12, s21, $0xb8;
	[tilespmem:$0x1D800] =	vst v63  }
0x215: {  	_ =	swait.ge [sflag:s30], $0x2000  }
0x216: {  	[sflag:s30] =	ssyncset.done $0x0  }
0x217: {  	[sflag:s30] =	ssyncadd.s32 $0xFFFFE000  }
0x218: {  	_ =	swait.ge [sflag:s30], $0x2000  }
0x219: {  	s15 =	sld [smem:$0x7FB]  }
0x21a: {  	[sflag:s30] =	ssyncset.done $0x0  }
0x21b: {  	[sflag:s30] =	ssyncadd.s32 $0xFFFFE000  }
0x21c: {  	[spmem:s3] =	stream.indirect.scatter.add.f32 [tilespmem:s22], [sflag:$0x5], $0x80, s15, s31, $0xb8;
	[tilespmem:$0x1D800] =	vst v63  }
0x21d: {  	_ =	swait.ge [sflag:s17], $0x4000  }
0x21e: {  	[sflag:s17] =	ssyncset.done $0x0  }
0x21f: {  	s8 =	simm.s32 @!p1 $0x3;
	[sflag:s17] =	ssyncadd.s32 $0xFFFFC000  }
0x220: {  	_ =	swait.ge @!p1 [sflag:s8], $0x800  }
0x221: {  	[sflag:s8] =	ssyncset.done @!p1 $0x0  }
0x222: {  	[sflag:s8] =	ssyncadd.s32 @!p1 $0xFFFFF800  }
0x223: {  	_ =	swait.ge @!p1 [sflag:s8], $0x400  }
0x224: {  	s7 =	sadd.s32 $0x800, s7;
	[sflag:s8] =	ssyncset.done @!p1 $0x0  }
0x225: {  	s10 =	simm.s32 @!p1 $0x15800;
	[sflag:s8] =	ssyncadd.s32 @!p1 $0xFFFFFC00;
	s8 =	simm.s32 @!p1 $0x40  }
0x226: {  	[tilespmem:s10], [sflag:$0x1] =	stream.indirect.gather @!p1 [hbm4b:s5+s8], $0x80, s18, s8, $0xb8;
	[tilespmem:$0x1D800] =	vst v63  }
0x227: {  	p0 =	sne.s32 s7, $0x2800;
	s11 =	simm.s32 @!p1 $0x17800;
	s10 =	simm.s32 @!p1 $0x14080  }
0x228: {  	[tilespmem:s11], [sflag:$0x1] =	stream.indirect.gather @!p1 [hbm4b:s5+s8], $0x80, s10, s8, $0xb8;
	[tilespmem:$0x1D800] =	vst v63  }
.Ltmp0:
0x229: {  	_ =	swait.ge [sflag:s1], $0x2000;
	(pc) =	sbr.rel @p0 .LBB2_2-.Ltmp0, $4  }
0x22a: {  	[sflag:s1] =	ssyncset.done $0x0  }
0x22b: {  	[sflag:s1] =	ssyncadd.s32 $0xFFFFE000  }
0x22c: {  	_ =	swait.ge [sflag:s1], $0x2000  }
0x22d: {  	s9 =	sadd.s32 $0x200, s9;
	[sflag:s1] =	ssyncset.done $0x0;
	s18 =	sld [smem:$0x7FC]  }
0x22e: {  	_ = 	snop  }
0x22f: {  	[sflag:s1] =	ssyncadd.s32 $0xFFFFE000  }
0x230: {  	[spmem:s3] =	stream.indirect.scatter.add.f32 [tilespmem:s28], [sflag:$0x5], $0x80, s18, s31, $0xb8;
	[tilespmem:$0x1D800] =	vst v63  }
0x231: {  	_ =	swait.ge [sflag:s17], $0x4000  }
0x232: {  	[sflag:s17] =	ssyncset.done $0x0  }
0x233: {  	[sflag:s17] =	ssyncadd.s32 $0xFFFFC000  }
0x234: {  	[bflag:$0x0] =	sbarrier.arrive $0xFFFF  }
0x235: {  	s7 =	sld [smem:$0x7E8]  }
0x236: {  	s9 =	sld [smem:$0x7FD];
	_ =	sdelay $0x2  }
0x237: {  	[hbm:s7], [sflag:s16] =	dma.local [spmem:s9], $0x2800  }
0x238: {  	_ =	swait.ge [sflag:s17], $0x2800  }
0x239: {  	s18 =	sld [smem:$0x7E9];
	_ =	sdelay $0x1  }
0x23a: {  	s23 =	sadd.s32 $0x1, s23  }
0x23b: {  	p0 =	sne.s32 s23, s18  }
.Ltmp1:
0x23c: {  	_ = 	snop;
	(pc) =	sbr.rel @p0 .LBB2_1-.Ltmp1, $3  }
0x23d: {  	_ =	sdelay $0x1  }
0x23e: {  	[sflag:s17] =	ssyncset.done $0x0  }
0x23f: {  	s8 =	smov.u32 s16;
	[sflag:s17] =	ssyncadd.s32 $0xFFFFD800  }
0x240: {  	_ =	sfence.sel $0x180000  }
0x241: {  	[bflag:$0x0] =	sbarrier.arrive $0xFFFF  }
0x242: {  	_ =	strace $0x9000004D  }
0x243: {  	s0 =	stileid.u32;
	[bflag:$0x2] =	sbarrier.arrive $0xFFFF  }
0x244: {  	p0 =	sne.s32 s0, $0x0;
	s0 =	rddreg [dreg:$0x3]  }
0x245: {  	s0 =	sadd.s32 @!p0 $0x100000, s0  }
0x246: {  	[sflag:s0] =	ssyncadd.tile.s32 @!p0 $0x1;
	_ =	shalt  }
.Lfunc_end2:
_tile_overlayer_lowered:
.L_overlay_start_2:
0x247: {  	(tag) =	ssettag $0x2  }
0x248: {  	s0 =	rddreg [dreg:$0x0];
	s2 =	stileid.u32  }
0x249: {  	s1 =	rddreg [dreg:$0x1];
	p0 =	sne.s32 s2, $0x0  }
0x24a: {  	s3 =	rddreg [dreg:$0x2];
	[bflag:$0x3] =	sbarrier.arrive $0xFFFF;
	s2 =	simm.s32 @!p0 $0x1C05  }
0x24b: {  	[timem:s3], [sflag:s2] =	dma.local @!p0 [hbm:s0], s1  }
0x24c: {  	s0 =	simm.s32 @!p0 $0x5  }
0x24d: {  	_ =	swait.ge @!p0 [sflag:s0], s1  }
0x24e: {  	s1 =	ssub.s32 @!p0 $0x0, s1;
	[sflag:s0] =	ssyncset.done @!p0 $0x0  }
0x24f: {  	[sflag:s0] =	ssyncadd.s32 @!p0 s1  }
0x250: {  	[bflag:$0x3] =	sbarrier.arrive $0xFFFF  }
0x251: {  	_ =	shalt  }

// kernel: kernel.8.cloned.1.call-start
scs
__scs_entry_jumppad:
0x0: {  	(pc) =	sbr.rel $0x88, $3  }
0x1: {  	(tag) =	ssettag $0x0;
	lr =	simm.s32 $0x1  }
0x2: {  	[smem:$0x3F95] =	sst lr;
	_ =	strace $0xD0000000  }
0x3: {  	_ = 	snop  }
0x4: {  	_ = 	snop  }
0x5: {  	_ = 	snop  }
0x6: {  	_ = 	snop  }
0x7: {  	_ = 	snop  }
__scs_overlays_trampoline_lowered:
0x8: {  	[smem:$0x3FA4] =	sst s0  }
0x9: {  	[smem:$0x3FA5] =	sst s1  }
0xa: {  	[smem:$0x3FA6] =	sst s2  }
0xb: {  	[smem:$0x3FA7] =	sst s3  }
0xc: {  	[smem:$0x3FA8] =	sst s4  }
0xd: {  	[smem:$0x3FA9] =	sst s5  }
0xe: {  	[smem:$0x3FAA] =	sst s6  }
0xf: {  	[smem:$0x3FAB] =	sst s7  }
0x10: {  	[smem:$0x3FAC] =	sst s8  }
0x11: {  	[smem:$0x3FAD] =	sst s9;
	s0 =	simm.s32 @!p0 $0x0  }
0x12: {  	s1 =	sld [smem:$0x3F93];
	s0 =	simm.s32 @p0 $0x1  }
0x13: {  	[smem:$0x3FAE] =	sst s0;
	s0 =	simm.s32 @!p1 $0x0  }
0x14: {  	s2 =	sld [smem:$0x3F92];
	s0 =	simm.s32 @p1 $0x1  }
0x15: {  	[smem:$0x3FAF] =	sst s0;
	s0 =	simm.s32 @!p2 $0x0  }
0x16: {  	s3 =	sld [smem:$0x3FDB];
	s0 =	simm.s32 @p2 $0x1  }
0x17: {  	s4 =	simm.s32 $0x1BF5;
	[smem:$0x3FB1] =	sst s0  }
0x18: {  	s0 =	sld [smem:$0x3F94];
	_ =	swait.ge [sflag:s4], $0x0  }
0x19: {  	s7 =	sld [smem:$0x3F95]  }
0x1a: {  	s8 =	sadd.s32 $0xFFFFE003, lr  }
0x1b: {  	s9 =	sadd.s32 $0xFFFFFEF7, lr;
	s5 =	simm.s32 $0xFFFFFFFF;
	p2 =	slt.u32 s8, $0xFFFFF086  }
0x1c: {  	p1 =	slt.u32 s9, $0xF7A;
	s5 =	simm.s32 @!p2 $0x0  }
0x1d: {  	s5 =	simm.s32 @p1 $0x1;
	p0 =	seq.s32 s7, s2  }
0x1e: {  	s7 =	smul.u32 @!p0 $0xF7A, s2;
	p2 =	seq.s32 @!p0 s5, $0x0  }
0x1f: {  	s9 =	smul.u32 $0xF7A, s1;
	s8 =	simm.s32 @!p0 $0x1BF5;
	p2 =	por !p2, p0  }
0x20: {  	[sflag:s8] =	ssyncset.s32 @!p0 $0xFFFFF086;
	s6 =	sadd.s32 @!p0 s3, s7;
	s7 =	simm.s32 @!p0 $0x108  }
0x21: {  	s3 =	sadd.s32 s3, s9;
	s6 =	sadd.s32 @!p0 $0x88, s6;
	s7 =	simm.s32 @p2 $0x1082  }
0x22: {  	[simem:s7], [sflag:s8] =	dma.local @!p0 [hbm:s6], $0xF7A  }
0x23: {  	s9 =	sor.u32 $0xD0000000, s2;
	s6 =	simm.s32 $0x108;
	_ =	swait.ge @!p0 [sflag:s8], $0x0  }
0x24: {  	s3 =	sadd.s32 $0x88, s3;
	s6 =	simm.s32 @!p1 $0x1082;
	[sflag:s4] =	ssyncset.s32 $0xFFFFF086  }
0x25: {  	[simem:s6], [sflag:s4] =	dma.local [hbm:s3], $0xF7A  }
0x26: {  	[smem:$0x3F95] =	sst s1;
	(tag) =	ssettag s2;
	_ =	strace s9  }
0x27: {  	s1 =	sld [smem:$0x3FA5]  }
0x28: {  	s2 =	sld [smem:$0x3FA6]  }
0x29: {  	s4 =	sld [smem:$0x3FA8]  }
0x2a: {  	p0 =	seq.s32 s5, $0x0;
	s5 =	sld [smem:$0x3FA9]  }
0x2b: {  	s6 =	sld [smem:$0x3FAA]  }
0x2c: {  	s7 =	sld [smem:$0x3FAB]  }
0x2d: {  	s3 =	simm.s32 $0x108;
	s8 =	sld [smem:$0x3FAC]  }
0x2e: {  	s3 =	simm.s32 @!p0 $0x1082;
	s9 =	sld [smem:$0x3FAD]  }
0x2f: {  	lr =	sadd.s32 s0, s3;
	s0 =	sld [smem:$0x3FA4]  }
0x30: {  	s3 =	sld [smem:$0x3FA7]  }
0x31: {  	[smem:$0x3FB0] =	sst s10  }
0x32: {  	s10 =	sld [smem:$0x3FAE];
	_ =	sdelay $0x3  }
0x33: {  	p0 =	seq.s32 s10, $0x1;
	s10 =	sld [smem:$0x3FB0];
	_ =	sdelay $0x3  }
0x34: {  	[smem:$0x3FB0] =	sst s10  }
0x35: {  	s10 =	sld [smem:$0x3FAF];
	_ =	sdelay $0x3  }
0x36: {  	p1 =	seq.s32 s10, $0x1;
	s10 =	sld [smem:$0x3FB0];
	_ =	sdelay $0x3  }
0x37: {  	[smem:$0x3FB0] =	sst s10  }
0x38: {  	s10 =	sld [smem:$0x3FB1]  }
0x39: {  	_ = 	snop;
	(pc) =	sbr.ind lr, $3  }
0x3a: {  	_ = 	snop  }
0x3b: {  	_ = 	snop  }
0x3c: {  	p2 =	seq.s32 s10, $0x1;
	s10 =	sld [smem:$0x3FB0]  }
0x3d: {  	_ =	shalt  }
0x3e: {  	_ =	shalt  }
0x3f: {  	_ =	shalt  }
0x40: {  	_ =	shalt  }
0x41: {  	_ =	shalt  }
0x42: {  	_ =	shalt  }
0x43: {  	_ =	shalt  }
0x44: {  	_ =	shalt  }
0x45: {  	_ =	shalt  }
0x46: {  	_ =	shalt  }
0x47: {  	_ =	shalt  }
0x48: {  	_ =	shalt  }
0x49: {  	_ =	shalt  }
0x4a: {  	_ =	shalt  }
0x4b: {  	_ =	shalt  }
0x4c: {  	_ =	shalt  }
0x4d: {  	_ =	shalt  }
0x4e: {  	_ =	shalt  }
0x4f: {  	_ =	shalt  }
0x50: {  	_ =	shalt  }
0x51: {  	_ =	shalt  }
0x52: {  	_ =	shalt  }
0x53: {  	_ =	shalt  }
0x54: {  	_ =	shalt  }
0x55: {  	_ =	shalt  }
0x56: {  	_ =	shalt  }
0x57: {  	_ =	shalt  }
0x58: {  	_ =	shalt  }
0x59: {  	_ =	shalt  }
0x5a: {  	_ =	shalt  }
0x5b: {  	_ =	shalt  }
0x5c: {  	_ =	shalt  }
0x5d: {  	_ =	shalt  }
0x5e: {  	_ =	shalt  }
0x5f: {  	_ =	shalt  }
0x60: {  	_ =	shalt  }
0x61: {  	_ =	shalt  }
0x62: {  	_ =	shalt  }
0x63: {  	_ =	shalt  }
0x64: {  	_ =	shalt  }
0x65: {  	_ =	shalt  }
0x66: {  	_ =	shalt  }
0x67: {  	_ =	shalt  }
0x68: {  	_ =	shalt  }
0x69: {  	_ =	shalt  }
0x6a: {  	_ =	shalt  }
0x6b: {  	_ =	shalt  }
0x6c: {  	_ =	shalt  }
0x6d: {  	_ =	shalt  }
0x6e: {  	_ =	shalt  }
0x6f: {  	_ =	shalt  }
0x70: {  	_ =	shalt  }
0x71: {  	_ =	shalt  }
0x72: {  	_ =	shalt  }
0x73: {  	_ =	shalt  }
0x74: {  	_ =	shalt  }
0x75: {  	_ =	shalt  }
0x76: {  	_ =	shalt  }
0x77: {  	_ =	shalt  }
0x78: {  	_ =	shalt  }
0x79: {  	_ =	shalt  }
0x7a: {  	_ =	shalt  }
0x7b: {  	_ =	shalt  }
0x7c: {  	_ =	shalt  }
0x7d: {  	_ =	shalt  }
0x7e: {  	_ =	shalt  }
0x7f: {  	_ =	shalt  }
0x80: {  	_ =	shalt  }
0x81: {  	_ =	shalt  }
0x82: {  	_ =	shalt  }
0x83: {  	_ =	shalt  }
0x84: {  	_ =	shalt  }
0x85: {  	_ =	shalt  }
0x86: {  	_ =	shalt  }
0x87: {  	_ =	shalt  }
.Lfunc_end0:
.L_simem_size_0:
called_computation_lowered:
.L_overlay_start_0:
0x88: {  	s2 =	sld [smem:$0x3FD9]  }
0x89: {  	s3 =	sld [smem:$0x3FFE];
	_ =	sdelay $0x1  }
0x8a: {  	s1 =	srdreg.scid  }
0x8b: {  	s0 =	sand.u32 $0x1, s1  }
0x8c: {  	s17 =	sshll.u32 s0, $0xA;
	s2 =	sadd.s32 s3, s2  }
0x8d: {  	s2 =	sadd.s32 s2, s17  }
0x8e: {  	[smem:$0x3FBC] =	sst s2  }
0x8f: {  	_ = 	snop  }
0x90: {  	s2 =	sld [smem:$0x3FD0];
	(tm) =	ssettm $0x1  }
0x91: {  	s18 =	sld [smem:$0x3FFB];
	_ =	sdelay $0x3  }
0x92: {  	_ =	strace s18  }
0x93: {  	s3 =	sld [smem:$0x3FFC];
	_ =	sdelay $0x3  }
0x94: {  	_ =	strace s3  }
0x95: {  	s3 =	sld [smem:$0x3FFD];
	_ =	sdelay $0x3  }
0x96: {  	_ =	strace s3  }
0x97: {  	_ =	strace $0x8FFFFFFF  }
0x98: {  	s19 =	sld [smem:$0x3FDB];
	_ =	sdelay $0x1  }
0x99: {  	s4 =	simm.s32 $_scs_section_size  }
0x9a: {  	s5 =	simm.s32 $_size__tile_overlayer_lowered;
	s6 =	simm.s32 $_tile_overlayer_lowered  }
0x9b: {  	s22 =	simm.s32 $0x1BFF;
	s21 =	sshll.u32 s6, $0x1;
	s3 =	sadd.s32 s4, s19  }
0x9c: {  	s7 =	simm.s32 $0x0;
	s20 =	sshll.u32 s5, $0x1;
	s5 =	sadd.s32 s21, s3  }
0x9d: {  	[timem:s7], [sflag:s22] =	dma.local [hbm:s5], s20  }
0x9e: {  	_ =	swait.ge [sflag:s22], s20  }
0x9f: {  	s4 =	ssub.s32 $0x0, s20;
	[sflag:s22] =	ssyncset.done $0x0  }
0xa0: {  	[sflag:s22] =	ssyncadd.s32 s4;
	_ =	sdelay $0x1  }
0xa1: {  	s23 =	simm.s32 $0x1B8B  }
0xa2: {  	_ =	swait.ge [sflag:s23], $0x1  }
0xa3: {  	[sflag:s23] =	ssyncset.done $0x0  }
0xa4: {  	s25 =	simm.s32 $0x1B8E;
	s24 =	sld [smem:$0x3FFE];
	[sflag:s23] =	ssyncadd.s32 $0xFFFFFFFF  }
0xa5: {  	s26 =	simm.s32 $execute0_lowered;
	[smem:$0x3FD2] =	sst s25  }
0xa6: {  	s5 =	sshll.u32 s26, $0x1;
	_ =	strace $0x80000046;
	[dreg:$0x1] =	wrdreg $0xFFFFFFFF  }
0xa7: {  	s28 =	simm.s32 $_size_execute0_lowered;
	s3 =	sadd.s32 s3, s5;
	[dreg:$0x0] =	wrdreg $0x0  }
0xa8: {  	s5 =	sshll.u32 s28, $0x1;
	[dreg:$0x2] =	wrdreg s3  }
0xa9: {  	[dreg:$0x3] =	wrdreg s5  }
0xaa: {  	[dreg:$0x4] =	wrdreg $0xC0  }
0xab: {  	_ =	task [dreg:s7], $0x5FFFF  }
0xac: {  	[dreg:$0x1] =	wrdreg $0xFFFFFFFF  }
0xad: {  	[dreg:$0x0] =	wrdreg $0x60  }
0xae: {  	[dreg:$0x2] =	wrdreg s24  }
0xaf: {  	[dreg:$0x3] =	wrdreg s2  }
0xb0: {  	[dreg:$0x4] =	wrdreg $0x0  }
0xb1: {  	[dreg:$0x5] =	wrdreg $0x9  }
0xb2: {  	_ =	task.clear_ibuf [dreg:s7], $0x6FFFF;
	_ =	strace $0x90000046  }
0xb3: {  	s29 =	simm.s32 $0x9;
	_ =	strace $0x80000048  }
0xb4: {  	_ =	swait.ge [sflag:s29], $0x1  }
0xb5: {  	[sflag:s29] =	ssyncadd.s32 $0xFFFFFFFF  }
0xb6: {  	_ =	strace $0x90000048  }
0xb7: {  	_ =	sfence  }
0xb8: {  	s30 =	sld [smem:$0x0];
	_ =	sdelay $0x2  }
0xb9: {  	s31 =	sshll.u32 s1, $0xD;
	s1 =	sshrl.u32 s1, $0x2  }
0xba: {  	s3 =	sand.u32 $0x4000, s31;
	s1 =	sadd.s32 s1, s30  }
0xbb: {  	s0 =	sor.u32 s3, s0;
	s1 =	sshll.u32 s1, $0x11  }
0xbc: {  	s0 =	sor.u32 s1, s0  }
0xbd: {  	s0 =	sadd.s32 $0x8F2B, s0  }
0xbe: {  	[sflag:s0] =	ssyncadd.remote.s32 $0x1  }
0xbf: {  	_ =	sfence.sel $0xFFFF  }
0xc0: {  	[dreg:$0x0] =	wrdreg $0xFFFFFFFF;
	(pc) =	sbr.abs _section_cstart, $3  }
0xc1: {  	[dreg:$0x1] =	wrdreg $0xFFFFFFFF  }
0xc2: {  	_ =	task.clear_ibuf [dreg:s7], $0x2FFFF;
	_ =	strace $0x9FFFFFFF  }
0xc3: {  	(tm) =	ssettm $0x7FFFFFFF  }
tec
execute0_lowered:
.L_overlay_start_1:
0x0: {  	(tag) =	ssettag $0x1  }
0x1: {  	s3 =	rddreg [dreg:$0x0]  }
0x2: {  	s7 =	rddreg [dreg:$0x1];
	s1 =	srdreg.scid  }
0x3: {  	s0 =	stileid.u32;
	s6 =	rddreg [dreg:$0x2];
	s2 =	simm.s32 $0x0  }
0x4: {  	s13 =	simm.s32 $0x400;
	s14 =	simm.s32 $0x1400;
	s15 =	simm.s32 $0x14000  }
0x5: {  	s16 =	simm.s32 $0x7800;
	s18 =	simm.s32 $0x7C00;
	s20 =	simm.s32 $0x8000  }
0x6: {  	s22 =	simm.s32 $0x8400;
	s24 =	simm.s32 $0x8800;
	s25 =	simm.s32 $0x0  }
0x7: {  	s5 =	sand.u32 $0x1, s1;
	s8 =	smul.u32 $0x5000, s0;
	[smem:$0x7FF] =	sst s2  }
0x8: {  	s10 =	sshrl.u32 s0, $0x3;
	s31 =	smul.u32 $0x500, s0;
	s12 =	sshll.u32 s0, $0x7  }
0x9: {  	s4 =	smul.u32 $0x2800, s5;
	_ =	strace $0x80000047;
	s9 =	ssub.s32 $0x2, s5  }
0xa: {  	s10 =	smul.u32 $0x50000, s10;
	s5 =	sshll.u32 s5, $0x7;
	s12 =	sand.u32 $0x380, s12  }
0xb: {  	s11 =	sshrl.u32 s9, $0x1;
	s5 =	sor.u32 s5, s31;
	s4 =	sadd.s32 s4, s8  }
0xc: {  	s9 =	ssub.s32 s9, s11;
	s10 =	sshrl.u32 s10, $0x2;
	s8 =	sshrl.u32 s8, $0x2  }
0xd: {  	s11 =	sshrl.u32 s5, $0x3;
	s4 =	sshrl.u32 s4, $0x3;
	s10 =	sadd.s32 s10, s6  }
0xe: {  	s6 =	sadd.s32 s8, s6;
	s7 =	sadd.s32 s7, s11;
	s8 =	smax.u32 s9, $0x1  }
0xf: {  	s9 =	simm.s32 $0x2800;
	s11 =	simm.s32 $0x5000;
	s4 =	sadd.s32 s4, s3  }
0x10: {  	s3 =	sadd.s32 $0xC000, s3;
	s5 =	sadd.s32 s12, s10;
	s10 =	simm.s32 $0x1  }
0x11: {  	s12 =	simm.s32 $0x80;
	s17 =	sadd.s32 $0x20, s7;
	s19 =	sadd.s32 $0x40, s7  }
0x12: {  	v0 =	vimm.f32 $1.000000000e+00;
	s21 =	sadd.s32 $0x60, s7;
	s23 =	sadd.s32 $0x80, s7;
	s4 =	sadd.s32 $0x2000, s4  }
.LBB2_1:
0x13: {  	[tilespmem:s9], [sflag:$0x1] =	stream.linear.gather [hbm4b:s3+s2], $0x2800, $0x38;
	[tilespmem:$0xA000] =	vst v63  }
0x14: {  	_ =	swait.ge [sflag:s10], $0x2800  }
0x15: {  	[sflag:s10] =	ssyncset.done $0x0  }
0x16: {  	[sflag:s10] =	ssyncadd.s32 $0xFFFFD800  }
0x17: {  	[tilespmem:s11], [sflag:$0x1] =	stream.linear.gather [hbm4b:s4+s2], $0x2800, $0x38;
	[tilespmem:$0xA000] =	vst v63  }
0x18: {  	_ =	swait.ge [sflag:s10], $0x2800  }
0x19: {  	[sflag:s10] =	ssyncset.done $0x0  }
0x1a: {  	s26 =	simm.s32 $0x0;
	[sflag:s10] =	ssyncadd.s32 $0xFFFFD800  }
.LBB2_2:
0x1b: {  	s28 =	sshra.s32 s26, $0x2  }
0x1c: {  	v1 =	vld [tilespmem:s28+$0x5000];
	_ =	sdelay $0x7  }
0x1d: {  	[tilespmem:v1+s9+$0x0] =	vst.idx.add.f32.msk $0xffff, v0  }
0x1e: {  	v1 =	vld [tilespmem:s28+$0x5010];
	_ =	sdelay $0x7  }
0x1f: {  	[tilespmem:v1+s9+$0x0] =	vst.idx.add.f32.msk $0xffff, v0  }
0x20: {  	v1 =	vld [tilespmem:s28+$0x5020];
	_ =	sdelay $0x7  }
0x21: {  	[tilespmem:v1+s9+$0x0] =	vst.idx.add.f32.msk $0xffff, v0  }
0x22: {  	v1 =	vld [tilespmem:s28+$0x5030];
	_ =	sdelay $0x7  }
0x23: {  	[tilespmem:v1+s9+$0x0] =	vst.idx.add.f32.msk $0xffff, v0  }
0x24: {  	v1 =	vld [tilespmem:s28+$0x5040];
	_ =	sdelay $0x7  }
0x25: {  	[tilespmem:v1+s9+$0x0] =	vst.idx.add.f32.msk $0xffff, v0  }
0x26: {  	v1 =	vld [tilespmem:s28+$0x5050];
	_ =	sdelay $0x7  }
0x27: {  	[tilespmem:v1+s9+$0x0] =	vst.idx.add.f32.msk $0xffff, v0  }
0x28: {  	v1 =	vld [tilespmem:s28+$0x5060];
	_ =	sdelay $0x7  }
0x29: {  	[tilespmem:v1+s9+$0x0] =	vst.idx.add.f32.msk $0xffff, v0  }
0x2a: {  	v1 =	vld [tilespmem:s28+$0x5070];
	_ =	sdelay $0x2  }
0x2b: {  	p0 =	sne.s32 s26, $0x9E00  }
.Ltmp0:
0x2c: {  	_ = 	snop;
	(pc) =	sbr.rel @p0 .LBB2_2-.Ltmp0, $2  }
0x2d: {  	_ =	sdelay $0x2  }
0x2e: {  	s26 =	sadd.s32 $0x200, s26;
	[tilespmem:v1+s9+$0x0] =	vst.idx.add.f32.msk $0xffff, v0  }
0x2f: {  	[spmem:s5] =	stream.strided.scatter [tilespmem:s9], [sflag:$0x1], $0x2800, s13, s12, $0x38;
	[tilespmem:$0xA000] =	vst v63  }
0x30: {  	_ =	swait.ge [sflag:s10], $0x2800  }
0x31: {  	[sflag:s10] =	ssyncset.done $0x0  }
0x32: {  	[sflag:s10] =	ssyncadd.s32 $0xFFFFD800  }
0x33: {  	[bflag:$0x0] =	sbarrier.arrive $0xFFFF  }
0x34: {  	[tilespmem:s16], [sflag:$0x1] =	stream.strided.gather [spmem:s6], $0x2800, s15, s14, $0x38;
	[tilespmem:$0xA000] =	vst v63  }
0x35: {  	s28 =	simm.s32 $0x0;
	_ =	swait.ge [sflag:s10], $0x2800  }
0x36: {  	s26 =	sand.u32 $0x70, s28;
	s29 =	sand.u32 $0x1C00, s28;
	[sflag:s10] =	ssyncset.done $0x0  }
0x37: {  	s26 =	sor.u32 s26, s29;
	[sflag:s10] =	ssyncadd.s32 $0xFFFFD800  }
0x38: {  	v1 =	vld [tilespmem:s26+$0x7880]  }
0x39: {  	v2 =	vld [tilespmem:s26+$0x7800];
	_ =	sdelay $0x1  }
0x3a: {  	v3 =	vld [tilespmem:s26+$0x7900];
	_ =	sdelay $0x1  }
0x3b: {  	v4 =	vld [tilespmem:s26+$0x7980]  }
0x3c: {  	v1 =	vadd.f32 v1, v2  }
0x3d: {  	v2 =	vld [tilespmem:s26+$0x7A00]  }
0x3e: {  	v1 =	vadd.f32 v3, v1  }
0x3f: {  	v3 =	vld [tilespmem:s26+$0x7A80]  }
0x40: {  	v1 =	vadd.f32 v4, v1  }
0x41: {  	s28 =	sor.u32 s28, s28;
	v60 =	vld [tilespmem:s26+$0x7B00]  }
0x42: {  	s28 =	sor.u32 $0x380, s28;
	v1 =	vadd.f32 v2, v1  }
0x43: {  	v2 =	vld [tilespmem:s28+$0x7800]  }
0x44: {  	v1 =	vadd.f32 v3, v1  }
0x45: {  	v3 =	vld [tilespmem:s26+$0x8C00]  }
0x46: {  	v1 =	vadd.f32 v60, v1  }
0x47: {  	v61 =	vld [tilespmem:s26+$0x8C80]  }
0x48: {  	v1 =	vadd.f32 v2, v1  }
0x49: {  	v2 =	vld [tilespmem:s26+$0x8D00]  }
0x4a: {  	v1 =	vadd.f32 v3, v1  }
0x4b: {  	v3 =	vld [tilespmem:s26+$0x8D80]  }
0x4c: {  	v1 =	vadd.f32 v61, v1  }
0x4d: {  	v62 =	vld [tilespmem:s26+$0x8E00]  }
0x4e: {  	v1 =	vadd.f32 v2, v1  }
0x4f: {  	v2 =	vld [tilespmem:s26+$0x8E80]  }
0x50: {  	v1 =	vadd.f32 v3, v1  }
0x51: {  	v3 =	vld [tilespmem:s26+$0x8F00]  }
0x52: {  	v1 =	vadd.f32 v62, v1  }
0x53: {  	v63 =	vld [tilespmem:s26+$0x8F80]  }
0x54: {  	v1 =	vadd.f32 v2, v1;
	_ =	sdelay $0x1  }
0x55: {  	v1 =	vadd.f32 v3, v1  }
0x56: {  	s29 =	simm.s32 $0x80;
	s28 =	simm.s32 $0x10  }
0x57: {  	s31 =	sand.u32 $0x1C00, s29;
	s30 =	sand.u32 $0x70, s28;
	v1 =	vadd.f32 v63, v1  }
0x58: {  	s31 =	sor.u32 s30, s31;
	s30 =	simm.s32 $0x20  }
.LBB2_4:
0x59: {  	p0 =	sne.s32 s30, $0x270;
	v2 =	vld [tilespmem:s31+$0x7880];
	[tilespmem:s26+$0x7800] =	vst v1;
	s26 =	smov.u32 s31  }
0x5a: {  	v1 =	vld [tilespmem:s26+$0x7800];
	_ =	sdelay $0x1  }
0x5b: {  	v3 =	vld [tilespmem:s26+$0x7900];
	_ =	sdelay $0x1  }
0x5c: {  	v4 =	vld [tilespmem:s26+$0x7980]  }
0x5d: {  	v1 =	vadd.f32 v2, v1  }
0x5e: {  	v2 =	vld [tilespmem:s26+$0x7A00]  }
0x5f: {  	v1 =	vadd.f32 v3, v1  }
0x60: {  	v3 =	vld [tilespmem:s26+$0x7A80]  }
0x61: {  	v1 =	vadd.f32 v4, v1  }
0x62: {  	s31 =	sor.u32 s29, s28;
	s28 =	smov.u32 s30;
	v4 =	vld [tilespmem:s26+$0x7B00]  }
0x63: {  	s31 =	sor.u32 $0x380, s31;
	v1 =	vadd.f32 v2, v1  }
0x64: {  	v2 =	vld [tilespmem:s31+$0x7800]  }
0x65: {  	v1 =	vadd.f32 v3, v1  }
0x66: {  	v3 =	vld [tilespmem:s26+$0x8C00]  }
0x67: {  	v1 =	vadd.f32 v4, v1  }
0x68: {  	v4 =	vld [tilespmem:s26+$0x8C80]  }
0x69: {  	v1 =	vadd.f32 v2, v1  }
0x6a: {  	v2 =	vld [tilespmem:s26+$0x8D00]  }
0x6b: {  	v1 =	vadd.f32 v3, v1  }
0x6c: {  	v3 =	vld [tilespmem:s26+$0x8D80]  }
0x6d: {  	v1 =	vadd.f32 v4, v1  }
0x6e: {  	v4 =	vld [tilespmem:s26+$0x8E00]  }
0x6f: {  	v1 =	vadd.f32 v2, v1  }
0x70: {  	v2 =	vld [tilespmem:s26+$0x8E80]  }
0x71: {  	v1 =	vadd.f32 v3, v1  }
0x72: {  	v3 =	vld [tilespmem:s26+$0x8F00]  }
0x73: {  	v1 =	vadd.f32 v4, v1  }
0x74: {  	v4 =	vld [tilespmem:s26+$0x8F80]  }
0x75: {  	v1 =	vadd.f32 v2, v1  }
.Ltmp1:
0x76: {  	(pc) =	sbr.rel @p0 .LBB2_4-.Ltmp1, $4  }
0x77: {  	v1 =	vadd.f32 v3, v1  }
0x78: {  	s29 =	sadd.s32 $0x80, s29  }
0x79: {  	s1 =	sand.u32 $0x1C00, s29;
	s31 =	sand.u32 $0x70, s30;
	v1 =	vadd.f32 v4, v1  }
0x7a: {  	s30 =	sadd.s32 $0x10, s30;
	s31 =	sor.u32 s31, s1  }
0x7b: {  	v2 =	vld [tilespmem:s31+$0x7880];
	[tilespmem:s26+$0x7800] =	vst v1  }
0x7c: {  	v1 =	vld [tilespmem:s31+$0x7800];
	_ =	sdelay $0x1  }
0x7d: {  	v3 =	vld [tilespmem:s31+$0x7900];
	_ =	sdelay $0x1  }
0x7e: {  	v4 =	vld [tilespmem:s31+$0x7980]  }
0x7f: {  	v1 =	vadd.f32 v2, v1  }
0x80: {  	v2 =	vld [tilespmem:s31+$0x7A00]  }
0x81: {  	v1 =	vadd.f32 v3, v1  }
0x82: {  	v3 =	vld [tilespmem:s31+$0x7A80]  }
0x83: {  	v1 =	vadd.f32 v4, v1  }
0x84: {  	v60 =	vld [tilespmem:s31+$0x7B00];
	s1 =	sor.u32 s29, s28  }
0x85: {  	s1 =	sor.u32 $0x380, s1;
	v1 =	vadd.f32 v2, v1  }
0x86: {  	v2 =	vld [tilespmem:s1+$0x7800]  }
0x87: {  	v1 =	vadd.f32 v3, v1  }
0x88: {  	v3 =	vld [tilespmem:s31+$0x8C00]  }
0x89: {  	v1 =	vadd.f32 v60, v1  }
0x8a: {  	v61 =	vld [tilespmem:s31+$0x8C80]  }
0x8b: {  	v1 =	vadd.f32 v2, v1  }
0x8c: {  	v2 =	vld [tilespmem:s31+$0x8D00]  }
0x8d: {  	v1 =	vadd.f32 v3, v1  }
0x8e: {  	v3 =	vld [tilespmem:s31+$0x8D80]  }
0x8f: {  	v1 =	vadd.f32 v61, v1  }
0x90: {  	v62 =	vld [tilespmem:s31+$0x8E00]  }
0x91: {  	v1 =	vadd.f32 v2, v1  }
0x92: {  	v2 =	vld [tilespmem:s31+$0x8E80]  }
0x93: {  	v1 =	vadd.f32 v3, v1  }
0x94: {  	v3 =	vld [tilespmem:s31+$0x8F00]  }
0x95: {  	v1 =	vadd.f32 v62, v1  }
0x96: {  	v63 =	vld [tilespmem:s31+$0x8F80]  }
0x97: {  	v1 =	vadd.f32 v2, v1;
	_ =	sdelay $0x1  }
0x98: {  	v1 =	vadd.f32 v3, v1;
	_ =	sdelay $0x1  }
0x99: {  	v1 =	vadd.f32 v63, v1;
	_ =	sdelay $0x1  }
0x9a: {  	[tilespmem:s31+$0x7800] =	vst v1  }
0x9b: {  	[hbm4b:s7+s2] =	stream.linear.scatter [tilespmem:s16], [sflag:$0x1], $0x80, $0x38;
	[tilespmem:$0xA000] =	vst v63  }
0x9c: {  	_ = 	snop  }
0x9d: {  	[hbm4b:s17+s2] =	stream.linear.scatter [tilespmem:s18], [sflag:$0x1], $0x80, $0x38;
	[tilespmem:$0xA000] =	vst v63  }
0x9e: {  	s25 =	sadd.s32 $0x1, s25  }
0x9f: {  	[hbm4b:s19+s2] =	stream.linear.scatter [tilespmem:s20], [sflag:$0x1], $0x80, $0x38;
	[tilespmem:$0xA000] =	vst v63  }
0xa0: {  	p0 =	sne.s32 s25, s8  }
0xa1: {  	[hbm4b:s21+s2] =	stream.linear.scatter [tilespmem:s22], [sflag:$0x1], $0x80, $0x38;
	[tilespmem:$0xA000] =	vst v63  }
.Ltmp2:
0xa2: {  	_ = 	snop;
	(pc) =	sbr.rel @p0 .LBB2_1-.Ltmp2, $4  }
0xa3: {  	[hbm4b:s23+s2] =	stream.linear.scatter [tilespmem:s24], [sflag:$0x1], $0x80, $0x38;
	[tilespmem:$0xA000] =	vst v63  }
0xa4: {  	_ =	swait.ge [sflag:s10], $0x280  }
0xa5: {  	[sflag:s10] =	ssyncset.done $0x0  }
0xa6: {  	[sflag:s10] =	ssyncadd.s32 $0xFFFFFD80  }
0xa7: {  	_ =	sfence.sel $0x180000  }
0xa8: {  	[bflag:$0x0] =	sbarrier.arrive $0xFFFF  }
0xa9: {  	_ =	strace $0x90000047  }
0xaa: {  	[bflag:$0x2] =	sbarrier.arrive $0xFFFF  }
0xab: {  	p0 =	sne.s32 s0, $0x0;
	s0 =	rddreg [dreg:$0x3]  }
0xac: {  	s0 =	sadd.s32 @!p0 $0x100000, s0  }
0xad: {  	[sflag:s0] =	ssyncadd.tile.s32 @!p0 $0x1;
	_ =	shalt  }
.Lfunc_end2:
_tile_overlayer_lowered:
.L_overlay_start_2:
0xae: {  	(tag) =	ssettag $0x2  }
0xaf: {  	s0 =	rddreg [dreg:$0x0];
	s2 =	stileid.u32  }
0xb0: {  	s1 =	rddreg [dreg:$0x1];
	p0 =	sne.s32 s2, $0x0  }
0xb1: {  	s3 =	rddreg [dreg:$0x2];
	[bflag:$0x3] =	sbarrier.arrive $0xFFFF;
	s2 =	simm.s32 @!p0 $0x1C01  }
0xb2: {  	[timem:s3], [sflag:s2] =	dma.local @!p0 [hbm:s0], s1  }
0xb3: {  	s0 =	simm.s32 @!p0 $0x1  }
0xb4: {  	_ =	swait.ge @!p0 [sflag:s0], s1  }
0xb5: {  	s1 =	ssub.s32 @!p0 $0x0, s1;
	[sflag:s0] =	ssyncset.done @!p0 $0x0  }
0xb6: {  	[sflag:s0] =	ssyncadd.s32 @!p0 s1  }
0xb7: {  	[bflag:$0x3] =	sbarrier.arrive $0xFFFF  }
0xb8: {  	_ =	shalt  }

</sc_bundles>
